<compile_context>
chip_gen: v7x
topology: tpu7x:2x2x1
jax: 0.10.2.dev20260603
libtpu: 0.0.44.dev20260713+nightly
codegen_flags: <defaults>
</compile_context>

<pallas_src>
import functools

import jax
import jax.numpy as jnp
from jax import lax
from jax.experimental import pallas as pl
from jax.experimental.pallas import tpu as pltpu
from jax.experimental.pallas import tpu_sc as plsc

N = 16384
N_A = 8192
D_A = 64
D_B = 32
D_MODEL = 512
D_FF = 1024
N_ACT = 32
B = 16
BLK = 4096
GRID = N // BLK
A_BLOCKS = N_A // BLK

NC = 2
NS = 16
NW = NC * NS
ROWS_W = N // NW
CH = 128
NCH = ROWS_W // CH

_sc_mesh = functools.partial(
    plsc.VectorSubcoreMesh, core_axis_name="c", subcore_axis_name="s")
_sc_params = pltpu.CompilerParams(use_tc_tiling_on_sc=False)


ZB = 2048
RPT = N // NS


def _scprep_body(idx_hbm, bi_hbm, w16_hbm, e01_hbm,
                 table, idx_v, seg_v, flat_v, ones_v, zbuf, sem):
    cid = lax.axis_index("c")
    sid = lax.axis_index("s")

    for k in range(CH // 16):
        ones_v[pl.ds(k * 16, 16)] = jnp.ones((16,), jnp.float32)

    def _zb(k, c):
        zbuf[pl.ds(k * 16, 16)] = jnp.zeros((16,), jnp.float32)
        return c
    lax.fori_loop(0, ZB // 16, _zb, None)
    for t in range(N // NS * B // ZB):
        pltpu.sync_copy(zbuf, table.at[pl.ds(sid * (N // NS * B) + t * ZB,
                                             ZB)])

    @pl.when(cid == 0)
    def _():
        pltpu.sync_copy(idx_hbm.at[pl.ds(sid * (RPT // CH), RPT // CH)],
                        idx_v)
        cps = [pltpu.async_copy(bi_hbm.at[idx_v.at[r]], seg_v.at[r], sem)
               for r in range(RPT // CH)]
        for cp in cps:
            cp.wait()
        for r in range(RPT // CH):
            for k in range(CH // 16):
                sl = pl.ds(k * 16, 16)
                flat_v[r, sl] = seg_v[r, sl] * N + idx_v[r, sl]
        plsc.subcore_barrier()
        for r in range(RPT // CH):
            pltpu.sync_copy(ones_v, table.at[flat_v.at[r]], add=True)
        plsc.subcore_barrier()
        pltpu.sync_copy(table.at[pl.ds(sid * N, N)],
                        w16_hbm.at[pl.ds(sid * N, N)])

    @pl.when(cid == 1)
    def _():
        for r in range(RPT // CH):
            pltpu.sync_copy(bi_hbm.at[pl.ds(sid * RPT + r * CH, CH)],
                            idx_v.at[r])
        for r in range(RPT // CH):
            for k in range(CH // 16):
                sl = pl.ds(k * 16, 16)
                j0 = sid * RPT + r * CH + k * 16
                flat_v[r, sl] = ((lax.iota(jnp.int32, 16) + j0) * B
                                 + idx_v[r, sl])
        plsc.subcore_barrier()
        for r in range(RPT // CH):
            pltpu.sync_copy(ones_v, table.at[flat_v.at[r]])
        plsc.subcore_barrier()
        pltpu.sync_copy(table.at[pl.ds(sid * N, N)],
                        e01_hbm.at[pl.ds(sid * N, N)])


def _scprep(idx2d, bi):
    k = pl.kernel(
        _scprep_body,
        out_type=(jax.ShapeDtypeStruct((B * N,), jnp.float32),
                  jax.ShapeDtypeStruct((N * B,), jnp.float32)),
        mesh=_sc_mesh(),
        compiler_params=_sc_params,
        scratch_types=[
            pltpu.VMEM_SHARED((B * N,), jnp.float32),
            pltpu.VMEM((RPT // CH, CH), jnp.int32),
            pltpu.VMEM((RPT // CH, CH), jnp.int32),
            pltpu.VMEM((RPT // CH, CH), jnp.int32),
            pltpu.VMEM((CH,), jnp.float32),
            pltpu.VMEM((ZB,), jnp.float32),
            pltpu.SemaphoreType.DMA,
        ],
    )
    return k(idx2d, bi)


def _gather_body(z_hbm, idx_hbm, out_hbm, idx_v, rows_v, sem):
    cid = lax.axis_index("c")
    sid = lax.axis_index("s")
    wid = cid * NS + sid

    pltpu.sync_copy(idx_hbm.at[pl.ds(wid * NCH, NCH)], idx_v)
    cps = []
    for j in range(NCH):
        cps.append(pltpu.async_copy(
            z_hbm.at[idx_v.at[j]], rows_v.at[pl.ds(j * CH, CH)], sem))
    for cp in cps:
        cp.wait()
    pltpu.sync_copy(rows_v, out_hbm.at[pl.ds(wid * ROWS_W, ROWS_W)])


def _gather(z, idx2d):
    k = pl.kernel(
        _gather_body,
        out_type=jax.ShapeDtypeStruct((N, N_ACT), jnp.float32),
        mesh=_sc_mesh(),
        compiler_params=_sc_params,
        scratch_types=[
            pltpu.VMEM((NCH, CH), jnp.int32),
            pltpu.VMEM((ROWS_W, N_ACT), jnp.float32),
            pltpu.SemaphoreType.DMA,
        ],
    )
    return k(z, idx2d)


BLK2 = 1024
GRID2 = N // BLK2
G_ALL = GRID + GRID2


def _tc_body(fa_ref, fb_ref, wa_emb_ref, wb_emb_ref, ba_ref, bb_ref,
             w1_ref, b1_ref, w1t_ref, w2_ref, b2_ref, wh_ref, bh_ref,
             waux_ref, w16_ref, e01_ref, baux_ref,
             z_ref, logits_scr, accs_ref, accc_ref, auxc_ref):
    i = pl.program_id(0)

    @pl.when(i < GRID)
    def _dense():
        is_a = i < A_BLOCKS
        x0f = lax.cond(
            is_a,
            lambda: jnp.dot(fa_ref[...].astype(jnp.bfloat16), wa_emb_ref[...],
                            preferred_element_type=jnp.float32) + ba_ref[...],
            lambda: jnp.dot(fb_ref[...].astype(jnp.bfloat16), wb_emb_ref[...],
                            preferred_element_type=jnp.float32) + bb_ref[...])
        x0 = x0f.astype(jnp.bfloat16)
        b1eff = jnp.where(is_a, b1_ref[...], b1_ref[...] + w1t_ref[...])
        h = jnp.dot(x0, w1_ref[...], preferred_element_type=jnp.float32)
        h = jnp.maximum(h + b1eff, 0.0).astype(jnp.bfloat16)
        yb = (x0.astype(jnp.float32)
              + jnp.dot(h, w2_ref[...], preferred_element_type=jnp.float32)
              + b2_ref[...]).astype(jnp.bfloat16)
        logits_scr[pl.ds(i * BLK, BLK), :] = jnp.dot(
            yb, wh_ref[...], preferred_element_type=jnp.float32) + bh_ref[...]
        v = jnp.dot(yb, waux_ref[...],
                    preferred_element_type=jnp.float32)
        ps = jnp.dot(w16_ref[...], v,
                     preferred_element_type=jnp.float32)
        pc = jnp.sum(w16_ref[...], axis=1, keepdims=True)

        @pl.when(i == 0)
        def _():
            accs_ref[...] = jnp.zeros_like(accs_ref)
            accc_ref[...] = jnp.zeros_like(accc_ref)

        accs_ref[...] += ps
        accc_ref[...] += pc

        @pl.when(i == GRID - 1)
        def _():
            auxc_ref[...] = (accs_ref[...] / jnp.maximum(accc_ref[...], 1.0)
                             + baux_ref[...])

    @pl.when(i >= GRID)
    def _bcast():
        j = i - GRID
        auxm = jnp.dot(e01_ref[...], auxc_ref[...],
                       preferred_element_type=jnp.float32)
        z_ref[...] = logits_scr[pl.ds(j * BLK2, BLK2), :] + auxm


def _tc_dense(fa, fb, wa_emb, wb_emb, ba, bb, w1x, b1r, w1t, w2, b2r,
              wh, bh, waux, w16, e01, baux):
    return pl.pallas_call(
        _tc_body,
        grid=(G_ALL,),
        in_specs=[
            pl.BlockSpec((BLK, D_A), lambda i: (lax.min(i, A_BLOCKS - 1), 0)),
            pl.BlockSpec((BLK, D_B),
                         lambda i: (lax.clamp(0, i - A_BLOCKS,
                                              A_BLOCKS - 1), 0)),
            pl.BlockSpec((D_A, D_MODEL), lambda i: (0, 0)),
            pl.BlockSpec((D_B, D_MODEL), lambda i: (0, 0)),
            pl.BlockSpec((1, D_MODEL), lambda i: (0, 0)),
            pl.BlockSpec((1, D_MODEL), lambda i: (0, 0)),
            pl.BlockSpec((D_MODEL, D_FF), lambda i: (0, 0)),
            pl.BlockSpec((1, D_FF), lambda i: (0, 0)),
            pl.BlockSpec((1, D_FF), lambda i: (0, 0)),
            pl.BlockSpec((D_FF, D_MODEL), lambda i: (0, 0)),
            pl.BlockSpec((1, D_MODEL), lambda i: (0, 0)),
            pl.BlockSpec((D_MODEL, N_ACT), lambda i: (0, 0)),
            pl.BlockSpec((1, N_ACT), lambda i: (0, 0)),
            pl.BlockSpec((D_MODEL, 1), lambda i: (0, 0)),
            pl.BlockSpec((B, BLK), lambda i: (0, lax.min(i, GRID - 1))),
            pl.BlockSpec((BLK2, B),
                         lambda i: (lax.clamp(0, i - GRID, GRID2 - 1), 0)),
            pl.BlockSpec((1, 1), lambda i: (0, 0)),
        ],
        out_specs=pl.BlockSpec((BLK2, N_ACT),
                               lambda i: (lax.clamp(0, i - GRID,
                                                    GRID2 - 1), 0)),
        out_shape=jax.ShapeDtypeStruct((N, N_ACT), jnp.float32),
        scratch_shapes=[
            pltpu.VMEM((N, N_ACT), jnp.float32),
            pltpu.VMEM((B, 1), jnp.float32),
            pltpu.VMEM((B, 1), jnp.float32),
            pltpu.VMEM((B, 1), jnp.float32),
        ],
        compiler_params=pltpu.CompilerParams(
            dimension_semantics=("arbitrary",)),
    )(fa, fb, wa_emb, wb_emb, ba, bb, w1x, b1r, w1t, w2, b2r,
      wh, bh, waux, w16, e01, baux)


def kernel(feats_a, feats_b, batch_index, index_map,
           W_emb_a, b_emb_a, W_emb_b, b_emb_b,
           W1, b1, W2, b2, W_head, b_head, W_aux, b_aux):
    wa_emb = W_emb_a.astype(jnp.bfloat16)
    wb_emb = W_emb_b.astype(jnp.bfloat16)
    ba = b_emb_a.reshape(1, D_MODEL)
    bb = b_emb_b.reshape(1, D_MODEL)
    w1x = W1[:D_MODEL].astype(jnp.bfloat16)
    w1t = W1[D_MODEL].reshape(1, D_FF)
    w2b = W2.astype(jnp.bfloat16)
    whb = W_head.astype(jnp.bfloat16)
    wab = W_aux.astype(jnp.bfloat16)
    b1r = b1.reshape(1, D_FF)
    b2r = b2.reshape(1, D_MODEL)
    bhr = b_head.reshape(1, N_ACT)
    bauxr = b_aux.reshape(1, 1)
    idx2d = index_map.reshape(CH, CH)

    w16f, e01f = _scprep(idx2d, batch_index)
    z = _tc_dense(feats_a, feats_b, wa_emb, wb_emb, ba, bb,
                  w1x, b1r, w1t, w2b, b2r, whb, bhr, wab,
                  w16f.reshape(B, N), e01f.reshape(N, B), bauxr)
    return _gather(z, idx2d)

# --- scband reference (transcript-rebuilt; emitter-appended) ---
"""Pipeline reference for scband-actor-17437567222146 (READ-ONLY COPY).

The authoritative reference and input builder live on the scoring server;
editing this copy changes nothing except your own understanding.
"""

import jax, jax.numpy as jnp
import numpy as np

D_A, D_B, D_MODEL, D_FF, N_ACT, B = 64, 32, 512, 1024, 32, 16
N_A, N_B = 8192, 8192
N = N_A + N_B


def setup_inputs(seed: int = 0) -> dict:
    key = jax.random.key(seed)
    ks = jax.random.split(key, 20)
    inp = {}
    # forward args (per input_specs)
    inp['feats_a'] = jax.random.normal(ks[0], (N_A, D_A), dtype=jnp.float32)
    inp['feats_b'] = jax.random.normal(ks[1], (N_B, D_B), dtype=jnp.float32)
    inp['batch_index'] = jnp.sort(jax.random.randint(ks[2], (N,), 0, B, dtype=jnp.int32))
    inp['index_map'] = jax.random.randint(ks[3], (N,), 0, N, dtype=jnp.int32)
    # learned parameters (embedding MLPs per entity, backbone, action head, auxiliary head)
    s = 0.02
    inp['W_emb_a'] = jax.random.normal(ks[4], (D_A, D_MODEL), dtype=jnp.float32) * s
    inp['b_emb_a'] = jnp.zeros((D_MODEL,), dtype=jnp.float32)
    inp['W_emb_b'] = jax.random.normal(ks[5], (D_B, D_MODEL), dtype=jnp.float32) * s
    inp['b_emb_b'] = jnp.zeros((D_MODEL,), dtype=jnp.float32)
    inp['W1'] = jax.random.normal(ks[6], (D_MODEL + 1, D_FF), dtype=jnp.float32) * s
    inp['b1'] = jnp.zeros((D_FF,), dtype=jnp.float32)
    inp['W2'] = jax.random.normal(ks[7], (D_FF, D_MODEL), dtype=jnp.float32) * s
    inp['b2'] = jnp.zeros((D_MODEL,), dtype=jnp.float32)
    inp['W_head'] = jax.random.normal(ks[8], (D_MODEL, N_ACT), dtype=jnp.float32) * s
    inp['b_head'] = jnp.zeros((N_ACT,), dtype=jnp.float32)
    inp['W_aux'] = jax.random.normal(ks[9], (D_MODEL, 1), dtype=jnp.float32) * s
    inp['b_aux'] = jnp.zeros((1,), dtype=jnp.float32)
    return inp


def reference(feats_a, feats_b, batch_index, index_map, W_emb_a, b_emb_a, W_emb_b, b_emb_b, W1, b1, W2, b2, W_head, b_head, W_aux, b_aux):
    # batch_and_embed: per-entity-type embedding, then concat
    emb_a = feats_a @ W_emb_a + b_emb_a
    emb_b = feats_b @ W_emb_b + b_emb_b
    x = jnp.concatenate([emb_a, emb_b], axis=0)
    entity_types = jnp.concatenate([
        jnp.zeros((emb_a.shape[0], 1), dtype=x.dtype),
        jnp.ones((emb_b.shape[0], 1), dtype=x.dtype),
    ], axis=0)
    # ragged interleave via index_map gather (x = x[tindex_map])
    x = jnp.take(x, index_map, axis=0)
    entity_types = jnp.take(entity_types, index_map, axis=0)
    seg = jnp.take(batch_index, index_map, axis=0)
    # backbone (residual MLP over tokens, entity type appended)
    h = jnp.concatenate([x, entity_types], axis=1)
    h = jax.nn.relu(h @ W1 + b1)
    x = x + (h @ W2 + b2)
    # auxiliary head: scatter-mean pool over batch_index, then linear
    sums = jax.ops.segment_sum(x, seg, num_segments=B)
    counts = jax.ops.segment_sum(jnp.ones((x.shape[0], 1), dtype=x.dtype), seg, num_segments=B)
    pooled = sums / jnp.maximum(counts, 1.0)
    aux = pooled @ W_aux + b_aux
    # action head: per-token logits; broadcast auxiliary value back to tokens
    logits = x @ W_head + b_head
    out = logits + jnp.take(aux, seg, axis=0)
    return out

if __name__ == "__main__":
    import jax
    _d = setup_inputs()
    print(jax.jit(kernel)(*tuple(_d.values())))

</pallas_src>

<mosaic_0001>
#map = affine_map<(d0, d1) -> (0, 0)>
module attributes {stable_mosaic.version = 14 : i64} {
  func.func @_gather_body(%arg0: i32, %arg1: i32, %arg2: memref<16384x32xf32, #tpu.memory_space<hbm>>, %arg3: memref<128x128xi32, #tpu.memory_space<hbm>>, %arg4: memref<16384x32xf32, #tpu.memory_space<hbm>>, %arg5: memref<4x128xi32, #tpu.memory_space<vmem>>, %arg6: memref<512x32xf32, #tpu.memory_space<vmem>>, %arg7: memref<!tpu.dma_semaphore, #tpu.memory_space<semaphore_mem>>) attributes {dimension_semantics = [#tpu.dimension_semantics<core_parallel>, #tpu.dimension_semantics<subcore_parallel>], iteration_bounds = array<i64: 2, 16>, scalar_prefetch = 0 : i64, scratch_operands = 3 : i64, tpu.core_type = #tpu.core_type<sc_vector_subcore>, window_params = [{transform_indices = #map}, {transform_indices = #map}, {transform_indices = #map}]} {
    %mul3A = arith.constant 16 : i32
    %mul3A_0 = arith.muli %arg0, %mul3A : i32
    %add3A = arith.addi %mul3A_0, %arg1 : i32
    %mul3A_1 = arith.constant 4 : i32
    %mul3A_2 = arith.muli %add3A, %mul3A_1 : i32
    "tpu.region"() ({
      %run_scoped3A = tpu.sem_alloc : memref<!tpu.dma_semaphore, #tpu.memory_space<semaphore_mem>>
      %dma_start3A_83 = arith.constant 0 : i32
      %dma_start3A_84 = tpu.memref_slice %arg3[%mul3A_2, %dma_start3A_83] : memref<128x128xi32, #tpu.memory_space<hbm>> -> memref<4x128xi32, #tpu.memory_space<hbm>>
      %dma_start3A_85 = arith.constant 0 : i32
      %dma_start3A_86 = tpu.memref_slice %arg3[%mul3A_2, %dma_start3A_85] : memref<128x128xi32, #tpu.memory_space<hbm>> -> memref<4x128xi32, #tpu.memory_space<hbm>>
      tpu.enqueue_dma source(%dma_start3A_86 : memref<4x128xi32, #tpu.memory_space<hbm>>) target(%arg5 : memref<4x128xi32, #tpu.memory_space<vmem>>) target_semaphore(%run_scoped3A : memref<!tpu.dma_semaphore, #tpu.memory_space<semaphore_mem>>)
      %dma_wait3A_87 = arith.constant 0 : i32
      %dma_wait3A_88 = tpu.memref_slice %arg3[%mul3A_2, %dma_wait3A_87] : memref<128x128xi32, #tpu.memory_space<hbm>> -> memref<4x128xi32, #tpu.memory_space<hbm>>
      %dma_wait3A_89 = arith.constant 0 : i32
      %dma_wait3A_90 = tpu.memref_slice %arg3[%mul3A_2, %dma_wait3A_89] : memref<128x128xi32, #tpu.memory_space<hbm>> -> memref<4x128xi32, #tpu.memory_space<hbm>>
      tpu.wait_dma2 semaphore(%run_scoped3A : memref<!tpu.dma_semaphore, #tpu.memory_space<semaphore_mem>>) src(%dma_wait3A_90 : memref<4x128xi32, #tpu.memory_space<hbm>>) dst(%arg5 : memref<4x128xi32, #tpu.memory_space<vmem>>)
      tpu.yield
    }) : () -> ()
    %dma_start3A = arith.constant 0 : i32
    %dma_start3A_3 = arith.constant 0 : i32
    %dma_start3A_4 = arith.constant 0 : i32
    %dma_start3A_5 = tpu.memref_slice %arg6[%dma_start3A_3, %dma_start3A_4] : memref<512x32xf32, #tpu.memory_space<vmem>> -> memref<128x32xf32, #tpu.memory_space<vmem>>
    %dma_start3A_6 = arith.constant 0 : i32
    %dma_start3A_7 = tpu.memref_slice %arg5[%dma_start3A, %dma_start3A_6] : memref<4x128xi32, #tpu.memory_space<vmem>> -> memref<1x128xi32, #tpu.memory_space<vmem>>
    %dma_start3A_8 = tpu.memref_squeeze %dma_start3A_7 : memref<1x128xi32, #tpu.memory_space<vmem>> -> memref<128xi32, #tpu.memory_space<vmem>>
    %dma_start3A_9 = arith.constant 0 : i32
    %dma_start3A_10 = arith.constant 0 : i32
    %dma_start3A_11 = tpu.memref_slice %arg2[%dma_start3A_9, %dma_start3A_10] : memref<16384x32xf32, #tpu.memory_space<hbm>> -> memref<16384x32xf32, #tpu.memory_space<hbm>>
    tpu.enqueue_indirect_dma source(%dma_start3A_11 : memref<16384x32xf32, #tpu.memory_space<hbm>>) target(%dma_start3A_5 : memref<128x32xf32, #tpu.memory_space<vmem>>) offsets(%dma_start3A_8 : memref<128xi32, #tpu.memory_space<vmem>>) semaphore(%arg7 : memref<!tpu.dma_semaphore, #tpu.memory_space<semaphore_mem>>)
    %dma_start3A_12 = arith.constant 1 : i32
    %dma_start3A_13 = arith.constant 128 : i32
    %dma_start3A_14 = arith.constant 0 : i32
    %dma_start3A_15 = tpu.memref_slice %arg6[%dma_start3A_13, %dma_start3A_14] : memref<512x32xf32, #tpu.memory_space<vmem>> -> memref<128x32xf32, #tpu.memory_space<vmem>>
    %dma_start3A_16 = arith.constant 0 : i32
    %dma_start3A_17 = tpu.memref_slice %arg5[%dma_start3A_12, %dma_start3A_16] : memref<4x128xi32, #tpu.memory_space<vmem>> -> memref<1x128xi32, #tpu.memory_space<vmem>>
    %dma_start3A_18 = tpu.memref_squeeze %dma_start3A_17 : memref<1x128xi32, #tpu.memory_space<vmem>> -> memref<128xi32, #tpu.memory_space<vmem>>
    %dma_start3A_19 = arith.constant 0 : i32
    %dma_start3A_20 = arith.constant 0 : i32
    %dma_start3A_21 = tpu.memref_slice %arg2[%dma_start3A_19, %dma_start3A_20] : memref<16384x32xf32, #tpu.memory_space<hbm>> -> memref<16384x32xf32, #tpu.memory_space<hbm>>
    tpu.enqueue_indirect_dma source(%dma_start3A_21 : memref<16384x32xf32, #tpu.memory_space<hbm>>) target(%dma_start3A_15 : memref<128x32xf32, #tpu.memory_space<vmem>>) offsets(%dma_start3A_18 : memref<128xi32, #tpu.memory_space<vmem>>) semaphore(%arg7 : memref<!tpu.dma_semaphore, #tpu.memory_space<semaphore_mem>>)
    %dma_start3A_22 = arith.constant 2 : i32
    %dma_start3A_23 = arith.constant 256 : i32
    %dma_start3A_24 = arith.constant 0 : i32
    %dma_start3A_25 = tpu.memref_slice %arg6[%dma_start3A_23, %dma_start3A_24] : memref<512x32xf32, #tpu.memory_space<vmem>> -> memref<128x32xf32, #tpu.memory_space<vmem>>
    %dma_start3A_26 = arith.constant 0 : i32
    %dma_start3A_27 = tpu.memref_slice %arg5[%dma_start3A_22, %dma_start3A_26] : memref<4x128xi32, #tpu.memory_space<vmem>> -> memref<1x128xi32, #tpu.memory_space<vmem>>
    %dma_start3A_28 = tpu.memref_squeeze %dma_start3A_27 : memref<1x128xi32, #tpu.memory_space<vmem>> -> memref<128xi32, #tpu.memory_space<vmem>>
    %dma_start3A_29 = arith.constant 0 : i32
    %dma_start3A_30 = arith.constant 0 : i32
    %dma_start3A_31 = tpu.memref_slice %arg2[%dma_start3A_29, %dma_start3A_30] : memref<16384x32xf32, #tpu.memory_space<hbm>> -> memref<16384x32xf32, #tpu.memory_space<hbm>>
    tpu.enqueue_indirect_dma source(%dma_start3A_31 : memref<16384x32xf32, #tpu.memory_space<hbm>>) target(%dma_start3A_25 : memref<128x32xf32, #tpu.memory_space<vmem>>) offsets(%dma_start3A_28 : memref<128xi32, #tpu.memory_space<vmem>>) semaphore(%arg7 : memref<!tpu.dma_semaphore, #tpu.memory_space<semaphore_mem>>)
    %dma_start3A_32 = arith.constant 3 : i32
    %dma_start3A_33 = arith.constant 384 : i32
    %dma_start3A_34 = arith.constant 0 : i32
    %dma_start3A_35 = tpu.memref_slice %arg6[%dma_start3A_33, %dma_start3A_34] : memref<512x32xf32, #tpu.memory_space<vmem>> -> memref<128x32xf32, #tpu.memory_space<vmem>>
    %dma_start3A_36 = arith.constant 0 : i32
    %dma_start3A_37 = tpu.memref_slice %arg5[%dma_start3A_32, %dma_start3A_36] : memref<4x128xi32, #tpu.memory_space<vmem>> -> memref<1x128xi32, #tpu.memory_space<vmem>>
    %dma_start3A_38 = tpu.memref_squeeze %dma_start3A_37 : memref<1x128xi32, #tpu.memory_space<vmem>> -> memref<128xi32, #tpu.memory_space<vmem>>
    %dma_start3A_39 = arith.constant 0 : i32
    %dma_start3A_40 = arith.constant 0 : i32
    %dma_start3A_41 = tpu.memref_slice %arg2[%dma_start3A_39, %dma_start3A_40] : memref<16384x32xf32, #tpu.memory_space<hbm>> -> memref<16384x32xf32, #tpu.memory_space<hbm>>
    tpu.enqueue_indirect_dma source(%dma_start3A_41 : memref<16384x32xf32, #tpu.memory_space<hbm>>) target(%dma_start3A_35 : memref<128x32xf32, #tpu.memory_space<vmem>>) offsets(%dma_start3A_38 : memref<128xi32, #tpu.memory_space<vmem>>) semaphore(%arg7 : memref<!tpu.dma_semaphore, #tpu.memory_space<semaphore_mem>>)
    %dma_wait3A = arith.constant 0 : i32
    %dma_wait3A_42 = arith.constant 0 : i32
    %dma_wait3A_43 = arith.constant 0 : i32
    %dma_wait3A_44 = tpu.memref_slice %arg6[%dma_wait3A_42, %dma_wait3A_43] : memref<512x32xf32, #tpu.memory_space<vmem>> -> memref<128x32xf32, #tpu.memory_space<vmem>>
    %dma_wait3A_45 = arith.constant 0 : i32
    %dma_wait3A_46 = tpu.memref_slice %arg5[%dma_wait3A, %dma_wait3A_45] : memref<4x128xi32, #tpu.memory_space<vmem>> -> memref<1x128xi32, #tpu.memory_space<vmem>>
    %dma_wait3A_47 = tpu.memref_squeeze %dma_wait3A_46 : memref<1x128xi32, #tpu.memory_space<vmem>> -> memref<128xi32, #tpu.memory_space<vmem>>
    %dma_wait3A_48 = arith.constant 0 : i32
    %dma_wait3A_49 = arith.constant 0 : i32
    %dma_wait3A_50 = tpu.memref_slice %arg2[%dma_wait3A_48, %dma_wait3A_49] : memref<16384x32xf32, #tpu.memory_space<hbm>> -> memref<16384x32xf32, #tpu.memory_space<hbm>>
    tpu.wait_indirect_dma semaphore(%arg7 : memref<!tpu.dma_semaphore, #tpu.memory_space<semaphore_mem>>) src(%dma_wait3A_50 : memref<16384x32xf32, #tpu.memory_space<hbm>>) dst(%dma_wait3A_44 : memref<128x32xf32, #tpu.memory_space<vmem>>)
    %dma_wait3A_51 = arith.constant 1 : i32
    %dma_wait3A_52 = arith.constant 128 : i32
    %dma_wait3A_53 = arith.constant 0 : i32
    %dma_wait3A_54 = tpu.memref_slice %arg6[%dma_wait3A_52, %dma_wait3A_53] : memref<512x32xf32, #tpu.memory_space<vmem>> -> memref<128x32xf32, #tpu.memory_space<vmem>>
    %dma_wait3A_55 = arith.constant 0 : i32
    %dma_wait3A_56 = tpu.memref_slice %arg5[%dma_wait3A_51, %dma_wait3A_55] : memref<4x128xi32, #tpu.memory_space<vmem>> -> memref<1x128xi32, #tpu.memory_space<vmem>>
    %dma_wait3A_57 = tpu.memref_squeeze %dma_wait3A_56 : memref<1x128xi32, #tpu.memory_space<vmem>> -> memref<128xi32, #tpu.memory_space<vmem>>
    %dma_wait3A_58 = arith.constant 0 : i32
    %dma_wait3A_59 = arith.constant 0 : i32
    %dma_wait3A_60 = tpu.memref_slice %arg2[%dma_wait3A_58, %dma_wait3A_59] : memref<16384x32xf32, #tpu.memory_space<hbm>> -> memref<16384x32xf32, #tpu.memory_space<hbm>>
    tpu.wait_indirect_dma semaphore(%arg7 : memref<!tpu.dma_semaphore, #tpu.memory_space<semaphore_mem>>) src(%dma_wait3A_60 : memref<16384x32xf32, #tpu.memory_space<hbm>>) dst(%dma_wait3A_54 : memref<128x32xf32, #tpu.memory_space<vmem>>)
    %dma_wait3A_61 = arith.constant 2 : i32
    %dma_wait3A_62 = arith.constant 256 : i32
    %dma_wait3A_63 = arith.constant 0 : i32
    %dma_wait3A_64 = tpu.memref_slice %arg6[%dma_wait3A_62, %dma_wait3A_63] : memref<512x32xf32, #tpu.memory_space<vmem>> -> memref<128x32xf32, #tpu.memory_space<vmem>>
    %dma_wait3A_65 = arith.constant 0 : i32
    %dma_wait3A_66 = tpu.memref_slice %arg5[%dma_wait3A_61, %dma_wait3A_65] : memref<4x128xi32, #tpu.memory_space<vmem>> -> memref<1x128xi32, #tpu.memory_space<vmem>>
    %dma_wait3A_67 = tpu.memref_squeeze %dma_wait3A_66 : memref<1x128xi32, #tpu.memory_space<vmem>> -> memref<128xi32, #tpu.memory_space<vmem>>
    %dma_wait3A_68 = arith.constant 0 : i32
    %dma_wait3A_69 = arith.constant 0 : i32
    %dma_wait3A_70 = tpu.memref_slice %arg2[%dma_wait3A_68, %dma_wait3A_69] : memref<16384x32xf32, #tpu.memory_space<hbm>> -> memref<16384x32xf32, #tpu.memory_space<hbm>>
    tpu.wait_indirect_dma semaphore(%arg7 : memref<!tpu.dma_semaphore, #tpu.memory_space<semaphore_mem>>) src(%dma_wait3A_70 : memref<16384x32xf32, #tpu.memory_space<hbm>>) dst(%dma_wait3A_64 : memref<128x32xf32, #tpu.memory_space<vmem>>)
    %dma_wait3A_71 = arith.constant 3 : i32
    %dma_wait3A_72 = arith.constant 384 : i32
    %dma_wait3A_73 = arith.constant 0 : i32
    %dma_wait3A_74 = tpu.memref_slice %arg6[%dma_wait3A_72, %dma_wait3A_73] : memref<512x32xf32, #tpu.memory_space<vmem>> -> memref<128x32xf32, #tpu.memory_space<vmem>>
    %dma_wait3A_75 = arith.constant 0 : i32
    %dma_wait3A_76 = tpu.memref_slice %arg5[%dma_wait3A_71, %dma_wait3A_75] : memref<4x128xi32, #tpu.memory_space<vmem>> -> memref<1x128xi32, #tpu.memory_space<vmem>>
    %dma_wait3A_77 = tpu.memref_squeeze %dma_wait3A_76 : memref<1x128xi32, #tpu.memory_space<vmem>> -> memref<128xi32, #tpu.memory_space<vmem>>
    %dma_wait3A_78 = arith.constant 0 : i32
    %dma_wait3A_79 = arith.constant 0 : i32
    %dma_wait3A_80 = tpu.memref_slice %arg2[%dma_wait3A_78, %dma_wait3A_79] : memref<16384x32xf32, #tpu.memory_space<hbm>> -> memref<16384x32xf32, #tpu.memory_space<hbm>>
    tpu.wait_indirect_dma semaphore(%arg7 : memref<!tpu.dma_semaphore, #tpu.memory_space<semaphore_mem>>) src(%dma_wait3A_80 : memref<16384x32xf32, #tpu.memory_space<hbm>>) dst(%dma_wait3A_74 : memref<128x32xf32, #tpu.memory_space<vmem>>)
    %mul3A_81 = arith.constant 512 : i32
    %mul3A_82 = arith.muli %add3A, %mul3A_81 : i32
    "tpu.region"() ({
      %run_scoped3A = tpu.sem_alloc : memref<!tpu.dma_semaphore, #tpu.memory_space<semaphore_mem>>
      %dma_start3A_83 = arith.constant 0 : i32
      %dma_start3A_84 = tpu.memref_slice %arg4[%mul3A_82, %dma_start3A_83] : memref<16384x32xf32, #tpu.memory_space<hbm>> -> memref<512x32xf32, #tpu.memory_space<hbm>>
      %dma_start3A_85 = arith.constant 0 : i32
      %dma_start3A_86 = tpu.memref_slice %arg4[%mul3A_82, %dma_start3A_85] : memref<16384x32xf32, #tpu.memory_space<hbm>> -> memref<512x32xf32, #tpu.memory_space<hbm>>
      tpu.enqueue_dma source(%arg6 : memref<512x32xf32, #tpu.memory_space<vmem>>) target(%dma_start3A_86 : memref<512x32xf32, #tpu.memory_space<hbm>>) target_semaphore(%run_scoped3A : memref<!tpu.dma_semaphore, #tpu.memory_space<semaphore_mem>>)
      %dma_wait3A_87 = arith.constant 0 : i32
      %dma_wait3A_88 = tpu.memref_slice %arg4[%mul3A_82, %dma_wait3A_87] : memref<16384x32xf32, #tpu.memory_space<hbm>> -> memref<512x32xf32, #tpu.memory_space<hbm>>
      %dma_wait3A_89 = arith.constant 0 : i32
      %dma_wait3A_90 = tpu.memref_slice %arg4[%mul3A_82, %dma_wait3A_89] : memref<16384x32xf32, #tpu.memory_space<hbm>> -> memref<512x32xf32, #tpu.memory_space<hbm>>
      tpu.wait_dma2 semaphore(%run_scoped3A : memref<!tpu.dma_semaphore, #tpu.memory_space<semaphore_mem>>) src(%arg6 : memref<512x32xf32, #tpu.memory_space<vmem>>) dst(%dma_wait3A_90 : memref<512x32xf32, #tpu.memory_space<hbm>>)
      tpu.yield
    }) : () -> ()
    return
  }
}

#map = affine_map<(d0, d1) -> (0, 0)>
#map1 = affine_map<(d0, d1) -> (0)>
module attributes {stable_mosaic.version = 14 : i64} {
  func.func @_scprep_body(%arg0: i32, %arg1: i32, %arg2: memref<128x128xi32, #tpu.memory_space<hbm>>, %arg3: memref<16384xi32, #tpu.memory_space<hbm>>, %arg4: memref<262144xf32, #tpu.memory_space<hbm>>, %arg5: memref<262144xf32, #tpu.memory_space<hbm>>, %arg6: memref<262144xf32, #tpu.memory_space<vmem_shared>>, %arg7: memref<8x128xi32, #tpu.memory_space<vmem>>, %arg8: memref<8x128xi32, #tpu.memory_space<vmem>>, %arg9: memref<8x128xi32, #tpu.memory_space<vmem>>, %arg10: memref<128xf32, #tpu.memory_space<vmem>>, %arg11: memref<2048xf32, #tpu.memory_space<vmem>>, %arg12: memref<!tpu.dma_semaphore, #tpu.memory_space<semaphore_mem>>) attributes {dimension_semantics = [#tpu.dimension_semantics<core_parallel>, #tpu.dimension_semantics<subcore_parallel>], iteration_bounds = array<i64: 2, 16>, scalar_prefetch = 0 : i64, scratch_operands = 7 : i64, tpu.core_type = #tpu.core_type<sc_vector_subcore>, window_params = [{transform_indices = #map}, {transform_indices = #map1}, {transform_indices = #map1}, {transform_indices = #map1}]} {
    %broadcast_in_dim3A = arith.constant 1.000000e+00 : f32
    %broadcast_in_dim3A_0 = vector.broadcast %broadcast_in_dim3A : f32 to vector<16xf32>
    %swap3A = arith.constant 0 : index
    %swap3A_1 = tpu.vector_load %arg10[%swap3A] {strides = array<i32>} : memref<128xf32, #tpu.memory_space<vmem>>, vector<16xf32>,
    %swap3A_2 = vector.shape_cast %swap3A_1 : vector<16xf32> to vector<16xf32>
    %swap3A_3 = vector.shape_cast %broadcast_in_dim3A_0 : vector<16xf32> to vector<16xf32>
    tpu.vector_store %arg10[%swap3A], %swap3A_3 {strides = array<i32>} : memref<128xf32, #tpu.memory_space<vmem>>, vector<16xf32>,
    %broadcast_in_dim3A_4 = arith.constant 1.000000e+00 : f32
    %broadcast_in_dim3A_5 = vector.broadcast %broadcast_in_dim3A_4 : f32 to vector<16xf32>
    %swap3A_6 = arith.constant 16 : index
    %swap3A_7 = tpu.vector_load %arg10[%swap3A_6] {strides = array<i32>} : memref<128xf32, #tpu.memory_space<vmem>>, vector<16xf32>,
    %swap3A_8 = vector.shape_cast %swap3A_7 : vector<16xf32> to vector<16xf32>
    %swap3A_9 = vector.shape_cast %broadcast_in_dim3A_5 : vector<16xf32> to vector<16xf32>
    tpu.vector_store %arg10[%swap3A_6], %swap3A_9 {strides = array<i32>} : memref<128xf32, #tpu.memory_space<vmem>>, vector<16xf32>,
    %broadcast_in_dim3A_10 = arith.constant 1.000000e+00 : f32
    %broadcast_in_dim3A_11 = vector.broadcast %broadcast_in_dim3A_10 : f32 to vector<16xf32>
    %swap3A_12 = arith.constant 32 : index
    %swap3A_13 = tpu.vector_load %arg10[%swap3A_12] {strides = array<i32>} : memref<128xf32, #tpu.memory_space<vmem>>, vector<16xf32>,
    %swap3A_14 = vector.shape_cast %swap3A_13 : vector<16xf32> to vector<16xf32>
    %swap3A_15 = vector.shape_cast %broadcast_in_dim3A_11 : vector<16xf32> to vector<16xf32>
    tpu.vector_store %arg10[%swap3A_12], %swap3A_15 {strides = array<i32>} : memref<128xf32, #tpu.memory_space<vmem>>, vector<16xf32>,
    %broadcast_in_dim3A_16 = arith.constant 1.000000e+00 : f32
    %broadcast_in_dim3A_17 = vector.broadcast %broadcast_in_dim3A_16 : f32 to vector<16xf32>
    %swap3A_18 = arith.constant 48 : index
    %swap3A_19 = tpu.vector_load %arg10[%swap3A_18] {strides = array<i32>} : memref<128xf32, #tpu.memory_space<vmem>>, vector<16xf32>,
    %swap3A_20 = vector.shape_cast %swap3A_19 : vector<16xf32> to vector<16xf32>
    %swap3A_21 = vector.shape_cast %broadcast_in_dim3A_17 : vector<16xf32> to vector<16xf32>
    tpu.vector_store %arg10[%swap3A_18], %swap3A_21 {strides = array<i32>} : memref<128xf32, #tpu.memory_space<vmem>>, vector<16xf32>,
    %broadcast_in_dim3A_22 = arith.constant 1.000000e+00 : f32
    %broadcast_in_dim3A_23 = vector.broadcast %broadcast_in_dim3A_22 : f32 to vector<16xf32>
    %swap3A_24 = arith.constant 64 : index
    %swap3A_25 = tpu.vector_load %arg10[%swap3A_24] {strides = array<i32>} : memref<128xf32, #tpu.memory_space<vmem>>, vector<16xf32>,
    %swap3A_26 = vector.shape_cast %swap3A_25 : vector<16xf32> to vector<16xf32>
    %swap3A_27 = vector.shape_cast %broadcast_in_dim3A_23 : vector<16xf32> to vector<16xf32>
    tpu.vector_store %arg10[%swap3A_24], %swap3A_27 {strides = array<i32>} : memref<128xf32, #tpu.memory_space<vmem>>, vector<16xf32>,
    %broadcast_in_dim3A_28 = arith.constant 1.000000e+00 : f32
    %broadcast_in_dim3A_29 = vector.broadcast %broadcast_in_dim3A_28 : f32 to vector<16xf32>
    %swap3A_30 = arith.constant 80 : index
    %swap3A_31 = tpu.vector_load %arg10[%swap3A_30] {strides = array<i32>} : memref<128xf32, #tpu.memory_space<vmem>>, vector<16xf32>,
    %swap3A_32 = vector.shape_cast %swap3A_31 : vector<16xf32> to vector<16xf32>
    %swap3A_33 = vector.shape_cast %broadcast_in_dim3A_29 : vector<16xf32> to vector<16xf32>
    tpu.vector_store %arg10[%swap3A_30], %swap3A_33 {strides = array<i32>} : memref<128xf32, #tpu.memory_space<vmem>>, vector<16xf32>,
    %broadcast_in_dim3A_34 = arith.constant 1.000000e+00 : f32
    %broadcast_in_dim3A_35 = vector.broadcast %broadcast_in_dim3A_34 : f32 to vector<16xf32>
    %swap3A_36 = arith.constant 96 : index
    %swap3A_37 = tpu.vector_load %arg10[%swap3A_36] {strides = array<i32>} : memref<128xf32, #tpu.memory_space<vmem>>, vector<16xf32>,
    %swap3A_38 = vector.shape_cast %swap3A_37 : vector<16xf32> to vector<16xf32>
    %swap3A_39 = vector.shape_cast %broadcast_in_dim3A_35 : vector<16xf32> to vector<16xf32>
    tpu.vector_store %arg10[%swap3A_36], %swap3A_39 {strides = array<i32>} : memref<128xf32, #tpu.memory_space<vmem>>, vector<16xf32>,
    %broadcast_in_dim3A_40 = arith.constant 1.000000e+00 : f32
    %broadcast_in_dim3A_41 = vector.broadcast %broadcast_in_dim3A_40 : f32 to vector<16xf32>
    %swap3A_42 = arith.constant 112 : index
    %swap3A_43 = tpu.vector_load %arg10[%swap3A_42] {strides = array<i32>} : memref<128xf32, #tpu.memory_space<vmem>>, vector<16xf32>,
    %swap3A_44 = vector.shape_cast %swap3A_43 : vector<16xf32> to vector<16xf32>
    %swap3A_45 = vector.shape_cast %broadcast_in_dim3A_41 : vector<16xf32> to vector<16xf32>
    tpu.vector_store %arg10[%swap3A_42], %swap3A_45 {strides = array<i32>} : memref<128xf32, #tpu.memory_space<vmem>>, vector<16xf32>,
    %scan3A = arith.constant 0 : i32
    %scan3A_46 = arith.constant 128 : i32
    %scan3A_47 = arith.addi %scan3A, %scan3A_46 : i32
    %scan3A_48 = arith.constant 1 : i32
    scf.for %scan3A_87 = %scan3A to %scan3A_47 step %scan3A_48  : i32 {
      %broadcast_in_dim3A_88 = arith.constant 0.000000e+00 : f32
      %broadcast_in_dim3A_89 = vector.broadcast %broadcast_in_dim3A_88 : f32 to vector<16xf32>
      %mul3A_90 = arith.constant 16 : i32
      %mul3A_91 = arith.muli %scan3A_87, %mul3A_90 : i32
      %swap3A_92 = arith.index_cast %mul3A_91 : i32 to index
      %swap3A_93 = tpu.vector_load %arg11[%swap3A_92] {strides = array<i32>} : memref<2048xf32, #tpu.memory_space<vmem>>, vector<16xf32>,
      %swap3A_94 = vector.shape_cast %swap3A_93 : vector<16xf32> to vector<16xf32>
      %swap3A_95 = vector.shape_cast %broadcast_in_dim3A_89 : vector<16xf32> to vector<16xf32>
      tpu.vector_store %arg11[%swap3A_92], %swap3A_95 {strides = array<i32>} : memref<2048xf32, #tpu.memory_space<vmem>>, vector<16xf32>,
    }
    %scan3A_49 = arith.constant 128 : i32
    %mul3A = arith.constant 16384 : i32
    %mul3A_50 = arith.muli %arg1, %mul3A : i32
    %add3A = arith.constant 0 : i32
    %add3A_51 = arith.addi %mul3A_50, %add3A : i32
    "tpu.region"() ({
      %run_scoped3A = tpu.sem_alloc : memref<!tpu.dma_semaphore, #tpu.memory_space<semaphore_mem>>
      %dma_start3A = tpu.memref_slice %arg6[%add3A_51] : memref<262144xf32, #tpu.memory_space<vmem_shared>> -> memref<2048xf32, #tpu.memory_space<vmem_shared>>
      %dma_start3A_87 = tpu.memref_slice %arg6[%add3A_51] : memref<262144xf32, #tpu.memory_space<vmem_shared>> -> memref<2048xf32, #tpu.memory_space<vmem_shared>>
      tpu.enqueue_dma source(%arg11 : memref<2048xf32, #tpu.memory_space<vmem>>) target(%dma_start3A_87 : memref<2048xf32, #tpu.memory_space<vmem_shared>>) target_semaphore(%run_scoped3A : memref<!tpu.dma_semaphore, #tpu.memory_space<semaphore_mem>>)
      %dma_wait3A = tpu.memref_slice %arg6[%add3A_51] : memref<262144xf32, #tpu.memory_space<vmem_shared>> -> memref<2048xf32, #tpu.memory_space<vmem_shared>>
      %dma_wait3A_88 = tpu.memref_slice %arg6[%add3A_51] : memref<262144xf32, #tpu.memory_space<vmem_shared>> -> memref<2048xf32, #tpu.memory_space<vmem_shared>>
      tpu.wait_dma2 semaphore(%run_scoped3A : memref<!tpu.dma_semaphore, #tpu.memory_space<semaphore_mem>>) src(%arg11 : memref<2048xf32, #tpu.memory_space<vmem>>) dst(%dma_wait3A_88 : memref<2048xf32, #tpu.memory_space<vmem_shared>>)
      tpu.yield
    }) : () -> ()
    %mul3A_52 = arith.constant 16384 : i32
    %mul3A_53 = arith.muli %arg1, %mul3A_52 : i32
    %add3A_54 = arith.constant 2048 : i32
    %add3A_55 = arith.addi %mul3A_53, %add3A_54 : i32
    "tpu.region"() ({
      %run_scoped3A = tpu.sem_alloc : memref<!tpu.dma_semaphore, #tpu.memory_space<semaphore_mem>>
      %dma_start3A = tpu.memref_slice %arg6[%add3A_55] : memref<262144xf32, #tpu.memory_space<vmem_shared>> -> memref<2048xf32, #tpu.memory_space<vmem_shared>>
      %dma_start3A_87 = tpu.memref_slice %arg6[%add3A_55] : memref<262144xf32, #tpu.memory_space<vmem_shared>> -> memref<2048xf32, #tpu.memory_space<vmem_shared>>
      tpu.enqueue_dma source(%arg11 : memref<2048xf32, #tpu.memory_space<vmem>>) target(%dma_start3A_87 : memref<2048xf32, #tpu.memory_space<vmem_shared>>) target_semaphore(%run_scoped3A : memref<!tpu.dma_semaphore, #tpu.memory_space<semaphore_mem>>)
      %dma_wait3A = tpu.memref_slice %arg6[%add3A_55] : memref<262144xf32, #tpu.memory_space<vmem_shared>> -> memref<2048xf32, #tpu.memory_space<vmem_shared>>
      %dma_wait3A_88 = tpu.memref_slice %arg6[%add3A_55] : memref<262144xf32, #tpu.memory_space<vmem_shared>> -> memref<2048xf32, #tpu.memory_space<vmem_shared>>
      tpu.wait_dma2 semaphore(%run_scoped3A : memref<!tpu.dma_semaphore, #tpu.memory_space<semaphore_mem>>) src(%arg11 : memref<2048xf32, #tpu.memory_space<vmem>>) dst(%dma_wait3A_88 : memref<2048xf32, #tpu.memory_space<vmem_shared>>)
      tpu.yield
    }) : () -> ()
    %mul3A_56 = arith.constant 16384 : i32
    %mul3A_57 = arith.muli %arg1, %mul3A_56 : i32
    %add3A_58 = arith.constant 4096 : i32
    %add3A_59 = arith.addi %mul3A_57, %add3A_58 : i32
    "tpu.region"() ({
      %run_scoped3A = tpu.sem_alloc : memref<!tpu.dma_semaphore, #tpu.memory_space<semaphore_mem>>
      %dma_start3A = tpu.memref_slice %arg6[%add3A_59] : memref<262144xf32, #tpu.memory_space<vmem_shared>> -> memref<2048xf32, #tpu.memory_space<vmem_shared>>
      %dma_start3A_87 = tpu.memref_slice %arg6[%add3A_59] : memref<262144xf32, #tpu.memory_space<vmem_shared>> -> memref<2048xf32, #tpu.memory_space<vmem_shared>>
      tpu.enqueue_dma source(%arg11 : memref<2048xf32, #tpu.memory_space<vmem>>) target(%dma_start3A_87 : memref<2048xf32, #tpu.memory_space<vmem_shared>>) target_semaphore(%run_scoped3A : memref<!tpu.dma_semaphore, #tpu.memory_space<semaphore_mem>>)
      %dma_wait3A = tpu.memref_slice %arg6[%add3A_59] : memref<262144xf32, #tpu.memory_space<vmem_shared>> -> memref<2048xf32, #tpu.memory_space<vmem_shared>>
      %dma_wait3A_88 = tpu.memref_slice %arg6[%add3A_59] : memref<262144xf32, #tpu.memory_space<vmem_shared>> -> memref<2048xf32, #tpu.memory_space<vmem_shared>>
      tpu.wait_dma2 semaphore(%run_scoped3A : memref<!tpu.dma_semaphore, #tpu.memory_space<semaphore_mem>>) src(%arg11 : memref<2048xf32, #tpu.memory_space<vmem>>) dst(%dma_wait3A_88 : memref<2048xf32, #tpu.memory_space<vmem_shared>>)
      tpu.yield
    }) : () -> ()
    %mul3A_60 = arith.constant 16384 : i32
    %mul3A_61 = arith.muli %arg1, %mul3A_60 : i32
    %add3A_62 = arith.constant 6144 : i32
    %add3A_63 = arith.addi %mul3A_61, %add3A_62 : i32
    "tpu.region"() ({
      %run_scoped3A = tpu.sem_alloc : memref<!tpu.dma_semaphore, #tpu.memory_space<semaphore_mem>>
      %dma_start3A = tpu.memref_slice %arg6[%add3A_63] : memref<262144xf32, #tpu.memory_space<vmem_shared>> -> memref<2048xf32, #tpu.memory_space<vmem_shared>>
      %dma_start3A_87 = tpu.memref_slice %arg6[%add3A_63] : memref<262144xf32, #tpu.memory_space<vmem_shared>> -> memref<2048xf32, #tpu.memory_space<vmem_shared>>
      tpu.enqueue_dma source(%arg11 : memref<2048xf32, #tpu.memory_space<vmem>>) target(%dma_start3A_87 : memref<2048xf32, #tpu.memory_space<vmem_shared>>) target_semaphore(%run_scoped3A : memref<!tpu.dma_semaphore, #tpu.memory_space<semaphore_mem>>)
      %dma_wait3A = tpu.memref_slice %arg6[%add3A_63] : memref<262144xf32, #tpu.memory_space<vmem_shared>> -> memref<2048xf32, #tpu.memory_space<vmem_shared>>
      %dma_wait3A_88 = tpu.memref_slice %arg6[%add3A_63] : memref<262144xf32, #tpu.memory_space<vmem_shared>> -> memref<2048xf32, #tpu.memory_space<vmem_shared>>
      tpu.wait_dma2 semaphore(%run_scoped3A : memref<!tpu.dma_semaphore, #tpu.memory_space<semaphore_mem>>) src(%arg11 : memref<2048xf32, #tpu.memory_space<vmem>>) dst(%dma_wait3A_88 : memref<2048xf32, #tpu.memory_space<vmem_shared>>)
      tpu.yield
    }) : () -> ()
    %mul3A_64 = arith.constant 16384 : i32
    %mul3A_65 = arith.muli %arg1, %mul3A_64 : i32
    %add3A_66 = arith.constant 8192 : i32
    %add3A_67 = arith.addi %mul3A_65, %add3A_66 : i32
    "tpu.region"() ({
      %run_scoped3A = tpu.sem_alloc : memref<!tpu.dma_semaphore, #tpu.memory_space<semaphore_mem>>
      %dma_start3A = tpu.memref_slice %arg6[%add3A_67] : memref<262144xf32, #tpu.memory_space<vmem_shared>> -> memref<2048xf32, #tpu.memory_space<vmem_shared>>
      %dma_start3A_87 = tpu.memref_slice %arg6[%add3A_67] : memref<262144xf32, #tpu.memory_space<vmem_shared>> -> memref<2048xf32, #tpu.memory_space<vmem_shared>>
      tpu.enqueue_dma source(%arg11 : memref<2048xf32, #tpu.memory_space<vmem>>) target(%dma_start3A_87 : memref<2048xf32, #tpu.memory_space<vmem_shared>>) target_semaphore(%run_scoped3A : memref<!tpu.dma_semaphore, #tpu.memory_space<semaphore_mem>>)
      %dma_wait3A = tpu.memref_slice %arg6[%add3A_67] : memref<262144xf32, #tpu.memory_space<vmem_shared>> -> memref<2048xf32, #tpu.memory_space<vmem_shared>>
      %dma_wait3A_88 = tpu.memref_slice %arg6[%add3A_67] : memref<262144xf32, #tpu.memory_space<vmem_shared>> -> memref<2048xf32, #tpu.memory_space<vmem_shared>>
      tpu.wait_dma2 semaphore(%run_scoped3A : memref<!tpu.dma_semaphore, #tpu.memory_space<semaphore_mem>>) src(%arg11 : memref<2048xf32, #tpu.memory_space<vmem>>) dst(%dma_wait3A_88 : memref<2048xf32, #tpu.memory_space<vmem_shared>>)
      tpu.yield
    }) : () -> ()
    %mul3A_68 = arith.constant 16384 : i32
    %mul3A_69 = arith.muli %arg1, %mul3A_68 : i32
    %add3A_70 = arith.constant 10240 : i32
    %add3A_71 = arith.addi %mul3A_69, %add3A_70 : i32
    "tpu.region"() ({
      %run_scoped3A = tpu.sem_alloc : memref<!tpu.dma_semaphore, #tpu.memory_space<semaphore_mem>>
      %dma_start3A = tpu.memref_slice %arg6[%add3A_71] : memref<262144xf32, #tpu.memory_space<vmem_shared>> -> memref<2048xf32, #tpu.memory_space<vmem_shared>>
      %dma_start3A_87 = tpu.memref_slice %arg6[%add3A_71] : memref<262144xf32, #tpu.memory_space<vmem_shared>> -> memref<2048xf32, #tpu.memory_space<vmem_shared>>
      tpu.enqueue_dma source(%arg11 : memref<2048xf32, #tpu.memory_space<vmem>>) target(%dma_start3A_87 : memref<2048xf32, #tpu.memory_space<vmem_shared>>) target_semaphore(%run_scoped3A : memref<!tpu.dma_semaphore, #tpu.memory_space<semaphore_mem>>)
      %dma_wait3A = tpu.memref_slice %arg6[%add3A_71] : memref<262144xf32, #tpu.memory_space<vmem_shared>> -> memref<2048xf32, #tpu.memory_space<vmem_shared>>
      %dma_wait3A_88 = tpu.memref_slice %arg6[%add3A_71] : memref<262144xf32, #tpu.memory_space<vmem_shared>> -> memref<2048xf32, #tpu.memory_space<vmem_shared>>
      tpu.wait_dma2 semaphore(%run_scoped3A : memref<!tpu.dma_semaphore, #tpu.memory_space<semaphore_mem>>) src(%arg11 : memref<2048xf32, #tpu.memory_space<vmem>>) dst(%dma_wait3A_88 : memref<2048xf32, #tpu.memory_space<vmem_shared>>)
      tpu.yield
    }) : () -> ()
    %mul3A_72 = arith.constant 16384 : i32
    %mul3A_73 = arith.muli %arg1, %mul3A_72 : i32
    %add3A_74 = arith.constant 12288 : i32
    %add3A_75 = arith.addi %mul3A_73, %add3A_74 : i32
    "tpu.region"() ({
      %run_scoped3A = tpu.sem_alloc : memref<!tpu.dma_semaphore, #tpu.memory_space<semaphore_mem>>
      %dma_start3A = tpu.memref_slice %arg6[%add3A_75] : memref<262144xf32, #tpu.memory_space<vmem_shared>> -> memref<2048xf32, #tpu.memory_space<vmem_shared>>
      %dma_start3A_87 = tpu.memref_slice %arg6[%add3A_75] : memref<262144xf32, #tpu.memory_space<vmem_shared>> -> memref<2048xf32, #tpu.memory_space<vmem_shared>>
      tpu.enqueue_dma source(%arg11 : memref<2048xf32, #tpu.memory_space<vmem>>) target(%dma_start3A_87 : memref<2048xf32, #tpu.memory_space<vmem_shared>>) target_semaphore(%run_scoped3A : memref<!tpu.dma_semaphore, #tpu.memory_space<semaphore_mem>>)
      %dma_wait3A = tpu.memref_slice %arg6[%add3A_75] : memref<262144xf32, #tpu.memory_space<vmem_shared>> -> memref<2048xf32, #tpu.memory_space<vmem_shared>>
      %dma_wait3A_88 = tpu.memref_slice %arg6[%add3A_75] : memref<262144xf32, #tpu.memory_space<vmem_shared>> -> memref<2048xf32, #tpu.memory_space<vmem_shared>>
      tpu.wait_dma2 semaphore(%run_scoped3A : memref<!tpu.dma_semaphore, #tpu.memory_space<semaphore_mem>>) src(%arg11 : memref<2048xf32, #tpu.memory_space<vmem>>) dst(%dma_wait3A_88 : memref<2048xf32, #tpu.memory_space<vmem_shared>>)
      tpu.yield
    }) : () -> ()
    %mul3A_76 = arith.constant 16384 : i32
    %mul3A_77 = arith.muli %arg1, %mul3A_76 : i32
    %add3A_78 = arith.constant 14336 : i32
    %add3A_79 = arith.addi %mul3A_77, %add3A_78 : i32
    "tpu.region"() ({
      %run_scoped3A = tpu.sem_alloc : memref<!tpu.dma_semaphore, #tpu.memory_space<semaphore_mem>>
      %dma_start3A = tpu.memref_slice %arg6[%add3A_79] : memref<262144xf32, #tpu.memory_space<vmem_shared>> -> memref<2048xf32, #tpu.memory_space<vmem_shared>>
      %dma_start3A_87 = tpu.memref_slice %arg6[%add3A_79] : memref<262144xf32, #tpu.memory_space<vmem_shared>> -> memref<2048xf32, #tpu.memory_space<vmem_shared>>
      tpu.enqueue_dma source(%arg11 : memref<2048xf32, #tpu.memory_space<vmem>>) target(%dma_start3A_87 : memref<2048xf32, #tpu.memory_space<vmem_shared>>) target_semaphore(%run_scoped3A : memref<!tpu.dma_semaphore, #tpu.memory_space<semaphore_mem>>)
      %dma_wait3A = tpu.memref_slice %arg6[%add3A_79] : memref<262144xf32, #tpu.memory_space<vmem_shared>> -> memref<2048xf32, #tpu.memory_space<vmem_shared>>
      %dma_wait3A_88 = tpu.memref_slice %arg6[%add3A_79] : memref<262144xf32, #tpu.memory_space<vmem_shared>> -> memref<2048xf32, #tpu.memory_space<vmem_shared>>
      tpu.wait_dma2 semaphore(%run_scoped3A : memref<!tpu.dma_semaphore, #tpu.memory_space<semaphore_mem>>) src(%arg11 : memref<2048xf32, #tpu.memory_space<vmem>>) dst(%dma_wait3A_88 : memref<2048xf32, #tpu.memory_space<vmem_shared>>)
      tpu.yield
    }) : () -> ()
    %eq3A = arith.constant 0 : i32
    %eq3A_80 = arith.cmpi eq, %arg0, %eq3A : i32
    %convert_element_type3A = arith.extui %eq3A_80 : i1 to i32
    %cond3A = arith.constant 0 : i32
    %cond3A_81 = arith.cmpi ne, %convert_element_type3A, %cond3A : i32
    scf.if %cond3A_81 {
      %mul3A_87 = arith.constant 8 : i32
      %mul3A_88 = arith.muli %arg1, %mul3A_87 : i32
      "tpu.region"() ({
        %run_scoped3A_1538 = tpu.sem_alloc : memref<!tpu.dma_semaphore, #tpu.memory_space<semaphore_mem>>
        %dma_start3A_1539 = arith.constant 0 : i32
        %dma_start3A_1540 = tpu.memref_slice %arg2[%mul3A_88, %dma_start3A_1539] : memref<128x128xi32, #tpu.memory_space<hbm>> -> memref<8x128xi32, #tpu.memory_space<hbm>>
        %dma_start3A_1541 = arith.constant 0 : i32
        %dma_start3A_1542 = tpu.memref_slice %arg2[%mul3A_88, %dma_start3A_1541] : memref<128x128xi32, #tpu.memory_space<hbm>> -> memref<8x128xi32, #tpu.memory_space<hbm>>
        tpu.enqueue_dma source(%dma_start3A_1542 : memref<8x128xi32, #tpu.memory_space<hbm>>) target(%arg7 : memref<8x128xi32, #tpu.memory_space<vmem>>) target_semaphore(%run_scoped3A_1538 : memref<!tpu.dma_semaphore, #tpu.memory_space<semaphore_mem>>)
        %dma_wait3A_1543 = arith.constant 0 : i32
        %dma_wait3A_1544 = tpu.memref_slice %arg2[%mul3A_88, %dma_wait3A_1543] : memref<128x128xi32, #tpu.memory_space<hbm>> -> memref<8x128xi32, #tpu.memory_space<hbm>>
        %dma_wait3A_1545 = arith.constant 0 : i32
        %dma_wait3A_1546 = tpu.memref_slice %arg2[%mul3A_88, %dma_wait3A_1545] : memref<128x128xi32, #tpu.memory_space<hbm>> -> memref<8x128xi32, #tpu.memory_space<hbm>>
        tpu.wait_dma2 semaphore(%run_scoped3A_1538 : memref<!tpu.dma_semaphore, #tpu.memory_space<semaphore_mem>>) src(%dma_wait3A_1546 : memref<8x128xi32, #tpu.memory_space<hbm>>) dst(%arg7 : memref<8x128xi32, #tpu.memory_space<vmem>>)
        tpu.yield
      }) : () -> ()
      %dma_start3A = arith.constant 0 : i32
      %dma_start3A_89 = arith.constant 0 : i32
      %dma_start3A_90 = arith.constant 0 : i32
      %dma_start3A_91 = tpu.memref_slice %arg8[%dma_start3A_89, %dma_start3A_90] : memref<8x128xi32, #tpu.memory_space<vmem>> -> memref<1x128xi32, #tpu.memory_space<vmem>>
      %dma_start3A_92 = tpu.memref_squeeze %dma_start3A_91 : memref<1x128xi32, #tpu.memory_space<vmem>> -> memref<128xi32, #tpu.memory_space<vmem>>
      %dma_start3A_93 = arith.constant 0 : i32
      %dma_start3A_94 = tpu.memref_slice %arg7[%dma_start3A, %dma_start3A_93] : memref<8x128xi32, #tpu.memory_space<vmem>> -> memref<1x128xi32, #tpu.memory_space<vmem>>
      %dma_start3A_95 = tpu.memref_squeeze %dma_start3A_94 : memref<1x128xi32, #tpu.memory_space<vmem>> -> memref<128xi32, #tpu.memory_space<vmem>>
      %dma_start3A_96 = arith.constant 0 : i32
      %dma_start3A_97 = tpu.memref_slice %arg3[%dma_start3A_96] : memref<16384xi32, #tpu.memory_space<hbm>> -> memref<16384xi32, #tpu.memory_space<hbm>>
      tpu.enqueue_indirect_dma source(%dma_start3A_97 : memref<16384xi32, #tpu.memory_space<hbm>>) target(%dma_start3A_92 : memref<128xi32, #tpu.memory_space<vmem>>) offsets(%dma_start3A_95 : memref<128xi32, #tpu.memory_space<vmem>>) semaphore(%arg12 : memref<!tpu.dma_semaphore, #tpu.memory_space<semaphore_mem>>)
      %dma_start3A_98 = arith.constant 1 : i32
      %dma_start3A_99 = arith.constant 1 : i32
      %dma_start3A_100 = arith.constant 0 : i32
      %dma_start3A_101 = tpu.memref_slice %arg8[%dma_start3A_99, %dma_start3A_100] : memref<8x128xi32, #tpu.memory_space<vmem>> -> memref<1x128xi32, #tpu.memory_space<vmem>>
      %dma_start3A_102 = tpu.memref_squeeze %dma_start3A_101 : memref<1x128xi32, #tpu.memory_space<vmem>> -> memref<128xi32, #tpu.memory_space<vmem>>
      %dma_start3A_103 = arith.constant 0 : i32
      %dma_start3A_104 = tpu.memref_slice %arg7[%dma_start3A_98, %dma_start3A_103] : memref<8x128xi32, #tpu.memory_space<vmem>> -> memref<1x128xi32, #tpu.memory_space<vmem>>
      %dma_start3A_105 = tpu.memref_squeeze %dma_start3A_104 : memref<1x128xi32, #tpu.memory_space<vmem>> -> memref<128xi32, #tpu.memory_space<vmem>>
      %dma_start3A_106 = arith.constant 0 : i32
      %dma_start3A_107 = tpu.memref_slice %arg3[%dma_start3A_106] : memref<16384xi32, #tpu.memory_space<hbm>> -> memref<16384xi32, #tpu.memory_space<hbm>>
      tpu.enqueue_indirect_dma source(%dma_start3A_107 : memref<16384xi32, #tpu.memory_space<hbm>>) target(%dma_start3A_102 : memref<128xi32, #tpu.memory_space<vmem>>) offsets(%dma_start3A_105 : memref<128xi32, #tpu.memory_space<vmem>>) semaphore(%arg12 : memref<!tpu.dma_semaphore, #tpu.memory_space<semaphore_mem>>)
      %dma_start3A_108 = arith.constant 2 : i32
      %dma_start3A_109 = arith.constant 2 : i32
      %dma_start3A_110 = arith.constant 0 : i32
      %dma_start3A_111 = tpu.memref_slice %arg8[%dma_start3A_109, %dma_start3A_110] : memref<8x128xi32, #tpu.memory_space<vmem>> -> memref<1x128xi32, #tpu.memory_space<vmem>>
      %dma_start3A_112 = tpu.memref_squeeze %dma_start3A_111 : memref<1x128xi32, #tpu.memory_space<vmem>> -> memref<128xi32, #tpu.memory_space<vmem>>
      %dma_start3A_113 = arith.constant 0 : i32
      %dma_start3A_114 = tpu.memref_slice %arg7[%dma_start3A_108, %dma_start3A_113] : memref<8x128xi32, #tpu.memory_space<vmem>> -> memref<1x128xi32, #tpu.memory_space<vmem>>
      %dma_start3A_115 = tpu.memref_squeeze %dma_start3A_114 : memref<1x128xi32, #tpu.memory_space<vmem>> -> memref<128xi32, #tpu.memory_space<vmem>>
      %dma_start3A_116 = arith.constant 0 : i32
      %dma_start3A_117 = tpu.memref_slice %arg3[%dma_start3A_116] : memref<16384xi32, #tpu.memory_space<hbm>> -> memref<16384xi32, #tpu.memory_space<hbm>>
      tpu.enqueue_indirect_dma source(%dma_start3A_117 : memref<16384xi32, #tpu.memory_space<hbm>>) target(%dma_start3A_112 : memref<128xi32, #tpu.memory_space<vmem>>) offsets(%dma_start3A_115 : memref<128xi32, #tpu.memory_space<vmem>>) semaphore(%arg12 : memref<!tpu.dma_semaphore, #tpu.memory_space<semaphore_mem>>)
      %dma_start3A_118 = arith.constant 3 : i32
      %dma_start3A_119 = arith.constant 3 : i32
      %dma_start3A_120 = arith.constant 0 : i32
      %dma_start3A_121 = tpu.memref_slice %arg8[%dma_start3A_119, %dma_start3A_120] : memref<8x128xi32, #tpu.memory_space<vmem>> -> memref<1x128xi32, #tpu.memory_space<vmem>>
      %dma_start3A_122 = tpu.memref_squeeze %dma_start3A_121 : memref<1x128xi32, #tpu.memory_space<vmem>> -> memref<128xi32, #tpu.memory_space<vmem>>
      %dma_start3A_123 = arith.constant 0 : i32
      %dma_start3A_124 = tpu.memref_slice %arg7[%dma_start3A_118, %dma_start3A_123] : memref<8x128xi32, #tpu.memory_space<vmem>> -> memref<1x128xi32, #tpu.memory_space<vmem>>
      %dma_start3A_125 = tpu.memref_squeeze %dma_start3A_124 : memref<1x128xi32, #tpu.memory_space<vmem>> -> memref<128xi32, #tpu.memory_space<vmem>>
      %dma_start3A_126 = arith.constant 0 : i32
      %dma_start3A_127 = tpu.memref_slice %arg3[%dma_start3A_126] : memref<16384xi32, #tpu.memory_space<hbm>> -> memref<16384xi32, #tpu.memory_space<hbm>>
      tpu.enqueue_indirect_dma source(%dma_start3A_127 : memref<16384xi32, #tpu.memory_space<hbm>>) target(%dma_start3A_122 : memref<128xi32, #tpu.memory_space<vmem>>) offsets(%dma_start3A_125 : memref<128xi32, #tpu.memory_space<vmem>>) semaphore(%arg12 : memref<!tpu.dma_semaphore, #tpu.memory_space<semaphore_mem>>)
      %dma_start3A_128 = arith.constant 4 : i32
      %dma_start3A_129 = arith.constant 4 : i32
      %dma_start3A_130 = arith.constant 0 : i32
      %dma_start3A_131 = tpu.memref_slice %arg8[%dma_start3A_129, %dma_start3A_130] : memref<8x128xi32, #tpu.memory_space<vmem>> -> memref<1x128xi32, #tpu.memory_space<vmem>>
      %dma_start3A_132 = tpu.memref_squeeze %dma_start3A_131 : memref<1x128xi32, #tpu.memory_space<vmem>> -> memref<128xi32, #tpu.memory_space<vmem>>
      %dma_start3A_133 = arith.constant 0 : i32
      %dma_start3A_134 = tpu.memref_slice %arg7[%dma_start3A_128, %dma_start3A_133] : memref<8x128xi32, #tpu.memory_space<vmem>> -> memref<1x128xi32, #tpu.memory_space<vmem>>
      %dma_start3A_135 = tpu.memref_squeeze %dma_start3A_134 : memref<1x128xi32, #tpu.memory_space<vmem>> -> memref<128xi32, #tpu.memory_space<vmem>>
      %dma_start3A_136 = arith.constant 0 : i32
      %dma_start3A_137 = tpu.memref_slice %arg3[%dma_start3A_136] : memref<16384xi32, #tpu.memory_space<hbm>> -> memref<16384xi32, #tpu.memory_space<hbm>>
      tpu.enqueue_indirect_dma source(%dma_start3A_137 : memref<16384xi32, #tpu.memory_space<hbm>>) target(%dma_start3A_132 : memref<128xi32, #tpu.memory_space<vmem>>) offsets(%dma_start3A_135 : memref<128xi32, #tpu.memory_space<vmem>>) semaphore(%arg12 : memref<!tpu.dma_semaphore, #tpu.memory_space<semaphore_mem>>)
      %dma_start3A_138 = arith.constant 5 : i32
      %dma_start3A_139 = arith.constant 5 : i32
      %dma_start3A_140 = arith.constant 0 : i32
      %dma_start3A_141 = tpu.memref_slice %arg8[%dma_start3A_139, %dma_start3A_140] : memref<8x128xi32, #tpu.memory_space<vmem>> -> memref<1x128xi32, #tpu.memory_space<vmem>>
      %dma_start3A_142 = tpu.memref_squeeze %dma_start3A_141 : memref<1x128xi32, #tpu.memory_space<vmem>> -> memref<128xi32, #tpu.memory_space<vmem>>
      %dma_start3A_143 = arith.constant 0 : i32
      %dma_start3A_144 = tpu.memref_slice %arg7[%dma_start3A_138, %dma_start3A_143] : memref<8x128xi32, #tpu.memory_space<vmem>> -> memref<1x128xi32, #tpu.memory_space<vmem>>
      %dma_start3A_145 = tpu.memref_squeeze %dma_start3A_144 : memref<1x128xi32, #tpu.memory_space<vmem>> -> memref<128xi32, #tpu.memory_space<vmem>>
      %dma_start3A_146 = arith.constant 0 : i32
      %dma_start3A_147 = tpu.memref_slice %arg3[%dma_start3A_146] : memref<16384xi32, #tpu.memory_space<hbm>> -> memref<16384xi32, #tpu.memory_space<hbm>>
      tpu.enqueue_indirect_dma source(%dma_start3A_147 : memref<16384xi32, #tpu.memory_space<hbm>>) target(%dma_start3A_142 : memref<128xi32, #tpu.memory_space<vmem>>) offsets(%dma_start3A_145 : memref<128xi32, #tpu.memory_space<vmem>>) semaphore(%arg12 : memref<!tpu.dma_semaphore, #tpu.memory_space<semaphore_mem>>)
      %dma_start3A_148 = arith.constant 6 : i32
      %dma_start3A_149 = arith.constant 6 : i32
      %dma_start3A_150 = arith.constant 0 : i32
      %dma_start3A_151 = tpu.memref_slice %arg8[%dma_start3A_149, %dma_start3A_150] : memref<8x128xi32, #tpu.memory_space<vmem>> -> memref<1x128xi32, #tpu.memory_space<vmem>>
      %dma_start3A_152 = tpu.memref_squeeze %dma_start3A_151 : memref<1x128xi32, #tpu.memory_space<vmem>> -> memref<128xi32, #tpu.memory_space<vmem>>
      %dma_start3A_153 = arith.constant 0 : i32
      %dma_start3A_154 = tpu.memref_slice %arg7[%dma_start3A_148, %dma_start3A_153] : memref<8x128xi32, #tpu.memory_space<vmem>> -> memref<1x128xi32, #tpu.memory_space<vmem>>
      %dma_start3A_155 = tpu.memref_squeeze %dma_start3A_154 : memref<1x128xi32, #tpu.memory_space<vmem>> -> memref<128xi32, #tpu.memory_space<vmem>>
      %dma_start3A_156 = arith.constant 0 : i32
      %dma_start3A_157 = tpu.memref_slice %arg3[%dma_start3A_156] : memref<16384xi32, #tpu.memory_space<hbm>> -> memref<16384xi32, #tpu.memory_space<hbm>>
      tpu.enqueue_indirect_dma source(%dma_start3A_157 : memref<16384xi32, #tpu.memory_space<hbm>>) target(%dma_start3A_152 : memref<128xi32, #tpu.memory_space<vmem>>) offsets(%dma_start3A_155 : memref<128xi32, #tpu.memory_space<vmem>>) semaphore(%arg12 : memref<!tpu.dma_semaphore, #tpu.memory_space<semaphore_mem>>)
      %dma_start3A_158 = arith.constant 7 : i32
      %dma_start3A_159 = arith.constant 7 : i32
      %dma_start3A_160 = arith.constant 0 : i32
      %dma_start3A_161 = tpu.memref_slice %arg8[%dma_start3A_159, %dma_start3A_160] : memref<8x128xi32, #tpu.memory_space<vmem>> -> memref<1x128xi32, #tpu.memory_space<vmem>>
      %dma_start3A_162 = tpu.memref_squeeze %dma_start3A_161 : memref<1x128xi32, #tpu.memory_space<vmem>> -> memref<128xi32, #tpu.memory_space<vmem>>
      %dma_start3A_163 = arith.constant 0 : i32
      %dma_start3A_164 = tpu.memref_slice %arg7[%dma_start3A_158, %dma_start3A_163] : memref<8x128xi32, #tpu.memory_space<vmem>> -> memref<1x128xi32, #tpu.memory_space<vmem>>
      %dma_start3A_165 = tpu.memref_squeeze %dma_start3A_164 : memref<1x128xi32, #tpu.memory_space<vmem>> -> memref<128xi32, #tpu.memory_space<vmem>>
      %dma_start3A_166 = arith.constant 0 : i32
      %dma_start3A_167 = tpu.memref_slice %arg3[%dma_start3A_166] : memref<16384xi32, #tpu.memory_space<hbm>> -> memref<16384xi32, #tpu.memory_space<hbm>>
      tpu.enqueue_indirect_dma source(%dma_start3A_167 : memref<16384xi32, #tpu.memory_space<hbm>>) target(%dma_start3A_162 : memref<128xi32, #tpu.memory_space<vmem>>) offsets(%dma_start3A_165 : memref<128xi32, #tpu.memory_space<vmem>>) semaphore(%arg12 : memref<!tpu.dma_semaphore, #tpu.memory_space<semaphore_mem>>)
      %dma_wait3A = arith.constant 0 : i32
      %dma_wait3A_168 = arith.constant 0 : i32
      %dma_wait3A_169 = arith.constant 0 : i32
      %dma_wait3A_170 = tpu.memref_slice %arg8[%dma_wait3A_168, %dma_wait3A_169] : memref<8x128xi32, #tpu.memory_space<vmem>> -> memref<1x128xi32, #tpu.memory_space<vmem>>
      %dma_wait3A_171 = tpu.memref_squeeze %dma_wait3A_170 : memref<1x128xi32, #tpu.memory_space<vmem>> -> memref<128xi32, #tpu.memory_space<vmem>>
      %dma_wait3A_172 = arith.constant 0 : i32
      %dma_wait3A_173 = tpu.memref_slice %arg7[%dma_wait3A, %dma_wait3A_172] : memref<8x128xi32, #tpu.memory_space<vmem>> -> memref<1x128xi32, #tpu.memory_space<vmem>>
      %dma_wait3A_174 = tpu.memref_squeeze %dma_wait3A_173 : memref<1x128xi32, #tpu.memory_space<vmem>> -> memref<128xi32, #tpu.memory_space<vmem>>
      %dma_wait3A_175 = arith.constant 0 : i32
      %dma_wait3A_176 = tpu.memref_slice %arg3[%dma_wait3A_175] : memref<16384xi32, #tpu.memory_space<hbm>> -> memref<16384xi32, #tpu.memory_space<hbm>>
      tpu.wait_indirect_dma semaphore(%arg12 : memref<!tpu.dma_semaphore, #tpu.memory_space<semaphore_mem>>) src(%dma_wait3A_176 : memref<16384xi32, #tpu.memory_space<hbm>>) dst(%dma_wait3A_171 : memref<128xi32, #tpu.memory_space<vmem>>)
      %dma_wait3A_177 = arith.constant 1 : i32
      %dma_wait3A_178 = arith.constant 1 : i32
      %dma_wait3A_179 = arith.constant 0 : i32
      %dma_wait3A_180 = tpu.memref_slice %arg8[%dma_wait3A_178, %dma_wait3A_179] : memref<8x128xi32, #tpu.memory_space<vmem>> -> memref<1x128xi32, #tpu.memory_space<vmem>>
      %dma_wait3A_181 = tpu.memref_squeeze %dma_wait3A_180 : memref<1x128xi32, #tpu.memory_space<vmem>> -> memref<128xi32, #tpu.memory_space<vmem>>
      %dma_wait3A_182 = arith.constant 0 : i32
      %dma_wait3A_183 = tpu.memref_slice %arg7[%dma_wait3A_177, %dma_wait3A_182] : memref<8x128xi32, #tpu.memory_space<vmem>> -> memref<1x128xi32, #tpu.memory_space<vmem>>
      %dma_wait3A_184 = tpu.memref_squeeze %dma_wait3A_183 : memref<1x128xi32, #tpu.memory_space<vmem>> -> memref<128xi32, #tpu.memory_space<vmem>>
      %dma_wait3A_185 = arith.constant 0 : i32
      %dma_wait3A_186 = tpu.memref_slice %arg3[%dma_wait3A_185] : memref<16384xi32, #tpu.memory_space<hbm>> -> memref<16384xi32, #tpu.memory_space<hbm>>
      tpu.wait_indirect_dma semaphore(%arg12 : memref<!tpu.dma_semaphore, #tpu.memory_space<semaphore_mem>>) src(%dma_wait3A_186 : memref<16384xi32, #tpu.memory_space<hbm>>) dst(%dma_wait3A_181 : memref<128xi32, #tpu.memory_space<vmem>>)
      %dma_wait3A_187 = arith.constant 2 : i32
      %dma_wait3A_188 = arith.constant 2 : i32
      %dma_wait3A_189 = arith.constant 0 : i32
      %dma_wait3A_190 = tpu.memref_slice %arg8[%dma_wait3A_188, %dma_wait3A_189] : memref<8x128xi32, #tpu.memory_space<vmem>> -> memref<1x128xi32, #tpu.memory_space<vmem>>
      %dma_wait3A_191 = tpu.memref_squeeze %dma_wait3A_190 : memref<1x128xi32, #tpu.memory_space<vmem>> -> memref<128xi32, #tpu.memory_space<vmem>>
      %dma_wait3A_192 = arith.constant 0 : i32
      %dma_wait3A_193 = tpu.memref_slice %arg7[%dma_wait3A_187, %dma_wait3A_192] : memref<8x128xi32, #tpu.memory_space<vmem>> -> memref<1x128xi32, #tpu.memory_space<vmem>>
      %dma_wait3A_194 = tpu.memref_squeeze %dma_wait3A_193 : memref<1x128xi32, #tpu.memory_space<vmem>> -> memref<128xi32, #tpu.memory_space<vmem>>
      %dma_wait3A_195 = arith.constant 0 : i32
      %dma_wait3A_196 = tpu.memref_slice %arg3[%dma_wait3A_195] : memref<16384xi32, #tpu.memory_space<hbm>> -> memref<16384xi32, #tpu.memory_space<hbm>>
      tpu.wait_indirect_dma semaphore(%arg12 : memref<!tpu.dma_semaphore, #tpu.memory_space<semaphore_mem>>) src(%dma_wait3A_196 : memref<16384xi32, #tpu.memory_space<hbm>>) dst(%dma_wait3A_191 : memref<128xi32, #tpu.memory_space<vmem>>)
      %dma_wait3A_197 = arith.constant 3 : i32
      %dma_wait3A_198 = arith.constant 3 : i32
      %dma_wait3A_199 = arith.constant 0 : i32
      %dma_wait3A_200 = tpu.memref_slice %arg8[%dma_wait3A_198, %dma_wait3A_199] : memref<8x128xi32, #tpu.memory_space<vmem>> -> memref<1x128xi32, #tpu.memory_space<vmem>>
      %dma_wait3A_201 = tpu.memref_squeeze %dma_wait3A_200 : memref<1x128xi32, #tpu.memory_space<vmem>> -> memref<128xi32, #tpu.memory_space<vmem>>
      %dma_wait3A_202 = arith.constant 0 : i32
      %dma_wait3A_203 = tpu.memref_slice %arg7[%dma_wait3A_197, %dma_wait3A_202] : memref<8x128xi32, #tpu.memory_space<vmem>> -> memref<1x128xi32, #tpu.memory_space<vmem>>
      %dma_wait3A_204 = tpu.memref_squeeze %dma_wait3A_203 : memref<1x128xi32, #tpu.memory_space<vmem>> -> memref<128xi32, #tpu.memory_space<vmem>>
      %dma_wait3A_205 = arith.constant 0 : i32
      %dma_wait3A_206 = tpu.memref_slice %arg3[%dma_wait3A_205] : memref<16384xi32, #tpu.memory_space<hbm>> -> memref<16384xi32, #tpu.memory_space<hbm>>
      tpu.wait_indirect_dma semaphore(%arg12 : memref<!tpu.dma_semaphore, #tpu.memory_space<semaphore_mem>>) src(%dma_wait3A_206 : memref<16384xi32, #tpu.memory_space<hbm>>) dst(%dma_wait3A_201 : memref<128xi32, #tpu.memory_space<vmem>>)
      %dma_wait3A_207 = arith.constant 4 : i32
      %dma_wait3A_208 = arith.constant 4 : i32
      %dma_wait3A_209 = arith.constant 0 : i32
      %dma_wait3A_210 = tpu.memref_slice %arg8[%dma_wait3A_208, %dma_wait3A_209] : memref<8x128xi32, #tpu.memory_space<vmem>> -> memref<1x128xi32, #tpu.memory_space<vmem>>
      %dma_wait3A_211 = tpu.memref_squeeze %dma_wait3A_210 : memref<1x128xi32, #tpu.memory_space<vmem>> -> memref<128xi32, #tpu.memory_space<vmem>>
      %dma_wait3A_212 = arith.constant 0 : i32
      %dma_wait3A_213 = tpu.memref_slice %arg7[%dma_wait3A_207, %dma_wait3A_212] : memref<8x128xi32, #tpu.memory_space<vmem>> -> memref<1x128xi32, #tpu.memory_space<vmem>>
      %dma_wait3A_214 = tpu.memref_squeeze %dma_wait3A_213 : memref<1x128xi32, #tpu.memory_space<vmem>> -> memref<128xi32, #tpu.memory_space<vmem>>
      %dma_wait3A_215 = arith.constant 0 : i32
      %dma_wait3A_216 = tpu.memref_slice %arg3[%dma_wait3A_215] : memref<16384xi32, #tpu.memory_space<hbm>> -> memref<16384xi32, #tpu.memory_space<hbm>>
      tpu.wait_indirect_dma semaphore(%arg12 : memref<!tpu.dma_semaphore, #tpu.memory_space<semaphore_mem>>) src(%dma_wait3A_216 : memref<16384xi32, #tpu.memory_space<hbm>>) dst(%dma_wait3A_211 : memref<128xi32, #tpu.memory_space<vmem>>)
      %dma_wait3A_217 = arith.constant 5 : i32
      %dma_wait3A_218 = arith.constant 5 : i32
      %dma_wait3A_219 = arith.constant 0 : i32
      %dma_wait3A_220 = tpu.memref_slice %arg8[%dma_wait3A_218, %dma_wait3A_219] : memref<8x128xi32, #tpu.memory_space<vmem>> -> memref<1x128xi32, #tpu.memory_space<vmem>>
      %dma_wait3A_221 = tpu.memref_squeeze %dma_wait3A_220 : memref<1x128xi32, #tpu.memory_space<vmem>> -> memref<128xi32, #tpu.memory_space<vmem>>
      %dma_wait3A_222 = arith.constant 0 : i32
      %dma_wait3A_223 = tpu.memref_slice %arg7[%dma_wait3A_217, %dma_wait3A_222] : memref<8x128xi32, #tpu.memory_space<vmem>> -> memref<1x128xi32, #tpu.memory_space<vmem>>
      %dma_wait3A_224 = tpu.memref_squeeze %dma_wait3A_223 : memref<1x128xi32, #tpu.memory_space<vmem>> -> memref<128xi32, #tpu.memory_space<vmem>>
      %dma_wait3A_225 = arith.constant 0 : i32
      %dma_wait3A_226 = tpu.memref_slice %arg3[%dma_wait3A_225] : memref<16384xi32, #tpu.memory_space<hbm>> -> memref<16384xi32, #tpu.memory_space<hbm>>
      tpu.wait_indirect_dma semaphore(%arg12 : memref<!tpu.dma_semaphore, #tpu.memory_space<semaphore_mem>>) src(%dma_wait3A_226 : memref<16384xi32, #tpu.memory_space<hbm>>) dst(%dma_wait3A_221 : memref<128xi32, #tpu.memory_space<vmem>>)
      %dma_wait3A_227 = arith.constant 6 : i32
      %dma_wait3A_228 = arith.constant 6 : i32
      %dma_wait3A_229 = arith.constant 0 : i32
      %dma_wait3A_230 = tpu.memref_slice %arg8[%dma_wait3A_228, %dma_wait3A_229] : memref<8x128xi32, #tpu.memory_space<vmem>> -> memref<1x128xi32, #tpu.memory_space<vmem>>
      %dma_wait3A_231 = tpu.memref_squeeze %dma_wait3A_230 : memref<1x128xi32, #tpu.memory_space<vmem>> -> memref<128xi32, #tpu.memory_space<vmem>>
      %dma_wait3A_232 = arith.constant 0 : i32
      %dma_wait3A_233 = tpu.memref_slice %arg7[%dma_wait3A_227, %dma_wait3A_232] : memref<8x128xi32, #tpu.memory_space<vmem>> -> memref<1x128xi32, #tpu.memory_space<vmem>>
      %dma_wait3A_234 = tpu.memref_squeeze %dma_wait3A_233 : memref<1x128xi32, #tpu.memory_space<vmem>> -> memref<128xi32, #tpu.memory_space<vmem>>
      %dma_wait3A_235 = arith.constant 0 : i32
      %dma_wait3A_236 = tpu.memref_slice %arg3[%dma_wait3A_235] : memref<16384xi32, #tpu.memory_space<hbm>> -> memref<16384xi32, #tpu.memory_space<hbm>>
      tpu.wait_indirect_dma semaphore(%arg12 : memref<!tpu.dma_semaphore, #tpu.memory_space<semaphore_mem>>) src(%dma_wait3A_236 : memref<16384xi32, #tpu.memory_space<hbm>>) dst(%dma_wait3A_231 : memref<128xi32, #tpu.memory_space<vmem>>)
      %dma_wait3A_237 = arith.constant 7 : i32
      %dma_wait3A_238 = arith.constant 7 : i32
      %dma_wait3A_239 = arith.constant 0 : i32
      %dma_wait3A_240 = tpu.memref_slice %arg8[%dma_wait3A_238, %dma_wait3A_239] : memref<8x128xi32, #tpu.memory_space<vmem>> -> memref<1x128xi32, #tpu.memory_space<vmem>>
      %dma_wait3A_241 = tpu.memref_squeeze %dma_wait3A_240 : memref<1x128xi32, #tpu.memory_space<vmem>> -> memref<128xi32, #tpu.memory_space<vmem>>
      %dma_wait3A_242 = arith.constant 0 : i32
      %dma_wait3A_243 = tpu.memref_slice %arg7[%dma_wait3A_237, %dma_wait3A_242] : memref<8x128xi32, #tpu.memory_space<vmem>> -> memref<1x128xi32, #tpu.memory_space<vmem>>
      %dma_wait3A_244 = tpu.memref_squeeze %dma_wait3A_243 : memref<1x128xi32, #tpu.memory_space<vmem>> -> memref<128xi32, #tpu.memory_space<vmem>>
      %dma_wait3A_245 = arith.constant 0 : i32
      %dma_wait3A_246 = tpu.memref_slice %arg3[%dma_wait3A_245] : memref<16384xi32, #tpu.memory_space<hbm>> -> memref<16384xi32, #tpu.memory_space<hbm>>
      tpu.wait_indirect_dma semaphore(%arg12 : memref<!tpu.dma_semaphore, #tpu.memory_space<semaphore_mem>>) src(%dma_wait3A_246 : memref<16384xi32, #tpu.memory_space<hbm>>) dst(%dma_wait3A_241 : memref<128xi32, #tpu.memory_space<vmem>>)
      %get3A = arith.constant 0 : i32
      %get3A_247 = arith.index_cast %get3A : i32 to index
      %get3A_248 = arith.constant 0 : index
      %get3A_249 = tpu.vector_load %arg8[%get3A_247, %get3A_248] {strides = array<i32>} : memref<8x128xi32, #tpu.memory_space<vmem>>, vector<1x16xi32>,
      %get3A_250 = vector.shape_cast %get3A_249 : vector<1x16xi32> to vector<16xi32>
      %mul3A_251 = arith.constant 16384 : i32
      %mul3A_252 = vector.broadcast %mul3A_251 : i32 to vector<16xi32>
      %mul3A_253 = arith.muli %get3A_250, %mul3A_252 : vector<16xi32>
      %get3A_254 = arith.constant 0 : i32
      %get3A_255 = arith.index_cast %get3A_254 : i32 to index
      %get3A_256 = arith.constant 0 : index
      %get3A_257 = tpu.vector_load %arg7[%get3A_255, %get3A_256] {strides = array<i32>} : memref<8x128xi32, #tpu.memory_space<vmem>>, vector<1x16xi32>,
      %get3A_258 = vector.shape_cast %get3A_257 : vector<1x16xi32> to vector<16xi32>
      %add3A_259 = arith.addi %mul3A_253, %get3A_258 : vector<16xi32>
      %swap3A_260 = arith.constant 0 : i32
      %swap3A_261 = arith.index_cast %swap3A_260 : i32 to index
      %swap3A_262 = arith.constant 0 : index
      %swap3A_263 = tpu.vector_load %arg9[%swap3A_261, %swap3A_262] {strides = array<i32>} : memref<8x128xi32, #tpu.memory_space<vmem>>, vector<1x16xi32>,
      %swap3A_264 = vector.shape_cast %swap3A_263 : vector<1x16xi32> to vector<16xi32>
      %swap3A_265 = vector.shape_cast %add3A_259 : vector<16xi32> to vector<1x16xi32>
      tpu.vector_store %arg9[%swap3A_261, %swap3A_262], %swap3A_265 {strides = array<i32>} : memref<8x128xi32, #tpu.memory_space<vmem>>, vector<1x16xi32>,
      %get3A_266 = arith.constant 0 : i32
      %get3A_267 = arith.index_cast %get3A_266 : i32 to index
      %get3A_268 = arith.constant 16 : index
      %get3A_269 = tpu.vector_load %arg8[%get3A_267, %get3A_268] {strides = array<i32>} : memref<8x128xi32, #tpu.memory_space<vmem>>, vector<1x16xi32>,
      %get3A_270 = vector.shape_cast %get3A_269 : vector<1x16xi32> to vector<16xi32>
      %mul3A_271 = arith.constant 16384 : i32
      %mul3A_272 = vector.broadcast %mul3A_271 : i32 to vector<16xi32>
      %mul3A_273 = arith.muli %get3A_270, %mul3A_272 : vector<16xi32>
      %get3A_274 = arith.constant 0 : i32
      %get3A_275 = arith.index_cast %get3A_274 : i32 to index
      %get3A_276 = arith.constant 16 : index
      %get3A_277 = tpu.vector_load %arg7[%get3A_275, %get3A_276] {strides = array<i32>} : memref<8x128xi32, #tpu.memory_space<vmem>>, vector<1x16xi32>,
      %get3A_278 = vector.shape_cast %get3A_277 : vector<1x16xi32> to vector<16xi32>
      %add3A_279 = arith.addi %mul3A_273, %get3A_278 : vector<16xi32>
      %swap3A_280 = arith.constant 0 : i32
      %swap3A_281 = arith.index_cast %swap3A_280 : i32 to index
      %swap3A_282 = arith.constant 16 : index
      %swap3A_283 = tpu.vector_load %arg9[%swap3A_281, %swap3A_282] {strides = array<i32>} : memref<8x128xi32, #tpu.memory_space<vmem>>, vector<1x16xi32>,
      %swap3A_284 = vector.shape_cast %swap3A_283 : vector<1x16xi32> to vector<16xi32>
      %swap3A_285 = vector.shape_cast %add3A_279 : vector<16xi32> to vector<1x16xi32>
      tpu.vector_store %arg9[%swap3A_281, %swap3A_282], %swap3A_285 {strides = array<i32>} : memref<8x128xi32, #tpu.memory_space<vmem>>, vector<1x16xi32>,
      %get3A_286 = arith.constant 0 : i32
      %get3A_287 = arith.index_cast %get3A_286 : i32 to index
      %get3A_288 = arith.constant 32 : index
      %get3A_289 = tpu.vector_load %arg8[%get3A_287, %get3A_288] {strides = array<i32>} : memref<8x128xi32, #tpu.memory_space<vmem>>, vector<1x16xi32>,
      %get3A_290 = vector.shape_cast %get3A_289 : vector<1x16xi32> to vector<16xi32>
      %mul3A_291 = arith.constant 16384 : i32
      %mul3A_292 = vector.broadcast %mul3A_291 : i32 to vector<16xi32>
      %mul3A_293 = arith.muli %get3A_290, %mul3A_292 : vector<16xi32>
      %get3A_294 = arith.constant 0 : i32
      %get3A_295 = arith.index_cast %get3A_294 : i32 to index
      %get3A_296 = arith.constant 32 : index
      %get3A_297 = tpu.vector_load %arg7[%get3A_295, %get3A_296] {strides = array<i32>} : memref<8x128xi32, #tpu.memory_space<vmem>>, vector<1x16xi32>,
      %get3A_298 = vector.shape_cast %get3A_297 : vector<1x16xi32> to vector<16xi32>
      %add3A_299 = arith.addi %mul3A_293, %get3A_298 : vector<16xi32>
      %swap3A_300 = arith.constant 0 : i32
      %swap3A_301 = arith.index_cast %swap3A_300 : i32 to index
      %swap3A_302 = arith.constant 32 : index
      %swap3A_303 = tpu.vector_load %arg9[%swap3A_301, %swap3A_302] {strides = array<i32>} : memref<8x128xi32, #tpu.memory_space<vmem>>, vector<1x16xi32>,
      %swap3A_304 = vector.shape_cast %swap3A_303 : vector<1x16xi32> to vector<16xi32>
      %swap3A_305 = vector.shape_cast %add3A_299 : vector<16xi32> to vector<1x16xi32>
      tpu.vector_store %arg9[%swap3A_301, %swap3A_302], %swap3A_305 {strides = array<i32>} : memref<8x128xi32, #tpu.memory_space<vmem>>, vector<1x16xi32>,
      %get3A_306 = arith.constant 0 : i32
      %get3A_307 = arith.index_cast %get3A_306 : i32 to index
      %get3A_308 = arith.constant 48 : index
      %get3A_309 = tpu.vector_load %arg8[%get3A_307, %get3A_308] {strides = array<i32>} : memref<8x128xi32, #tpu.memory_space<vmem>>, vector<1x16xi32>,
      %get3A_310 = vector.shape_cast %get3A_309 : vector<1x16xi32> to vector<16xi32>
      %mul3A_311 = arith.constant 16384 : i32
      %mul3A_312 = vector.broadcast %mul3A_311 : i32 to vector<16xi32>
      %mul3A_313 = arith.muli %get3A_310, %mul3A_312 : vector<16xi32>
      %get3A_314 = arith.constant 0 : i32
      %get3A_315 = arith.index_cast %get3A_314 : i32 to index
      %get3A_316 = arith.constant 48 : index
      %get3A_317 = tpu.vector_load %arg7[%get3A_315, %get3A_316] {strides = array<i32>} : memref<8x128xi32, #tpu.memory_space<vmem>>, vector<1x16xi32>,
      %get3A_318 = vector.shape_cast %get3A_317 : vector<1x16xi32> to vector<16xi32>
      %add3A_319 = arith.addi %mul3A_313, %get3A_318 : vector<16xi32>
      %swap3A_320 = arith.constant 0 : i32
      %swap3A_321 = arith.index_cast %swap3A_320 : i32 to index
      %swap3A_322 = arith.constant 48 : index
      %swap3A_323 = tpu.vector_load %arg9[%swap3A_321, %swap3A_322] {strides = array<i32>} : memref<8x128xi32, #tpu.memory_space<vmem>>, vector<1x16xi32>,
      %swap3A_324 = vector.shape_cast %swap3A_323 : vector<1x16xi32> to vector<16xi32>
      %swap3A_325 = vector.shape_cast %add3A_319 : vector<16xi32> to vector<1x16xi32>
      tpu.vector_store %arg9[%swap3A_321, %swap3A_322], %swap3A_325 {strides = array<i32>} : memref<8x128xi32, #tpu.memory_space<vmem>>, vector<1x16xi32>,
      %get3A_326 = arith.constant 0 : i32
      %get3A_327 = arith.index_cast %get3A_326 : i32 to index
      %get3A_328 = arith.constant 64 : index
      %get3A_329 = tpu.vector_load %arg8[%get3A_327, %get3A_328] {strides = array<i32>} : memref<8x128xi32, #tpu.memory_space<vmem>>, vector<1x16xi32>,
      %get3A_330 = vector.shape_cast %get3A_329 : vector<1x16xi32> to vector<16xi32>
      %mul3A_331 = arith.constant 16384 : i32
      %mul3A_332 = vector.broadcast %mul3A_331 : i32 to vector<16xi32>
      %mul3A_333 = arith.muli %get3A_330, %mul3A_332 : vector<16xi32>
      %get3A_334 = arith.constant 0 : i32
      %get3A_335 = arith.index_cast %get3A_334 : i32 to index
      %get3A_336 = arith.constant 64 : index
      %get3A_337 = tpu.vector_load %arg7[%get3A_335, %get3A_336] {strides = array<i32>} : memref<8x128xi32, #tpu.memory_space<vmem>>, vector<1x16xi32>,
      %get3A_338 = vector.shape_cast %get3A_337 : vector<1x16xi32> to vector<16xi32>
      %add3A_339 = arith.addi %mul3A_333, %get3A_338 : vector<16xi32>
      %swap3A_340 = arith.constant 0 : i32
      %swap3A_341 = arith.index_cast %swap3A_340 : i32 to index
      %swap3A_342 = arith.constant 64 : index
      %swap3A_343 = tpu.vector_load %arg9[%swap3A_341, %swap3A_342] {strides = array<i32>} : memref<8x128xi32, #tpu.memory_space<vmem>>, vector<1x16xi32>,
      %swap3A_344 = vector.shape_cast %swap3A_343 : vector<1x16xi32> to vector<16xi32>
      %swap3A_345 = vector.shape_cast %add3A_339 : vector<16xi32> to vector<1x16xi32>
      tpu.vector_store %arg9[%swap3A_341, %swap3A_342], %swap3A_345 {strides = array<i32>} : memref<8x128xi32, #tpu.memory_space<vmem>>, vector<1x16xi32>,
      %get3A_346 = arith.constant 0 : i32
      %get3A_347 = arith.index_cast %get3A_346 : i32 to index
      %get3A_348 = arith.constant 80 : index
      %get3A_349 = tpu.vector_load %arg8[%get3A_347, %get3A_348] {strides = array<i32>} : memref<8x128xi32, #tpu.memory_space<vmem>>, vector<1x16xi32>,
      %get3A_350 = vector.shape_cast %get3A_349 : vector<1x16xi32> to vector<16xi32>
      %mul3A_351 = arith.constant 16384 : i32
      %mul3A_352 = vector.broadcast %mul3A_351 : i32 to vector<16xi32>
      %mul3A_353 = arith.muli %get3A_350, %mul3A_352 : vector<16xi32>
      %get3A_354 = arith.constant 0 : i32
      %get3A_355 = arith.index_cast %get3A_354 : i32 to index
      %get3A_356 = arith.constant 80 : index
      %get3A_357 = tpu.vector_load %arg7[%get3A_355, %get3A_356] {strides = array<i32>} : memref<8x128xi32, #tpu.memory_space<vmem>>, vector<1x16xi32>,
      %get3A_358 = vector.shape_cast %get3A_357 : vector<1x16xi32> to vector<16xi32>
      %add3A_359 = arith.addi %mul3A_353, %get3A_358 : vector<16xi32>
      %swap3A_360 = arith.constant 0 : i32
      %swap3A_361 = arith.index_cast %swap3A_360 : i32 to index
      %swap3A_362 = arith.constant 80 : index
      %swap3A_363 = tpu.vector_load %arg9[%swap3A_361, %swap3A_362] {strides = array<i32>} : memref<8x128xi32, #tpu.memory_space<vmem>>, vector<1x16xi32>,
      %swap3A_364 = vector.shape_cast %swap3A_363 : vector<1x16xi32> to vector<16xi32>
      %swap3A_365 = vector.shape_cast %add3A_359 : vector<16xi32> to vector<1x16xi32>
      tpu.vector_store %arg9[%swap3A_361, %swap3A_362], %swap3A_365 {strides = array<i32>} : memref<8x128xi32, #tpu.memory_space<vmem>>, vector<1x16xi32>,
      %get3A_366 = arith.constant 0 : i32
      %get3A_367 = arith.index_cast %get3A_366 : i32 to index
      %get3A_368 = arith.constant 96 : index
      %get3A_369 = tpu.vector_load %arg8[%get3A_367, %get3A_368] {strides = array<i32>} : memref<8x128xi32, #tpu.memory_space<vmem>>, vector<1x16xi32>,
      %get3A_370 = vector.shape_cast %get3A_369 : vector<1x16xi32> to vector<16xi32>
      %mul3A_371 = arith.constant 16384 : i32
      %mul3A_372 = vector.broadcast %mul3A_371 : i32 to vector<16xi32>
      %mul3A_373 = arith.muli %get3A_370, %mul3A_372 : vector<16xi32>
      %get3A_374 = arith.constant 0 : i32
      %get3A_375 = arith.index_cast %get3A_374 : i32 to index
      %get3A_376 = arith.constant 96 : index
      %get3A_377 = tpu.vector_load %arg7[%get3A_375, %get3A_376] {strides = array<i32>} : memref<8x128xi32, #tpu.memory_space<vmem>>, vector<1x16xi32>,
      %get3A_378 = vector.shape_cast %get3A_377 : vector<1x16xi32> to vector<16xi32>
      %add3A_379 = arith.addi %mul3A_373, %get3A_378 : vector<16xi32>
      %swap3A_380 = arith.constant 0 : i32
      %swap3A_381 = arith.index_cast %swap3A_380 : i32 to index
      %swap3A_382 = arith.constant 96 : index
      %swap3A_383 = tpu.vector_load %arg9[%swap3A_381, %swap3A_382] {strides = array<i32>} : memref<8x128xi32, #tpu.memory_space<vmem>>, vector<1x16xi32>,
      %swap3A_384 = vector.shape_cast %swap3A_383 : vector<1x16xi32> to vector<16xi32>
      %swap3A_385 = vector.shape_cast %add3A_379 : vector<16xi32> to vector<1x16xi32>
      tpu.vector_store %arg9[%swap3A_381, %swap3A_382], %swap3A_385 {strides = array<i32>} : memref<8x128xi32, #tpu.memory_space<vmem>>, vector<1x16xi32>,
      %get3A_386 = arith.constant 0 : i32
      %get3A_387 = arith.index_cast %get3A_386 : i32 to index
      %get3A_388 = arith.constant 112 : index
      %get3A_389 = tpu.vector_load %arg8[%get3A_387, %get3A_388] {strides = array<i32>} : memref<8x128xi32, #tpu.memory_space<vmem>>, vector<1x16xi32>,
      %get3A_390 = vector.shape_cast %get3A_389 : vector<1x16xi32> to vector<16xi32>
      %mul3A_391 = arith.constant 16384 : i32
      %mul3A_392 = vector.broadcast %mul3A_391 : i32 to vector<16xi32>
      %mul3A_393 = arith.muli %get3A_390, %mul3A_392 : vector<16xi32>
      %get3A_394 = arith.constant 0 : i32
      %get3A_395 = arith.index_cast %get3A_394 : i32 to index
      %get3A_396 = arith.constant 112 : index
      %get3A_397 = tpu.vector_load %arg7[%get3A_395, %get3A_396] {strides = array<i32>} : memref<8x128xi32, #tpu.memory_space<vmem>>, vector<1x16xi32>,
      %get3A_398 = vector.shape_cast %get3A_397 : vector<1x16xi32> to vector<16xi32>
      %add3A_399 = arith.addi %mul3A_393, %get3A_398 : vector<16xi32>
      %swap3A_400 = arith.constant 0 : i32
      %swap3A_401 = arith.index_cast %swap3A_400 : i32 to index
      %swap3A_402 = arith.constant 112 : index
      %swap3A_403 = tpu.vector_load %arg9[%swap3A_401, %swap3A_402] {strides = array<i32>} : memref<8x128xi32, #tpu.memory_space<vmem>>, vector<1x16xi32>,
      %swap3A_404 = vector.shape_cast %swap3A_403 : vector<1x16xi32> to vector<16xi32>
      %swap3A_405 = vector.shape_cast %add3A_399 : vector<16xi32> to vector<1x16xi32>
      tpu.vector_store %arg9[%swap3A_401, %swap3A_402], %swap3A_405 {strides = array<i32>} : memref<8x128xi32, #tpu.memory_space<vmem>>, vector<1x16xi32>,
      %get3A_406 = arith.constant 1 : i32
      %get3A_407 = arith.index_cast %get3A_406 : i32 to index
      %get3A_408 = arith.constant 0 : index
      %get3A_409 = tpu.vector_load %arg8[%get3A_407, %get3A_408] {strides = array<i32>} : memref<8x128xi32, #tpu.memory_space<vmem>>, vector<1x16xi32>,
      %get3A_410 = vector.shape_cast %get3A_409 : vector<1x16xi32> to vector<16xi32>
      %mul3A_411 = arith.constant 16384 : i32
      %mul3A_412 = vector.broadcast %mul3A_411 : i32 to vector<16xi32>
      %mul3A_413 = arith.muli %get3A_410, %mul3A_412 : vector<16xi32>
      %get3A_414 = arith.constant 1 : i32
      %get3A_415 = arith.index_cast %get3A_414 : i32 to index
      %get3A_416 = arith.constant 0 : index
      %get3A_417 = tpu.vector_load %arg7[%get3A_415, %get3A_416] {strides = array<i32>} : memref<8x128xi32, #tpu.memory_space<vmem>>, vector<1x16xi32>,
      %get3A_418 = vector.shape_cast %get3A_417 : vector<1x16xi32> to vector<16xi32>
      %add3A_419 = arith.addi %mul3A_413, %get3A_418 : vector<16xi32>
      %swap3A_420 = arith.constant 1 : i32
      %swap3A_421 = arith.index_cast %swap3A_420 : i32 to index
      %swap3A_422 = arith.constant 0 : index
      %swap3A_423 = tpu.vector_load %arg9[%swap3A_421, %swap3A_422] {strides = array<i32>} : memref<8x128xi32, #tpu.memory_space<vmem>>, vector<1x16xi32>,
      %swap3A_424 = vector.shape_cast %swap3A_423 : vector<1x16xi32> to vector<16xi32>
      %swap3A_425 = vector.shape_cast %add3A_419 : vector<16xi32> to vector<1x16xi32>
      tpu.vector_store %arg9[%swap3A_421, %swap3A_422], %swap3A_425 {strides = array<i32>} : memref<8x128xi32, #tpu.memory_space<vmem>>, vector<1x16xi32>,
      %get3A_426 = arith.constant 1 : i32
      %get3A_427 = arith.index_cast %get3A_426 : i32 to index
      %get3A_428 = arith.constant 16 : index
      %get3A_429 = tpu.vector_load %arg8[%get3A_427, %get3A_428] {strides = array<i32>} : memref<8x128xi32, #tpu.memory_space<vmem>>, vector<1x16xi32>,
      %get3A_430 = vector.shape_cast %get3A_429 : vector<1x16xi32> to vector<16xi32>
      %mul3A_431 = arith.constant 16384 : i32
      %mul3A_432 = vector.broadcast %mul3A_431 : i32 to vector<16xi32>
      %mul3A_433 = arith.muli %get3A_430, %mul3A_432 : vector<16xi32>
      %get3A_434 = arith.constant 1 : i32
      %get3A_435 = arith.index_cast %get3A_434 : i32 to index
      %get3A_436 = arith.constant 16 : index
      %get3A_437 = tpu.vector_load %arg7[%get3A_435, %get3A_436] {strides = array<i32>} : memref<8x128xi32, #tpu.memory_space<vmem>>, vector<1x16xi32>,
      %get3A_438 = vector.shape_cast %get3A_437 : vector<1x16xi32> to vector<16xi32>
      %add3A_439 = arith.addi %mul3A_433, %get3A_438 : vector<16xi32>
      %swap3A_440 = arith.constant 1 : i32
      %swap3A_441 = arith.index_cast %swap3A_440 : i32 to index
      %swap3A_442 = arith.constant 16 : index
      %swap3A_443 = tpu.vector_load %arg9[%swap3A_441, %swap3A_442] {strides = array<i32>} : memref<8x128xi32, #tpu.memory_space<vmem>>, vector<1x16xi32>,
      %swap3A_444 = vector.shape_cast %swap3A_443 : vector<1x16xi32> to vector<16xi32>
      %swap3A_445 = vector.shape_cast %add3A_439 : vector<16xi32> to vector<1x16xi32>
      tpu.vector_store %arg9[%swap3A_441, %swap3A_442], %swap3A_445 {strides = array<i32>} : memref<8x128xi32, #tpu.memory_space<vmem>>, vector<1x16xi32>,
      %get3A_446 = arith.constant 1 : i32
      %get3A_447 = arith.index_cast %get3A_446 : i32 to index
      %get3A_448 = arith.constant 32 : index
      %get3A_449 = tpu.vector_load %arg8[%get3A_447, %get3A_448] {strides = array<i32>} : memref<8x128xi32, #tpu.memory_space<vmem>>, vector<1x16xi32>,
      %get3A_450 = vector.shape_cast %get3A_449 : vector<1x16xi32> to vector<16xi32>
      %mul3A_451 = arith.constant 16384 : i32
      %mul3A_452 = vector.broadcast %mul3A_451 : i32 to vector<16xi32>
      %mul3A_453 = arith.muli %get3A_450, %mul3A_452 : vector<16xi32>
      %get3A_454 = arith.constant 1 : i32
      %get3A_455 = arith.index_cast %get3A_454 : i32 to index
      %get3A_456 = arith.constant 32 : index
      %get3A_457 = tpu.vector_load %arg7[%get3A_455, %get3A_456] {strides = array<i32>} : memref<8x128xi32, #tpu.memory_space<vmem>>, vector<1x16xi32>,
      %get3A_458 = vector.shape_cast %get3A_457 : vector<1x16xi32> to vector<16xi32>
      %add3A_459 = arith.addi %mul3A_453, %get3A_458 : vector<16xi32>
      %swap3A_460 = arith.constant 1 : i32
      %swap3A_461 = arith.index_cast %swap3A_460 : i32 to index
      %swap3A_462 = arith.constant 32 : index
      %swap3A_463 = tpu.vector_load %arg9[%swap3A_461, %swap3A_462] {strides = array<i32>} : memref<8x128xi32, #tpu.memory_space<vmem>>, vector<1x16xi32>,
      %swap3A_464 = vector.shape_cast %swap3A_463 : vector<1x16xi32> to vector<16xi32>
      %swap3A_465 = vector.shape_cast %add3A_459 : vector<16xi32> to vector<1x16xi32>
      tpu.vector_store %arg9[%swap3A_461, %swap3A_462], %swap3A_465 {strides = array<i32>} : memref<8x128xi32, #tpu.memory_space<vmem>>, vector<1x16xi32>,
      %get3A_466 = arith.constant 1 : i32
      %get3A_467 = arith.index_cast %get3A_466 : i32 to index
      %get3A_468 = arith.constant 48 : index
      %get3A_469 = tpu.vector_load %arg8[%get3A_467, %get3A_468] {strides = array<i32>} : memref<8x128xi32, #tpu.memory_space<vmem>>, vector<1x16xi32>,
      %get3A_470 = vector.shape_cast %get3A_469 : vector<1x16xi32> to vector<16xi32>
      %mul3A_471 = arith.constant 16384 : i32
      %mul3A_472 = vector.broadcast %mul3A_471 : i32 to vector<16xi32>
      %mul3A_473 = arith.muli %get3A_470, %mul3A_472 : vector<16xi32>
      %get3A_474 = arith.constant 1 : i32
      %get3A_475 = arith.index_cast %get3A_474 : i32 to index
      %get3A_476 = arith.constant 48 : index
      %get3A_477 = tpu.vector_load %arg7[%get3A_475, %get3A_476] {strides = array<i32>} : memref<8x128xi32, #tpu.memory_space<vmem>>, vector<1x16xi32>,
      %get3A_478 = vector.shape_cast %get3A_477 : vector<1x16xi32> to vector<16xi32>
      %add3A_479 = arith.addi %mul3A_473, %get3A_478 : vector<16xi32>
      %swap3A_480 = arith.constant 1 : i32
      %swap3A_481 = arith.index_cast %swap3A_480 : i32 to index
      %swap3A_482 = arith.constant 48 : index
      %swap3A_483 = tpu.vector_load %arg9[%swap3A_481, %swap3A_482] {strides = array<i32>} : memref<8x128xi32, #tpu.memory_space<vmem>>, vector<1x16xi32>,
      %swap3A_484 = vector.shape_cast %swap3A_483 : vector<1x16xi32> to vector<16xi32>
      %swap3A_485 = vector.shape_cast %add3A_479 : vector<16xi32> to vector<1x16xi32>
      tpu.vector_store %arg9[%swap3A_481, %swap3A_482], %swap3A_485 {strides = array<i32>} : memref<8x128xi32, #tpu.memory_space<vmem>>, vector<1x16xi32>,
      %get3A_486 = arith.constant 1 : i32
      %get3A_487 = arith.index_cast %get3A_486 : i32 to index
      %get3A_488 = arith.constant 64 : index
      %get3A_489 = tpu.vector_load %arg8[%get3A_487, %get3A_488] {strides = array<i32>} : memref<8x128xi32, #tpu.memory_space<vmem>>, vector<1x16xi32>,
      %get3A_490 = vector.shape_cast %get3A_489 : vector<1x16xi32> to vector<16xi32>
      %mul3A_491 = arith.constant 16384 : i32
      %mul3A_492 = vector.broadcast %mul3A_491 : i32 to vector<16xi32>
      %mul3A_493 = arith.muli %get3A_490, %mul3A_492 : vector<16xi32>
      %get3A_494 = arith.constant 1 : i32
      %get3A_495 = arith.index_cast %get3A_494 : i32 to index
      %get3A_496 = arith.constant 64 : index
      %get3A_497 = tpu.vector_load %arg7[%get3A_495, %get3A_496] {strides = array<i32>} : memref<8x128xi32, #tpu.memory_space<vmem>>, vector<1x16xi32>,
      %get3A_498 = vector.shape_cast %get3A_497 : vector<1x16xi32> to vector<16xi32>
      %add3A_499 = arith.addi %mul3A_493, %get3A_498 : vector<16xi32>
      %swap3A_500 = arith.constant 1 : i32
      %swap3A_501 = arith.index_cast %swap3A_500 : i32 to index
      %swap3A_502 = arith.constant 64 : index
      %swap3A_503 = tpu.vector_load %arg9[%swap3A_501, %swap3A_502] {strides = array<i32>} : memref<8x128xi32, #tpu.memory_space<vmem>>, vector<1x16xi32>,
      %swap3A_504 = vector.shape_cast %swap3A_503 : vector<1x16xi32> to vector<16xi32>
      %swap3A_505 = vector.shape_cast %add3A_499 : vector<16xi32> to vector<1x16xi32>
      tpu.vector_store %arg9[%swap3A_501, %swap3A_502], %swap3A_505 {strides = array<i32>} : memref<8x128xi32, #tpu.memory_space<vmem>>, vector<1x16xi32>,
      %get3A_506 = arith.constant 1 : i32
      %get3A_507 = arith.index_cast %get3A_506 : i32 to index
      %get3A_508 = arith.constant 80 : index
      %get3A_509 = tpu.vector_load %arg8[%get3A_507, %get3A_508] {strides = array<i32>} : memref<8x128xi32, #tpu.memory_space<vmem>>, vector<1x16xi32>,
      %get3A_510 = vector.shape_cast %get3A_509 : vector<1x16xi32> to vector<16xi32>
      %mul3A_511 = arith.constant 16384 : i32
      %mul3A_512 = vector.broadcast %mul3A_511 : i32 to vector<16xi32>
      %mul3A_513 = arith.muli %get3A_510, %mul3A_512 : vector<16xi32>
      %get3A_514 = arith.constant 1 : i32
      %get3A_515 = arith.index_cast %get3A_514 : i32 to index
      %get3A_516 = arith.constant 80 : index
      %get3A_517 = tpu.vector_load %arg7[%get3A_515, %get3A_516] {strides = array<i32>} : memref<8x128xi32, #tpu.memory_space<vmem>>, vector<1x16xi32>,
      %get3A_518 = vector.shape_cast %get3A_517 : vector<1x16xi32> to vector<16xi32>
      %add3A_519 = arith.addi %mul3A_513, %get3A_518 : vector<16xi32>
      %swap3A_520 = arith.constant 1 : i32
      %swap3A_521 = arith.index_cast %swap3A_520 : i32 to index
      %swap3A_522 = arith.constant 80 : index
      %swap3A_523 = tpu.vector_load %arg9[%swap3A_521, %swap3A_522] {strides = array<i32>} : memref<8x128xi32, #tpu.memory_space<vmem>>, vector<1x16xi32>,
      %swap3A_524 = vector.shape_cast %swap3A_523 : vector<1x16xi32> to vector<16xi32>
      %swap3A_525 = vector.shape_cast %add3A_519 : vector<16xi32> to vector<1x16xi32>
      tpu.vector_store %arg9[%swap3A_521, %swap3A_522], %swap3A_525 {strides = array<i32>} : memref<8x128xi32, #tpu.memory_space<vmem>>, vector<1x16xi32>,
      %get3A_526 = arith.constant 1 : i32
      %get3A_527 = arith.index_cast %get3A_526 : i32 to index
      %get3A_528 = arith.constant 96 : index
      %get3A_529 = tpu.vector_load %arg8[%get3A_527, %get3A_528] {strides = array<i32>} : memref<8x128xi32, #tpu.memory_space<vmem>>, vector<1x16xi32>,
      %get3A_530 = vector.shape_cast %get3A_529 : vector<1x16xi32> to vector<16xi32>
      %mul3A_531 = arith.constant 16384 : i32
      %mul3A_532 = vector.broadcast %mul3A_531 : i32 to vector<16xi32>
      %mul3A_533 = arith.muli %get3A_530, %mul3A_532 : vector<16xi32>
      %get3A_534 = arith.constant 1 : i32
      %get3A_535 = arith.index_cast %get3A_534 : i32 to index
      %get3A_536 = arith.constant 96 : index
      %get3A_537 = tpu.vector_load %arg7[%get3A_535, %get3A_536] {strides = array<i32>} : memref<8x128xi32, #tpu.memory_space<vmem>>, vector<1x16xi32>,
      %get3A_538 = vector.shape_cast %get3A_537 : vector<1x16xi32> to vector<16xi32>
      %add3A_539 = arith.addi %mul3A_533, %get3A_538 : vector<16xi32>
      %swap3A_540 = arith.constant 1 : i32
      %swap3A_541 = arith.index_cast %swap3A_540 : i32 to index
      %swap3A_542 = arith.constant 96 : index
      %swap3A_543 = tpu.vector_load %arg9[%swap3A_541, %swap3A_542] {strides = array<i32>} : memref<8x128xi32, #tpu.memory_space<vmem>>, vector<1x16xi32>,
      %swap3A_544 = vector.shape_cast %swap3A_543 : vector<1x16xi32> to vector<16xi32>
      %swap3A_545 = vector.shape_cast %add3A_539 : vector<16xi32> to vector<1x16xi32>
      tpu.vector_store %arg9[%swap3A_541, %swap3A_542], %swap3A_545 {strides = array<i32>} : memref<8x128xi32, #tpu.memory_space<vmem>>, vector<1x16xi32>,
      %get3A_546 = arith.constant 1 : i32
      %get3A_547 = arith.index_cast %get3A_546 : i32 to index
      %get3A_548 = arith.constant 112 : index
      %get3A_549 = tpu.vector_load %arg8[%get3A_547, %get3A_548] {strides = array<i32>} : memref<8x128xi32, #tpu.memory_space<vmem>>, vector<1x16xi32>,
      %get3A_550 = vector.shape_cast %get3A_549 : vector<1x16xi32> to vector<16xi32>
      %mul3A_551 = arith.constant 16384 : i32
      %mul3A_552 = vector.broadcast %mul3A_551 : i32 to vector<16xi32>
      %mul3A_553 = arith.muli %get3A_550, %mul3A_552 : vector<16xi32>
      %get3A_554 = arith.constant 1 : i32
      %get3A_555 = arith.index_cast %get3A_554 : i32 to index
      %get3A_556 = arith.constant 112 : index
      %get3A_557 = tpu.vector_load %arg7[%get3A_555, %get3A_556] {strides = array<i32>} : memref<8x128xi32, #tpu.memory_space<vmem>>, vector<1x16xi32>,
      %get3A_558 = vector.shape_cast %get3A_557 : vector<1x16xi32> to vector<16xi32>
      %add3A_559 = arith.addi %mul3A_553, %get3A_558 : vector<16xi32>
      %swap3A_560 = arith.constant 1 : i32
      %swap3A_561 = arith.index_cast %swap3A_560 : i32 to index
      %swap3A_562 = arith.constant 112 : index
      %swap3A_563 = tpu.vector_load %arg9[%swap3A_561, %swap3A_562] {strides = array<i32>} : memref<8x128xi32, #tpu.memory_space<vmem>>, vector<1x16xi32>,
      %swap3A_564 = vector.shape_cast %swap3A_563 : vector<1x16xi32> to vector<16xi32>
      %swap3A_565 = vector.shape_cast %add3A_559 : vector<16xi32> to vector<1x16xi32>
      tpu.vector_store %arg9[%swap3A_561, %swap3A_562], %swap3A_565 {strides = array<i32>} : memref<8x128xi32, #tpu.memory_space<vmem>>, vector<1x16xi32>,
      %get3A_566 = arith.constant 2 : i32
      %get3A_567 = arith.index_cast %get3A_566 : i32 to index
      %get3A_568 = arith.constant 0 : index
      %get3A_569 = tpu.vector_load %arg8[%get3A_567, %get3A_568] {strides = array<i32>} : memref<8x128xi32, #tpu.memory_space<vmem>>, vector<1x16xi32>,
      %get3A_570 = vector.shape_cast %get3A_569 : vector<1x16xi32> to vector<16xi32>
      %mul3A_571 = arith.constant 16384 : i32
      %mul3A_572 = vector.broadcast %mul3A_571 : i32 to vector<16xi32>
      %mul3A_573 = arith.muli %get3A_570, %mul3A_572 : vector<16xi32>
      %get3A_574 = arith.constant 2 : i32
      %get3A_575 = arith.index_cast %get3A_574 : i32 to index
      %get3A_576 = arith.constant 0 : index
      %get3A_577 = tpu.vector_load %arg7[%get3A_575, %get3A_576] {strides = array<i32>} : memref<8x128xi32, #tpu.memory_space<vmem>>, vector<1x16xi32>,
      %get3A_578 = vector.shape_cast %get3A_577 : vector<1x16xi32> to vector<16xi32>
      %add3A_579 = arith.addi %mul3A_573, %get3A_578 : vector<16xi32>
      %swap3A_580 = arith.constant 2 : i32
      %swap3A_581 = arith.index_cast %swap3A_580 : i32 to index
      %swap3A_582 = arith.constant 0 : index
      %swap3A_583 = tpu.vector_load %arg9[%swap3A_581, %swap3A_582] {strides = array<i32>} : memref<8x128xi32, #tpu.memory_space<vmem>>, vector<1x16xi32>,
      %swap3A_584 = vector.shape_cast %swap3A_583 : vector<1x16xi32> to vector<16xi32>
      %swap3A_585 = vector.shape_cast %add3A_579 : vector<16xi32> to vector<1x16xi32>
      tpu.vector_store %arg9[%swap3A_581, %swap3A_582], %swap3A_585 {strides = array<i32>} : memref<8x128xi32, #tpu.memory_space<vmem>>, vector<1x16xi32>,
      %get3A_586 = arith.constant 2 : i32
      %get3A_587 = arith.index_cast %get3A_586 : i32 to index
      %get3A_588 = arith.constant 16 : index
      %get3A_589 = tpu.vector_load %arg8[%get3A_587, %get3A_588] {strides = array<i32>} : memref<8x128xi32, #tpu.memory_space<vmem>>, vector<1x16xi32>,
      %get3A_590 = vector.shape_cast %get3A_589 : vector<1x16xi32> to vector<16xi32>
      %mul3A_591 = arith.constant 16384 : i32
      %mul3A_592 = vector.broadcast %mul3A_591 : i32 to vector<16xi32>
      %mul3A_593 = arith.muli %get3A_590, %mul3A_592 : vector<16xi32>
      %get3A_594 = arith.constant 2 : i32
      %get3A_595 = arith.index_cast %get3A_594 : i32 to index
      %get3A_596 = arith.constant 16 : index
      %get3A_597 = tpu.vector_load %arg7[%get3A_595, %get3A_596] {strides = array<i32>} : memref<8x128xi32, #tpu.memory_space<vmem>>, vector<1x16xi32>,
      %get3A_598 = vector.shape_cast %get3A_597 : vector<1x16xi32> to vector<16xi32>
      %add3A_599 = arith.addi %mul3A_593, %get3A_598 : vector<16xi32>
      %swap3A_600 = arith.constant 2 : i32
      %swap3A_601 = arith.index_cast %swap3A_600 : i32 to index
      %swap3A_602 = arith.constant 16 : index
      %swap3A_603 = tpu.vector_load %arg9[%swap3A_601, %swap3A_602] {strides = array<i32>} : memref<8x128xi32, #tpu.memory_space<vmem>>, vector<1x16xi32>,
      %swap3A_604 = vector.shape_cast %swap3A_603 : vector<1x16xi32> to vector<16xi32>
      %swap3A_605 = vector.shape_cast %add3A_599 : vector<16xi32> to vector<1x16xi32>
      tpu.vector_store %arg9[%swap3A_601, %swap3A_602], %swap3A_605 {strides = array<i32>} : memref<8x128xi32, #tpu.memory_space<vmem>>, vector<1x16xi32>,
      %get3A_606 = arith.constant 2 : i32
      %get3A_607 = arith.index_cast %get3A_606 : i32 to index
      %get3A_608 = arith.constant 32 : index
      %get3A_609 = tpu.vector_load %arg8[%get3A_607, %get3A_608] {strides = array<i32>} : memref<8x128xi32, #tpu.memory_space<vmem>>, vector<1x16xi32>,
      %get3A_610 = vector.shape_cast %get3A_609 : vector<1x16xi32> to vector<16xi32>
      %mul3A_611 = arith.constant 16384 : i32
      %mul3A_612 = vector.broadcast %mul3A_611 : i32 to vector<16xi32>
      %mul3A_613 = arith.muli %get3A_610, %mul3A_612 : vector<16xi32>
      %get3A_614 = arith.constant 2 : i32
      %get3A_615 = arith.index_cast %get3A_614 : i32 to index
      %get3A_616 = arith.constant 32 : index
      %get3A_617 = tpu.vector_load %arg7[%get3A_615, %get3A_616] {strides = array<i32>} : memref<8x128xi32, #tpu.memory_space<vmem>>, vector<1x16xi32>,
      %get3A_618 = vector.shape_cast %get3A_617 : vector<1x16xi32> to vector<16xi32>
      %add3A_619 = arith.addi %mul3A_613, %get3A_618 : vector<16xi32>
      %swap3A_620 = arith.constant 2 : i32
      %swap3A_621 = arith.index_cast %swap3A_620 : i32 to index
      %swap3A_622 = arith.constant 32 : index
      %swap3A_623 = tpu.vector_load %arg9[%swap3A_621, %swap3A_622] {strides = array<i32>} : memref<8x128xi32, #tpu.memory_space<vmem>>, vector<1x16xi32>,
      %swap3A_624 = vector.shape_cast %swap3A_623 : vector<1x16xi32> to vector<16xi32>
      %swap3A_625 = vector.shape_cast %add3A_619 : vector<16xi32> to vector<1x16xi32>
      tpu.vector_store %arg9[%swap3A_621, %swap3A_622], %swap3A_625 {strides = array<i32>} : memref<8x128xi32, #tpu.memory_space<vmem>>, vector<1x16xi32>,
      %get3A_626 = arith.constant 2 : i32
      %get3A_627 = arith.index_cast %get3A_626 : i32 to index
      %get3A_628 = arith.constant 48 : index
      %get3A_629 = tpu.vector_load %arg8[%get3A_627, %get3A_628] {strides = array<i32>} : memref<8x128xi32, #tpu.memory_space<vmem>>, vector<1x16xi32>,
      %get3A_630 = vector.shape_cast %get3A_629 : vector<1x16xi32> to vector<16xi32>
      %mul3A_631 = arith.constant 16384 : i32
      %mul3A_632 = vector.broadcast %mul3A_631 : i32 to vector<16xi32>
      %mul3A_633 = arith.muli %get3A_630, %mul3A_632 : vector<16xi32>
      %get3A_634 = arith.constant 2 : i32
      %get3A_635 = arith.index_cast %get3A_634 : i32 to index
      %get3A_636 = arith.constant 48 : index
      %get3A_637 = tpu.vector_load %arg7[%get3A_635, %get3A_636] {strides = array<i32>} : memref<8x128xi32, #tpu.memory_space<vmem>>, vector<1x16xi32>,
      %get3A_638 = vector.shape_cast %get3A_637 : vector<1x16xi32> to vector<16xi32>
      %add3A_639 = arith.addi %mul3A_633, %get3A_638 : vector<16xi32>
      %swap3A_640 = arith.constant 2 : i32
      %swap3A_641 = arith.index_cast %swap3A_640 : i32 to index
      %swap3A_642 = arith.constant 48 : index
      %swap3A_643 = tpu.vector_load %arg9[%swap3A_641, %swap3A_642] {strides = array<i32>} : memref<8x128xi32, #tpu.memory_space<vmem>>, vector<1x16xi32>,
      %swap3A_644 = vector.shape_cast %swap3A_643 : vector<1x16xi32> to vector<16xi32>
      %swap3A_645 = vector.shape_cast %add3A_639 : vector<16xi32> to vector<1x16xi32>
      tpu.vector_store %arg9[%swap3A_641, %swap3A_642], %swap3A_645 {strides = array<i32>} : memref<8x128xi32, #tpu.memory_space<vmem>>, vector<1x16xi32>,
      %get3A_646 = arith.constant 2 : i32
      %get3A_647 = arith.index_cast %get3A_646 : i32 to index
      %get3A_648 = arith.constant 64 : index
      %get3A_649 = tpu.vector_load %arg8[%get3A_647, %get3A_648] {strides = array<i32>} : memref<8x128xi32, #tpu.memory_space<vmem>>, vector<1x16xi32>,
      %get3A_650 = vector.shape_cast %get3A_649 : vector<1x16xi32> to vector<16xi32>
      %mul3A_651 = arith.constant 16384 : i32
      %mul3A_652 = vector.broadcast %mul3A_651 : i32 to vector<16xi32>
      %mul3A_653 = arith.muli %get3A_650, %mul3A_652 : vector<16xi32>
      %get3A_654 = arith.constant 2 : i32
      %get3A_655 = arith.index_cast %get3A_654 : i32 to index
      %get3A_656 = arith.constant 64 : index
      %get3A_657 = tpu.vector_load %arg7[%get3A_655, %get3A_656] {strides = array<i32>} : memref<8x128xi32, #tpu.memory_space<vmem>>, vector<1x16xi32>,
      %get3A_658 = vector.shape_cast %get3A_657 : vector<1x16xi32> to vector<16xi32>
      %add3A_659 = arith.addi %mul3A_653, %get3A_658 : vector<16xi32>
      %swap3A_660 = arith.constant 2 : i32
      %swap3A_661 = arith.index_cast %swap3A_660 : i32 to index
      %swap3A_662 = arith.constant 64 : index
      %swap3A_663 = tpu.vector_load %arg9[%swap3A_661, %swap3A_662] {strides = array<i32>} : memref<8x128xi32, #tpu.memory_space<vmem>>, vector<1x16xi32>,
      %swap3A_664 = vector.shape_cast %swap3A_663 : vector<1x16xi32> to vector<16xi32>
      %swap3A_665 = vector.shape_cast %add3A_659 : vector<16xi32> to vector<1x16xi32>
      tpu.vector_store %arg9[%swap3A_661, %swap3A_662], %swap3A_665 {strides = array<i32>} : memref<8x128xi32, #tpu.memory_space<vmem>>, vector<1x16xi32>,
      %get3A_666 = arith.constant 2 : i32
      %get3A_667 = arith.index_cast %get3A_666 : i32 to index
      %get3A_668 = arith.constant 80 : index
      %get3A_669 = tpu.vector_load %arg8[%get3A_667, %get3A_668] {strides = array<i32>} : memref<8x128xi32, #tpu.memory_space<vmem>>, vector<1x16xi32>,
      %get3A_670 = vector.shape_cast %get3A_669 : vector<1x16xi32> to vector<16xi32>
      %mul3A_671 = arith.constant 16384 : i32
      %mul3A_672 = vector.broadcast %mul3A_671 : i32 to vector<16xi32>
      %mul3A_673 = arith.muli %get3A_670, %mul3A_672 : vector<16xi32>
      %get3A_674 = arith.constant 2 : i32
      %get3A_675 = arith.index_cast %get3A_674 : i32 to index
      %get3A_676 = arith.constant 80 : index
      %get3A_677 = tpu.vector_load %arg7[%get3A_675, %get3A_676] {strides = array<i32>} : memref<8x128xi32, #tpu.memory_space<vmem>>, vector<1x16xi32>,
      %get3A_678 = vector.shape_cast %get3A_677 : vector<1x16xi32> to vector<16xi32>
      %add3A_679 = arith.addi %mul3A_673, %get3A_678 : vector<16xi32>
      %swap3A_680 = arith.constant 2 : i32
      %swap3A_681 = arith.index_cast %swap3A_680 : i32 to index
      %swap3A_682 = arith.constant 80 : index
      %swap3A_683 = tpu.vector_load %arg9[%swap3A_681, %swap3A_682] {strides = array<i32>} : memref<8x128xi32, #tpu.memory_space<vmem>>, vector<1x16xi32>,
      %swap3A_684 = vector.shape_cast %swap3A_683 : vector<1x16xi32> to vector<16xi32>
      %swap3A_685 = vector.shape_cast %add3A_679 : vector<16xi32> to vector<1x16xi32>
      tpu.vector_store %arg9[%swap3A_681, %swap3A_682], %swap3A_685 {strides = array<i32>} : memref<8x128xi32, #tpu.memory_space<vmem>>, vector<1x16xi32>,
      %get3A_686 = arith.constant 2 : i32
      %get3A_687 = arith.index_cast %get3A_686 : i32 to index
      %get3A_688 = arith.constant 96 : index
      %get3A_689 = tpu.vector_load %arg8[%get3A_687, %get3A_688] {strides = array<i32>} : memref<8x128xi32, #tpu.memory_space<vmem>>, vector<1x16xi32>,
      %get3A_690 = vector.shape_cast %get3A_689 : vector<1x16xi32> to vector<16xi32>
      %mul3A_691 = arith.constant 16384 : i32
      %mul3A_692 = vector.broadcast %mul3A_691 : i32 to vector<16xi32>
      %mul3A_693 = arith.muli %get3A_690, %mul3A_692 : vector<16xi32>
      %get3A_694 = arith.constant 2 : i32
      %get3A_695 = arith.index_cast %get3A_694 : i32 to index
      %get3A_696 = arith.constant 96 : index
      %get3A_697 = tpu.vector_load %arg7[%get3A_695, %get3A_696] {strides = array<i32>} : memref<8x128xi32, #tpu.memory_space<vmem>>, vector<1x16xi32>,
      %get3A_698 = vector.shape_cast %get3A_697 : vector<1x16xi32> to vector<16xi32>
      %add3A_699 = arith.addi %mul3A_693, %get3A_698 : vector<16xi32>
      %swap3A_700 = arith.constant 2 : i32
      %swap3A_701 = arith.index_cast %swap3A_700 : i32 to index
      %swap3A_702 = arith.constant 96 : index
      %swap3A_703 = tpu.vector_load %arg9[%swap3A_701, %swap3A_702] {strides = array<i32>} : memref<8x128xi32, #tpu.memory_space<vmem>>, vector<1x16xi32>,
      %swap3A_704 = vector.shape_cast %swap3A_703 : vector<1x16xi32> to vector<16xi32>
      %swap3A_705 = vector.shape_cast %add3A_699 : vector<16xi32> to vector<1x16xi32>
      tpu.vector_store %arg9[%swap3A_701, %swap3A_702], %swap3A_705 {strides = array<i32>} : memref<8x128xi32, #tpu.memory_space<vmem>>, vector<1x16xi32>,
      %get3A_706 = arith.constant 2 : i32
      %get3A_707 = arith.index_cast %get3A_706 : i32 to index
      %get3A_708 = arith.constant 112 : index
      %get3A_709 = tpu.vector_load %arg8[%get3A_707, %get3A_708] {strides = array<i32>} : memref<8x128xi32, #tpu.memory_space<vmem>>, vector<1x16xi32>,
      %get3A_710 = vector.shape_cast %get3A_709 : vector<1x16xi32> to vector<16xi32>
      %mul3A_711 = arith.constant 16384 : i32
      %mul3A_712 = vector.broadcast %mul3A_711 : i32 to vector<16xi32>
      %mul3A_713 = arith.muli %get3A_710, %mul3A_712 : vector<16xi32>
      %get3A_714 = arith.constant 2 : i32
      %get3A_715 = arith.index_cast %get3A_714 : i32 to index
      %get3A_716 = arith.constant 112 : index
      %get3A_717 = tpu.vector_load %arg7[%get3A_715, %get3A_716] {strides = array<i32>} : memref<8x128xi32, #tpu.memory_space<vmem>>, vector<1x16xi32>,
      %get3A_718 = vector.shape_cast %get3A_717 : vector<1x16xi32> to vector<16xi32>
      %add3A_719 = arith.addi %mul3A_713, %get3A_718 : vector<16xi32>
      %swap3A_720 = arith.constant 2 : i32
      %swap3A_721 = arith.index_cast %swap3A_720 : i32 to index
      %swap3A_722 = arith.constant 112 : index
      %swap3A_723 = tpu.vector_load %arg9[%swap3A_721, %swap3A_722] {strides = array<i32>} : memref<8x128xi32, #tpu.memory_space<vmem>>, vector<1x16xi32>,
      %swap3A_724 = vector.shape_cast %swap3A_723 : vector<1x16xi32> to vector<16xi32>
      %swap3A_725 = vector.shape_cast %add3A_719 : vector<16xi32> to vector<1x16xi32>
      tpu.vector_store %arg9[%swap3A_721, %swap3A_722], %swap3A_725 {strides = array<i32>} : memref<8x128xi32, #tpu.memory_space<vmem>>, vector<1x16xi32>,
      %get3A_726 = arith.constant 3 : i32
      %get3A_727 = arith.index_cast %get3A_726 : i32 to index
      %get3A_728 = arith.constant 0 : index
      %get3A_729 = tpu.vector_load %arg8[%get3A_727, %get3A_728] {strides = array<i32>} : memref<8x128xi32, #tpu.memory_space<vmem>>, vector<1x16xi32>,
      %get3A_730 = vector.shape_cast %get3A_729 : vector<1x16xi32> to vector<16xi32>
      %mul3A_731 = arith.constant 16384 : i32
      %mul3A_732 = vector.broadcast %mul3A_731 : i32 to vector<16xi32>
      %mul3A_733 = arith.muli %get3A_730, %mul3A_732 : vector<16xi32>
      %get3A_734 = arith.constant 3 : i32
      %get3A_735 = arith.index_cast %get3A_734 : i32 to index
      %get3A_736 = arith.constant 0 : index
      %get3A_737 = tpu.vector_load %arg7[%get3A_735, %get3A_736] {strides = array<i32>} : memref<8x128xi32, #tpu.memory_space<vmem>>, vector<1x16xi32>,
      %get3A_738 = vector.shape_cast %get3A_737 : vector<1x16xi32> to vector<16xi32>
      %add3A_739 = arith.addi %mul3A_733, %get3A_738 : vector<16xi32>
      %swap3A_740 = arith.constant 3 : i32
      %swap3A_741 = arith.index_cast %swap3A_740 : i32 to index
      %swap3A_742 = arith.constant 0 : index
      %swap3A_743 = tpu.vector_load %arg9[%swap3A_741, %swap3A_742] {strides = array<i32>} : memref<8x128xi32, #tpu.memory_space<vmem>>, vector<1x16xi32>,
      %swap3A_744 = vector.shape_cast %swap3A_743 : vector<1x16xi32> to vector<16xi32>
      %swap3A_745 = vector.shape_cast %add3A_739 : vector<16xi32> to vector<1x16xi32>
      tpu.vector_store %arg9[%swap3A_741, %swap3A_742], %swap3A_745 {strides = array<i32>} : memref<8x128xi32, #tpu.memory_space<vmem>>, vector<1x16xi32>,
      %get3A_746 = arith.constant 3 : i32
      %get3A_747 = arith.index_cast %get3A_746 : i32 to index
      %get3A_748 = arith.constant 16 : index
      %get3A_749 = tpu.vector_load %arg8[%get3A_747, %get3A_748] {strides = array<i32>} : memref<8x128xi32, #tpu.memory_space<vmem>>, vector<1x16xi32>,
      %get3A_750 = vector.shape_cast %get3A_749 : vector<1x16xi32> to vector<16xi32>
      %mul3A_751 = arith.constant 16384 : i32
      %mul3A_752 = vector.broadcast %mul3A_751 : i32 to vector<16xi32>
      %mul3A_753 = arith.muli %get3A_750, %mul3A_752 : vector<16xi32>
      %get3A_754 = arith.constant 3 : i32
      %get3A_755 = arith.index_cast %get3A_754 : i32 to index
      %get3A_756 = arith.constant 16 : index
      %get3A_757 = tpu.vector_load %arg7[%get3A_755, %get3A_756] {strides = array<i32>} : memref<8x128xi32, #tpu.memory_space<vmem>>, vector<1x16xi32>,
      %get3A_758 = vector.shape_cast %get3A_757 : vector<1x16xi32> to vector<16xi32>
      %add3A_759 = arith.addi %mul3A_753, %get3A_758 : vector<16xi32>
      %swap3A_760 = arith.constant 3 : i32
      %swap3A_761 = arith.index_cast %swap3A_760 : i32 to index
      %swap3A_762 = arith.constant 16 : index
      %swap3A_763 = tpu.vector_load %arg9[%swap3A_761, %swap3A_762] {strides = array<i32>} : memref<8x128xi32, #tpu.memory_space<vmem>>, vector<1x16xi32>,
      %swap3A_764 = vector.shape_cast %swap3A_763 : vector<1x16xi32> to vector<16xi32>
      %swap3A_765 = vector.shape_cast %add3A_759 : vector<16xi32> to vector<1x16xi32>
      tpu.vector_store %arg9[%swap3A_761, %swap3A_762], %swap3A_765 {strides = array<i32>} : memref<8x128xi32, #tpu.memory_space<vmem>>, vector<1x16xi32>,
      %get3A_766 = arith.constant 3 : i32
      %get3A_767 = arith.index_cast %get3A_766 : i32 to index
      %get3A_768 = arith.constant 32 : index
      %get3A_769 = tpu.vector_load %arg8[%get3A_767, %get3A_768] {strides = array<i32>} : memref<8x128xi32, #tpu.memory_space<vmem>>, vector<1x16xi32>,
      %get3A_770 = vector.shape_cast %get3A_769 : vector<1x16xi32> to vector<16xi32>
      %mul3A_771 = arith.constant 16384 : i32
      %mul3A_772 = vector.broadcast %mul3A_771 : i32 to vector<16xi32>
      %mul3A_773 = arith.muli %get3A_770, %mul3A_772 : vector<16xi32>
      %get3A_774 = arith.constant 3 : i32
      %get3A_775 = arith.index_cast %get3A_774 : i32 to index
      %get3A_776 = arith.constant 32 : index
      %get3A_777 = tpu.vector_load %arg7[%get3A_775, %get3A_776] {strides = array<i32>} : memref<8x128xi32, #tpu.memory_space<vmem>>, vector<1x16xi32>,
      %get3A_778 = vector.shape_cast %get3A_777 : vector<1x16xi32> to vector<16xi32>
      %add3A_779 = arith.addi %mul3A_773, %get3A_778 : vector<16xi32>
      %swap3A_780 = arith.constant 3 : i32
      %swap3A_781 = arith.index_cast %swap3A_780 : i32 to index
      %swap3A_782 = arith.constant 32 : index
      %swap3A_783 = tpu.vector_load %arg9[%swap3A_781, %swap3A_782] {strides = array<i32>} : memref<8x128xi32, #tpu.memory_space<vmem>>, vector<1x16xi32>,
      %swap3A_784 = vector.shape_cast %swap3A_783 : vector<1x16xi32> to vector<16xi32>
      %swap3A_785 = vector.shape_cast %add3A_779 : vector<16xi32> to vector<1x16xi32>
      tpu.vector_store %arg9[%swap3A_781, %swap3A_782], %swap3A_785 {strides = array<i32>} : memref<8x128xi32, #tpu.memory_space<vmem>>, vector<1x16xi32>,
      %get3A_786 = arith.constant 3 : i32
      %get3A_787 = arith.index_cast %get3A_786 : i32 to index
      %get3A_788 = arith.constant 48 : index
      %get3A_789 = tpu.vector_load %arg8[%get3A_787, %get3A_788] {strides = array<i32>} : memref<8x128xi32, #tpu.memory_space<vmem>>, vector<1x16xi32>,
      %get3A_790 = vector.shape_cast %get3A_789 : vector<1x16xi32> to vector<16xi32>
      %mul3A_791 = arith.constant 16384 : i32
      %mul3A_792 = vector.broadcast %mul3A_791 : i32 to vector<16xi32>
      %mul3A_793 = arith.muli %get3A_790, %mul3A_792 : vector<16xi32>
      %get3A_794 = arith.constant 3 : i32
      %get3A_795 = arith.index_cast %get3A_794 : i32 to index
      %get3A_796 = arith.constant 48 : index
      %get3A_797 = tpu.vector_load %arg7[%get3A_795, %get3A_796] {strides = array<i32>} : memref<8x128xi32, #tpu.memory_space<vmem>>, vector<1x16xi32>,
      %get3A_798 = vector.shape_cast %get3A_797 : vector<1x16xi32> to vector<16xi32>
      %add3A_799 = arith.addi %mul3A_793, %get3A_798 : vector<16xi32>
      %swap3A_800 = arith.constant 3 : i32
      %swap3A_801 = arith.index_cast %swap3A_800 : i32 to index
      %swap3A_802 = arith.constant 48 : index
      %swap3A_803 = tpu.vector_load %arg9[%swap3A_801, %swap3A_802] {strides = array<i32>} : memref<8x128xi32, #tpu.memory_space<vmem>>, vector<1x16xi32>,
      %swap3A_804 = vector.shape_cast %swap3A_803 : vector<1x16xi32> to vector<16xi32>
      %swap3A_805 = vector.shape_cast %add3A_799 : vector<16xi32> to vector<1x16xi32>
      tpu.vector_store %arg9[%swap3A_801, %swap3A_802], %swap3A_805 {strides = array<i32>} : memref<8x128xi32, #tpu.memory_space<vmem>>, vector<1x16xi32>,
      %get3A_806 = arith.constant 3 : i32
      %get3A_807 = arith.index_cast %get3A_806 : i32 to index
      %get3A_808 = arith.constant 64 : index
      %get3A_809 = tpu.vector_load %arg8[%get3A_807, %get3A_808] {strides = array<i32>} : memref<8x128xi32, #tpu.memory_space<vmem>>, vector<1x16xi32>,
      %get3A_810 = vector.shape_cast %get3A_809 : vector<1x16xi32> to vector<16xi32>
      %mul3A_811 = arith.constant 16384 : i32
      %mul3A_812 = vector.broadcast %mul3A_811 : i32 to vector<16xi32>
      %mul3A_813 = arith.muli %get3A_810, %mul3A_812 : vector<16xi32>
      %get3A_814 = arith.constant 3 : i32
      %get3A_815 = arith.index_cast %get3A_814 : i32 to index
      %get3A_816 = arith.constant 64 : index
      %get3A_817 = tpu.vector_load %arg7[%get3A_815, %get3A_816] {strides = array<i32>} : memref<8x128xi32, #tpu.memory_space<vmem>>, vector<1x16xi32>,
      %get3A_818 = vector.shape_cast %get3A_817 : vector<1x16xi32> to vector<16xi32>
      %add3A_819 = arith.addi %mul3A_813, %get3A_818 : vector<16xi32>
      %swap3A_820 = arith.constant 3 : i32
      %swap3A_821 = arith.index_cast %swap3A_820 : i32 to index
      %swap3A_822 = arith.constant 64 : index
      %swap3A_823 = tpu.vector_load %arg9[%swap3A_821, %swap3A_822] {strides = array<i32>} : memref<8x128xi32, #tpu.memory_space<vmem>>, vector<1x16xi32>,
      %swap3A_824 = vector.shape_cast %swap3A_823 : vector<1x16xi32> to vector<16xi32>
      %swap3A_825 = vector.shape_cast %add3A_819 : vector<16xi32> to vector<1x16xi32>
      tpu.vector_store %arg9[%swap3A_821, %swap3A_822], %swap3A_825 {strides = array<i32>} : memref<8x128xi32, #tpu.memory_space<vmem>>, vector<1x16xi32>,
      %get3A_826 = arith.constant 3 : i32
      %get3A_827 = arith.index_cast %get3A_826 : i32 to index
      %get3A_828 = arith.constant 80 : index
      %get3A_829 = tpu.vector_load %arg8[%get3A_827, %get3A_828] {strides = array<i32>} : memref<8x128xi32, #tpu.memory_space<vmem>>, vector<1x16xi32>,
      %get3A_830 = vector.shape_cast %get3A_829 : vector<1x16xi32> to vector<16xi32>
      %mul3A_831 = arith.constant 16384 : i32
      %mul3A_832 = vector.broadcast %mul3A_831 : i32 to vector<16xi32>
      %mul3A_833 = arith.muli %get3A_830, %mul3A_832 : vector<16xi32>
      %get3A_834 = arith.constant 3 : i32
      %get3A_835 = arith.index_cast %get3A_834 : i32 to index
      %get3A_836 = arith.constant 80 : index
      %get3A_837 = tpu.vector_load %arg7[%get3A_835, %get3A_836] {strides = array<i32>} : memref<8x128xi32, #tpu.memory_space<vmem>>, vector<1x16xi32>,
      %get3A_838 = vector.shape_cast %get3A_837 : vector<1x16xi32> to vector<16xi32>
      %add3A_839 = arith.addi %mul3A_833, %get3A_838 : vector<16xi32>
      %swap3A_840 = arith.constant 3 : i32
      %swap3A_841 = arith.index_cast %swap3A_840 : i32 to index
      %swap3A_842 = arith.constant 80 : index
      %swap3A_843 = tpu.vector_load %arg9[%swap3A_841, %swap3A_842] {strides = array<i32>} : memref<8x128xi32, #tpu.memory_space<vmem>>, vector<1x16xi32>,
      %swap3A_844 = vector.shape_cast %swap3A_843 : vector<1x16xi32> to vector<16xi32>
      %swap3A_845 = vector.shape_cast %add3A_839 : vector<16xi32> to vector<1x16xi32>
      tpu.vector_store %arg9[%swap3A_841, %swap3A_842], %swap3A_845 {strides = array<i32>} : memref<8x128xi32, #tpu.memory_space<vmem>>, vector<1x16xi32>,
      %get3A_846 = arith.constant 3 : i32
      %get3A_847 = arith.index_cast %get3A_846 : i32 to index
      %get3A_848 = arith.constant 96 : index
      %get3A_849 = tpu.vector_load %arg8[%get3A_847, %get3A_848] {strides = array<i32>} : memref<8x128xi32, #tpu.memory_space<vmem>>, vector<1x16xi32>,
      %get3A_850 = vector.shape_cast %get3A_849 : vector<1x16xi32> to vector<16xi32>
      %mul3A_851 = arith.constant 16384 : i32
      %mul3A_852 = vector.broadcast %mul3A_851 : i32 to vector<16xi32>
      %mul3A_853 = arith.muli %get3A_850, %mul3A_852 : vector<16xi32>
      %get3A_854 = arith.constant 3 : i32
      %get3A_855 = arith.index_cast %get3A_854 : i32 to index
      %get3A_856 = arith.constant 96 : index
      %get3A_857 = tpu.vector_load %arg7[%get3A_855, %get3A_856] {strides = array<i32>} : memref<8x128xi32, #tpu.memory_space<vmem>>, vector<1x16xi32>,
      %get3A_858 = vector.shape_cast %get3A_857 : vector<1x16xi32> to vector<16xi32>
      %add3A_859 = arith.addi %mul3A_853, %get3A_858 : vector<16xi32>
      %swap3A_860 = arith.constant 3 : i32
      %swap3A_861 = arith.index_cast %swap3A_860 : i32 to index
      %swap3A_862 = arith.constant 96 : index
      %swap3A_863 = tpu.vector_load %arg9[%swap3A_861, %swap3A_862] {strides = array<i32>} : memref<8x128xi32, #tpu.memory_space<vmem>>, vector<1x16xi32>,
      %swap3A_864 = vector.shape_cast %swap3A_863 : vector<1x16xi32> to vector<16xi32>
      %swap3A_865 = vector.shape_cast %add3A_859 : vector<16xi32> to vector<1x16xi32>
      tpu.vector_store %arg9[%swap3A_861, %swap3A_862], %swap3A_865 {strides = array<i32>} : memref<8x128xi32, #tpu.memory_space<vmem>>, vector<1x16xi32>,
      %get3A_866 = arith.constant 3 : i32
      %get3A_867 = arith.index_cast %get3A_866 : i32 to index
      %get3A_868 = arith.constant 112 : index
      %get3A_869 = tpu.vector_load %arg8[%get3A_867, %get3A_868] {strides = array<i32>} : memref<8x128xi32, #tpu.memory_space<vmem>>, vector<1x16xi32>,
      %get3A_870 = vector.shape_cast %get3A_869 : vector<1x16xi32> to vector<16xi32>
      %mul3A_871 = arith.constant 16384 : i32
      %mul3A_872 = vector.broadcast %mul3A_871 : i32 to vector<16xi32>
      %mul3A_873 = arith.muli %get3A_870, %mul3A_872 : vector<16xi32>
      %get3A_874 = arith.constant 3 : i32
      %get3A_875 = arith.index_cast %get3A_874 : i32 to index
      %get3A_876 = arith.constant 112 : index
      %get3A_877 = tpu.vector_load %arg7[%get3A_875, %get3A_876] {strides = array<i32>} : memref<8x128xi32, #tpu.memory_space<vmem>>, vector<1x16xi32>,
      %get3A_878 = vector.shape_cast %get3A_877 : vector<1x16xi32> to vector<16xi32>
      %add3A_879 = arith.addi %mul3A_873, %get3A_878 : vector<16xi32>
      %swap3A_880 = arith.constant 3 : i32
      %swap3A_881 = arith.index_cast %swap3A_880 : i32 to index
      %swap3A_882 = arith.constant 112 : index
      %swap3A_883 = tpu.vector_load %arg9[%swap3A_881, %swap3A_882] {strides = array<i32>} : memref<8x128xi32, #tpu.memory_space<vmem>>, vector<1x16xi32>,
      %swap3A_884 = vector.shape_cast %swap3A_883 : vector<1x16xi32> to vector<16xi32>
      %swap3A_885 = vector.shape_cast %add3A_879 : vector<16xi32> to vector<1x16xi32>
      tpu.vector_store %arg9[%swap3A_881, %swap3A_882], %swap3A_885 {strides = array<i32>} : memref<8x128xi32, #tpu.memory_space<vmem>>, vector<1x16xi32>,
      %get3A_886 = arith.constant 4 : i32
      %get3A_887 = arith.index_cast %get3A_886 : i32 to index
      %get3A_888 = arith.constant 0 : index
      %get3A_889 = tpu.vector_load %arg8[%get3A_887, %get3A_888] {strides = array<i32>} : memref<8x128xi32, #tpu.memory_space<vmem>>, vector<1x16xi32>,
      %get3A_890 = vector.shape_cast %get3A_889 : vector<1x16xi32> to vector<16xi32>
      %mul3A_891 = arith.constant 16384 : i32
      %mul3A_892 = vector.broadcast %mul3A_891 : i32 to vector<16xi32>
      %mul3A_893 = arith.muli %get3A_890, %mul3A_892 : vector<16xi32>
      %get3A_894 = arith.constant 4 : i32
      %get3A_895 = arith.index_cast %get3A_894 : i32 to index
      %get3A_896 = arith.constant 0 : index
      %get3A_897 = tpu.vector_load %arg7[%get3A_895, %get3A_896] {strides = array<i32>} : memref<8x128xi32, #tpu.memory_space<vmem>>, vector<1x16xi32>,
      %get3A_898 = vector.shape_cast %get3A_897 : vector<1x16xi32> to vector<16xi32>
      %add3A_899 = arith.addi %mul3A_893, %get3A_898 : vector<16xi32>
      %swap3A_900 = arith.constant 4 : i32
      %swap3A_901 = arith.index_cast %swap3A_900 : i32 to index
      %swap3A_902 = arith.constant 0 : index
      %swap3A_903 = tpu.vector_load %arg9[%swap3A_901, %swap3A_902] {strides = array<i32>} : memref<8x128xi32, #tpu.memory_space<vmem>>, vector<1x16xi32>,
      %swap3A_904 = vector.shape_cast %swap3A_903 : vector<1x16xi32> to vector<16xi32>
      %swap3A_905 = vector.shape_cast %add3A_899 : vector<16xi32> to vector<1x16xi32>
      tpu.vector_store %arg9[%swap3A_901, %swap3A_902], %swap3A_905 {strides = array<i32>} : memref<8x128xi32, #tpu.memory_space<vmem>>, vector<1x16xi32>,
      %get3A_906 = arith.constant 4 : i32
      %get3A_907 = arith.index_cast %get3A_906 : i32 to index
      %get3A_908 = arith.constant 16 : index
      %get3A_909 = tpu.vector_load %arg8[%get3A_907, %get3A_908] {strides = array<i32>} : memref<8x128xi32, #tpu.memory_space<vmem>>, vector<1x16xi32>,
      %get3A_910 = vector.shape_cast %get3A_909 : vector<1x16xi32> to vector<16xi32>
      %mul3A_911 = arith.constant 16384 : i32
      %mul3A_912 = vector.broadcast %mul3A_911 : i32 to vector<16xi32>
      %mul3A_913 = arith.muli %get3A_910, %mul3A_912 : vector<16xi32>
      %get3A_914 = arith.constant 4 : i32
      %get3A_915 = arith.index_cast %get3A_914 : i32 to index
      %get3A_916 = arith.constant 16 : index
      %get3A_917 = tpu.vector_load %arg7[%get3A_915, %get3A_916] {strides = array<i32>} : memref<8x128xi32, #tpu.memory_space<vmem>>, vector<1x16xi32>,
      %get3A_918 = vector.shape_cast %get3A_917 : vector<1x16xi32> to vector<16xi32>
      %add3A_919 = arith.addi %mul3A_913, %get3A_918 : vector<16xi32>
      %swap3A_920 = arith.constant 4 : i32
      %swap3A_921 = arith.index_cast %swap3A_920 : i32 to index
      %swap3A_922 = arith.constant 16 : index
      %swap3A_923 = tpu.vector_load %arg9[%swap3A_921, %swap3A_922] {strides = array<i32>} : memref<8x128xi32, #tpu.memory_space<vmem>>, vector<1x16xi32>,
      %swap3A_924 = vector.shape_cast %swap3A_923 : vector<1x16xi32> to vector<16xi32>
      %swap3A_925 = vector.shape_cast %add3A_919 : vector<16xi32> to vector<1x16xi32>
      tpu.vector_store %arg9[%swap3A_921, %swap3A_922], %swap3A_925 {strides = array<i32>} : memref<8x128xi32, #tpu.memory_space<vmem>>, vector<1x16xi32>,
      %get3A_926 = arith.constant 4 : i32
      %get3A_927 = arith.index_cast %get3A_926 : i32 to index
      %get3A_928 = arith.constant 32 : index
      %get3A_929 = tpu.vector_load %arg8[%get3A_927, %get3A_928] {strides = array<i32>} : memref<8x128xi32, #tpu.memory_space<vmem>>, vector<1x16xi32>,
      %get3A_930 = vector.shape_cast %get3A_929 : vector<1x16xi32> to vector<16xi32>
      %mul3A_931 = arith.constant 16384 : i32
      %mul3A_932 = vector.broadcast %mul3A_931 : i32 to vector<16xi32>
      %mul3A_933 = arith.muli %get3A_930, %mul3A_932 : vector<16xi32>
      %get3A_934 = arith.constant 4 : i32
      %get3A_935 = arith.index_cast %get3A_934 : i32 to index
      %get3A_936 = arith.constant 32 : index
      %get3A_937 = tpu.vector_load %arg7[%get3A_935, %get3A_936] {strides = array<i32>} : memref<8x128xi32, #tpu.memory_space<vmem>>, vector<1x16xi32>,
      %get3A_938 = vector.shape_cast %get3A_937 : vector<1x16xi32> to vector<16xi32>
      %add3A_939 = arith.addi %mul3A_933, %get3A_938 : vector<16xi32>
      %swap3A_940 = arith.constant 4 : i32
      %swap3A_941 = arith.index_cast %swap3A_940 : i32 to index
      %swap3A_942 = arith.constant 32 : index
      %swap3A_943 = tpu.vector_load %arg9[%swap3A_941, %swap3A_942] {strides = array<i32>} : memref<8x128xi32, #tpu.memory_space<vmem>>, vector<1x16xi32>,
      %swap3A_944 = vector.shape_cast %swap3A_943 : vector<1x16xi32> to vector<16xi32>
      %swap3A_945 = vector.shape_cast %add3A_939 : vector<16xi32> to vector<1x16xi32>
      tpu.vector_store %arg9[%swap3A_941, %swap3A_942], %swap3A_945 {strides = array<i32>} : memref<8x128xi32, #tpu.memory_space<vmem>>, vector<1x16xi32>,
      %get3A_946 = arith.constant 4 : i32
      %get3A_947 = arith.index_cast %get3A_946 : i32 to index
      %get3A_948 = arith.constant 48 : index
      %get3A_949 = tpu.vector_load %arg8[%get3A_947, %get3A_948] {strides = array<i32>} : memref<8x128xi32, #tpu.memory_space<vmem>>, vector<1x16xi32>,
      %get3A_950 = vector.shape_cast %get3A_949 : vector<1x16xi32> to vector<16xi32>
      %mul3A_951 = arith.constant 16384 : i32
      %mul3A_952 = vector.broadcast %mul3A_951 : i32 to vector<16xi32>
      %mul3A_953 = arith.muli %get3A_950, %mul3A_952 : vector<16xi32>
      %get3A_954 = arith.constant 4 : i32
      %get3A_955 = arith.index_cast %get3A_954 : i32 to index
      %get3A_956 = arith.constant 48 : index
      %get3A_957 = tpu.vector_load %arg7[%get3A_955, %get3A_956] {strides = array<i32>} : memref<8x128xi32, #tpu.memory_space<vmem>>, vector<1x16xi32>,
      %get3A_958 = vector.shape_cast %get3A_957 : vector<1x16xi32> to vector<16xi32>
      %add3A_959 = arith.addi %mul3A_953, %get3A_958 : vector<16xi32>
      %swap3A_960 = arith.constant 4 : i32
      %swap3A_961 = arith.index_cast %swap3A_960 : i32 to index
      %swap3A_962 = arith.constant 48 : index
      %swap3A_963 = tpu.vector_load %arg9[%swap3A_961, %swap3A_962] {strides = array<i32>} : memref<8x128xi32, #tpu.memory_space<vmem>>, vector<1x16xi32>,
      %swap3A_964 = vector.shape_cast %swap3A_963 : vector<1x16xi32> to vector<16xi32>
      %swap3A_965 = vector.shape_cast %add3A_959 : vector<16xi32> to vector<1x16xi32>
      tpu.vector_store %arg9[%swap3A_961, %swap3A_962], %swap3A_965 {strides = array<i32>} : memref<8x128xi32, #tpu.memory_space<vmem>>, vector<1x16xi32>,
      %get3A_966 = arith.constant 4 : i32
      %get3A_967 = arith.index_cast %get3A_966 : i32 to index
      %get3A_968 = arith.constant 64 : index
      %get3A_969 = tpu.vector_load %arg8[%get3A_967, %get3A_968] {strides = array<i32>} : memref<8x128xi32, #tpu.memory_space<vmem>>, vector<1x16xi32>,
      %get3A_970 = vector.shape_cast %get3A_969 : vector<1x16xi32> to vector<16xi32>
      %mul3A_971 = arith.constant 16384 : i32
      %mul3A_972 = vector.broadcast %mul3A_971 : i32 to vector<16xi32>
      %mul3A_973 = arith.muli %get3A_970, %mul3A_972 : vector<16xi32>
      %get3A_974 = arith.constant 4 : i32
      %get3A_975 = arith.index_cast %get3A_974 : i32 to index
      %get3A_976 = arith.constant 64 : index
      %get3A_977 = tpu.vector_load %arg7[%get3A_975, %get3A_976] {strides = array<i32>} : memref<8x128xi32, #tpu.memory_space<vmem>>, vector<1x16xi32>,
      %get3A_978 = vector.shape_cast %get3A_977 : vector<1x16xi32> to vector<16xi32>
      %add3A_979 = arith.addi %mul3A_973, %get3A_978 : vector<16xi32>
      %swap3A_980 = arith.constant 4 : i32
      %swap3A_981 = arith.index_cast %swap3A_980 : i32 to index
      %swap3A_982 = arith.constant 64 : index
      %swap3A_983 = tpu.vector_load %arg9[%swap3A_981, %swap3A_982] {strides = array<i32>} : memref<8x128xi32, #tpu.memory_space<vmem>>, vector<1x16xi32>,
      %swap3A_984 = vector.shape_cast %swap3A_983 : vector<1x16xi32> to vector<16xi32>
      %swap3A_985 = vector.shape_cast %add3A_979 : vector<16xi32> to vector<1x16xi32>
      tpu.vector_store %arg9[%swap3A_981, %swap3A_982], %swap3A_985 {strides = array<i32>} : memref<8x128xi32, #tpu.memory_space<vmem>>, vector<1x16xi32>,
      %get3A_986 = arith.constant 4 : i32
      %get3A_987 = arith.index_cast %get3A_986 : i32 to index
      %get3A_988 = arith.constant 80 : index
      %get3A_989 = tpu.vector_load %arg8[%get3A_987, %get3A_988] {strides = array<i32>} : memref<8x128xi32, #tpu.memory_space<vmem>>, vector<1x16xi32>,
      %get3A_990 = vector.shape_cast %get3A_989 : vector<1x16xi32> to vector<16xi32>
      %mul3A_991 = arith.constant 16384 : i32
      %mul3A_992 = vector.broadcast %mul3A_991 : i32 to vector<16xi32>
      %mul3A_993 = arith.muli %get3A_990, %mul3A_992 : vector<16xi32>
      %get3A_994 = arith.constant 4 : i32
      %get3A_995 = arith.index_cast %get3A_994 : i32 to index
      %get3A_996 = arith.constant 80 : index
      %get3A_997 = tpu.vector_load %arg7[%get3A_995, %get3A_996] {strides = array<i32>} : memref<8x128xi32, #tpu.memory_space<vmem>>, vector<1x16xi32>,
      %get3A_998 = vector.shape_cast %get3A_997 : vector<1x16xi32> to vector<16xi32>
      %add3A_999 = arith.addi %mul3A_993, %get3A_998 : vector<16xi32>
      %swap3A_1000 = arith.constant 4 : i32
      %swap3A_1001 = arith.index_cast %swap3A_1000 : i32 to index
      %swap3A_1002 = arith.constant 80 : index
      %swap3A_1003 = tpu.vector_load %arg9[%swap3A_1001, %swap3A_1002] {strides = array<i32>} : memref<8x128xi32, #tpu.memory_space<vmem>>, vector<1x16xi32>,
      %swap3A_1004 = vector.shape_cast %swap3A_1003 : vector<1x16xi32> to vector<16xi32>
      %swap3A_1005 = vector.shape_cast %add3A_999 : vector<16xi32> to vector<1x16xi32>
      tpu.vector_store %arg9[%swap3A_1001, %swap3A_1002], %swap3A_1005 {strides = array<i32>} : memref<8x128xi32, #tpu.memory_space<vmem>>, vector<1x16xi32>,
      %get3A_1006 = arith.constant 4 : i32
      %get3A_1007 = arith.index_cast %get3A_1006 : i32 to index
      %get3A_1008 = arith.constant 96 : index
      %get3A_1009 = tpu.vector_load %arg8[%get3A_1007, %get3A_1008] {strides = array<i32>} : memref<8x128xi32, #tpu.memory_space<vmem>>, vector<1x16xi32>,
      %get3A_1010 = vector.shape_cast %get3A_1009 : vector<1x16xi32> to vector<16xi32>
      %mul3A_1011 = arith.constant 16384 : i32
      %mul3A_1012 = vector.broadcast %mul3A_1011 : i32 to vector<16xi32>
      %mul3A_1013 = arith.muli %get3A_1010, %mul3A_1012 : vector<16xi32>
      %get3A_1014 = arith.constant 4 : i32
      %get3A_1015 = arith.index_cast %get3A_1014 : i32 to index
      %get3A_1016 = arith.constant 96 : index
      %get3A_1017 = tpu.vector_load %arg7[%get3A_1015, %get3A_1016] {strides = array<i32>} : memref<8x128xi32, #tpu.memory_space<vmem>>, vector<1x16xi32>,
      %get3A_1018 = vector.shape_cast %get3A_1017 : vector<1x16xi32> to vector<16xi32>
      %add3A_1019 = arith.addi %mul3A_1013, %get3A_1018 : vector<16xi32>
      %swap3A_1020 = arith.constant 4 : i32
      %swap3A_1021 = arith.index_cast %swap3A_1020 : i32 to index
      %swap3A_1022 = arith.constant 96 : index
      %swap3A_1023 = tpu.vector_load %arg9[%swap3A_1021, %swap3A_1022] {strides = array<i32>} : memref<8x128xi32, #tpu.memory_space<vmem>>, vector<1x16xi32>,
      %swap3A_1024 = vector.shape_cast %swap3A_1023 : vector<1x16xi32> to vector<16xi32>
      %swap3A_1025 = vector.shape_cast %add3A_1019 : vector<16xi32> to vector<1x16xi32>
      tpu.vector_store %arg9[%swap3A_1021, %swap3A_1022], %swap3A_1025 {strides = array<i32>} : memref<8x128xi32, #tpu.memory_space<vmem>>, vector<1x16xi32>,
      %get3A_1026 = arith.constant 4 : i32
      %get3A_1027 = arith.index_cast %get3A_1026 : i32 to index
      %get3A_1028 = arith.constant 112 : index
      %get3A_1029 = tpu.vector_load %arg8[%get3A_1027, %get3A_1028] {strides = array<i32>} : memref<8x128xi32, #tpu.memory_space<vmem>>, vector<1x16xi32>,
      %get3A_1030 = vector.shape_cast %get3A_1029 : vector<1x16xi32> to vector<16xi32>
      %mul3A_1031 = arith.constant 16384 : i32
      %mul3A_1032 = vector.broadcast %mul3A_1031 : i32 to vector<16xi32>
      %mul3A_1033 = arith.muli %get3A_1030, %mul3A_1032 : vector<16xi32>
      %get3A_1034 = arith.constant 4 : i32
      %get3A_1035 = arith.index_cast %get3A_1034 : i32 to index
      %get3A_1036 = arith.constant 112 : index
      %get3A_1037 = tpu.vector_load %arg7[%get3A_1035, %get3A_1036] {strides = array<i32>} : memref<8x128xi32, #tpu.memory_space<vmem>>, vector<1x16xi32>,
      %get3A_1038 = vector.shape_cast %get3A_1037 : vector<1x16xi32> to vector<16xi32>
      %add3A_1039 = arith.addi %mul3A_1033, %get3A_1038 : vector<16xi32>
      %swap3A_1040 = arith.constant 4 : i32
      %swap3A_1041 = arith.index_cast %swap3A_1040 : i32 to index
      %swap3A_1042 = arith.constant 112 : index
      %swap3A_1043 = tpu.vector_load %arg9[%swap3A_1041, %swap3A_1042] {strides = array<i32>} : memref<8x128xi32, #tpu.memory_space<vmem>>, vector<1x16xi32>,
      %swap3A_1044 = vector.shape_cast %swap3A_1043 : vector<1x16xi32> to vector<16xi32>
      %swap3A_1045 = vector.shape_cast %add3A_1039 : vector<16xi32> to vector<1x16xi32>
      tpu.vector_store %arg9[%swap3A_1041, %swap3A_1042], %swap3A_1045 {strides = array<i32>} : memref<8x128xi32, #tpu.memory_space<vmem>>, vector<1x16xi32>,
      %get3A_1046 = arith.constant 5 : i32
      %get3A_1047 = arith.index_cast %get3A_1046 : i32 to index
      %get3A_1048 = arith.constant 0 : index
      %get3A_1049 = tpu.vector_load %arg8[%get3A_1047, %get3A_1048] {strides = array<i32>} : memref<8x128xi32, #tpu.memory_space<vmem>>, vector<1x16xi32>,
      %get3A_1050 = vector.shape_cast %get3A_1049 : vector<1x16xi32> to vector<16xi32>
      %mul3A_1051 = arith.constant 16384 : i32
      %mul3A_1052 = vector.broadcast %mul3A_1051 : i32 to vector<16xi32>
      %mul3A_1053 = arith.muli %get3A_1050, %mul3A_1052 : vector<16xi32>
      %get3A_1054 = arith.constant 5 : i32
      %get3A_1055 = arith.index_cast %get3A_1054 : i32 to index
      %get3A_1056 = arith.constant 0 : index
      %get3A_1057 = tpu.vector_load %arg7[%get3A_1055, %get3A_1056] {strides = array<i32>} : memref<8x128xi32, #tpu.memory_space<vmem>>, vector<1x16xi32>,
      %get3A_1058 = vector.shape_cast %get3A_1057 : vector<1x16xi32> to vector<16xi32>
      %add3A_1059 = arith.addi %mul3A_1053, %get3A_1058 : vector<16xi32>
      %swap3A_1060 = arith.constant 5 : i32
      %swap3A_1061 = arith.index_cast %swap3A_1060 : i32 to index
      %swap3A_1062 = arith.constant 0 : index
      %swap3A_1063 = tpu.vector_load %arg9[%swap3A_1061, %swap3A_1062] {strides = array<i32>} : memref<8x128xi32, #tpu.memory_space<vmem>>, vector<1x16xi32>,
      %swap3A_1064 = vector.shape_cast %swap3A_1063 : vector<1x16xi32> to vector<16xi32>
      %swap3A_1065 = vector.shape_cast %add3A_1059 : vector<16xi32> to vector<1x16xi32>
      tpu.vector_store %arg9[%swap3A_1061, %swap3A_1062], %swap3A_1065 {strides = array<i32>} : memref<8x128xi32, #tpu.memory_space<vmem>>, vector<1x16xi32>,
      %get3A_1066 = arith.constant 5 : i32
      %get3A_1067 = arith.index_cast %get3A_1066 : i32 to index
      %get3A_1068 = arith.constant 16 : index
      %get3A_1069 = tpu.vector_load %arg8[%get3A_1067, %get3A_1068] {strides = array<i32>} : memref<8x128xi32, #tpu.memory_space<vmem>>, vector<1x16xi32>,
      %get3A_1070 = vector.shape_cast %get3A_1069 : vector<1x16xi32> to vector<16xi32>
      %mul3A_1071 = arith.constant 16384 : i32
      %mul3A_1072 = vector.broadcast %mul3A_1071 : i32 to vector<16xi32>
      %mul3A_1073 = arith.muli %get3A_1070, %mul3A_1072 : vector<16xi32>
      %get3A_1074 = arith.constant 5 : i32
      %get3A_1075 = arith.index_cast %get3A_1074 : i32 to index
      %get3A_1076 = arith.constant 16 : index
      %get3A_1077 = tpu.vector_load %arg7[%get3A_1075, %get3A_1076] {strides = array<i32>} : memref<8x128xi32, #tpu.memory_space<vmem>>, vector<1x16xi32>,
      %get3A_1078 = vector.shape_cast %get3A_1077 : vector<1x16xi32> to vector<16xi32>
      %add3A_1079 = arith.addi %mul3A_1073, %get3A_1078 : vector<16xi32>
      %swap3A_1080 = arith.constant 5 : i32
      %swap3A_1081 = arith.index_cast %swap3A_1080 : i32 to index
      %swap3A_1082 = arith.constant 16 : index
      %swap3A_1083 = tpu.vector_load %arg9[%swap3A_1081, %swap3A_1082] {strides = array<i32>} : memref<8x128xi32, #tpu.memory_space<vmem>>, vector<1x16xi32>,
      %swap3A_1084 = vector.shape_cast %swap3A_1083 : vector<1x16xi32> to vector<16xi32>
      %swap3A_1085 = vector.shape_cast %add3A_1079 : vector<16xi32> to vector<1x16xi32>
      tpu.vector_store %arg9[%swap3A_1081, %swap3A_1082], %swap3A_1085 {strides = array<i32>} : memref<8x128xi32, #tpu.memory_space<vmem>>, vector<1x16xi32>,
      %get3A_1086 = arith.constant 5 : i32
      %get3A_1087 = arith.index_cast %get3A_1086 : i32 to index
      %get3A_1088 = arith.constant 32 : index
      %get3A_1089 = tpu.vector_load %arg8[%get3A_1087, %get3A_1088] {strides = array<i32>} : memref<8x128xi32, #tpu.memory_space<vmem>>, vector<1x16xi32>,
      %get3A_1090 = vector.shape_cast %get3A_1089 : vector<1x16xi32> to vector<16xi32>
      %mul3A_1091 = arith.constant 16384 : i32
      %mul3A_1092 = vector.broadcast %mul3A_1091 : i32 to vector<16xi32>
      %mul3A_1093 = arith.muli %get3A_1090, %mul3A_1092 : vector<16xi32>
      %get3A_1094 = arith.constant 5 : i32
      %get3A_1095 = arith.index_cast %get3A_1094 : i32 to index
      %get3A_1096 = arith.constant 32 : index
      %get3A_1097 = tpu.vector_load %arg7[%get3A_1095, %get3A_1096] {strides = array<i32>} : memref<8x128xi32, #tpu.memory_space<vmem>>, vector<1x16xi32>,
      %get3A_1098 = vector.shape_cast %get3A_1097 : vector<1x16xi32> to vector<16xi32>
      %add3A_1099 = arith.addi %mul3A_1093, %get3A_1098 : vector<16xi32>
      %swap3A_1100 = arith.constant 5 : i32
      %swap3A_1101 = arith.index_cast %swap3A_1100 : i32 to index
      %swap3A_1102 = arith.constant 32 : index
      %swap3A_1103 = tpu.vector_load %arg9[%swap3A_1101, %swap3A_1102] {strides = array<i32>} : memref<8x128xi32, #tpu.memory_space<vmem>>, vector<1x16xi32>,
      %swap3A_1104 = vector.shape_cast %swap3A_1103 : vector<1x16xi32> to vector<16xi32>
      %swap3A_1105 = vector.shape_cast %add3A_1099 : vector<16xi32> to vector<1x16xi32>
      tpu.vector_store %arg9[%swap3A_1101, %swap3A_1102], %swap3A_1105 {strides = array<i32>} : memref<8x128xi32, #tpu.memory_space<vmem>>, vector<1x16xi32>,
      %get3A_1106 = arith.constant 5 : i32
      %get3A_1107 = arith.index_cast %get3A_1106 : i32 to index
      %get3A_1108 = arith.constant 48 : index
      %get3A_1109 = tpu.vector_load %arg8[%get3A_1107, %get3A_1108] {strides = array<i32>} : memref<8x128xi32, #tpu.memory_space<vmem>>, vector<1x16xi32>,
      %get3A_1110 = vector.shape_cast %get3A_1109 : vector<1x16xi32> to vector<16xi32>
      %mul3A_1111 = arith.constant 16384 : i32
      %mul3A_1112 = vector.broadcast %mul3A_1111 : i32 to vector<16xi32>
      %mul3A_1113 = arith.muli %get3A_1110, %mul3A_1112 : vector<16xi32>
      %get3A_1114 = arith.constant 5 : i32
      %get3A_1115 = arith.index_cast %get3A_1114 : i32 to index
      %get3A_1116 = arith.constant 48 : index
      %get3A_1117 = tpu.vector_load %arg7[%get3A_1115, %get3A_1116] {strides = array<i32>} : memref<8x128xi32, #tpu.memory_space<vmem>>, vector<1x16xi32>,
      %get3A_1118 = vector.shape_cast %get3A_1117 : vector<1x16xi32> to vector<16xi32>
      %add3A_1119 = arith.addi %mul3A_1113, %get3A_1118 : vector<16xi32>
      %swap3A_1120 = arith.constant 5 : i32
      %swap3A_1121 = arith.index_cast %swap3A_1120 : i32 to index
      %swap3A_1122 = arith.constant 48 : index
      %swap3A_1123 = tpu.vector_load %arg9[%swap3A_1121, %swap3A_1122] {strides = array<i32>} : memref<8x128xi32, #tpu.memory_space<vmem>>, vector<1x16xi32>,
      %swap3A_1124 = vector.shape_cast %swap3A_1123 : vector<1x16xi32> to vector<16xi32>
      %swap3A_1125 = vector.shape_cast %add3A_1119 : vector<16xi32> to vector<1x16xi32>
      tpu.vector_store %arg9[%swap3A_1121, %swap3A_1122], %swap3A_1125 {strides = array<i32>} : memref<8x128xi32, #tpu.memory_space<vmem>>, vector<1x16xi32>,
      %get3A_1126 = arith.constant 5 : i32
      %get3A_1127 = arith.index_cast %get3A_1126 : i32 to index
      %get3A_1128 = arith.constant 64 : index
      %get3A_1129 = tpu.vector_load %arg8[%get3A_1127, %get3A_1128] {strides = array<i32>} : memref<8x128xi32, #tpu.memory_space<vmem>>, vector<1x16xi32>,
      %get3A_1130 = vector.shape_cast %get3A_1129 : vector<1x16xi32> to vector<16xi32>
      %mul3A_1131 = arith.constant 16384 : i32
      %mul3A_1132 = vector.broadcast %mul3A_1131 : i32 to vector<16xi32>
      %mul3A_1133 = arith.muli %get3A_1130, %mul3A_1132 : vector<16xi32>
      %get3A_1134 = arith.constant 5 : i32
      %get3A_1135 = arith.index_cast %get3A_1134 : i32 to index
      %get3A_1136 = arith.constant 64 : index
      %get3A_1137 = tpu.vector_load %arg7[%get3A_1135, %get3A_1136] {strides = array<i32>} : memref<8x128xi32, #tpu.memory_space<vmem>>, vector<1x16xi32>,
      %get3A_1138 = vector.shape_cast %get3A_1137 : vector<1x16xi32> to vector<16xi32>
      %add3A_1139 = arith.addi %mul3A_1133, %get3A_1138 : vector<16xi32>
      %swap3A_1140 = arith.constant 5 : i32
      %swap3A_1141 = arith.index_cast %swap3A_1140 : i32 to index
      %swap3A_1142 = arith.constant 64 : index
      %swap3A_1143 = tpu.vector_load %arg9[%swap3A_1141, %swap3A_1142] {strides = array<i32>} : memref<8x128xi32, #tpu.memory_space<vmem>>, vector<1x16xi32>,
      %swap3A_1144 = vector.shape_cast %swap3A_1143 : vector<1x16xi32> to vector<16xi32>
      %swap3A_1145 = vector.shape_cast %add3A_1139 : vector<16xi32> to vector<1x16xi32>
      tpu.vector_store %arg9[%swap3A_1141, %swap3A_1142], %swap3A_1145 {strides = array<i32>} : memref<8x128xi32, #tpu.memory_space<vmem>>, vector<1x16xi32>,
      %get3A_1146 = arith.constant 5 : i32
      %get3A_1147 = arith.index_cast %get3A_1146 : i32 to index
      %get3A_1148 = arith.constant 80 : index
      %get3A_1149 = tpu.vector_load %arg8[%get3A_1147, %get3A_1148] {strides = array<i32>} : memref<8x128xi32, #tpu.memory_space<vmem>>, vector<1x16xi32>,
      %get3A_1150 = vector.shape_cast %get3A_1149 : vector<1x16xi32> to vector<16xi32>
      %mul3A_1151 = arith.constant 16384 : i32
      %mul3A_1152 = vector.broadcast %mul3A_1151 : i32 to vector<16xi32>
      %mul3A_1153 = arith.muli %get3A_1150, %mul3A_1152 : vector<16xi32>
      %get3A_1154 = arith.constant 5 : i32
      %get3A_1155 = arith.index_cast %get3A_1154 : i32 to index
      %get3A_1156 = arith.constant 80 : index
      %get3A_1157 = tpu.vector_load %arg7[%get3A_1155, %get3A_1156] {strides = array<i32>} : memref<8x128xi32, #tpu.memory_space<vmem>>, vector<1x16xi32>,
      %get3A_1158 = vector.shape_cast %get3A_1157 : vector<1x16xi32> to vector<16xi32>
      %add3A_1159 = arith.addi %mul3A_1153, %get3A_1158 : vector<16xi32>
      %swap3A_1160 = arith.constant 5 : i32
      %swap3A_1161 = arith.index_cast %swap3A_1160 : i32 to index
      %swap3A_1162 = arith.constant 80 : index
      %swap3A_1163 = tpu.vector_load %arg9[%swap3A_1161, %swap3A_1162] {strides = array<i32>} : memref<8x128xi32, #tpu.memory_space<vmem>>, vector<1x16xi32>,
      %swap3A_1164 = vector.shape_cast %swap3A_1163 : vector<1x16xi32> to vector<16xi32>
      %swap3A_1165 = vector.shape_cast %add3A_1159 : vector<16xi32> to vector<1x16xi32>
      tpu.vector_store %arg9[%swap3A_1161, %swap3A_1162], %swap3A_1165 {strides = array<i32>} : memref<8x128xi32, #tpu.memory_space<vmem>>, vector<1x16xi32>,
      %get3A_1166 = arith.constant 5 : i32
      %get3A_1167 = arith.index_cast %get3A_1166 : i32 to index
      %get3A_1168 = arith.constant 96 : index
      %get3A_1169 = tpu.vector_load %arg8[%get3A_1167, %get3A_1168] {strides = array<i32>} : memref<8x128xi32, #tpu.memory_space<vmem>>, vector<1x16xi32>,
      %get3A_1170 = vector.shape_cast %get3A_1169 : vector<1x16xi32> to vector<16xi32>
      %mul3A_1171 = arith.constant 16384 : i32
      %mul3A_1172 = vector.broadcast %mul3A_1171 : i32 to vector<16xi32>
      %mul3A_1173 = arith.muli %get3A_1170, %mul3A_1172 : vector<16xi32>
      %get3A_1174 = arith.constant 5 : i32
      %get3A_1175 = arith.index_cast %get3A_1174 : i32 to index
      %get3A_1176 = arith.constant 96 : index
      %get3A_1177 = tpu.vector_load %arg7[%get3A_1175, %get3A_1176] {strides = array<i32>} : memref<8x128xi32, #tpu.memory_space<vmem>>, vector<1x16xi32>,
      %get3A_1178 = vector.shape_cast %get3A_1177 : vector<1x16xi32> to vector<16xi32>
      %add3A_1179 = arith.addi %mul3A_1173, %get3A_1178 : vector<16xi32>
      %swap3A_1180 = arith.constant 5 : i32
      %swap3A_1181 = arith.index_cast %swap3A_1180 : i32 to index
      %swap3A_1182 = arith.constant 96 : index
      %swap3A_1183 = tpu.vector_load %arg9[%swap3A_1181, %swap3A_1182] {strides = array<i32>} : memref<8x128xi32, #tpu.memory_space<vmem>>, vector<1x16xi32>,
      %swap3A_1184 = vector.shape_cast %swap3A_1183 : vector<1x16xi32> to vector<16xi32>
      %swap3A_1185 = vector.shape_cast %add3A_1179 : vector<16xi32> to vector<1x16xi32>
      tpu.vector_store %arg9[%swap3A_1181, %swap3A_1182], %swap3A_1185 {strides = array<i32>} : memref<8x128xi32, #tpu.memory_space<vmem>>, vector<1x16xi32>,
      %get3A_1186 = arith.constant 5 : i32
      %get3A_1187 = arith.index_cast %get3A_1186 : i32 to index
      %get3A_1188 = arith.constant 112 : index
      %get3A_1189 = tpu.vector_load %arg8[%get3A_1187, %get3A_1188] {strides = array<i32>} : memref<8x128xi32, #tpu.memory_space<vmem>>, vector<1x16xi32>,
      %get3A_1190 = vector.shape_cast %get3A_1189 : vector<1x16xi32> to vector<16xi32>
      %mul3A_1191 = arith.constant 16384 : i32
      %mul3A_1192 = vector.broadcast %mul3A_1191 : i32 to vector<16xi32>
      %mul3A_1193 = arith.muli %get3A_1190, %mul3A_1192 : vector<16xi32>
      %get3A_1194 = arith.constant 5 : i32
      %get3A_1195 = arith.index_cast %get3A_1194 : i32 to index
      %get3A_1196 = arith.constant 112 : index
      %get3A_1197 = tpu.vector_load %arg7[%get3A_1195, %get3A_1196] {strides = array<i32>} : memref<8x128xi32, #tpu.memory_space<vmem>>, vector<1x16xi32>,
      %get3A_1198 = vector.shape_cast %get3A_1197 : vector<1x16xi32> to vector<16xi32>
      %add3A_1199 = arith.addi %mul3A_1193, %get3A_1198 : vector<16xi32>
      %swap3A_1200 = arith.constant 5 : i32
      %swap3A_1201 = arith.index_cast %swap3A_1200 : i32 to index
      %swap3A_1202 = arith.constant 112 : index
      %swap3A_1203 = tpu.vector_load %arg9[%swap3A_1201, %swap3A_1202] {strides = array<i32>} : memref<8x128xi32, #tpu.memory_space<vmem>>, vector<1x16xi32>,
      %swap3A_1204 = vector.shape_cast %swap3A_1203 : vector<1x16xi32> to vector<16xi32>
      %swap3A_1205 = vector.shape_cast %add3A_1199 : vector<16xi32> to vector<1x16xi32>
      tpu.vector_store %arg9[%swap3A_1201, %swap3A_1202], %swap3A_1205 {strides = array<i32>} : memref<8x128xi32, #tpu.memory_space<vmem>>, vector<1x16xi32>,
      %get3A_1206 = arith.constant 6 : i32
      %get3A_1207 = arith.index_cast %get3A_1206 : i32 to index
      %get3A_1208 = arith.constant 0 : index
      %get3A_1209 = tpu.vector_load %arg8[%get3A_1207, %get3A_1208] {strides = array<i32>} : memref<8x128xi32, #tpu.memory_space<vmem>>, vector<1x16xi32>,
      %get3A_1210 = vector.shape_cast %get3A_1209 : vector<1x16xi32> to vector<16xi32>
      %mul3A_1211 = arith.constant 16384 : i32
      %mul3A_1212 = vector.broadcast %mul3A_1211 : i32 to vector<16xi32>
      %mul3A_1213 = arith.muli %get3A_1210, %mul3A_1212 : vector<16xi32>
      %get3A_1214 = arith.constant 6 : i32
      %get3A_1215 = arith.index_cast %get3A_1214 : i32 to index
      %get3A_1216 = arith.constant 0 : index
      %get3A_1217 = tpu.vector_load %arg7[%get3A_1215, %get3A_1216] {strides = array<i32>} : memref<8x128xi32, #tpu.memory_space<vmem>>, vector<1x16xi32>,
      %get3A_1218 = vector.shape_cast %get3A_1217 : vector<1x16xi32> to vector<16xi32>
      %add3A_1219 = arith.addi %mul3A_1213, %get3A_1218 : vector<16xi32>
      %swap3A_1220 = arith.constant 6 : i32
      %swap3A_1221 = arith.index_cast %swap3A_1220 : i32 to index
      %swap3A_1222 = arith.constant 0 : index
      %swap3A_1223 = tpu.vector_load %arg9[%swap3A_1221, %swap3A_1222] {strides = array<i32>} : memref<8x128xi32, #tpu.memory_space<vmem>>, vector<1x16xi32>,
      %swap3A_1224 = vector.shape_cast %swap3A_1223 : vector<1x16xi32> to vector<16xi32>
      %swap3A_1225 = vector.shape_cast %add3A_1219 : vector<16xi32> to vector<1x16xi32>
      tpu.vector_store %arg9[%swap3A_1221, %swap3A_1222], %swap3A_1225 {strides = array<i32>} : memref<8x128xi32, #tpu.memory_space<vmem>>, vector<1x16xi32>,
      %get3A_1226 = arith.constant 6 : i32
      %get3A_1227 = arith.index_cast %get3A_1226 : i32 to index
      %get3A_1228 = arith.constant 16 : index
      %get3A_1229 = tpu.vector_load %arg8[%get3A_1227, %get3A_1228] {strides = array<i32>} : memref<8x128xi32, #tpu.memory_space<vmem>>, vector<1x16xi32>,
      %get3A_1230 = vector.shape_cast %get3A_1229 : vector<1x16xi32> to vector<16xi32>
      %mul3A_1231 = arith.constant 16384 : i32
      %mul3A_1232 = vector.broadcast %mul3A_1231 : i32 to vector<16xi32>
      %mul3A_1233 = arith.muli %get3A_1230, %mul3A_1232 : vector<16xi32>
      %get3A_1234 = arith.constant 6 : i32
      %get3A_1235 = arith.index_cast %get3A_1234 : i32 to index
      %get3A_1236 = arith.constant 16 : index
      %get3A_1237 = tpu.vector_load %arg7[%get3A_1235, %get3A_1236] {strides = array<i32>} : memref<8x128xi32, #tpu.memory_space<vmem>>, vector<1x16xi32>,
      %get3A_1238 = vector.shape_cast %get3A_1237 : vector<1x16xi32> to vector<16xi32>
      %add3A_1239 = arith.addi %mul3A_1233, %get3A_1238 : vector<16xi32>
      %swap3A_1240 = arith.constant 6 : i32
      %swap3A_1241 = arith.index_cast %swap3A_1240 : i32 to index
      %swap3A_1242 = arith.constant 16 : index
      %swap3A_1243 = tpu.vector_load %arg9[%swap3A_1241, %swap3A_1242] {strides = array<i32>} : memref<8x128xi32, #tpu.memory_space<vmem>>, vector<1x16xi32>,
      %swap3A_1244 = vector.shape_cast %swap3A_1243 : vector<1x16xi32> to vector<16xi32>
      %swap3A_1245 = vector.shape_cast %add3A_1239 : vector<16xi32> to vector<1x16xi32>
      tpu.vector_store %arg9[%swap3A_1241, %swap3A_1242], %swap3A_1245 {strides = array<i32>} : memref<8x128xi32, #tpu.memory_space<vmem>>, vector<1x16xi32>,
      %get3A_1246 = arith.constant 6 : i32
      %get3A_1247 = arith.index_cast %get3A_1246 : i32 to index
      %get3A_1248 = arith.constant 32 : index
      %get3A_1249 = tpu.vector_load %arg8[%get3A_1247, %get3A_1248] {strides = array<i32>} : memref<8x128xi32, #tpu.memory_space<vmem>>, vector<1x16xi32>,
      %get3A_1250 = vector.shape_cast %get3A_1249 : vector<1x16xi32> to vector<16xi32>
      %mul3A_1251 = arith.constant 16384 : i32
      %mul3A_1252 = vector.broadcast %mul3A_1251 : i32 to vector<16xi32>
      %mul3A_1253 = arith.muli %get3A_1250, %mul3A_1252 : vector<16xi32>
      %get3A_1254 = arith.constant 6 : i32
      %get3A_1255 = arith.index_cast %get3A_1254 : i32 to index
      %get3A_1256 = arith.constant 32 : index
      %get3A_1257 = tpu.vector_load %arg7[%get3A_1255, %get3A_1256] {strides = array<i32>} : memref<8x128xi32, #tpu.memory_space<vmem>>, vector<1x16xi32>,
      %get3A_1258 = vector.shape_cast %get3A_1257 : vector<1x16xi32> to vector<16xi32>
      %add3A_1259 = arith.addi %mul3A_1253, %get3A_1258 : vector<16xi32>
      %swap3A_1260 = arith.constant 6 : i32
      %swap3A_1261 = arith.index_cast %swap3A_1260 : i32 to index
      %swap3A_1262 = arith.constant 32 : index
      %swap3A_1263 = tpu.vector_load %arg9[%swap3A_1261, %swap3A_1262] {strides = array<i32>} : memref<8x128xi32, #tpu.memory_space<vmem>>, vector<1x16xi32>,
      %swap3A_1264 = vector.shape_cast %swap3A_1263 : vector<1x16xi32> to vector<16xi32>
      %swap3A_1265 = vector.shape_cast %add3A_1259 : vector<16xi32> to vector<1x16xi32>
      tpu.vector_store %arg9[%swap3A_1261, %swap3A_1262], %swap3A_1265 {strides = array<i32>} : memref<8x128xi32, #tpu.memory_space<vmem>>, vector<1x16xi32>,
      %get3A_1266 = arith.constant 6 : i32
      %get3A_1267 = arith.index_cast %get3A_1266 : i32 to index
      %get3A_1268 = arith.constant 48 : index
      %get3A_1269 = tpu.vector_load %arg8[%get3A_1267, %get3A_1268] {strides = array<i32>} : memref<8x128xi32, #tpu.memory_space<vmem>>, vector<1x16xi32>,
      %get3A_1270 = vector.shape_cast %get3A_1269 : vector<1x16xi32> to vector<16xi32>
      %mul3A_1271 = arith.constant 16384 : i32
      %mul3A_1272 = vector.broadcast %mul3A_1271 : i32 to vector<16xi32>
      %mul3A_1273 = arith.muli %get3A_1270, %mul3A_1272 : vector<16xi32>
      %get3A_1274 = arith.constant 6 : i32
      %get3A_1275 = arith.index_cast %get3A_1274 : i32 to index
      %get3A_1276 = arith.constant 48 : index
      %get3A_1277 = tpu.vector_load %arg7[%get3A_1275, %get3A_1276] {strides = array<i32>} : memref<8x128xi32, #tpu.memory_space<vmem>>, vector<1x16xi32>,
      %get3A_1278 = vector.shape_cast %get3A_1277 : vector<1x16xi32> to vector<16xi32>
      %add3A_1279 = arith.addi %mul3A_1273, %get3A_1278 : vector<16xi32>
      %swap3A_1280 = arith.constant 6 : i32
      %swap3A_1281 = arith.index_cast %swap3A_1280 : i32 to index
      %swap3A_1282 = arith.constant 48 : index
      %swap3A_1283 = tpu.vector_load %arg9[%swap3A_1281, %swap3A_1282] {strides = array<i32>} : memref<8x128xi32, #tpu.memory_space<vmem>>, vector<1x16xi32>,
      %swap3A_1284 = vector.shape_cast %swap3A_1283 : vector<1x16xi32> to vector<16xi32>
      %swap3A_1285 = vector.shape_cast %add3A_1279 : vector<16xi32> to vector<1x16xi32>
      tpu.vector_store %arg9[%swap3A_1281, %swap3A_1282], %swap3A_1285 {strides = array<i32>} : memref<8x128xi32, #tpu.memory_space<vmem>>, vector<1x16xi32>,
      %get3A_1286 = arith.constant 6 : i32
      %get3A_1287 = arith.index_cast %get3A_1286 : i32 to index
      %get3A_1288 = arith.constant 64 : index
      %get3A_1289 = tpu.vector_load %arg8[%get3A_1287, %get3A_1288] {strides = array<i32>} : memref<8x128xi32, #tpu.memory_space<vmem>>, vector<1x16xi32>,
      %get3A_1290 = vector.shape_cast %get3A_1289 : vector<1x16xi32> to vector<16xi32>
      %mul3A_1291 = arith.constant 16384 : i32
      %mul3A_1292 = vector.broadcast %mul3A_1291 : i32 to vector<16xi32>
      %mul3A_1293 = arith.muli %get3A_1290, %mul3A_1292 : vector<16xi32>
      %get3A_1294 = arith.constant 6 : i32
      %get3A_1295 = arith.index_cast %get3A_1294 : i32 to index
      %get3A_1296 = arith.constant 64 : index
      %get3A_1297 = tpu.vector_load %arg7[%get3A_1295, %get3A_1296] {strides = array<i32>} : memref<8x128xi32, #tpu.memory_space<vmem>>, vector<1x16xi32>,
      %get3A_1298 = vector.shape_cast %get3A_1297 : vector<1x16xi32> to vector<16xi32>
      %add3A_1299 = arith.addi %mul3A_1293, %get3A_1298 : vector<16xi32>
      %swap3A_1300 = arith.constant 6 : i32
      %swap3A_1301 = arith.index_cast %swap3A_1300 : i32 to index
      %swap3A_1302 = arith.constant 64 : index
      %swap3A_1303 = tpu.vector_load %arg9[%swap3A_1301, %swap3A_1302] {strides = array<i32>} : memref<8x128xi32, #tpu.memory_space<vmem>>, vector<1x16xi32>,
      %swap3A_1304 = vector.shape_cast %swap3A_1303 : vector<1x16xi32> to vector<16xi32>
      %swap3A_1305 = vector.shape_cast %add3A_1299 : vector<16xi32> to vector<1x16xi32>
      tpu.vector_store %arg9[%swap3A_1301, %swap3A_1302], %swap3A_1305 {strides = array<i32>} : memref<8x128xi32, #tpu.memory_space<vmem>>, vector<1x16xi32>,
      %get3A_1306 = arith.constant 6 : i32
      %get3A_1307 = arith.index_cast %get3A_1306 : i32 to index
      %get3A_1308 = arith.constant 80 : index
      %get3A_1309 = tpu.vector_load %arg8[%get3A_1307, %get3A_1308] {strides = array<i32>} : memref<8x128xi32, #tpu.memory_space<vmem>>, vector<1x16xi32>,
      %get3A_1310 = vector.shape_cast %get3A_1309 : vector<1x16xi32> to vector<16xi32>
      %mul3A_1311 = arith.constant 16384 : i32
      %mul3A_1312 = vector.broadcast %mul3A_1311 : i32 to vector<16xi32>
      %mul3A_1313 = arith.muli %get3A_1310, %mul3A_1312 : vector<16xi32>
      %get3A_1314 = arith.constant 6 : i32
      %get3A_1315 = arith.index_cast %get3A_1314 : i32 to index
      %get3A_1316 = arith.constant 80 : index
      %get3A_1317 = tpu.vector_load %arg7[%get3A_1315, %get3A_1316] {strides = array<i32>} : memref<8x128xi32, #tpu.memory_space<vmem>>, vector<1x16xi32>,
      %get3A_1318 = vector.shape_cast %get3A_1317 : vector<1x16xi32> to vector<16xi32>
      %add3A_1319 = arith.addi %mul3A_1313, %get3A_1318 : vector<16xi32>
      %swap3A_1320 = arith.constant 6 : i32
      %swap3A_1321 = arith.index_cast %swap3A_1320 : i32 to index
      %swap3A_1322 = arith.constant 80 : index
      %swap3A_1323 = tpu.vector_load %arg9[%swap3A_1321, %swap3A_1322] {strides = array<i32>} : memref<8x128xi32, #tpu.memory_space<vmem>>, vector<1x16xi32>,
      %swap3A_1324 = vector.shape_cast %swap3A_1323 : vector<1x16xi32> to vector<16xi32>
      %swap3A_1325 = vector.shape_cast %add3A_1319 : vector<16xi32> to vector<1x16xi32>
      tpu.vector_store %arg9[%swap3A_1321, %swap3A_1322], %swap3A_1325 {strides = array<i32>} : memref<8x128xi32, #tpu.memory_space<vmem>>, vector<1x16xi32>,
      %get3A_1326 = arith.constant 6 : i32
      %get3A_1327 = arith.index_cast %get3A_1326 : i32 to index
      %get3A_1328 = arith.constant 96 : index
      %get3A_1329 = tpu.vector_load %arg8[%get3A_1327, %get3A_1328] {strides = array<i32>} : memref<8x128xi32, #tpu.memory_space<vmem>>, vector<1x16xi32>,
      %get3A_1330 = vector.shape_cast %get3A_1329 : vector<1x16xi32> to vector<16xi32>
      %mul3A_1331 = arith.constant 16384 : i32
      %mul3A_1332 = vector.broadcast %mul3A_1331 : i32 to vector<16xi32>
      %mul3A_1333 = arith.muli %get3A_1330, %mul3A_1332 : vector<16xi32>
      %get3A_1334 = arith.constant 6 : i32
      %get3A_1335 = arith.index_cast %get3A_1334 : i32 to index
      %get3A_1336 = arith.constant 96 : index
      %get3A_1337 = tpu.vector_load %arg7[%get3A_1335, %get3A_1336] {strides = array<i32>} : memref<8x128xi32, #tpu.memory_space<vmem>>, vector<1x16xi32>,
      %get3A_1338 = vector.shape_cast %get3A_1337 : vector<1x16xi32> to vector<16xi32>
      %add3A_1339 = arith.addi %mul3A_1333, %get3A_1338 : vector<16xi32>
      %swap3A_1340 = arith.constant 6 : i32
      %swap3A_1341 = arith.index_cast %swap3A_1340 : i32 to index
      %swap3A_1342 = arith.constant 96 : index
      %swap3A_1343 = tpu.vector_load %arg9[%swap3A_1341, %swap3A_1342] {strides = array<i32>} : memref<8x128xi32, #tpu.memory_space<vmem>>, vector<1x16xi32>,
      %swap3A_1344 = vector.shape_cast %swap3A_1343 : vector<1x16xi32> to vector<16xi32>
      %swap3A_1345 = vector.shape_cast %add3A_1339 : vector<16xi32> to vector<1x16xi32>
      tpu.vector_store %arg9[%swap3A_1341, %swap3A_1342], %swap3A_1345 {strides = array<i32>} : memref<8x128xi32, #tpu.memory_space<vmem>>, vector<1x16xi32>,
      %get3A_1346 = arith.constant 6 : i32
      %get3A_1347 = arith.index_cast %get3A_1346 : i32 to index
      %get3A_1348 = arith.constant 112 : index
      %get3A_1349 = tpu.vector_load %arg8[%get3A_1347, %get3A_1348] {strides = array<i32>} : memref<8x128xi32, #tpu.memory_space<vmem>>, vector<1x16xi32>,
      %get3A_1350 = vector.shape_cast %get3A_1349 : vector<1x16xi32> to vector<16xi32>
      %mul3A_1351 = arith.constant 16384 : i32
      %mul3A_1352 = vector.broadcast %mul3A_1351 : i32 to vector<16xi32>
      %mul3A_1353 = arith.muli %get3A_1350, %mul3A_1352 : vector<16xi32>
      %get3A_1354 = arith.constant 6 : i32
      %get3A_1355 = arith.index_cast %get3A_1354 : i32 to index
      %get3A_1356 = arith.constant 112 : index
      %get3A_1357 = tpu.vector_load %arg7[%get3A_1355, %get3A_1356] {strides = array<i32>} : memref<8x128xi32, #tpu.memory_space<vmem>>, vector<1x16xi32>,
      %get3A_1358 = vector.shape_cast %get3A_1357 : vector<1x16xi32> to vector<16xi32>
      %add3A_1359 = arith.addi %mul3A_1353, %get3A_1358 : vector<16xi32>
      %swap3A_1360 = arith.constant 6 : i32
      %swap3A_1361 = arith.index_cast %swap3A_1360 : i32 to index
      %swap3A_1362 = arith.constant 112 : index
      %swap3A_1363 = tpu.vector_load %arg9[%swap3A_1361, %swap3A_1362] {strides = array<i32>} : memref<8x128xi32, #tpu.memory_space<vmem>>, vector<1x16xi32>,
      %swap3A_1364 = vector.shape_cast %swap3A_1363 : vector<1x16xi32> to vector<16xi32>
      %swap3A_1365 = vector.shape_cast %add3A_1359 : vector<16xi32> to vector<1x16xi32>
      tpu.vector_store %arg9[%swap3A_1361, %swap3A_1362], %swap3A_1365 {strides = array<i32>} : memref<8x128xi32, #tpu.memory_space<vmem>>, vector<1x16xi32>,
      %get3A_1366 = arith.constant 7 : i32
      %get3A_1367 = arith.index_cast %get3A_1366 : i32 to index
      %get3A_1368 = arith.constant 0 : index
      %get3A_1369 = tpu.vector_load %arg8[%get3A_1367, %get3A_1368] {strides = array<i32>} : memref<8x128xi32, #tpu.memory_space<vmem>>, vector<1x16xi32>,
      %get3A_1370 = vector.shape_cast %get3A_1369 : vector<1x16xi32> to vector<16xi32>
      %mul3A_1371 = arith.constant 16384 : i32
      %mul3A_1372 = vector.broadcast %mul3A_1371 : i32 to vector<16xi32>
      %mul3A_1373 = arith.muli %get3A_1370, %mul3A_1372 : vector<16xi32>
      %get3A_1374 = arith.constant 7 : i32
      %get3A_1375 = arith.index_cast %get3A_1374 : i32 to index
      %get3A_1376 = arith.constant 0 : index
      %get3A_1377 = tpu.vector_load %arg7[%get3A_1375, %get3A_1376] {strides = array<i32>} : memref<8x128xi32, #tpu.memory_space<vmem>>, vector<1x16xi32>,
      %get3A_1378 = vector.shape_cast %get3A_1377 : vector<1x16xi32> to vector<16xi32>
      %add3A_1379 = arith.addi %mul3A_1373, %get3A_1378 : vector<16xi32>
      %swap3A_1380 = arith.constant 7 : i32
      %swap3A_1381 = arith.index_cast %swap3A_1380 : i32 to index
      %swap3A_1382 = arith.constant 0 : index
      %swap3A_1383 = tpu.vector_load %arg9[%swap3A_1381, %swap3A_1382] {strides = array<i32>} : memref<8x128xi32, #tpu.memory_space<vmem>>, vector<1x16xi32>,
      %swap3A_1384 = vector.shape_cast %swap3A_1383 : vector<1x16xi32> to vector<16xi32>
      %swap3A_1385 = vector.shape_cast %add3A_1379 : vector<16xi32> to vector<1x16xi32>
      tpu.vector_store %arg9[%swap3A_1381, %swap3A_1382], %swap3A_1385 {strides = array<i32>} : memref<8x128xi32, #tpu.memory_space<vmem>>, vector<1x16xi32>,
      %get3A_1386 = arith.constant 7 : i32
      %get3A_1387 = arith.index_cast %get3A_1386 : i32 to index
      %get3A_1388 = arith.constant 16 : index
      %get3A_1389 = tpu.vector_load %arg8[%get3A_1387, %get3A_1388] {strides = array<i32>} : memref<8x128xi32, #tpu.memory_space<vmem>>, vector<1x16xi32>,
      %get3A_1390 = vector.shape_cast %get3A_1389 : vector<1x16xi32> to vector<16xi32>
      %mul3A_1391 = arith.constant 16384 : i32
      %mul3A_1392 = vector.broadcast %mul3A_1391 : i32 to vector<16xi32>
      %mul3A_1393 = arith.muli %get3A_1390, %mul3A_1392 : vector<16xi32>
      %get3A_1394 = arith.constant 7 : i32
      %get3A_1395 = arith.index_cast %get3A_1394 : i32 to index
      %get3A_1396 = arith.constant 16 : index
      %get3A_1397 = tpu.vector_load %arg7[%get3A_1395, %get3A_1396] {strides = array<i32>} : memref<8x128xi32, #tpu.memory_space<vmem>>, vector<1x16xi32>,
      %get3A_1398 = vector.shape_cast %get3A_1397 : vector<1x16xi32> to vector<16xi32>
      %add3A_1399 = arith.addi %mul3A_1393, %get3A_1398 : vector<16xi32>
      %swap3A_1400 = arith.constant 7 : i32
      %swap3A_1401 = arith.index_cast %swap3A_1400 : i32 to index
      %swap3A_1402 = arith.constant 16 : index
      %swap3A_1403 = tpu.vector_load %arg9[%swap3A_1401, %swap3A_1402] {strides = array<i32>} : memref<8x128xi32, #tpu.memory_space<vmem>>, vector<1x16xi32>,
      %swap3A_1404 = vector.shape_cast %swap3A_1403 : vector<1x16xi32> to vector<16xi32>
      %swap3A_1405 = vector.shape_cast %add3A_1399 : vector<16xi32> to vector<1x16xi32>
      tpu.vector_store %arg9[%swap3A_1401, %swap3A_1402], %swap3A_1405 {strides = array<i32>} : memref<8x128xi32, #tpu.memory_space<vmem>>, vector<1x16xi32>,
      %get3A_1406 = arith.constant 7 : i32
      %get3A_1407 = arith.index_cast %get3A_1406 : i32 to index
      %get3A_1408 = arith.constant 32 : index
      %get3A_1409 = tpu.vector_load %arg8[%get3A_1407, %get3A_1408] {strides = array<i32>} : memref<8x128xi32, #tpu.memory_space<vmem>>, vector<1x16xi32>,
      %get3A_1410 = vector.shape_cast %get3A_1409 : vector<1x16xi32> to vector<16xi32>
      %mul3A_1411 = arith.constant 16384 : i32
      %mul3A_1412 = vector.broadcast %mul3A_1411 : i32 to vector<16xi32>
      %mul3A_1413 = arith.muli %get3A_1410, %mul3A_1412 : vector<16xi32>
      %get3A_1414 = arith.constant 7 : i32
      %get3A_1415 = arith.index_cast %get3A_1414 : i32 to index
      %get3A_1416 = arith.constant 32 : index
      %get3A_1417 = tpu.vector_load %arg7[%get3A_1415, %get3A_1416] {strides = array<i32>} : memref<8x128xi32, #tpu.memory_space<vmem>>, vector<1x16xi32>,
      %get3A_1418 = vector.shape_cast %get3A_1417 : vector<1x16xi32> to vector<16xi32>
      %add3A_1419 = arith.addi %mul3A_1413, %get3A_1418 : vector<16xi32>
      %swap3A_1420 = arith.constant 7 : i32
      %swap3A_1421 = arith.index_cast %swap3A_1420 : i32 to index
      %swap3A_1422 = arith.constant 32 : index
      %swap3A_1423 = tpu.vector_load %arg9[%swap3A_1421, %swap3A_1422] {strides = array<i32>} : memref<8x128xi32, #tpu.memory_space<vmem>>, vector<1x16xi32>,
      %swap3A_1424 = vector.shape_cast %swap3A_1423 : vector<1x16xi32> to vector<16xi32>
      %swap3A_1425 = vector.shape_cast %add3A_1419 : vector<16xi32> to vector<1x16xi32>
      tpu.vector_store %arg9[%swap3A_1421, %swap3A_1422], %swap3A_1425 {strides = array<i32>} : memref<8x128xi32, #tpu.memory_space<vmem>>, vector<1x16xi32>,
      %get3A_1426 = arith.constant 7 : i32
      %get3A_1427 = arith.index_cast %get3A_1426 : i32 to index
      %get3A_1428 = arith.constant 48 : index
      %get3A_1429 = tpu.vector_load %arg8[%get3A_1427, %get3A_1428] {strides = array<i32>} : memref<8x128xi32, #tpu.memory_space<vmem>>, vector<1x16xi32>,
      %get3A_1430 = vector.shape_cast %get3A_1429 : vector<1x16xi32> to vector<16xi32>
      %mul3A_1431 = arith.constant 16384 : i32
      %mul3A_1432 = vector.broadcast %mul3A_1431 : i32 to vector<16xi32>
      %mul3A_1433 = arith.muli %get3A_1430, %mul3A_1432 : vector<16xi32>
      %get3A_1434 = arith.constant 7 : i32
      %get3A_1435 = arith.index_cast %get3A_1434 : i32 to index
      %get3A_1436 = arith.constant 48 : index
      %get3A_1437 = tpu.vector_load %arg7[%get3A_1435, %get3A_1436] {strides = array<i32>} : memref<8x128xi32, #tpu.memory_space<vmem>>, vector<1x16xi32>,
      %get3A_1438 = vector.shape_cast %get3A_1437 : vector<1x16xi32> to vector<16xi32>
      %add3A_1439 = arith.addi %mul3A_1433, %get3A_1438 : vector<16xi32>
      %swap3A_1440 = arith.constant 7 : i32
      %swap3A_1441 = arith.index_cast %swap3A_1440 : i32 to index
      %swap3A_1442 = arith.constant 48 : index
      %swap3A_1443 = tpu.vector_load %arg9[%swap3A_1441, %swap3A_1442] {strides = array<i32>} : memref<8x128xi32, #tpu.memory_space<vmem>>, vector<1x16xi32>,
      %swap3A_1444 = vector.shape_cast %swap3A_1443 : vector<1x16xi32> to vector<16xi32>
      %swap3A_1445 = vector.shape_cast %add3A_1439 : vector<16xi32> to vector<1x16xi32>
      tpu.vector_store %arg9[%swap3A_1441, %swap3A_1442], %swap3A_1445 {strides = array<i32>} : memref<8x128xi32, #tpu.memory_space<vmem>>, vector<1x16xi32>,
      %get3A_1446 = arith.constant 7 : i32
      %get3A_1447 = arith.index_cast %get3A_1446 : i32 to index
      %get3A_1448 = arith.constant 64 : index
      %get3A_1449 = tpu.vector_load %arg8[%get3A_1447, %get3A_1448] {strides = array<i32>} : memref<8x128xi32, #tpu.memory_space<vmem>>, vector<1x16xi32>,
      %get3A_1450 = vector.shape_cast %get3A_1449 : vector<1x16xi32> to vector<16xi32>
      %mul3A_1451 = arith.constant 16384 : i32
      %mul3A_1452 = vector.broadcast %mul3A_1451 : i32 to vector<16xi32>
      %mul3A_1453 = arith.muli %get3A_1450, %mul3A_1452 : vector<16xi32>
      %get3A_1454 = arith.constant 7 : i32
      %get3A_1455 = arith.index_cast %get3A_1454 : i32 to index
      %get3A_1456 = arith.constant 64 : index
      %get3A_1457 = tpu.vector_load %arg7[%get3A_1455, %get3A_1456] {strides = array<i32>} : memref<8x128xi32, #tpu.memory_space<vmem>>, vector<1x16xi32>,
      %get3A_1458 = vector.shape_cast %get3A_1457 : vector<1x16xi32> to vector<16xi32>
      %add3A_1459 = arith.addi %mul3A_1453, %get3A_1458 : vector<16xi32>
      %swap3A_1460 = arith.constant 7 : i32
      %swap3A_1461 = arith.index_cast %swap3A_1460 : i32 to index
      %swap3A_1462 = arith.constant 64 : index
      %swap3A_1463 = tpu.vector_load %arg9[%swap3A_1461, %swap3A_1462] {strides = array<i32>} : memref<8x128xi32, #tpu.memory_space<vmem>>, vector<1x16xi32>,
      %swap3A_1464 = vector.shape_cast %swap3A_1463 : vector<1x16xi32> to vector<16xi32>
      %swap3A_1465 = vector.shape_cast %add3A_1459 : vector<16xi32> to vector<1x16xi32>
      tpu.vector_store %arg9[%swap3A_1461, %swap3A_1462], %swap3A_1465 {strides = array<i32>} : memref<8x128xi32, #tpu.memory_space<vmem>>, vector<1x16xi32>,
      %get3A_1466 = arith.constant 7 : i32
      %get3A_1467 = arith.index_cast %get3A_1466 : i32 to index
      %get3A_1468 = arith.constant 80 : index
      %get3A_1469 = tpu.vector_load %arg8[%get3A_1467, %get3A_1468] {strides = array<i32>} : memref<8x128xi32, #tpu.memory_space<vmem>>, vector<1x16xi32>,
      %get3A_1470 = vector.shape_cast %get3A_1469 : vector<1x16xi32> to vector<16xi32>
      %mul3A_1471 = arith.constant 16384 : i32
      %mul3A_1472 = vector.broadcast %mul3A_1471 : i32 to vector<16xi32>
      %mul3A_1473 = arith.muli %get3A_1470, %mul3A_1472 : vector<16xi32>
      %get3A_1474 = arith.constant 7 : i32
      %get3A_1475 = arith.index_cast %get3A_1474 : i32 to index
      %get3A_1476 = arith.constant 80 : index
      %get3A_1477 = tpu.vector_load %arg7[%get3A_1475, %get3A_1476] {strides = array<i32>} : memref<8x128xi32, #tpu.memory_space<vmem>>, vector<1x16xi32>,
      %get3A_1478 = vector.shape_cast %get3A_1477 : vector<1x16xi32> to vector<16xi32>
      %add3A_1479 = arith.addi %mul3A_1473, %get3A_1478 : vector<16xi32>
      %swap3A_1480 = arith.constant 7 : i32
      %swap3A_1481 = arith.index_cast %swap3A_1480 : i32 to index
      %swap3A_1482 = arith.constant 80 : index
      %swap3A_1483 = tpu.vector_load %arg9[%swap3A_1481, %swap3A_1482] {strides = array<i32>} : memref<8x128xi32, #tpu.memory_space<vmem>>, vector<1x16xi32>,
      %swap3A_1484 = vector.shape_cast %swap3A_1483 : vector<1x16xi32> to vector<16xi32>
      %swap3A_1485 = vector.shape_cast %add3A_1479 : vector<16xi32> to vector<1x16xi32>
      tpu.vector_store %arg9[%swap3A_1481, %swap3A_1482], %swap3A_1485 {strides = array<i32>} : memref<8x128xi32, #tpu.memory_space<vmem>>, vector<1x16xi32>,
      %get3A_1486 = arith.constant 7 : i32
      %get3A_1487 = arith.index_cast %get3A_1486 : i32 to index
      %get3A_1488 = arith.constant 96 : index
      %get3A_1489 = tpu.vector_load %arg8[%get3A_1487, %get3A_1488] {strides = array<i32>} : memref<8x128xi32, #tpu.memory_space<vmem>>, vector<1x16xi32>,
      %get3A_1490 = vector.shape_cast %get3A_1489 : vector<1x16xi32> to vector<16xi32>
      %mul3A_1491 = arith.constant 16384 : i32
      %mul3A_1492 = vector.broadcast %mul3A_1491 : i32 to vector<16xi32>
      %mul3A_1493 = arith.muli %get3A_1490, %mul3A_1492 : vector<16xi32>
      %get3A_1494 = arith.constant 7 : i32
      %get3A_1495 = arith.index_cast %get3A_1494 : i32 to index
      %get3A_1496 = arith.constant 96 : index
      %get3A_1497 = tpu.vector_load %arg7[%get3A_1495, %get3A_1496] {strides = array<i32>} : memref<8x128xi32, #tpu.memory_space<vmem>>, vector<1x16xi32>,
      %get3A_1498 = vector.shape_cast %get3A_1497 : vector<1x16xi32> to vector<16xi32>
      %add3A_1499 = arith.addi %mul3A_1493, %get3A_1498 : vector<16xi32>
      %swap3A_1500 = arith.constant 7 : i32
      %swap3A_1501 = arith.index_cast %swap3A_1500 : i32 to index
      %swap3A_1502 = arith.constant 96 : index
      %swap3A_1503 = tpu.vector_load %arg9[%swap3A_1501, %swap3A_1502] {strides = array<i32>} : memref<8x128xi32, #tpu.memory_space<vmem>>, vector<1x16xi32>,
      %swap3A_1504 = vector.shape_cast %swap3A_1503 : vector<1x16xi32> to vector<16xi32>
      %swap3A_1505 = vector.shape_cast %add3A_1499 : vector<16xi32> to vector<1x16xi32>
      tpu.vector_store %arg9[%swap3A_1501, %swap3A_1502], %swap3A_1505 {strides = array<i32>} : memref<8x128xi32, #tpu.memory_space<vmem>>, vector<1x16xi32>,
      %get3A_1506 = arith.constant 7 : i32
      %get3A_1507 = arith.index_cast %get3A_1506 : i32 to index
      %get3A_1508 = arith.constant 112 : index
      %get3A_1509 = tpu.vector_load %arg8[%get3A_1507, %get3A_1508] {strides = array<i32>} : memref<8x128xi32, #tpu.memory_space<vmem>>, vector<1x16xi32>,
      %get3A_1510 = vector.shape_cast %get3A_1509 : vector<1x16xi32> to vector<16xi32>
      %mul3A_1511 = arith.constant 16384 : i32
      %mul3A_1512 = vector.broadcast %mul3A_1511 : i32 to vector<16xi32>
      %mul3A_1513 = arith.muli %get3A_1510, %mul3A_1512 : vector<16xi32>
      %get3A_1514 = arith.constant 7 : i32
      %get3A_1515 = arith.index_cast %get3A_1514 : i32 to index
      %get3A_1516 = arith.constant 112 : index
      %get3A_1517 = tpu.vector_load %arg7[%get3A_1515, %get3A_1516] {strides = array<i32>} : memref<8x128xi32, #tpu.memory_space<vmem>>, vector<1x16xi32>,
      %get3A_1518 = vector.shape_cast %get3A_1517 : vector<1x16xi32> to vector<16xi32>
      %add3A_1519 = arith.addi %mul3A_1513, %get3A_1518 : vector<16xi32>
      %swap3A_1520 = arith.constant 7 : i32
      %swap3A_1521 = arith.index_cast %swap3A_1520 : i32 to index
      %swap3A_1522 = arith.constant 112 : index
      %swap3A_1523 = tpu.vector_load %arg9[%swap3A_1521, %swap3A_1522] {strides = array<i32>} : memref<8x128xi32, #tpu.memory_space<vmem>>, vector<1x16xi32>,
      %swap3A_1524 = vector.shape_cast %swap3A_1523 : vector<1x16xi32> to vector<16xi32>
      %swap3A_1525 = vector.shape_cast %add3A_1519 : vector<16xi32> to vector<1x16xi32>
      tpu.vector_store %arg9[%swap3A_1521, %swap3A_1522], %swap3A_1525 {strides = array<i32>} : memref<8x128xi32, #tpu.memory_space<vmem>>, vector<1x16xi32>,
      %barrier3A = arith.constant 0 : index
      tpu.barrier barrier_id(%barrier3A)
      %run_scoped3A = arith.constant 0 : i32
      "tpu.region"() ({
        %run_scoped3A_1538 = tpu.sem_alloc : memref<!tpu.dma_semaphore, #tpu.memory_space<semaphore_mem>>
        %dma_start3A_1539 = arith.constant 0 : i32
        %dma_start3A_1540 = tpu.memref_slice %arg9[%run_scoped3A, %dma_start3A_1539] : memref<8x128xi32, #tpu.memory_space<vmem>> -> memref<1x128xi32, #tpu.memory_space<vmem>>
        %dma_start3A_1541 = tpu.memref_squeeze %dma_start3A_1540 : memref<1x128xi32, #tpu.memory_space<vmem>> -> memref<128xi32, #tpu.memory_space<vmem>>
        %dma_start3A_1542 = arith.constant 0 : i32
        %dma_start3A_1543 = tpu.memref_slice %arg6[%dma_start3A_1542] : memref<262144xf32, #tpu.memory_space<vmem_shared>> -> memref<262144xf32, #tpu.memory_space<vmem_shared>>
        tpu.enqueue_indirect_dma source(%arg10 : memref<128xf32, #tpu.memory_space<vmem>>) target(%dma_start3A_1543 : memref<262144xf32, #tpu.memory_space<vmem_shared>>) offsets(%dma_start3A_1541 : memref<128xi32, #tpu.memory_space<vmem>>) semaphore(%run_scoped3A_1538 : memref<!tpu.dma_semaphore, #tpu.memory_space<semaphore_mem>>) {add = true}
        %dma_wait3A_1544 = arith.constant 0 : i32
        %dma_wait3A_1545 = tpu.memref_slice %arg9[%run_scoped3A, %dma_wait3A_1544] : memref<8x128xi32, #tpu.memory_space<vmem>> -> memref<1x128xi32, #tpu.memory_space<vmem>>
        %dma_wait3A_1546 = tpu.memref_squeeze %dma_wait3A_1545 : memref<1x128xi32, #tpu.memory_space<vmem>> -> memref<128xi32, #tpu.memory_space<vmem>>
        %dma_wait3A_1547 = arith.constant 0 : i32
        %dma_wait3A_1548 = tpu.memref_slice %arg6[%dma_wait3A_1547] : memref<262144xf32, #tpu.memory_space<vmem_shared>> -> memref<262144xf32, #tpu.memory_space<vmem_shared>>
        tpu.wait_indirect_dma semaphore(%run_scoped3A_1538 : memref<!tpu.dma_semaphore, #tpu.memory_space<semaphore_mem>>) src(%arg10 : memref<128xf32, #tpu.memory_space<vmem>>) dst(%dma_wait3A_1548 : memref<262144xf32, #tpu.memory_space<vmem_shared>>)
        tpu.yield
      }) : () -> ()
      %run_scoped3A_1526 = arith.constant 1 : i32
      "tpu.region"() ({
        %run_scoped3A_1538 = tpu.sem_alloc : memref<!tpu.dma_semaphore, #tpu.memory_space<semaphore_mem>>
        %dma_start3A_1539 = arith.constant 0 : i32
        %dma_start3A_1540 = tpu.memref_slice %arg9[%run_scoped3A_1526, %dma_start3A_1539] : memref<8x128xi32, #tpu.memory_space<vmem>> -> memref<1x128xi32, #tpu.memory_space<vmem>>
        %dma_start3A_1541 = tpu.memref_squeeze %dma_start3A_1540 : memref<1x128xi32, #tpu.memory_space<vmem>> -> memref<128xi32, #tpu.memory_space<vmem>>
        %dma_start3A_1542 = arith.constant 0 : i32
        %dma_start3A_1543 = tpu.memref_slice %arg6[%dma_start3A_1542] : memref<262144xf32, #tpu.memory_space<vmem_shared>> -> memref<262144xf32, #tpu.memory_space<vmem_shared>>
        tpu.enqueue_indirect_dma source(%arg10 : memref<128xf32, #tpu.memory_space<vmem>>) target(%dma_start3A_1543 : memref<262144xf32, #tpu.memory_space<vmem_shared>>) offsets(%dma_start3A_1541 : memref<128xi32, #tpu.memory_space<vmem>>) semaphore(%run_scoped3A_1538 : memref<!tpu.dma_semaphore, #tpu.memory_space<semaphore_mem>>) {add = true}
        %dma_wait3A_1544 = arith.constant 0 : i32
        %dma_wait3A_1545 = tpu.memref_slice %arg9[%run_scoped3A_1526, %dma_wait3A_1544] : memref<8x128xi32, #tpu.memory_space<vmem>> -> memref<1x128xi32, #tpu.memory_space<vmem>>
        %dma_wait3A_1546 = tpu.memref_squeeze %dma_wait3A_1545 : memref<1x128xi32, #tpu.memory_space<vmem>> -> memref<128xi32, #tpu.memory_space<vmem>>
        %dma_wait3A_1547 = arith.constant 0 : i32
        %dma_wait3A_1548 = tpu.memref_slice %arg6[%dma_wait3A_1547] : memref<262144xf32, #tpu.memory_space<vmem_shared>> -> memref<262144xf32, #tpu.memory_space<vmem_shared>>
        tpu.wait_indirect_dma semaphore(%run_scoped3A_1538 : memref<!tpu.dma_semaphore, #tpu.memory_space<semaphore_mem>>) src(%arg10 : memref<128xf32, #tpu.memory_space<vmem>>) dst(%dma_wait3A_1548 : memref<262144xf32, #tpu.memory_space<vmem_shared>>)
        tpu.yield
      }) : () -> ()
      %run_scoped3A_1527 = arith.constant 2 : i32
      "tpu.region"() ({
        %run_scoped3A_1538 = tpu.sem_alloc : memref<!tpu.dma_semaphore, #tpu.memory_space<semaphore_mem>>
        %dma_start3A_1539 = arith.constant 0 : i32
        %dma_start3A_1540 = tpu.memref_slice %arg9[%run_scoped3A_1527, %dma_start3A_1539] : memref<8x128xi32, #tpu.memory_space<vmem>> -> memref<1x128xi32, #tpu.memory_space<vmem>>
        %dma_start3A_1541 = tpu.memref_squeeze %dma_start3A_1540 : memref<1x128xi32, #tpu.memory_space<vmem>> -> memref<128xi32, #tpu.memory_space<vmem>>
        %dma_start3A_1542 = arith.constant 0 : i32
        %dma_start3A_1543 = tpu.memref_slice %arg6[%dma_start3A_1542] : memref<262144xf32, #tpu.memory_space<vmem_shared>> -> memref<262144xf32, #tpu.memory_space<vmem_shared>>
        tpu.enqueue_indirect_dma source(%arg10 : memref<128xf32, #tpu.memory_space<vmem>>) target(%dma_start3A_1543 : memref<262144xf32, #tpu.memory_space<vmem_shared>>) offsets(%dma_start3A_1541 : memref<128xi32, #tpu.memory_space<vmem>>) semaphore(%run_scoped3A_1538 : memref<!tpu.dma_semaphore, #tpu.memory_space<semaphore_mem>>) {add = true}
        %dma_wait3A_1544 = arith.constant 0 : i32
        %dma_wait3A_1545 = tpu.memref_slice %arg9[%run_scoped3A_1527, %dma_wait3A_1544] : memref<8x128xi32, #tpu.memory_space<vmem>> -> memref<1x128xi32, #tpu.memory_space<vmem>>
        %dma_wait3A_1546 = tpu.memref_squeeze %dma_wait3A_1545 : memref<1x128xi32, #tpu.memory_space<vmem>> -> memref<128xi32, #tpu.memory_space<vmem>>
        %dma_wait3A_1547 = arith.constant 0 : i32
        %dma_wait3A_1548 = tpu.memref_slice %arg6[%dma_wait3A_1547] : memref<262144xf32, #tpu.memory_space<vmem_shared>> -> memref<262144xf32, #tpu.memory_space<vmem_shared>>
        tpu.wait_indirect_dma semaphore(%run_scoped3A_1538 : memref<!tpu.dma_semaphore, #tpu.memory_space<semaphore_mem>>) src(%arg10 : memref<128xf32, #tpu.memory_space<vmem>>) dst(%dma_wait3A_1548 : memref<262144xf32, #tpu.memory_space<vmem_shared>>)
        tpu.yield
      }) : () -> ()
      %run_scoped3A_1528 = arith.constant 3 : i32
      "tpu.region"() ({
        %run_scoped3A_1538 = tpu.sem_alloc : memref<!tpu.dma_semaphore, #tpu.memory_space<semaphore_mem>>
        %dma_start3A_1539 = arith.constant 0 : i32
        %dma_start3A_1540 = tpu.memref_slice %arg9[%run_scoped3A_1528, %dma_start3A_1539] : memref<8x128xi32, #tpu.memory_space<vmem>> -> memref<1x128xi32, #tpu.memory_space<vmem>>
        %dma_start3A_1541 = tpu.memref_squeeze %dma_start3A_1540 : memref<1x128xi32, #tpu.memory_space<vmem>> -> memref<128xi32, #tpu.memory_space<vmem>>
        %dma_start3A_1542 = arith.constant 0 : i32
        %dma_start3A_1543 = tpu.memref_slice %arg6[%dma_start3A_1542] : memref<262144xf32, #tpu.memory_space<vmem_shared>> -> memref<262144xf32, #tpu.memory_space<vmem_shared>>
        tpu.enqueue_indirect_dma source(%arg10 : memref<128xf32, #tpu.memory_space<vmem>>) target(%dma_start3A_1543 : memref<262144xf32, #tpu.memory_space<vmem_shared>>) offsets(%dma_start3A_1541 : memref<128xi32, #tpu.memory_space<vmem>>) semaphore(%run_scoped3A_1538 : memref<!tpu.dma_semaphore, #tpu.memory_space<semaphore_mem>>) {add = true}
        %dma_wait3A_1544 = arith.constant 0 : i32
        %dma_wait3A_1545 = tpu.memref_slice %arg9[%run_scoped3A_1528, %dma_wait3A_1544] : memref<8x128xi32, #tpu.memory_space<vmem>> -> memref<1x128xi32, #tpu.memory_space<vmem>>
        %dma_wait3A_1546 = tpu.memref_squeeze %dma_wait3A_1545 : memref<1x128xi32, #tpu.memory_space<vmem>> -> memref<128xi32, #tpu.memory_space<vmem>>
        %dma_wait3A_1547 = arith.constant 0 : i32
        %dma_wait3A_1548 = tpu.memref_slice %arg6[%dma_wait3A_1547] : memref<262144xf32, #tpu.memory_space<vmem_shared>> -> memref<262144xf32, #tpu.memory_space<vmem_shared>>
        tpu.wait_indirect_dma semaphore(%run_scoped3A_1538 : memref<!tpu.dma_semaphore, #tpu.memory_space<semaphore_mem>>) src(%arg10 : memref<128xf32, #tpu.memory_space<vmem>>) dst(%dma_wait3A_1548 : memref<262144xf32, #tpu.memory_space<vmem_shared>>)
        tpu.yield
      }) : () -> ()
      %run_scoped3A_1529 = arith.constant 4 : i32
      "tpu.region"() ({
        %run_scoped3A_1538 = tpu.sem_alloc : memref<!tpu.dma_semaphore, #tpu.memory_space<semaphore_mem>>
        %dma_start3A_1539 = arith.constant 0 : i32
        %dma_start3A_1540 = tpu.memref_slice %arg9[%run_scoped3A_1529, %dma_start3A_1539] : memref<8x128xi32, #tpu.memory_space<vmem>> -> memref<1x128xi32, #tpu.memory_space<vmem>>
        %dma_start3A_1541 = tpu.memref_squeeze %dma_start3A_1540 : memref<1x128xi32, #tpu.memory_space<vmem>> -> memref<128xi32, #tpu.memory_space<vmem>>
        %dma_start3A_1542 = arith.constant 0 : i32
        %dma_start3A_1543 = tpu.memref_slice %arg6[%dma_start3A_1542] : memref<262144xf32, #tpu.memory_space<vmem_shared>> -> memref<262144xf32, #tpu.memory_space<vmem_shared>>
        tpu.enqueue_indirect_dma source(%arg10 : memref<128xf32, #tpu.memory_space<vmem>>) target(%dma_start3A_1543 : memref<262144xf32, #tpu.memory_space<vmem_shared>>) offsets(%dma_start3A_1541 : memref<128xi32, #tpu.memory_space<vmem>>) semaphore(%run_scoped3A_1538 : memref<!tpu.dma_semaphore, #tpu.memory_space<semaphore_mem>>) {add = true}
        %dma_wait3A_1544 = arith.constant 0 : i32
        %dma_wait3A_1545 = tpu.memref_slice %arg9[%run_scoped3A_1529, %dma_wait3A_1544] : memref<8x128xi32, #tpu.memory_space<vmem>> -> memref<1x128xi32, #tpu.memory_space<vmem>>
        %dma_wait3A_1546 = tpu.memref_squeeze %dma_wait3A_1545 : memref<1x128xi32, #tpu.memory_space<vmem>> -> memref<128xi32, #tpu.memory_space<vmem>>
        %dma_wait3A_1547 = arith.constant 0 : i32
        %dma_wait3A_1548 = tpu.memref_slice %arg6[%dma_wait3A_1547] : memref<262144xf32, #tpu.memory_space<vmem_shared>> -> memref<262144xf32, #tpu.memory_space<vmem_shared>>
        tpu.wait_indirect_dma semaphore(%run_scoped3A_1538 : memref<!tpu.dma_semaphore, #tpu.memory_space<semaphore_mem>>) src(%arg10 : memref<128xf32, #tpu.memory_space<vmem>>) dst(%dma_wait3A_1548 : memref<262144xf32, #tpu.memory_space<vmem_shared>>)
        tpu.yield
      }) : () -> ()
      %run_scoped3A_1530 = arith.constant 5 : i32
      "tpu.region"() ({
        %run_scoped3A_1538 = tpu.sem_alloc : memref<!tpu.dma_semaphore, #tpu.memory_space<semaphore_mem>>
        %dma_start3A_1539 = arith.constant 0 : i32
        %dma_start3A_1540 = tpu.memref_slice %arg9[%run_scoped3A_1530, %dma_start3A_1539] : memref<8x128xi32, #tpu.memory_space<vmem>> -> memref<1x128xi32, #tpu.memory_space<vmem>>
        %dma_start3A_1541 = tpu.memref_squeeze %dma_start3A_1540 : memref<1x128xi32, #tpu.memory_space<vmem>> -> memref<128xi32, #tpu.memory_space<vmem>>
        %dma_start3A_1542 = arith.constant 0 : i32
        %dma_start3A_1543 = tpu.memref_slice %arg6[%dma_start3A_1542] : memref<262144xf32, #tpu.memory_space<vmem_shared>> -> memref<262144xf32, #tpu.memory_space<vmem_shared>>
        tpu.enqueue_indirect_dma source(%arg10 : memref<128xf32, #tpu.memory_space<vmem>>) target(%dma_start3A_1543 : memref<262144xf32, #tpu.memory_space<vmem_shared>>) offsets(%dma_start3A_1541 : memref<128xi32, #tpu.memory_space<vmem>>) semaphore(%run_scoped3A_1538 : memref<!tpu.dma_semaphore, #tpu.memory_space<semaphore_mem>>) {add = true}
        %dma_wait3A_1544 = arith.constant 0 : i32
        %dma_wait3A_1545 = tpu.memref_slice %arg9[%run_scoped3A_1530, %dma_wait3A_1544] : memref<8x128xi32, #tpu.memory_space<vmem>> -> memref<1x128xi32, #tpu.memory_space<vmem>>
        %dma_wait3A_1546 = tpu.memref_squeeze %dma_wait3A_1545 : memref<1x128xi32, #tpu.memory_space<vmem>> -> memref<128xi32, #tpu.memory_space<vmem>>
        %dma_wait3A_1547 = arith.constant 0 : i32
        %dma_wait3A_1548 = tpu.memref_slice %arg6[%dma_wait3A_1547] : memref<262144xf32, #tpu.memory_space<vmem_shared>> -> memref<262144xf32, #tpu.memory_space<vmem_shared>>
        tpu.wait_indirect_dma semaphore(%run_scoped3A_1538 : memref<!tpu.dma_semaphore, #tpu.memory_space<semaphore_mem>>) src(%arg10 : memref<128xf32, #tpu.memory_space<vmem>>) dst(%dma_wait3A_1548 : memref<262144xf32, #tpu.memory_space<vmem_shared>>)
        tpu.yield
      }) : () -> ()
      %run_scoped3A_1531 = arith.constant 6 : i32
      "tpu.region"() ({
        %run_scoped3A_1538 = tpu.sem_alloc : memref<!tpu.dma_semaphore, #tpu.memory_space<semaphore_mem>>
        %dma_start3A_1539 = arith.constant 0 : i32
        %dma_start3A_1540 = tpu.memref_slice %arg9[%run_scoped3A_1531, %dma_start3A_1539] : memref<8x128xi32, #tpu.memory_space<vmem>> -> memref<1x128xi32, #tpu.memory_space<vmem>>
        %dma_start3A_1541 = tpu.memref_squeeze %dma_start3A_1540 : memref<1x128xi32, #tpu.memory_space<vmem>> -> memref<128xi32, #tpu.memory_space<vmem>>
        %dma_start3A_1542 = arith.constant 0 : i32
        %dma_start3A_1543 = tpu.memref_slice %arg6[%dma_start3A_1542] : memref<262144xf32, #tpu.memory_space<vmem_shared>> -> memref<262144xf32, #tpu.memory_space<vmem_shared>>
        tpu.enqueue_indirect_dma source(%arg10 : memref<128xf32, #tpu.memory_space<vmem>>) target(%dma_start3A_1543 : memref<262144xf32, #tpu.memory_space<vmem_shared>>) offsets(%dma_start3A_1541 : memref<128xi32, #tpu.memory_space<vmem>>) semaphore(%run_scoped3A_1538 : memref<!tpu.dma_semaphore, #tpu.memory_space<semaphore_mem>>) {add = true}
        %dma_wait3A_1544 = arith.constant 0 : i32
        %dma_wait3A_1545 = tpu.memref_slice %arg9[%run_scoped3A_1531, %dma_wait3A_1544] : memref<8x128xi32, #tpu.memory_space<vmem>> -> memref<1x128xi32, #tpu.memory_space<vmem>>
        %dma_wait3A_1546 = tpu.memref_squeeze %dma_wait3A_1545 : memref<1x128xi32, #tpu.memory_space<vmem>> -> memref<128xi32, #tpu.memory_space<vmem>>
        %dma_wait3A_1547 = arith.constant 0 : i32
        %dma_wait3A_1548 = tpu.memref_slice %arg6[%dma_wait3A_1547] : memref<262144xf32, #tpu.memory_space<vmem_shared>> -> memref<262144xf32, #tpu.memory_space<vmem_shared>>
        tpu.wait_indirect_dma semaphore(%run_scoped3A_1538 : memref<!tpu.dma_semaphore, #tpu.memory_space<semaphore_mem>>) src(%arg10 : memref<128xf32, #tpu.memory_space<vmem>>) dst(%dma_wait3A_1548 : memref<262144xf32, #tpu.memory_space<vmem_shared>>)
        tpu.yield
      }) : () -> ()
      %run_scoped3A_1532 = arith.constant 7 : i32
      "tpu.region"() ({
        %run_scoped3A_1538 = tpu.sem_alloc : memref<!tpu.dma_semaphore, #tpu.memory_space<semaphore_mem>>
        %dma_start3A_1539 = arith.constant 0 : i32
        %dma_start3A_1540 = tpu.memref_slice %arg9[%run_scoped3A_1532, %dma_start3A_1539] : memref<8x128xi32, #tpu.memory_space<vmem>> -> memref<1x128xi32, #tpu.memory_space<vmem>>
        %dma_start3A_1541 = tpu.memref_squeeze %dma_start3A_1540 : memref<1x128xi32, #tpu.memory_space<vmem>> -> memref<128xi32, #tpu.memory_space<vmem>>
        %dma_start3A_1542 = arith.constant 0 : i32
        %dma_start3A_1543 = tpu.memref_slice %arg6[%dma_start3A_1542] : memref<262144xf32, #tpu.memory_space<vmem_shared>> -> memref<262144xf32, #tpu.memory_space<vmem_shared>>
        tpu.enqueue_indirect_dma source(%arg10 : memref<128xf32, #tpu.memory_space<vmem>>) target(%dma_start3A_1543 : memref<262144xf32, #tpu.memory_space<vmem_shared>>) offsets(%dma_start3A_1541 : memref<128xi32, #tpu.memory_space<vmem>>) semaphore(%run_scoped3A_1538 : memref<!tpu.dma_semaphore, #tpu.memory_space<semaphore_mem>>) {add = true}
        %dma_wait3A_1544 = arith.constant 0 : i32
        %dma_wait3A_1545 = tpu.memref_slice %arg9[%run_scoped3A_1532, %dma_wait3A_1544] : memref<8x128xi32, #tpu.memory_space<vmem>> -> memref<1x128xi32, #tpu.memory_space<vmem>>
        %dma_wait3A_1546 = tpu.memref_squeeze %dma_wait3A_1545 : memref<1x128xi32, #tpu.memory_space<vmem>> -> memref<128xi32, #tpu.memory_space<vmem>>
        %dma_wait3A_1547 = arith.constant 0 : i32
        %dma_wait3A_1548 = tpu.memref_slice %arg6[%dma_wait3A_1547] : memref<262144xf32, #tpu.memory_space<vmem_shared>> -> memref<262144xf32, #tpu.memory_space<vmem_shared>>
        tpu.wait_indirect_dma semaphore(%run_scoped3A_1538 : memref<!tpu.dma_semaphore, #tpu.memory_space<semaphore_mem>>) src(%arg10 : memref<128xf32, #tpu.memory_space<vmem>>) dst(%dma_wait3A_1548 : memref<262144xf32, #tpu.memory_space<vmem_shared>>)
        tpu.yield
      }) : () -> ()
      %barrier3A_1533 = arith.constant 0 : index
      tpu.barrier barrier_id(%barrier3A_1533)
      %mul3A_1534 = arith.constant 16384 : i32
      %mul3A_1535 = arith.muli %arg1, %mul3A_1534 : i32
      %mul3A_1536 = arith.constant 16384 : i32
      %mul3A_1537 = arith.muli %arg1, %mul3A_1536 : i32
      "tpu.region"() ({
        %run_scoped3A_1538 = tpu.sem_alloc : memref<!tpu.dma_semaphore, #tpu.memory_space<semaphore_mem>>
        %dma_start3A_1539 = tpu.memref_slice %arg4[%mul3A_1537] : memref<262144xf32, #tpu.memory_space<hbm>> -> memref<16384xf32, #tpu.memory_space<hbm>>
        %dma_start3A_1540 = tpu.memref_slice %arg6[%mul3A_1535] : memref<262144xf32, #tpu.memory_space<vmem_shared>> -> memref<16384xf32, #tpu.memory_space<vmem_shared>>
        tpu.enqueue_dma source(%dma_start3A_1540 : memref<16384xf32, #tpu.memory_space<vmem_shared>>) target(%dma_start3A_1539 : memref<16384xf32, #tpu.memory_space<hbm>>) target_semaphore(%run_scoped3A_1538 : memref<!tpu.dma_semaphore, #tpu.memory_space<semaphore_mem>>)
        %dma_wait3A_1541 = tpu.memref_slice %arg4[%mul3A_1537] : memref<262144xf32, #tpu.memory_space<hbm>> -> memref<16384xf32, #tpu.memory_space<hbm>>
        %dma_wait3A_1542 = tpu.memref_slice %arg6[%mul3A_1535] : memref<262144xf32, #tpu.memory_space<vmem_shared>> -> memref<16384xf32, #tpu.memory_space<vmem_shared>>
        tpu.wait_dma2 semaphore(%run_scoped3A_1538 : memref<!tpu.dma_semaphore, #tpu.memory_space<semaphore_mem>>) src(%dma_wait3A_1542 : memref<16384xf32, #tpu.memory_space<vmem_shared>>) dst(%dma_wait3A_1541 : memref<16384xf32, #tpu.memory_space<hbm>>)
        tpu.yield
      }) : () -> ()
    } else {
    }
    %eq3A_82 = arith.constant 1 : i32
    %eq3A_83 = arith.cmpi eq, %arg0, %eq3A_82 : i32
    %convert_element_type3A_84 = arith.extui %eq3A_83 : i1 to i32
    %cond3A_85 = arith.constant 0 : i32
    %cond3A_86 = arith.cmpi ne, %convert_element_type3A_84, %cond3A_85 : i32
    scf.if %cond3A_86 {
      %mul3A_87 = arith.constant 1024 : i32
      %mul3A_88 = arith.muli %arg1, %mul3A_87 : i32
      %add3A_89 = arith.constant 0 : i32
      %add3A_90 = arith.addi %mul3A_88, %add3A_89 : i32
      %run_scoped3A = arith.constant 0 : i32
      "tpu.region"() ({
        %run_scoped3A_1673 = tpu.sem_alloc : memref<!tpu.dma_semaphore, #tpu.memory_space<semaphore_mem>>
        %dma_start3A = arith.constant 0 : i32
        %dma_start3A_1674 = tpu.memref_slice %arg7[%run_scoped3A, %dma_start3A] : memref<8x128xi32, #tpu.memory_space<vmem>> -> memref<1x128xi32, #tpu.memory_space<vmem>>
        %dma_start3A_1675 = tpu.memref_squeeze %dma_start3A_1674 : memref<1x128xi32, #tpu.memory_space<vmem>> -> memref<128xi32, #tpu.memory_space<vmem>>
        %dma_start3A_1676 = tpu.memref_slice %arg3[%add3A_90] : memref<16384xi32, #tpu.memory_space<hbm>> -> memref<128xi32, #tpu.memory_space<hbm>>
        %dma_start3A_1677 = arith.constant 0 : i32
        %dma_start3A_1678 = tpu.memref_slice %arg7[%run_scoped3A, %dma_start3A_1677] : memref<8x128xi32, #tpu.memory_space<vmem>> -> memref<1x128xi32, #tpu.memory_space<vmem>>
        %dma_start3A_1679 = tpu.memref_squeeze %dma_start3A_1678 : memref<1x128xi32, #tpu.memory_space<vmem>> -> memref<128xi32, #tpu.memory_space<vmem>>
        %dma_start3A_1680 = tpu.memref_slice %arg3[%add3A_90] : memref<16384xi32, #tpu.memory_space<hbm>> -> memref<128xi32, #tpu.memory_space<hbm>>
        tpu.enqueue_dma source(%dma_start3A_1680 : memref<128xi32, #tpu.memory_space<hbm>>) target(%dma_start3A_1679 : memref<128xi32, #tpu.memory_space<vmem>>) target_semaphore(%run_scoped3A_1673 : memref<!tpu.dma_semaphore, #tpu.memory_space<semaphore_mem>>)
        %dma_wait3A = arith.constant 0 : i32
        %dma_wait3A_1681 = tpu.memref_slice %arg7[%run_scoped3A, %dma_wait3A] : memref<8x128xi32, #tpu.memory_space<vmem>> -> memref<1x128xi32, #tpu.memory_space<vmem>>
        %dma_wait3A_1682 = tpu.memref_squeeze %dma_wait3A_1681 : memref<1x128xi32, #tpu.memory_space<vmem>> -> memref<128xi32, #tpu.memory_space<vmem>>
        %dma_wait3A_1683 = tpu.memref_slice %arg3[%add3A_90] : memref<16384xi32, #tpu.memory_space<hbm>> -> memref<128xi32, #tpu.memory_space<hbm>>
        %dma_wait3A_1684 = arith.constant 0 : i32
        %dma_wait3A_1685 = tpu.memref_slice %arg7[%run_scoped3A, %dma_wait3A_1684] : memref<8x128xi32, #tpu.memory_space<vmem>> -> memref<1x128xi32, #tpu.memory_space<vmem>>
        %dma_wait3A_1686 = tpu.memref_squeeze %dma_wait3A_1685 : memref<1x128xi32, #tpu.memory_space<vmem>> -> memref<128xi32, #tpu.memory_space<vmem>>
        %dma_wait3A_1687 = tpu.memref_slice %arg3[%add3A_90] : memref<16384xi32, #tpu.memory_space<hbm>> -> memref<128xi32, #tpu.memory_space<hbm>>
        tpu.wait_dma2 semaphore(%run_scoped3A_1673 : memref<!tpu.dma_semaphore, #tpu.memory_space<semaphore_mem>>) src(%dma_wait3A_1687 : memref<128xi32, #tpu.memory_space<hbm>>) dst(%dma_wait3A_1686 : memref<128xi32, #tpu.memory_space<vmem>>)
        tpu.yield
      }) : () -> ()
      %mul3A_91 = arith.constant 1024 : i32
      %mul3A_92 = arith.muli %arg1, %mul3A_91 : i32
      %add3A_93 = arith.constant 128 : i32
      %add3A_94 = arith.addi %mul3A_92, %add3A_93 : i32
      %run_scoped3A_95 = arith.constant 1 : i32
      "tpu.region"() ({
        %run_scoped3A_1673 = tpu.sem_alloc : memref<!tpu.dma_semaphore, #tpu.memory_space<semaphore_mem>>
        %dma_start3A = arith.constant 0 : i32
        %dma_start3A_1674 = tpu.memref_slice %arg7[%run_scoped3A_95, %dma_start3A] : memref<8x128xi32, #tpu.memory_space<vmem>> -> memref<1x128xi32, #tpu.memory_space<vmem>>
        %dma_start3A_1675 = tpu.memref_squeeze %dma_start3A_1674 : memref<1x128xi32, #tpu.memory_space<vmem>> -> memref<128xi32, #tpu.memory_space<vmem>>
        %dma_start3A_1676 = tpu.memref_slice %arg3[%add3A_94] : memref<16384xi32, #tpu.memory_space<hbm>> -> memref<128xi32, #tpu.memory_space<hbm>>
        %dma_start3A_1677 = arith.constant 0 : i32
        %dma_start3A_1678 = tpu.memref_slice %arg7[%run_scoped3A_95, %dma_start3A_1677] : memref<8x128xi32, #tpu.memory_space<vmem>> -> memref<1x128xi32, #tpu.memory_space<vmem>>
        %dma_start3A_1679 = tpu.memref_squeeze %dma_start3A_1678 : memref<1x128xi32, #tpu.memory_space<vmem>> -> memref<128xi32, #tpu.memory_space<vmem>>
        %dma_start3A_1680 = tpu.memref_slice %arg3[%add3A_94] : memref<16384xi32, #tpu.memory_space<hbm>> -> memref<128xi32, #tpu.memory_space<hbm>>
        tpu.enqueue_dma source(%dma_start3A_1680 : memref<128xi32, #tpu.memory_space<hbm>>) target(%dma_start3A_1679 : memref<128xi32, #tpu.memory_space<vmem>>) target_semaphore(%run_scoped3A_1673 : memref<!tpu.dma_semaphore, #tpu.memory_space<semaphore_mem>>)
        %dma_wait3A = arith.constant 0 : i32
        %dma_wait3A_1681 = tpu.memref_slice %arg7[%run_scoped3A_95, %dma_wait3A] : memref<8x128xi32, #tpu.memory_space<vmem>> -> memref<1x128xi32, #tpu.memory_space<vmem>>
        %dma_wait3A_1682 = tpu.memref_squeeze %dma_wait3A_1681 : memref<1x128xi32, #tpu.memory_space<vmem>> -> memref<128xi32, #tpu.memory_space<vmem>>
        %dma_wait3A_1683 = tpu.memref_slice %arg3[%add3A_94] : memref<16384xi32, #tpu.memory_space<hbm>> -> memref<128xi32, #tpu.memory_space<hbm>>
        %dma_wait3A_1684 = arith.constant 0 : i32
        %dma_wait3A_1685 = tpu.memref_slice %arg7[%run_scoped3A_95, %dma_wait3A_1684] : memref<8x128xi32, #tpu.memory_space<vmem>> -> memref<1x128xi32, #tpu.memory_space<vmem>>
        %dma_wait3A_1686 = tpu.memref_squeeze %dma_wait3A_1685 : memref<1x128xi32, #tpu.memory_space<vmem>> -> memref<128xi32, #tpu.memory_space<vmem>>
        %dma_wait3A_1687 = tpu.memref_slice %arg3[%add3A_94] : memref<16384xi32, #tpu.memory_space<hbm>> -> memref<128xi32, #tpu.memory_space<hbm>>
        tpu.wait_dma2 semaphore(%run_scoped3A_1673 : memref<!tpu.dma_semaphore, #tpu.memory_space<semaphore_mem>>) src(%dma_wait3A_1687 : memref<128xi32, #tpu.memory_space<hbm>>) dst(%dma_wait3A_1686 : memref<128xi32, #tpu.memory_space<vmem>>)
        tpu.yield
      }) : () -> ()
      %mul3A_96 = arith.constant 1024 : i32
      %mul3A_97 = arith.muli %arg1, %mul3A_96 : i32
      %add3A_98 = arith.constant 256 : i32
      %add3A_99 = arith.addi %mul3A_97, %add3A_98 : i32
      %run_scoped3A_100 = arith.constant 2 : i32
      "tpu.region"() ({
        %run_scoped3A_1673 = tpu.sem_alloc : memref<!tpu.dma_semaphore, #tpu.memory_space<semaphore_mem>>
        %dma_start3A = arith.constant 0 : i32
        %dma_start3A_1674 = tpu.memref_slice %arg7[%run_scoped3A_100, %dma_start3A] : memref<8x128xi32, #tpu.memory_space<vmem>> -> memref<1x128xi32, #tpu.memory_space<vmem>>
        %dma_start3A_1675 = tpu.memref_squeeze %dma_start3A_1674 : memref<1x128xi32, #tpu.memory_space<vmem>> -> memref<128xi32, #tpu.memory_space<vmem>>
        %dma_start3A_1676 = tpu.memref_slice %arg3[%add3A_99] : memref<16384xi32, #tpu.memory_space<hbm>> -> memref<128xi32, #tpu.memory_space<hbm>>
        %dma_start3A_1677 = arith.constant 0 : i32
        %dma_start3A_1678 = tpu.memref_slice %arg7[%run_scoped3A_100, %dma_start3A_1677] : memref<8x128xi32, #tpu.memory_space<vmem>> -> memref<1x128xi32, #tpu.memory_space<vmem>>
        %dma_start3A_1679 = tpu.memref_squeeze %dma_start3A_1678 : memref<1x128xi32, #tpu.memory_space<vmem>> -> memref<128xi32, #tpu.memory_space<vmem>>
        %dma_start3A_1680 = tpu.memref_slice %arg3[%add3A_99] : memref<16384xi32, #tpu.memory_space<hbm>> -> memref<128xi32, #tpu.memory_space<hbm>>
        tpu.enqueue_dma source(%dma_start3A_1680 : memref<128xi32, #tpu.memory_space<hbm>>) target(%dma_start3A_1679 : memref<128xi32, #tpu.memory_space<vmem>>) target_semaphore(%run_scoped3A_1673 : memref<!tpu.dma_semaphore, #tpu.memory_space<semaphore_mem>>)
        %dma_wait3A = arith.constant 0 : i32
        %dma_wait3A_1681 = tpu.memref_slice %arg7[%run_scoped3A_100, %dma_wait3A] : memref<8x128xi32, #tpu.memory_space<vmem>> -> memref<1x128xi32, #tpu.memory_space<vmem>>
        %dma_wait3A_1682 = tpu.memref_squeeze %dma_wait3A_1681 : memref<1x128xi32, #tpu.memory_space<vmem>> -> memref<128xi32, #tpu.memory_space<vmem>>
        %dma_wait3A_1683 = tpu.memref_slice %arg3[%add3A_99] : memref<16384xi32, #tpu.memory_space<hbm>> -> memref<128xi32, #tpu.memory_space<hbm>>
        %dma_wait3A_1684 = arith.constant 0 : i32
        %dma_wait3A_1685 = tpu.memref_slice %arg7[%run_scoped3A_100, %dma_wait3A_1684] : memref<8x128xi32, #tpu.memory_space<vmem>> -> memref<1x128xi32, #tpu.memory_space<vmem>>
        %dma_wait3A_1686 = tpu.memref_squeeze %dma_wait3A_1685 : memref<1x128xi32, #tpu.memory_space<vmem>> -> memref<128xi32, #tpu.memory_space<vmem>>
        %dma_wait3A_1687 = tpu.memref_slice %arg3[%add3A_99] : memref<16384xi32, #tpu.memory_space<hbm>> -> memref<128xi32, #tpu.memory_space<hbm>>
        tpu.wait_dma2 semaphore(%run_scoped3A_1673 : memref<!tpu.dma_semaphore, #tpu.memory_space<semaphore_mem>>) src(%dma_wait3A_1687 : memref<128xi32, #tpu.memory_space<hbm>>) dst(%dma_wait3A_1686 : memref<128xi32, #tpu.memory_space<vmem>>)
        tpu.yield
      }) : () -> ()
      %mul3A_101 = arith.constant 1024 : i32
      %mul3A_102 = arith.muli %arg1, %mul3A_101 : i32
      %add3A_103 = arith.constant 384 : i32
      %add3A_104 = arith.addi %mul3A_102, %add3A_103 : i32
      %run_scoped3A_105 = arith.constant 3 : i32
      "tpu.region"() ({
        %run_scoped3A_1673 = tpu.sem_alloc : memref<!tpu.dma_semaphore, #tpu.memory_space<semaphore_mem>>
        %dma_start3A = arith.constant 0 : i32
        %dma_start3A_1674 = tpu.memref_slice %arg7[%run_scoped3A_105, %dma_start3A] : memref<8x128xi32, #tpu.memory_space<vmem>> -> memref<1x128xi32, #tpu.memory_space<vmem>>
        %dma_start3A_1675 = tpu.memref_squeeze %dma_start3A_1674 : memref<1x128xi32, #tpu.memory_space<vmem>> -> memref<128xi32, #tpu.memory_space<vmem>>
        %dma_start3A_1676 = tpu.memref_slice %arg3[%add3A_104] : memref<16384xi32, #tpu.memory_space<hbm>> -> memref<128xi32, #tpu.memory_space<hbm>>
        %dma_start3A_1677 = arith.constant 0 : i32
        %dma_start3A_1678 = tpu.memref_slice %arg7[%run_scoped3A_105, %dma_start3A_1677] : memref<8x128xi32, #tpu.memory_space<vmem>> -> memref<1x128xi32, #tpu.memory_space<vmem>>
        %dma_start3A_1679 = tpu.memref_squeeze %dma_start3A_1678 : memref<1x128xi32, #tpu.memory_space<vmem>> -> memref<128xi32, #tpu.memory_space<vmem>>
        %dma_start3A_1680 = tpu.memref_slice %arg3[%add3A_104] : memref<16384xi32, #tpu.memory_space<hbm>> -> memref<128xi32, #tpu.memory_space<hbm>>
        tpu.enqueue_dma source(%dma_start3A_1680 : memref<128xi32, #tpu.memory_space<hbm>>) target(%dma_start3A_1679 : memref<128xi32, #tpu.memory_space<vmem>>) target_semaphore(%run_scoped3A_1673 : memref<!tpu.dma_semaphore, #tpu.memory_space<semaphore_mem>>)
        %dma_wait3A = arith.constant 0 : i32
        %dma_wait3A_1681 = tpu.memref_slice %arg7[%run_scoped3A_105, %dma_wait3A] : memref<8x128xi32, #tpu.memory_space<vmem>> -> memref<1x128xi32, #tpu.memory_space<vmem>>
        %dma_wait3A_1682 = tpu.memref_squeeze %dma_wait3A_1681 : memref<1x128xi32, #tpu.memory_space<vmem>> -> memref<128xi32, #tpu.memory_space<vmem>>
        %dma_wait3A_1683 = tpu.memref_slice %arg3[%add3A_104] : memref<16384xi32, #tpu.memory_space<hbm>> -> memref<128xi32, #tpu.memory_space<hbm>>
        %dma_wait3A_1684 = arith.constant 0 : i32
        %dma_wait3A_1685 = tpu.memref_slice %arg7[%run_scoped3A_105, %dma_wait3A_1684] : memref<8x128xi32, #tpu.memory_space<vmem>> -> memref<1x128xi32, #tpu.memory_space<vmem>>
        %dma_wait3A_1686 = tpu.memref_squeeze %dma_wait3A_1685 : memref<1x128xi32, #tpu.memory_space<vmem>> -> memref<128xi32, #tpu.memory_space<vmem>>
        %dma_wait3A_1687 = tpu.memref_slice %arg3[%add3A_104] : memref<16384xi32, #tpu.memory_space<hbm>> -> memref<128xi32, #tpu.memory_space<hbm>>
        tpu.wait_dma2 semaphore(%run_scoped3A_1673 : memref<!tpu.dma_semaphore, #tpu.memory_space<semaphore_mem>>) src(%dma_wait3A_1687 : memref<128xi32, #tpu.memory_space<hbm>>) dst(%dma_wait3A_1686 : memref<128xi32, #tpu.memory_space<vmem>>)
        tpu.yield
      }) : () -> ()
      %mul3A_106 = arith.constant 1024 : i32
      %mul3A_107 = arith.muli %arg1, %mul3A_106 : i32
      %add3A_108 = arith.constant 512 : i32
      %add3A_109 = arith.addi %mul3A_107, %add3A_108 : i32
      %run_scoped3A_110 = arith.constant 4 : i32
      "tpu.region"() ({
        %run_scoped3A_1673 = tpu.sem_alloc : memref<!tpu.dma_semaphore, #tpu.memory_space<semaphore_mem>>
        %dma_start3A = arith.constant 0 : i32
        %dma_start3A_1674 = tpu.memref_slice %arg7[%run_scoped3A_110, %dma_start3A] : memref<8x128xi32, #tpu.memory_space<vmem>> -> memref<1x128xi32, #tpu.memory_space<vmem>>
        %dma_start3A_1675 = tpu.memref_squeeze %dma_start3A_1674 : memref<1x128xi32, #tpu.memory_space<vmem>> -> memref<128xi32, #tpu.memory_space<vmem>>
        %dma_start3A_1676 = tpu.memref_slice %arg3[%add3A_109] : memref<16384xi32, #tpu.memory_space<hbm>> -> memref<128xi32, #tpu.memory_space<hbm>>
        %dma_start3A_1677 = arith.constant 0 : i32
        %dma_start3A_1678 = tpu.memref_slice %arg7[%run_scoped3A_110, %dma_start3A_1677] : memref<8x128xi32, #tpu.memory_space<vmem>> -> memref<1x128xi32, #tpu.memory_space<vmem>>
        %dma_start3A_1679 = tpu.memref_squeeze %dma_start3A_1678 : memref<1x128xi32, #tpu.memory_space<vmem>> -> memref<128xi32, #tpu.memory_space<vmem>>
        %dma_start3A_1680 = tpu.memref_slice %arg3[%add3A_109] : memref<16384xi32, #tpu.memory_space<hbm>> -> memref<128xi32, #tpu.memory_space<hbm>>
        tpu.enqueue_dma source(%dma_start3A_1680 : memref<128xi32, #tpu.memory_space<hbm>>) target(%dma_start3A_1679 : memref<128xi32, #tpu.memory_space<vmem>>) target_semaphore(%run_scoped3A_1673 : memref<!tpu.dma_semaphore, #tpu.memory_space<semaphore_mem>>)
        %dma_wait3A = arith.constant 0 : i32
        %dma_wait3A_1681 = tpu.memref_slice %arg7[%run_scoped3A_110, %dma_wait3A] : memref<8x128xi32, #tpu.memory_space<vmem>> -> memref<1x128xi32, #tpu.memory_space<vmem>>
        %dma_wait3A_1682 = tpu.memref_squeeze %dma_wait3A_1681 : memref<1x128xi32, #tpu.memory_space<vmem>> -> memref<128xi32, #tpu.memory_space<vmem>>
        %dma_wait3A_1683 = tpu.memref_slice %arg3[%add3A_109] : memref<16384xi32, #tpu.memory_space<hbm>> -> memref<128xi32, #tpu.memory_space<hbm>>
        %dma_wait3A_1684 = arith.constant 0 : i32
        %dma_wait3A_1685 = tpu.memref_slice %arg7[%run_scoped3A_110, %dma_wait3A_1684] : memref<8x128xi32, #tpu.memory_space<vmem>> -> memref<1x128xi32, #tpu.memory_space<vmem>>
        %dma_wait3A_1686 = tpu.memref_squeeze %dma_wait3A_1685 : memref<1x128xi32, #tpu.memory_space<vmem>> -> memref<128xi32, #tpu.memory_space<vmem>>
        %dma_wait3A_1687 = tpu.memref_slice %arg3[%add3A_109] : memref<16384xi32, #tpu.memory_space<hbm>> -> memref<128xi32, #tpu.memory_space<hbm>>
        tpu.wait_dma2 semaphore(%run_scoped3A_1673 : memref<!tpu.dma_semaphore, #tpu.memory_space<semaphore_mem>>) src(%dma_wait3A_1687 : memref<128xi32, #tpu.memory_space<hbm>>) dst(%dma_wait3A_1686 : memref<128xi32, #tpu.memory_space<vmem>>)
        tpu.yield
      }) : () -> ()
      %mul3A_111 = arith.constant 1024 : i32
      %mul3A_112 = arith.muli %arg1, %mul3A_111 : i32
      %add3A_113 = arith.constant 640 : i32
      %add3A_114 = arith.addi %mul3A_112, %add3A_113 : i32
      %run_scoped3A_115 = arith.constant 5 : i32
      "tpu.region"() ({
        %run_scoped3A_1673 = tpu.sem_alloc : memref<!tpu.dma_semaphore, #tpu.memory_space<semaphore_mem>>
        %dma_start3A = arith.constant 0 : i32
        %dma_start3A_1674 = tpu.memref_slice %arg7[%run_scoped3A_115, %dma_start3A] : memref<8x128xi32, #tpu.memory_space<vmem>> -> memref<1x128xi32, #tpu.memory_space<vmem>>
        %dma_start3A_1675 = tpu.memref_squeeze %dma_start3A_1674 : memref<1x128xi32, #tpu.memory_space<vmem>> -> memref<128xi32, #tpu.memory_space<vmem>>
        %dma_start3A_1676 = tpu.memref_slice %arg3[%add3A_114] : memref<16384xi32, #tpu.memory_space<hbm>> -> memref<128xi32, #tpu.memory_space<hbm>>
        %dma_start3A_1677 = arith.constant 0 : i32
        %dma_start3A_1678 = tpu.memref_slice %arg7[%run_scoped3A_115, %dma_start3A_1677] : memref<8x128xi32, #tpu.memory_space<vmem>> -> memref<1x128xi32, #tpu.memory_space<vmem>>
        %dma_start3A_1679 = tpu.memref_squeeze %dma_start3A_1678 : memref<1x128xi32, #tpu.memory_space<vmem>> -> memref<128xi32, #tpu.memory_space<vmem>>
        %dma_start3A_1680 = tpu.memref_slice %arg3[%add3A_114] : memref<16384xi32, #tpu.memory_space<hbm>> -> memref<128xi32, #tpu.memory_space<hbm>>
        tpu.enqueue_dma source(%dma_start3A_1680 : memref<128xi32, #tpu.memory_space<hbm>>) target(%dma_start3A_1679 : memref<128xi32, #tpu.memory_space<vmem>>) target_semaphore(%run_scoped3A_1673 : memref<!tpu.dma_semaphore, #tpu.memory_space<semaphore_mem>>)
        %dma_wait3A = arith.constant 0 : i32
        %dma_wait3A_1681 = tpu.memref_slice %arg7[%run_scoped3A_115, %dma_wait3A] : memref<8x128xi32, #tpu.memory_space<vmem>> -> memref<1x128xi32, #tpu.memory_space<vmem>>
        %dma_wait3A_1682 = tpu.memref_squeeze %dma_wait3A_1681 : memref<1x128xi32, #tpu.memory_space<vmem>> -> memref<128xi32, #tpu.memory_space<vmem>>
        %dma_wait3A_1683 = tpu.memref_slice %arg3[%add3A_114] : memref<16384xi32, #tpu.memory_space<hbm>> -> memref<128xi32, #tpu.memory_space<hbm>>
        %dma_wait3A_1684 = arith.constant 0 : i32
        %dma_wait3A_1685 = tpu.memref_slice %arg7[%run_scoped3A_115, %dma_wait3A_1684] : memref<8x128xi32, #tpu.memory_space<vmem>> -> memref<1x128xi32, #tpu.memory_space<vmem>>
        %dma_wait3A_1686 = tpu.memref_squeeze %dma_wait3A_1685 : memref<1x128xi32, #tpu.memory_space<vmem>> -> memref<128xi32, #tpu.memory_space<vmem>>
        %dma_wait3A_1687 = tpu.memref_slice %arg3[%add3A_114] : memref<16384xi32, #tpu.memory_space<hbm>> -> memref<128xi32, #tpu.memory_space<hbm>>
        tpu.wait_dma2 semaphore(%run_scoped3A_1673 : memref<!tpu.dma_semaphore, #tpu.memory_space<semaphore_mem>>) src(%dma_wait3A_1687 : memref<128xi32, #tpu.memory_space<hbm>>) dst(%dma_wait3A_1686 : memref<128xi32, #tpu.memory_space<vmem>>)
        tpu.yield
      }) : () -> ()
      %mul3A_116 = arith.constant 1024 : i32
      %mul3A_117 = arith.muli %arg1, %mul3A_116 : i32
      %add3A_118 = arith.constant 768 : i32
      %add3A_119 = arith.addi %mul3A_117, %add3A_118 : i32
      %run_scoped3A_120 = arith.constant 6 : i32
      "tpu.region"() ({
        %run_scoped3A_1673 = tpu.sem_alloc : memref<!tpu.dma_semaphore, #tpu.memory_space<semaphore_mem>>
        %dma_start3A = arith.constant 0 : i32
        %dma_start3A_1674 = tpu.memref_slice %arg7[%run_scoped3A_120, %dma_start3A] : memref<8x128xi32, #tpu.memory_space<vmem>> -> memref<1x128xi32, #tpu.memory_space<vmem>>
        %dma_start3A_1675 = tpu.memref_squeeze %dma_start3A_1674 : memref<1x128xi32, #tpu.memory_space<vmem>> -> memref<128xi32, #tpu.memory_space<vmem>>
        %dma_start3A_1676 = tpu.memref_slice %arg3[%add3A_119] : memref<16384xi32, #tpu.memory_space<hbm>> -> memref<128xi32, #tpu.memory_space<hbm>>
        %dma_start3A_1677 = arith.constant 0 : i32
        %dma_start3A_1678 = tpu.memref_slice %arg7[%run_scoped3A_120, %dma_start3A_1677] : memref<8x128xi32, #tpu.memory_space<vmem>> -> memref<1x128xi32, #tpu.memory_space<vmem>>
        %dma_start3A_1679 = tpu.memref_squeeze %dma_start3A_1678 : memref<1x128xi32, #tpu.memory_space<vmem>> -> memref<128xi32, #tpu.memory_space<vmem>>
        %dma_start3A_1680 = tpu.memref_slice %arg3[%add3A_119] : memref<16384xi32, #tpu.memory_space<hbm>> -> memref<128xi32, #tpu.memory_space<hbm>>
        tpu.enqueue_dma source(%dma_start3A_1680 : memref<128xi32, #tpu.memory_space<hbm>>) target(%dma_start3A_1679 : memref<128xi32, #tpu.memory_space<vmem>>) target_semaphore(%run_scoped3A_1673 : memref<!tpu.dma_semaphore, #tpu.memory_space<semaphore_mem>>)
        %dma_wait3A = arith.constant 0 : i32
        %dma_wait3A_1681 = tpu.memref_slice %arg7[%run_scoped3A_120, %dma_wait3A] : memref<8x128xi32, #tpu.memory_space<vmem>> -> memref<1x128xi32, #tpu.memory_space<vmem>>
        %dma_wait3A_1682 = tpu.memref_squeeze %dma_wait3A_1681 : memref<1x128xi32, #tpu.memory_space<vmem>> -> memref<128xi32, #tpu.memory_space<vmem>>
        %dma_wait3A_1683 = tpu.memref_slice %arg3[%add3A_119] : memref<16384xi32, #tpu.memory_space<hbm>> -> memref<128xi32, #tpu.memory_space<hbm>>
        %dma_wait3A_1684 = arith.constant 0 : i32
        %dma_wait3A_1685 = tpu.memref_slice %arg7[%run_scoped3A_120, %dma_wait3A_1684] : memref<8x128xi32, #tpu.memory_space<vmem>> -> memref<1x128xi32, #tpu.memory_space<vmem>>
        %dma_wait3A_1686 = tpu.memref_squeeze %dma_wait3A_1685 : memref<1x128xi32, #tpu.memory_space<vmem>> -> memref<128xi32, #tpu.memory_space<vmem>>
        %dma_wait3A_1687 = tpu.memref_slice %arg3[%add3A_119] : memref<16384xi32, #tpu.memory_space<hbm>> -> memref<128xi32, #tpu.memory_space<hbm>>
        tpu.wait_dma2 semaphore(%run_scoped3A_1673 : memref<!tpu.dma_semaphore, #tpu.memory_space<semaphore_mem>>) src(%dma_wait3A_1687 : memref<128xi32, #tpu.memory_space<hbm>>) dst(%dma_wait3A_1686 : memref<128xi32, #tpu.memory_space<vmem>>)
        tpu.yield
      }) : () -> ()
      %mul3A_121 = arith.constant 1024 : i32
      %mul3A_122 = arith.muli %arg1, %mul3A_121 : i32
      %add3A_123 = arith.constant 896 : i32
      %add3A_124 = arith.addi %mul3A_122, %add3A_123 : i32
      %run_scoped3A_125 = arith.constant 7 : i32
      "tpu.region"() ({
        %run_scoped3A_1673 = tpu.sem_alloc : memref<!tpu.dma_semaphore, #tpu.memory_space<semaphore_mem>>
        %dma_start3A = arith.constant 0 : i32
        %dma_start3A_1674 = tpu.memref_slice %arg7[%run_scoped3A_125, %dma_start3A] : memref<8x128xi32, #tpu.memory_space<vmem>> -> memref<1x128xi32, #tpu.memory_space<vmem>>
        %dma_start3A_1675 = tpu.memref_squeeze %dma_start3A_1674 : memref<1x128xi32, #tpu.memory_space<vmem>> -> memref<128xi32, #tpu.memory_space<vmem>>
        %dma_start3A_1676 = tpu.memref_slice %arg3[%add3A_124] : memref<16384xi32, #tpu.memory_space<hbm>> -> memref<128xi32, #tpu.memory_space<hbm>>
        %dma_start3A_1677 = arith.constant 0 : i32
        %dma_start3A_1678 = tpu.memref_slice %arg7[%run_scoped3A_125, %dma_start3A_1677] : memref<8x128xi32, #tpu.memory_space<vmem>> -> memref<1x128xi32, #tpu.memory_space<vmem>>
        %dma_start3A_1679 = tpu.memref_squeeze %dma_start3A_1678 : memref<1x128xi32, #tpu.memory_space<vmem>> -> memref<128xi32, #tpu.memory_space<vmem>>
        %dma_start3A_1680 = tpu.memref_slice %arg3[%add3A_124] : memref<16384xi32, #tpu.memory_space<hbm>> -> memref<128xi32, #tpu.memory_space<hbm>>
        tpu.enqueue_dma source(%dma_start3A_1680 : memref<128xi32, #tpu.memory_space<hbm>>) target(%dma_start3A_1679 : memref<128xi32, #tpu.memory_space<vmem>>) target_semaphore(%run_scoped3A_1673 : memref<!tpu.dma_semaphore, #tpu.memory_space<semaphore_mem>>)
        %dma_wait3A = arith.constant 0 : i32
        %dma_wait3A_1681 = tpu.memref_slice %arg7[%run_scoped3A_125, %dma_wait3A] : memref<8x128xi32, #tpu.memory_space<vmem>> -> memref<1x128xi32, #tpu.memory_space<vmem>>
        %dma_wait3A_1682 = tpu.memref_squeeze %dma_wait3A_1681 : memref<1x128xi32, #tpu.memory_space<vmem>> -> memref<128xi32, #tpu.memory_space<vmem>>
        %dma_wait3A_1683 = tpu.memref_slice %arg3[%add3A_124] : memref<16384xi32, #tpu.memory_space<hbm>> -> memref<128xi32, #tpu.memory_space<hbm>>
        %dma_wait3A_1684 = arith.constant 0 : i32
        %dma_wait3A_1685 = tpu.memref_slice %arg7[%run_scoped3A_125, %dma_wait3A_1684] : memref<8x128xi32, #tpu.memory_space<vmem>> -> memref<1x128xi32, #tpu.memory_space<vmem>>
        %dma_wait3A_1686 = tpu.memref_squeeze %dma_wait3A_1685 : memref<1x128xi32, #tpu.memory_space<vmem>> -> memref<128xi32, #tpu.memory_space<vmem>>
        %dma_wait3A_1687 = tpu.memref_slice %arg3[%add3A_124] : memref<16384xi32, #tpu.memory_space<hbm>> -> memref<128xi32, #tpu.memory_space<hbm>>
        tpu.wait_dma2 semaphore(%run_scoped3A_1673 : memref<!tpu.dma_semaphore, #tpu.memory_space<semaphore_mem>>) src(%dma_wait3A_1687 : memref<128xi32, #tpu.memory_space<hbm>>) dst(%dma_wait3A_1686 : memref<128xi32, #tpu.memory_space<vmem>>)
        tpu.yield
      }) : () -> ()
      %mul3A_126 = arith.constant 1024 : i32
      %mul3A_127 = arith.muli %arg1, %mul3A_126 : i32
      %add3A_128 = arith.constant 0 : i32
      %add3A_129 = arith.addi %mul3A_127, %add3A_128 : i32
      %add3A_130 = arith.constant 0 : i32
      %add3A_131 = arith.addi %add3A_129, %add3A_130 : i32
      %iota3A = tpu.iota {dimensions = array<i32: 0>} : vector<16xi32>
      %add3A_132 = vector.broadcast %add3A_131 : i32 to vector<16xi32>
      %add3A_133 = arith.addi %iota3A, %add3A_132 : vector<16xi32>
      %mul3A_134 = arith.constant 16 : i32
      %mul3A_135 = vector.broadcast %mul3A_134 : i32 to vector<16xi32>
      %mul3A_136 = arith.muli %add3A_133, %mul3A_135 : vector<16xi32>
      %get3A = arith.constant 0 : i32
      %get3A_137 = arith.index_cast %get3A : i32 to index
      %get3A_138 = arith.constant 0 : index
      %get3A_139 = tpu.vector_load %arg7[%get3A_137, %get3A_138] {strides = array<i32>} : memref<8x128xi32, #tpu.memory_space<vmem>>, vector<1x16xi32>,
      %get3A_140 = vector.shape_cast %get3A_139 : vector<1x16xi32> to vector<16xi32>
      %add3A_141 = arith.addi %mul3A_136, %get3A_140 : vector<16xi32>
      %swap3A_142 = arith.constant 0 : i32
      %swap3A_143 = arith.index_cast %swap3A_142 : i32 to index
      %swap3A_144 = arith.constant 0 : index
      %swap3A_145 = tpu.vector_load %arg9[%swap3A_143, %swap3A_144] {strides = array<i32>} : memref<8x128xi32, #tpu.memory_space<vmem>>, vector<1x16xi32>,
      %swap3A_146 = vector.shape_cast %swap3A_145 : vector<1x16xi32> to vector<16xi32>
      %swap3A_147 = vector.shape_cast %add3A_141 : vector<16xi32> to vector<1x16xi32>
      tpu.vector_store %arg9[%swap3A_143, %swap3A_144], %swap3A_147 {strides = array<i32>} : memref<8x128xi32, #tpu.memory_space<vmem>>, vector<1x16xi32>,
      %mul3A_148 = arith.constant 1024 : i32
      %mul3A_149 = arith.muli %arg1, %mul3A_148 : i32
      %add3A_150 = arith.constant 0 : i32
      %add3A_151 = arith.addi %mul3A_149, %add3A_150 : i32
      %add3A_152 = arith.constant 16 : i32
      %add3A_153 = arith.addi %add3A_151, %add3A_152 : i32
      %iota3A_154 = tpu.iota {dimensions = array<i32: 0>} : vector<16xi32>
      %add3A_155 = vector.broadcast %add3A_153 : i32 to vector<16xi32>
      %add3A_156 = arith.addi %iota3A_154, %add3A_155 : vector<16xi32>
      %mul3A_157 = arith.constant 16 : i32
      %mul3A_158 = vector.broadcast %mul3A_157 : i32 to vector<16xi32>
      %mul3A_159 = arith.muli %add3A_156, %mul3A_158 : vector<16xi32>
      %get3A_160 = arith.constant 0 : i32
      %get3A_161 = arith.index_cast %get3A_160 : i32 to index
      %get3A_162 = arith.constant 16 : index
      %get3A_163 = tpu.vector_load %arg7[%get3A_161, %get3A_162] {strides = array<i32>} : memref<8x128xi32, #tpu.memory_space<vmem>>, vector<1x16xi32>,
      %get3A_164 = vector.shape_cast %get3A_163 : vector<1x16xi32> to vector<16xi32>
      %add3A_165 = arith.addi %mul3A_159, %get3A_164 : vector<16xi32>
      %swap3A_166 = arith.constant 0 : i32
      %swap3A_167 = arith.index_cast %swap3A_166 : i32 to index
      %swap3A_168 = arith.constant 16 : index
      %swap3A_169 = tpu.vector_load %arg9[%swap3A_167, %swap3A_168] {strides = array<i32>} : memref<8x128xi32, #tpu.memory_space<vmem>>, vector<1x16xi32>,
      %swap3A_170 = vector.shape_cast %swap3A_169 : vector<1x16xi32> to vector<16xi32>
      %swap3A_171 = vector.shape_cast %add3A_165 : vector<16xi32> to vector<1x16xi32>
      tpu.vector_store %arg9[%swap3A_167, %swap3A_168], %swap3A_171 {strides = array<i32>} : memref<8x128xi32, #tpu.memory_space<vmem>>, vector<1x16xi32>,
      %mul3A_172 = arith.constant 1024 : i32
      %mul3A_173 = arith.muli %arg1, %mul3A_172 : i32
      %add3A_174 = arith.constant 0 : i32
      %add3A_175 = arith.addi %mul3A_173, %add3A_174 : i32
      %add3A_176 = arith.constant 32 : i32
      %add3A_177 = arith.addi %add3A_175, %add3A_176 : i32
      %iota3A_178 = tpu.iota {dimensions = array<i32: 0>} : vector<16xi32>
      %add3A_179 = vector.broadcast %add3A_177 : i32 to vector<16xi32>
      %add3A_180 = arith.addi %iota3A_178, %add3A_179 : vector<16xi32>
      %mul3A_181 = arith.constant 16 : i32
      %mul3A_182 = vector.broadcast %mul3A_181 : i32 to vector<16xi32>
      %mul3A_183 = arith.muli %add3A_180, %mul3A_182 : vector<16xi32>
      %get3A_184 = arith.constant 0 : i32
      %get3A_185 = arith.index_cast %get3A_184 : i32 to index
      %get3A_186 = arith.constant 32 : index
      %get3A_187 = tpu.vector_load %arg7[%get3A_185, %get3A_186] {strides = array<i32>} : memref<8x128xi32, #tpu.memory_space<vmem>>, vector<1x16xi32>,
      %get3A_188 = vector.shape_cast %get3A_187 : vector<1x16xi32> to vector<16xi32>
      %add3A_189 = arith.addi %mul3A_183, %get3A_188 : vector<16xi32>
      %swap3A_190 = arith.constant 0 : i32
      %swap3A_191 = arith.index_cast %swap3A_190 : i32 to index
      %swap3A_192 = arith.constant 32 : index
      %swap3A_193 = tpu.vector_load %arg9[%swap3A_191, %swap3A_192] {strides = array<i32>} : memref<8x128xi32, #tpu.memory_space<vmem>>, vector<1x16xi32>,
      %swap3A_194 = vector.shape_cast %swap3A_193 : vector<1x16xi32> to vector<16xi32>
      %swap3A_195 = vector.shape_cast %add3A_189 : vector<16xi32> to vector<1x16xi32>
      tpu.vector_store %arg9[%swap3A_191, %swap3A_192], %swap3A_195 {strides = array<i32>} : memref<8x128xi32, #tpu.memory_space<vmem>>, vector<1x16xi32>,
      %mul3A_196 = arith.constant 1024 : i32
      %mul3A_197 = arith.muli %arg1, %mul3A_196 : i32
      %add3A_198 = arith.constant 0 : i32
      %add3A_199 = arith.addi %mul3A_197, %add3A_198 : i32
      %add3A_200 = arith.constant 48 : i32
      %add3A_201 = arith.addi %add3A_199, %add3A_200 : i32
      %iota3A_202 = tpu.iota {dimensions = array<i32: 0>} : vector<16xi32>
      %add3A_203 = vector.broadcast %add3A_201 : i32 to vector<16xi32>
      %add3A_204 = arith.addi %iota3A_202, %add3A_203 : vector<16xi32>
      %mul3A_205 = arith.constant 16 : i32
      %mul3A_206 = vector.broadcast %mul3A_205 : i32 to vector<16xi32>
      %mul3A_207 = arith.muli %add3A_204, %mul3A_206 : vector<16xi32>
      %get3A_208 = arith.constant 0 : i32
      %get3A_209 = arith.index_cast %get3A_208 : i32 to index
      %get3A_210 = arith.constant 48 : index
      %get3A_211 = tpu.vector_load %arg7[%get3A_209, %get3A_210] {strides = array<i32>} : memref<8x128xi32, #tpu.memory_space<vmem>>, vector<1x16xi32>,
      %get3A_212 = vector.shape_cast %get3A_211 : vector<1x16xi32> to vector<16xi32>
      %add3A_213 = arith.addi %mul3A_207, %get3A_212 : vector<16xi32>
      %swap3A_214 = arith.constant 0 : i32
      %swap3A_215 = arith.index_cast %swap3A_214 : i32 to index
      %swap3A_216 = arith.constant 48 : index
      %swap3A_217 = tpu.vector_load %arg9[%swap3A_215, %swap3A_216] {strides = array<i32>} : memref<8x128xi32, #tpu.memory_space<vmem>>, vector<1x16xi32>,
      %swap3A_218 = vector.shape_cast %swap3A_217 : vector<1x16xi32> to vector<16xi32>
      %swap3A_219 = vector.shape_cast %add3A_213 : vector<16xi32> to vector<1x16xi32>
      tpu.vector_store %arg9[%swap3A_215, %swap3A_216], %swap3A_219 {strides = array<i32>} : memref<8x128xi32, #tpu.memory_space<vmem>>, vector<1x16xi32>,
      %mul3A_220 = arith.constant 1024 : i32
      %mul3A_221 = arith.muli %arg1, %mul3A_220 : i32
      %add3A_222 = arith.constant 0 : i32
      %add3A_223 = arith.addi %mul3A_221, %add3A_222 : i32
      %add3A_224 = arith.constant 64 : i32
      %add3A_225 = arith.addi %add3A_223, %add3A_224 : i32
      %iota3A_226 = tpu.iota {dimensions = array<i32: 0>} : vector<16xi32>
      %add3A_227 = vector.broadcast %add3A_225 : i32 to vector<16xi32>
      %add3A_228 = arith.addi %iota3A_226, %add3A_227 : vector<16xi32>
      %mul3A_229 = arith.constant 16 : i32
      %mul3A_230 = vector.broadcast %mul3A_229 : i32 to vector<16xi32>
      %mul3A_231 = arith.muli %add3A_228, %mul3A_230 : vector<16xi32>
      %get3A_232 = arith.constant 0 : i32
      %get3A_233 = arith.index_cast %get3A_232 : i32 to index
      %get3A_234 = arith.constant 64 : index
      %get3A_235 = tpu.vector_load %arg7[%get3A_233, %get3A_234] {strides = array<i32>} : memref<8x128xi32, #tpu.memory_space<vmem>>, vector<1x16xi32>,
      %get3A_236 = vector.shape_cast %get3A_235 : vector<1x16xi32> to vector<16xi32>
      %add3A_237 = arith.addi %mul3A_231, %get3A_236 : vector<16xi32>
      %swap3A_238 = arith.constant 0 : i32
      %swap3A_239 = arith.index_cast %swap3A_238 : i32 to index
      %swap3A_240 = arith.constant 64 : index
      %swap3A_241 = tpu.vector_load %arg9[%swap3A_239, %swap3A_240] {strides = array<i32>} : memref<8x128xi32, #tpu.memory_space<vmem>>, vector<1x16xi32>,
      %swap3A_242 = vector.shape_cast %swap3A_241 : vector<1x16xi32> to vector<16xi32>
      %swap3A_243 = vector.shape_cast %add3A_237 : vector<16xi32> to vector<1x16xi32>
      tpu.vector_store %arg9[%swap3A_239, %swap3A_240], %swap3A_243 {strides = array<i32>} : memref<8x128xi32, #tpu.memory_space<vmem>>, vector<1x16xi32>,
      %mul3A_244 = arith.constant 1024 : i32
      %mul3A_245 = arith.muli %arg1, %mul3A_244 : i32
      %add3A_246 = arith.constant 0 : i32
      %add3A_247 = arith.addi %mul3A_245, %add3A_246 : i32
      %add3A_248 = arith.constant 80 : i32
      %add3A_249 = arith.addi %add3A_247, %add3A_248 : i32
      %iota3A_250 = tpu.iota {dimensions = array<i32: 0>} : vector<16xi32>
      %add3A_251 = vector.broadcast %add3A_249 : i32 to vector<16xi32>
      %add3A_252 = arith.addi %iota3A_250, %add3A_251 : vector<16xi32>
      %mul3A_253 = arith.constant 16 : i32
      %mul3A_254 = vector.broadcast %mul3A_253 : i32 to vector<16xi32>
      %mul3A_255 = arith.muli %add3A_252, %mul3A_254 : vector<16xi32>
      %get3A_256 = arith.constant 0 : i32
      %get3A_257 = arith.index_cast %get3A_256 : i32 to index
      %get3A_258 = arith.constant 80 : index
      %get3A_259 = tpu.vector_load %arg7[%get3A_257, %get3A_258] {strides = array<i32>} : memref<8x128xi32, #tpu.memory_space<vmem>>, vector<1x16xi32>,
      %get3A_260 = vector.shape_cast %get3A_259 : vector<1x16xi32> to vector<16xi32>
      %add3A_261 = arith.addi %mul3A_255, %get3A_260 : vector<16xi32>
      %swap3A_262 = arith.constant 0 : i32
      %swap3A_263 = arith.index_cast %swap3A_262 : i32 to index
      %swap3A_264 = arith.constant 80 : index
      %swap3A_265 = tpu.vector_load %arg9[%swap3A_263, %swap3A_264] {strides = array<i32>} : memref<8x128xi32, #tpu.memory_space<vmem>>, vector<1x16xi32>,
      %swap3A_266 = vector.shape_cast %swap3A_265 : vector<1x16xi32> to vector<16xi32>
      %swap3A_267 = vector.shape_cast %add3A_261 : vector<16xi32> to vector<1x16xi32>
      tpu.vector_store %arg9[%swap3A_263, %swap3A_264], %swap3A_267 {strides = array<i32>} : memref<8x128xi32, #tpu.memory_space<vmem>>, vector<1x16xi32>,
      %mul3A_268 = arith.constant 1024 : i32
      %mul3A_269 = arith.muli %arg1, %mul3A_268 : i32
      %add3A_270 = arith.constant 0 : i32
      %add3A_271 = arith.addi %mul3A_269, %add3A_270 : i32
      %add3A_272 = arith.constant 96 : i32
      %add3A_273 = arith.addi %add3A_271, %add3A_272 : i32
      %iota3A_274 = tpu.iota {dimensions = array<i32: 0>} : vector<16xi32>
      %add3A_275 = vector.broadcast %add3A_273 : i32 to vector<16xi32>
      %add3A_276 = arith.addi %iota3A_274, %add3A_275 : vector<16xi32>
      %mul3A_277 = arith.constant 16 : i32
      %mul3A_278 = vector.broadcast %mul3A_277 : i32 to vector<16xi32>
      %mul3A_279 = arith.muli %add3A_276, %mul3A_278 : vector<16xi32>
      %get3A_280 = arith.constant 0 : i32
      %get3A_281 = arith.index_cast %get3A_280 : i32 to index
      %get3A_282 = arith.constant 96 : index
      %get3A_283 = tpu.vector_load %arg7[%get3A_281, %get3A_282] {strides = array<i32>} : memref<8x128xi32, #tpu.memory_space<vmem>>, vector<1x16xi32>,
      %get3A_284 = vector.shape_cast %get3A_283 : vector<1x16xi32> to vector<16xi32>
      %add3A_285 = arith.addi %mul3A_279, %get3A_284 : vector<16xi32>
      %swap3A_286 = arith.constant 0 : i32
      %swap3A_287 = arith.index_cast %swap3A_286 : i32 to index
      %swap3A_288 = arith.constant 96 : index
      %swap3A_289 = tpu.vector_load %arg9[%swap3A_287, %swap3A_288] {strides = array<i32>} : memref<8x128xi32, #tpu.memory_space<vmem>>, vector<1x16xi32>,
      %swap3A_290 = vector.shape_cast %swap3A_289 : vector<1x16xi32> to vector<16xi32>
      %swap3A_291 = vector.shape_cast %add3A_285 : vector<16xi32> to vector<1x16xi32>
      tpu.vector_store %arg9[%swap3A_287, %swap3A_288], %swap3A_291 {strides = array<i32>} : memref<8x128xi32, #tpu.memory_space<vmem>>, vector<1x16xi32>,
      %mul3A_292 = arith.constant 1024 : i32
      %mul3A_293 = arith.muli %arg1, %mul3A_292 : i32
      %add3A_294 = arith.constant 0 : i32
      %add3A_295 = arith.addi %mul3A_293, %add3A_294 : i32
      %add3A_296 = arith.constant 112 : i32
      %add3A_297 = arith.addi %add3A_295, %add3A_296 : i32
      %iota3A_298 = tpu.iota {dimensions = array<i32: 0>} : vector<16xi32>
      %add3A_299 = vector.broadcast %add3A_297 : i32 to vector<16xi32>
      %add3A_300 = arith.addi %iota3A_298, %add3A_299 : vector<16xi32>
      %mul3A_301 = arith.constant 16 : i32
      %mul3A_302 = vector.broadcast %mul3A_301 : i32 to vector<16xi32>
      %mul3A_303 = arith.muli %add3A_300, %mul3A_302 : vector<16xi32>
      %get3A_304 = arith.constant 0 : i32
      %get3A_305 = arith.index_cast %get3A_304 : i32 to index
      %get3A_306 = arith.constant 112 : index
      %get3A_307 = tpu.vector_load %arg7[%get3A_305, %get3A_306] {strides = array<i32>} : memref<8x128xi32, #tpu.memory_space<vmem>>, vector<1x16xi32>,
      %get3A_308 = vector.shape_cast %get3A_307 : vector<1x16xi32> to vector<16xi32>
      %add3A_309 = arith.addi %mul3A_303, %get3A_308 : vector<16xi32>
      %swap3A_310 = arith.constant 0 : i32
      %swap3A_311 = arith.index_cast %swap3A_310 : i32 to index
      %swap3A_312 = arith.constant 112 : index
      %swap3A_313 = tpu.vector_load %arg9[%swap3A_311, %swap3A_312] {strides = array<i32>} : memref<8x128xi32, #tpu.memory_space<vmem>>, vector<1x16xi32>,
      %swap3A_314 = vector.shape_cast %swap3A_313 : vector<1x16xi32> to vector<16xi32>
      %swap3A_315 = vector.shape_cast %add3A_309 : vector<16xi32> to vector<1x16xi32>
      tpu.vector_store %arg9[%swap3A_311, %swap3A_312], %swap3A_315 {strides = array<i32>} : memref<8x128xi32, #tpu.memory_space<vmem>>, vector<1x16xi32>,
      %mul3A_316 = arith.constant 1024 : i32
      %mul3A_317 = arith.muli %arg1, %mul3A_316 : i32
      %add3A_318 = arith.constant 128 : i32
      %add3A_319 = arith.addi %mul3A_317, %add3A_318 : i32
      %add3A_320 = arith.constant 0 : i32
      %add3A_321 = arith.addi %add3A_319, %add3A_320 : i32
      %iota3A_322 = tpu.iota {dimensions = array<i32: 0>} : vector<16xi32>
      %add3A_323 = vector.broadcast %add3A_321 : i32 to vector<16xi32>
      %add3A_324 = arith.addi %iota3A_322, %add3A_323 : vector<16xi32>
      %mul3A_325 = arith.constant 16 : i32
      %mul3A_326 = vector.broadcast %mul3A_325 : i32 to vector<16xi32>
      %mul3A_327 = arith.muli %add3A_324, %mul3A_326 : vector<16xi32>
      %get3A_328 = arith.constant 1 : i32
      %get3A_329 = arith.index_cast %get3A_328 : i32 to index
      %get3A_330 = arith.constant 0 : index
      %get3A_331 = tpu.vector_load %arg7[%get3A_329, %get3A_330] {strides = array<i32>} : memref<8x128xi32, #tpu.memory_space<vmem>>, vector<1x16xi32>,
      %get3A_332 = vector.shape_cast %get3A_331 : vector<1x16xi32> to vector<16xi32>
      %add3A_333 = arith.addi %mul3A_327, %get3A_332 : vector<16xi32>
      %swap3A_334 = arith.constant 1 : i32
      %swap3A_335 = arith.index_cast %swap3A_334 : i32 to index
      %swap3A_336 = arith.constant 0 : index
      %swap3A_337 = tpu.vector_load %arg9[%swap3A_335, %swap3A_336] {strides = array<i32>} : memref<8x128xi32, #tpu.memory_space<vmem>>, vector<1x16xi32>,
      %swap3A_338 = vector.shape_cast %swap3A_337 : vector<1x16xi32> to vector<16xi32>
      %swap3A_339 = vector.shape_cast %add3A_333 : vector<16xi32> to vector<1x16xi32>
      tpu.vector_store %arg9[%swap3A_335, %swap3A_336], %swap3A_339 {strides = array<i32>} : memref<8x128xi32, #tpu.memory_space<vmem>>, vector<1x16xi32>,
      %mul3A_340 = arith.constant 1024 : i32
      %mul3A_341 = arith.muli %arg1, %mul3A_340 : i32
      %add3A_342 = arith.constant 128 : i32
      %add3A_343 = arith.addi %mul3A_341, %add3A_342 : i32
      %add3A_344 = arith.constant 16 : i32
      %add3A_345 = arith.addi %add3A_343, %add3A_344 : i32
      %iota3A_346 = tpu.iota {dimensions = array<i32: 0>} : vector<16xi32>
      %add3A_347 = vector.broadcast %add3A_345 : i32 to vector<16xi32>
      %add3A_348 = arith.addi %iota3A_346, %add3A_347 : vector<16xi32>
      %mul3A_349 = arith.constant 16 : i32
      %mul3A_350 = vector.broadcast %mul3A_349 : i32 to vector<16xi32>
      %mul3A_351 = arith.muli %add3A_348, %mul3A_350 : vector<16xi32>
      %get3A_352 = arith.constant 1 : i32
      %get3A_353 = arith.index_cast %get3A_352 : i32 to index
      %get3A_354 = arith.constant 16 : index
      %get3A_355 = tpu.vector_load %arg7[%get3A_353, %get3A_354] {strides = array<i32>} : memref<8x128xi32, #tpu.memory_space<vmem>>, vector<1x16xi32>,
      %get3A_356 = vector.shape_cast %get3A_355 : vector<1x16xi32> to vector<16xi32>
      %add3A_357 = arith.addi %mul3A_351, %get3A_356 : vector<16xi32>
      %swap3A_358 = arith.constant 1 : i32
      %swap3A_359 = arith.index_cast %swap3A_358 : i32 to index
      %swap3A_360 = arith.constant 16 : index
      %swap3A_361 = tpu.vector_load %arg9[%swap3A_359, %swap3A_360] {strides = array<i32>} : memref<8x128xi32, #tpu.memory_space<vmem>>, vector<1x16xi32>,
      %swap3A_362 = vector.shape_cast %swap3A_361 : vector<1x16xi32> to vector<16xi32>
      %swap3A_363 = vector.shape_cast %add3A_357 : vector<16xi32> to vector<1x16xi32>
      tpu.vector_store %arg9[%swap3A_359, %swap3A_360], %swap3A_363 {strides = array<i32>} : memref<8x128xi32, #tpu.memory_space<vmem>>, vector<1x16xi32>,
      %mul3A_364 = arith.constant 1024 : i32
      %mul3A_365 = arith.muli %arg1, %mul3A_364 : i32
      %add3A_366 = arith.constant 128 : i32
      %add3A_367 = arith.addi %mul3A_365, %add3A_366 : i32
      %add3A_368 = arith.constant 32 : i32
      %add3A_369 = arith.addi %add3A_367, %add3A_368 : i32
      %iota3A_370 = tpu.iota {dimensions = array<i32: 0>} : vector<16xi32>
      %add3A_371 = vector.broadcast %add3A_369 : i32 to vector<16xi32>
      %add3A_372 = arith.addi %iota3A_370, %add3A_371 : vector<16xi32>
      %mul3A_373 = arith.constant 16 : i32
      %mul3A_374 = vector.broadcast %mul3A_373 : i32 to vector<16xi32>
      %mul3A_375 = arith.muli %add3A_372, %mul3A_374 : vector<16xi32>
      %get3A_376 = arith.constant 1 : i32
      %get3A_377 = arith.index_cast %get3A_376 : i32 to index
      %get3A_378 = arith.constant 32 : index
      %get3A_379 = tpu.vector_load %arg7[%get3A_377, %get3A_378] {strides = array<i32>} : memref<8x128xi32, #tpu.memory_space<vmem>>, vector<1x16xi32>,
      %get3A_380 = vector.shape_cast %get3A_379 : vector<1x16xi32> to vector<16xi32>
      %add3A_381 = arith.addi %mul3A_375, %get3A_380 : vector<16xi32>
      %swap3A_382 = arith.constant 1 : i32
      %swap3A_383 = arith.index_cast %swap3A_382 : i32 to index
      %swap3A_384 = arith.constant 32 : index
      %swap3A_385 = tpu.vector_load %arg9[%swap3A_383, %swap3A_384] {strides = array<i32>} : memref<8x128xi32, #tpu.memory_space<vmem>>, vector<1x16xi32>,
      %swap3A_386 = vector.shape_cast %swap3A_385 : vector<1x16xi32> to vector<16xi32>
      %swap3A_387 = vector.shape_cast %add3A_381 : vector<16xi32> to vector<1x16xi32>
      tpu.vector_store %arg9[%swap3A_383, %swap3A_384], %swap3A_387 {strides = array<i32>} : memref<8x128xi32, #tpu.memory_space<vmem>>, vector<1x16xi32>,
      %mul3A_388 = arith.constant 1024 : i32
      %mul3A_389 = arith.muli %arg1, %mul3A_388 : i32
      %add3A_390 = arith.constant 128 : i32
      %add3A_391 = arith.addi %mul3A_389, %add3A_390 : i32
      %add3A_392 = arith.constant 48 : i32
      %add3A_393 = arith.addi %add3A_391, %add3A_392 : i32
      %iota3A_394 = tpu.iota {dimensions = array<i32: 0>} : vector<16xi32>
      %add3A_395 = vector.broadcast %add3A_393 : i32 to vector<16xi32>
      %add3A_396 = arith.addi %iota3A_394, %add3A_395 : vector<16xi32>
      %mul3A_397 = arith.constant 16 : i32
      %mul3A_398 = vector.broadcast %mul3A_397 : i32 to vector<16xi32>
      %mul3A_399 = arith.muli %add3A_396, %mul3A_398 : vector<16xi32>
      %get3A_400 = arith.constant 1 : i32
      %get3A_401 = arith.index_cast %get3A_400 : i32 to index
      %get3A_402 = arith.constant 48 : index
      %get3A_403 = tpu.vector_load %arg7[%get3A_401, %get3A_402] {strides = array<i32>} : memref<8x128xi32, #tpu.memory_space<vmem>>, vector<1x16xi32>,
      %get3A_404 = vector.shape_cast %get3A_403 : vector<1x16xi32> to vector<16xi32>
      %add3A_405 = arith.addi %mul3A_399, %get3A_404 : vector<16xi32>
      %swap3A_406 = arith.constant 1 : i32
      %swap3A_407 = arith.index_cast %swap3A_406 : i32 to index
      %swap3A_408 = arith.constant 48 : index
      %swap3A_409 = tpu.vector_load %arg9[%swap3A_407, %swap3A_408] {strides = array<i32>} : memref<8x128xi32, #tpu.memory_space<vmem>>, vector<1x16xi32>,
      %swap3A_410 = vector.shape_cast %swap3A_409 : vector<1x16xi32> to vector<16xi32>
      %swap3A_411 = vector.shape_cast %add3A_405 : vector<16xi32> to vector<1x16xi32>
      tpu.vector_store %arg9[%swap3A_407, %swap3A_408], %swap3A_411 {strides = array<i32>} : memref<8x128xi32, #tpu.memory_space<vmem>>, vector<1x16xi32>,
      %mul3A_412 = arith.constant 1024 : i32
      %mul3A_413 = arith.muli %arg1, %mul3A_412 : i32
      %add3A_414 = arith.constant 128 : i32
      %add3A_415 = arith.addi %mul3A_413, %add3A_414 : i32
      %add3A_416 = arith.constant 64 : i32
      %add3A_417 = arith.addi %add3A_415, %add3A_416 : i32
      %iota3A_418 = tpu.iota {dimensions = array<i32: 0>} : vector<16xi32>
      %add3A_419 = vector.broadcast %add3A_417 : i32 to vector<16xi32>
      %add3A_420 = arith.addi %iota3A_418, %add3A_419 : vector<16xi32>
      %mul3A_421 = arith.constant 16 : i32
      %mul3A_422 = vector.broadcast %mul3A_421 : i32 to vector<16xi32>
      %mul3A_423 = arith.muli %add3A_420, %mul3A_422 : vector<16xi32>
      %get3A_424 = arith.constant 1 : i32
      %get3A_425 = arith.index_cast %get3A_424 : i32 to index
      %get3A_426 = arith.constant 64 : index
      %get3A_427 = tpu.vector_load %arg7[%get3A_425, %get3A_426] {strides = array<i32>} : memref<8x128xi32, #tpu.memory_space<vmem>>, vector<1x16xi32>,
      %get3A_428 = vector.shape_cast %get3A_427 : vector<1x16xi32> to vector<16xi32>
      %add3A_429 = arith.addi %mul3A_423, %get3A_428 : vector<16xi32>
      %swap3A_430 = arith.constant 1 : i32
      %swap3A_431 = arith.index_cast %swap3A_430 : i32 to index
      %swap3A_432 = arith.constant 64 : index
      %swap3A_433 = tpu.vector_load %arg9[%swap3A_431, %swap3A_432] {strides = array<i32>} : memref<8x128xi32, #tpu.memory_space<vmem>>, vector<1x16xi32>,
      %swap3A_434 = vector.shape_cast %swap3A_433 : vector<1x16xi32> to vector<16xi32>
      %swap3A_435 = vector.shape_cast %add3A_429 : vector<16xi32> to vector<1x16xi32>
      tpu.vector_store %arg9[%swap3A_431, %swap3A_432], %swap3A_435 {strides = array<i32>} : memref<8x128xi32, #tpu.memory_space<vmem>>, vector<1x16xi32>,
      %mul3A_436 = arith.constant 1024 : i32
      %mul3A_437 = arith.muli %arg1, %mul3A_436 : i32
      %add3A_438 = arith.constant 128 : i32
      %add3A_439 = arith.addi %mul3A_437, %add3A_438 : i32
      %add3A_440 = arith.constant 80 : i32
      %add3A_441 = arith.addi %add3A_439, %add3A_440 : i32
      %iota3A_442 = tpu.iota {dimensions = array<i32: 0>} : vector<16xi32>
      %add3A_443 = vector.broadcast %add3A_441 : i32 to vector<16xi32>
      %add3A_444 = arith.addi %iota3A_442, %add3A_443 : vector<16xi32>
      %mul3A_445 = arith.constant 16 : i32
      %mul3A_446 = vector.broadcast %mul3A_445 : i32 to vector<16xi32>
      %mul3A_447 = arith.muli %add3A_444, %mul3A_446 : vector<16xi32>
      %get3A_448 = arith.constant 1 : i32
      %get3A_449 = arith.index_cast %get3A_448 : i32 to index
      %get3A_450 = arith.constant 80 : index
      %get3A_451 = tpu.vector_load %arg7[%get3A_449, %get3A_450] {strides = array<i32>} : memref<8x128xi32, #tpu.memory_space<vmem>>, vector<1x16xi32>,
      %get3A_452 = vector.shape_cast %get3A_451 : vector<1x16xi32> to vector<16xi32>
      %add3A_453 = arith.addi %mul3A_447, %get3A_452 : vector<16xi32>
      %swap3A_454 = arith.constant 1 : i32
      %swap3A_455 = arith.index_cast %swap3A_454 : i32 to index
      %swap3A_456 = arith.constant 80 : index
      %swap3A_457 = tpu.vector_load %arg9[%swap3A_455, %swap3A_456] {strides = array<i32>} : memref<8x128xi32, #tpu.memory_space<vmem>>, vector<1x16xi32>,
      %swap3A_458 = vector.shape_cast %swap3A_457 : vector<1x16xi32> to vector<16xi32>
      %swap3A_459 = vector.shape_cast %add3A_453 : vector<16xi32> to vector<1x16xi32>
      tpu.vector_store %arg9[%swap3A_455, %swap3A_456], %swap3A_459 {strides = array<i32>} : memref<8x128xi32, #tpu.memory_space<vmem>>, vector<1x16xi32>,
      %mul3A_460 = arith.constant 1024 : i32
      %mul3A_461 = arith.muli %arg1, %mul3A_460 : i32
      %add3A_462 = arith.constant 128 : i32
      %add3A_463 = arith.addi %mul3A_461, %add3A_462 : i32
      %add3A_464 = arith.constant 96 : i32
      %add3A_465 = arith.addi %add3A_463, %add3A_464 : i32
      %iota3A_466 = tpu.iota {dimensions = array<i32: 0>} : vector<16xi32>
      %add3A_467 = vector.broadcast %add3A_465 : i32 to vector<16xi32>
      %add3A_468 = arith.addi %iota3A_466, %add3A_467 : vector<16xi32>
      %mul3A_469 = arith.constant 16 : i32
      %mul3A_470 = vector.broadcast %mul3A_469 : i32 to vector<16xi32>
      %mul3A_471 = arith.muli %add3A_468, %mul3A_470 : vector<16xi32>
      %get3A_472 = arith.constant 1 : i32
      %get3A_473 = arith.index_cast %get3A_472 : i32 to index
      %get3A_474 = arith.constant 96 : index
      %get3A_475 = tpu.vector_load %arg7[%get3A_473, %get3A_474] {strides = array<i32>} : memref<8x128xi32, #tpu.memory_space<vmem>>, vector<1x16xi32>,
      %get3A_476 = vector.shape_cast %get3A_475 : vector<1x16xi32> to vector<16xi32>
      %add3A_477 = arith.addi %mul3A_471, %get3A_476 : vector<16xi32>
      %swap3A_478 = arith.constant 1 : i32
      %swap3A_479 = arith.index_cast %swap3A_478 : i32 to index
      %swap3A_480 = arith.constant 96 : index
      %swap3A_481 = tpu.vector_load %arg9[%swap3A_479, %swap3A_480] {strides = array<i32>} : memref<8x128xi32, #tpu.memory_space<vmem>>, vector<1x16xi32>,
      %swap3A_482 = vector.shape_cast %swap3A_481 : vector<1x16xi32> to vector<16xi32>
      %swap3A_483 = vector.shape_cast %add3A_477 : vector<16xi32> to vector<1x16xi32>
      tpu.vector_store %arg9[%swap3A_479, %swap3A_480], %swap3A_483 {strides = array<i32>} : memref<8x128xi32, #tpu.memory_space<vmem>>, vector<1x16xi32>,
      %mul3A_484 = arith.constant 1024 : i32
      %mul3A_485 = arith.muli %arg1, %mul3A_484 : i32
      %add3A_486 = arith.constant 128 : i32
      %add3A_487 = arith.addi %mul3A_485, %add3A_486 : i32
      %add3A_488 = arith.constant 112 : i32
      %add3A_489 = arith.addi %add3A_487, %add3A_488 : i32
      %iota3A_490 = tpu.iota {dimensions = array<i32: 0>} : vector<16xi32>
      %add3A_491 = vector.broadcast %add3A_489 : i32 to vector<16xi32>
      %add3A_492 = arith.addi %iota3A_490, %add3A_491 : vector<16xi32>
      %mul3A_493 = arith.constant 16 : i32
      %mul3A_494 = vector.broadcast %mul3A_493 : i32 to vector<16xi32>
      %mul3A_495 = arith.muli %add3A_492, %mul3A_494 : vector<16xi32>
      %get3A_496 = arith.constant 1 : i32
      %get3A_497 = arith.index_cast %get3A_496 : i32 to index
      %get3A_498 = arith.constant 112 : index
      %get3A_499 = tpu.vector_load %arg7[%get3A_497, %get3A_498] {strides = array<i32>} : memref<8x128xi32, #tpu.memory_space<vmem>>, vector<1x16xi32>,
      %get3A_500 = vector.shape_cast %get3A_499 : vector<1x16xi32> to vector<16xi32>
      %add3A_501 = arith.addi %mul3A_495, %get3A_500 : vector<16xi32>
      %swap3A_502 = arith.constant 1 : i32
      %swap3A_503 = arith.index_cast %swap3A_502 : i32 to index
      %swap3A_504 = arith.constant 112 : index
      %swap3A_505 = tpu.vector_load %arg9[%swap3A_503, %swap3A_504] {strides = array<i32>} : memref<8x128xi32, #tpu.memory_space<vmem>>, vector<1x16xi32>,
      %swap3A_506 = vector.shape_cast %swap3A_505 : vector<1x16xi32> to vector<16xi32>
      %swap3A_507 = vector.shape_cast %add3A_501 : vector<16xi32> to vector<1x16xi32>
      tpu.vector_store %arg9[%swap3A_503, %swap3A_504], %swap3A_507 {strides = array<i32>} : memref<8x128xi32, #tpu.memory_space<vmem>>, vector<1x16xi32>,
      %mul3A_508 = arith.constant 1024 : i32
      %mul3A_509 = arith.muli %arg1, %mul3A_508 : i32
      %add3A_510 = arith.constant 256 : i32
      %add3A_511 = arith.addi %mul3A_509, %add3A_510 : i32
      %add3A_512 = arith.constant 0 : i32
      %add3A_513 = arith.addi %add3A_511, %add3A_512 : i32
      %iota3A_514 = tpu.iota {dimensions = array<i32: 0>} : vector<16xi32>
      %add3A_515 = vector.broadcast %add3A_513 : i32 to vector<16xi32>
      %add3A_516 = arith.addi %iota3A_514, %add3A_515 : vector<16xi32>
      %mul3A_517 = arith.constant 16 : i32
      %mul3A_518 = vector.broadcast %mul3A_517 : i32 to vector<16xi32>
      %mul3A_519 = arith.muli %add3A_516, %mul3A_518 : vector<16xi32>
      %get3A_520 = arith.constant 2 : i32
      %get3A_521 = arith.index_cast %get3A_520 : i32 to index
      %get3A_522 = arith.constant 0 : index
      %get3A_523 = tpu.vector_load %arg7[%get3A_521, %get3A_522] {strides = array<i32>} : memref<8x128xi32, #tpu.memory_space<vmem>>, vector<1x16xi32>,
      %get3A_524 = vector.shape_cast %get3A_523 : vector<1x16xi32> to vector<16xi32>
      %add3A_525 = arith.addi %mul3A_519, %get3A_524 : vector<16xi32>
      %swap3A_526 = arith.constant 2 : i32
      %swap3A_527 = arith.index_cast %swap3A_526 : i32 to index
      %swap3A_528 = arith.constant 0 : index
      %swap3A_529 = tpu.vector_load %arg9[%swap3A_527, %swap3A_528] {strides = array<i32>} : memref<8x128xi32, #tpu.memory_space<vmem>>, vector<1x16xi32>,
      %swap3A_530 = vector.shape_cast %swap3A_529 : vector<1x16xi32> to vector<16xi32>
      %swap3A_531 = vector.shape_cast %add3A_525 : vector<16xi32> to vector<1x16xi32>
      tpu.vector_store %arg9[%swap3A_527, %swap3A_528], %swap3A_531 {strides = array<i32>} : memref<8x128xi32, #tpu.memory_space<vmem>>, vector<1x16xi32>,
      %mul3A_532 = arith.constant 1024 : i32
      %mul3A_533 = arith.muli %arg1, %mul3A_532 : i32
      %add3A_534 = arith.constant 256 : i32
      %add3A_535 = arith.addi %mul3A_533, %add3A_534 : i32
      %add3A_536 = arith.constant 16 : i32
      %add3A_537 = arith.addi %add3A_535, %add3A_536 : i32
      %iota3A_538 = tpu.iota {dimensions = array<i32: 0>} : vector<16xi32>
      %add3A_539 = vector.broadcast %add3A_537 : i32 to vector<16xi32>
      %add3A_540 = arith.addi %iota3A_538, %add3A_539 : vector<16xi32>
      %mul3A_541 = arith.constant 16 : i32
      %mul3A_542 = vector.broadcast %mul3A_541 : i32 to vector<16xi32>
      %mul3A_543 = arith.muli %add3A_540, %mul3A_542 : vector<16xi32>
      %get3A_544 = arith.constant 2 : i32
      %get3A_545 = arith.index_cast %get3A_544 : i32 to index
      %get3A_546 = arith.constant 16 : index
      %get3A_547 = tpu.vector_load %arg7[%get3A_545, %get3A_546] {strides = array<i32>} : memref<8x128xi32, #tpu.memory_space<vmem>>, vector<1x16xi32>,
      %get3A_548 = vector.shape_cast %get3A_547 : vector<1x16xi32> to vector<16xi32>
      %add3A_549 = arith.addi %mul3A_543, %get3A_548 : vector<16xi32>
      %swap3A_550 = arith.constant 2 : i32
      %swap3A_551 = arith.index_cast %swap3A_550 : i32 to index
      %swap3A_552 = arith.constant 16 : index
      %swap3A_553 = tpu.vector_load %arg9[%swap3A_551, %swap3A_552] {strides = array<i32>} : memref<8x128xi32, #tpu.memory_space<vmem>>, vector<1x16xi32>,
      %swap3A_554 = vector.shape_cast %swap3A_553 : vector<1x16xi32> to vector<16xi32>
      %swap3A_555 = vector.shape_cast %add3A_549 : vector<16xi32> to vector<1x16xi32>
      tpu.vector_store %arg9[%swap3A_551, %swap3A_552], %swap3A_555 {strides = array<i32>} : memref<8x128xi32, #tpu.memory_space<vmem>>, vector<1x16xi32>,
      %mul3A_556 = arith.constant 1024 : i32
      %mul3A_557 = arith.muli %arg1, %mul3A_556 : i32
      %add3A_558 = arith.constant 256 : i32
      %add3A_559 = arith.addi %mul3A_557, %add3A_558 : i32
      %add3A_560 = arith.constant 32 : i32
      %add3A_561 = arith.addi %add3A_559, %add3A_560 : i32
      %iota3A_562 = tpu.iota {dimensions = array<i32: 0>} : vector<16xi32>
      %add3A_563 = vector.broadcast %add3A_561 : i32 to vector<16xi32>
      %add3A_564 = arith.addi %iota3A_562, %add3A_563 : vector<16xi32>
      %mul3A_565 = arith.constant 16 : i32
      %mul3A_566 = vector.broadcast %mul3A_565 : i32 to vector<16xi32>
      %mul3A_567 = arith.muli %add3A_564, %mul3A_566 : vector<16xi32>
      %get3A_568 = arith.constant 2 : i32
      %get3A_569 = arith.index_cast %get3A_568 : i32 to index
      %get3A_570 = arith.constant 32 : index
      %get3A_571 = tpu.vector_load %arg7[%get3A_569, %get3A_570] {strides = array<i32>} : memref<8x128xi32, #tpu.memory_space<vmem>>, vector<1x16xi32>,
      %get3A_572 = vector.shape_cast %get3A_571 : vector<1x16xi32> to vector<16xi32>
      %add3A_573 = arith.addi %mul3A_567, %get3A_572 : vector<16xi32>
      %swap3A_574 = arith.constant 2 : i32
      %swap3A_575 = arith.index_cast %swap3A_574 : i32 to index
      %swap3A_576 = arith.constant 32 : index
      %swap3A_577 = tpu.vector_load %arg9[%swap3A_575, %swap3A_576] {strides = array<i32>} : memref<8x128xi32, #tpu.memory_space<vmem>>, vector<1x16xi32>,
      %swap3A_578 = vector.shape_cast %swap3A_577 : vector<1x16xi32> to vector<16xi32>
      %swap3A_579 = vector.shape_cast %add3A_573 : vector<16xi32> to vector<1x16xi32>
      tpu.vector_store %arg9[%swap3A_575, %swap3A_576], %swap3A_579 {strides = array<i32>} : memref<8x128xi32, #tpu.memory_space<vmem>>, vector<1x16xi32>,
      %mul3A_580 = arith.constant 1024 : i32
      %mul3A_581 = arith.muli %arg1, %mul3A_580 : i32
      %add3A_582 = arith.constant 256 : i32
      %add3A_583 = arith.addi %mul3A_581, %add3A_582 : i32
      %add3A_584 = arith.constant 48 : i32
      %add3A_585 = arith.addi %add3A_583, %add3A_584 : i32
      %iota3A_586 = tpu.iota {dimensions = array<i32: 0>} : vector<16xi32>
      %add3A_587 = vector.broadcast %add3A_585 : i32 to vector<16xi32>
      %add3A_588 = arith.addi %iota3A_586, %add3A_587 : vector<16xi32>
      %mul3A_589 = arith.constant 16 : i32
      %mul3A_590 = vector.broadcast %mul3A_589 : i32 to vector<16xi32>
      %mul3A_591 = arith.muli %add3A_588, %mul3A_590 : vector<16xi32>
      %get3A_592 = arith.constant 2 : i32
      %get3A_593 = arith.index_cast %get3A_592 : i32 to index
      %get3A_594 = arith.constant 48 : index
      %get3A_595 = tpu.vector_load %arg7[%get3A_593, %get3A_594] {strides = array<i32>} : memref<8x128xi32, #tpu.memory_space<vmem>>, vector<1x16xi32>,
      %get3A_596 = vector.shape_cast %get3A_595 : vector<1x16xi32> to vector<16xi32>
      %add3A_597 = arith.addi %mul3A_591, %get3A_596 : vector<16xi32>
      %swap3A_598 = arith.constant 2 : i32
      %swap3A_599 = arith.index_cast %swap3A_598 : i32 to index
      %swap3A_600 = arith.constant 48 : index
      %swap3A_601 = tpu.vector_load %arg9[%swap3A_599, %swap3A_600] {strides = array<i32>} : memref<8x128xi32, #tpu.memory_space<vmem>>, vector<1x16xi32>,
      %swap3A_602 = vector.shape_cast %swap3A_601 : vector<1x16xi32> to vector<16xi32>
      %swap3A_603 = vector.shape_cast %add3A_597 : vector<16xi32> to vector<1x16xi32>
      tpu.vector_store %arg9[%swap3A_599, %swap3A_600], %swap3A_603 {strides = array<i32>} : memref<8x128xi32, #tpu.memory_space<vmem>>, vector<1x16xi32>,
      %mul3A_604 = arith.constant 1024 : i32
      %mul3A_605 = arith.muli %arg1, %mul3A_604 : i32
      %add3A_606 = arith.constant 256 : i32
      %add3A_607 = arith.addi %mul3A_605, %add3A_606 : i32
      %add3A_608 = arith.constant 64 : i32
      %add3A_609 = arith.addi %add3A_607, %add3A_608 : i32
      %iota3A_610 = tpu.iota {dimensions = array<i32: 0>} : vector<16xi32>
      %add3A_611 = vector.broadcast %add3A_609 : i32 to vector<16xi32>
      %add3A_612 = arith.addi %iota3A_610, %add3A_611 : vector<16xi32>
      %mul3A_613 = arith.constant 16 : i32
      %mul3A_614 = vector.broadcast %mul3A_613 : i32 to vector<16xi32>
      %mul3A_615 = arith.muli %add3A_612, %mul3A_614 : vector<16xi32>
      %get3A_616 = arith.constant 2 : i32
      %get3A_617 = arith.index_cast %get3A_616 : i32 to index
      %get3A_618 = arith.constant 64 : index
      %get3A_619 = tpu.vector_load %arg7[%get3A_617, %get3A_618] {strides = array<i32>} : memref<8x128xi32, #tpu.memory_space<vmem>>, vector<1x16xi32>,
      %get3A_620 = vector.shape_cast %get3A_619 : vector<1x16xi32> to vector<16xi32>
      %add3A_621 = arith.addi %mul3A_615, %get3A_620 : vector<16xi32>
      %swap3A_622 = arith.constant 2 : i32
      %swap3A_623 = arith.index_cast %swap3A_622 : i32 to index
      %swap3A_624 = arith.constant 64 : index
      %swap3A_625 = tpu.vector_load %arg9[%swap3A_623, %swap3A_624] {strides = array<i32>} : memref<8x128xi32, #tpu.memory_space<vmem>>, vector<1x16xi32>,
      %swap3A_626 = vector.shape_cast %swap3A_625 : vector<1x16xi32> to vector<16xi32>
      %swap3A_627 = vector.shape_cast %add3A_621 : vector<16xi32> to vector<1x16xi32>
      tpu.vector_store %arg9[%swap3A_623, %swap3A_624], %swap3A_627 {strides = array<i32>} : memref<8x128xi32, #tpu.memory_space<vmem>>, vector<1x16xi32>,
      %mul3A_628 = arith.constant 1024 : i32
      %mul3A_629 = arith.muli %arg1, %mul3A_628 : i32
      %add3A_630 = arith.constant 256 : i32
      %add3A_631 = arith.addi %mul3A_629, %add3A_630 : i32
      %add3A_632 = arith.constant 80 : i32
      %add3A_633 = arith.addi %add3A_631, %add3A_632 : i32
      %iota3A_634 = tpu.iota {dimensions = array<i32: 0>} : vector<16xi32>
      %add3A_635 = vector.broadcast %add3A_633 : i32 to vector<16xi32>
      %add3A_636 = arith.addi %iota3A_634, %add3A_635 : vector<16xi32>
      %mul3A_637 = arith.constant 16 : i32
      %mul3A_638 = vector.broadcast %mul3A_637 : i32 to vector<16xi32>
      %mul3A_639 = arith.muli %add3A_636, %mul3A_638 : vector<16xi32>
      %get3A_640 = arith.constant 2 : i32
      %get3A_641 = arith.index_cast %get3A_640 : i32 to index
      %get3A_642 = arith.constant 80 : index
      %get3A_643 = tpu.vector_load %arg7[%get3A_641, %get3A_642] {strides = array<i32>} : memref<8x128xi32, #tpu.memory_space<vmem>>, vector<1x16xi32>,
      %get3A_644 = vector.shape_cast %get3A_643 : vector<1x16xi32> to vector<16xi32>
      %add3A_645 = arith.addi %mul3A_639, %get3A_644 : vector<16xi32>
      %swap3A_646 = arith.constant 2 : i32
      %swap3A_647 = arith.index_cast %swap3A_646 : i32 to index
      %swap3A_648 = arith.constant 80 : index
      %swap3A_649 = tpu.vector_load %arg9[%swap3A_647, %swap3A_648] {strides = array<i32>} : memref<8x128xi32, #tpu.memory_space<vmem>>, vector<1x16xi32>,
      %swap3A_650 = vector.shape_cast %swap3A_649 : vector<1x16xi32> to vector<16xi32>
      %swap3A_651 = vector.shape_cast %add3A_645 : vector<16xi32> to vector<1x16xi32>
      tpu.vector_store %arg9[%swap3A_647, %swap3A_648], %swap3A_651 {strides = array<i32>} : memref<8x128xi32, #tpu.memory_space<vmem>>, vector<1x16xi32>,
      %mul3A_652 = arith.constant 1024 : i32
      %mul3A_653 = arith.muli %arg1, %mul3A_652 : i32
      %add3A_654 = arith.constant 256 : i32
      %add3A_655 = arith.addi %mul3A_653, %add3A_654 : i32
      %add3A_656 = arith.constant 96 : i32
      %add3A_657 = arith.addi %add3A_655, %add3A_656 : i32
      %iota3A_658 = tpu.iota {dimensions = array<i32: 0>} : vector<16xi32>
      %add3A_659 = vector.broadcast %add3A_657 : i32 to vector<16xi32>
      %add3A_660 = arith.addi %iota3A_658, %add3A_659 : vector<16xi32>
      %mul3A_661 = arith.constant 16 : i32
      %mul3A_662 = vector.broadcast %mul3A_661 : i32 to vector<16xi32>
      %mul3A_663 = arith.muli %add3A_660, %mul3A_662 : vector<16xi32>
      %get3A_664 = arith.constant 2 : i32
      %get3A_665 = arith.index_cast %get3A_664 : i32 to index
      %get3A_666 = arith.constant 96 : index
      %get3A_667 = tpu.vector_load %arg7[%get3A_665, %get3A_666] {strides = array<i32>} : memref<8x128xi32, #tpu.memory_space<vmem>>, vector<1x16xi32>,
      %get3A_668 = vector.shape_cast %get3A_667 : vector<1x16xi32> to vector<16xi32>
      %add3A_669 = arith.addi %mul3A_663, %get3A_668 : vector<16xi32>
      %swap3A_670 = arith.constant 2 : i32
      %swap3A_671 = arith.index_cast %swap3A_670 : i32 to index
      %swap3A_672 = arith.constant 96 : index
      %swap3A_673 = tpu.vector_load %arg9[%swap3A_671, %swap3A_672] {strides = array<i32>} : memref<8x128xi32, #tpu.memory_space<vmem>>, vector<1x16xi32>,
      %swap3A_674 = vector.shape_cast %swap3A_673 : vector<1x16xi32> to vector<16xi32>
      %swap3A_675 = vector.shape_cast %add3A_669 : vector<16xi32> to vector<1x16xi32>
      tpu.vector_store %arg9[%swap3A_671, %swap3A_672], %swap3A_675 {strides = array<i32>} : memref<8x128xi32, #tpu.memory_space<vmem>>, vector<1x16xi32>,
      %mul3A_676 = arith.constant 1024 : i32
      %mul3A_677 = arith.muli %arg1, %mul3A_676 : i32
      %add3A_678 = arith.constant 256 : i32
      %add3A_679 = arith.addi %mul3A_677, %add3A_678 : i32
      %add3A_680 = arith.constant 112 : i32
      %add3A_681 = arith.addi %add3A_679, %add3A_680 : i32
      %iota3A_682 = tpu.iota {dimensions = array<i32: 0>} : vector<16xi32>
      %add3A_683 = vector.broadcast %add3A_681 : i32 to vector<16xi32>
      %add3A_684 = arith.addi %iota3A_682, %add3A_683 : vector<16xi32>
      %mul3A_685 = arith.constant 16 : i32
      %mul3A_686 = vector.broadcast %mul3A_685 : i32 to vector<16xi32>
      %mul3A_687 = arith.muli %add3A_684, %mul3A_686 : vector<16xi32>
      %get3A_688 = arith.constant 2 : i32
      %get3A_689 = arith.index_cast %get3A_688 : i32 to index
      %get3A_690 = arith.constant 112 : index
      %get3A_691 = tpu.vector_load %arg7[%get3A_689, %get3A_690] {strides = array<i32>} : memref<8x128xi32, #tpu.memory_space<vmem>>, vector<1x16xi32>,
      %get3A_692 = vector.shape_cast %get3A_691 : vector<1x16xi32> to vector<16xi32>
      %add3A_693 = arith.addi %mul3A_687, %get3A_692 : vector<16xi32>
      %swap3A_694 = arith.constant 2 : i32
      %swap3A_695 = arith.index_cast %swap3A_694 : i32 to index
      %swap3A_696 = arith.constant 112 : index
      %swap3A_697 = tpu.vector_load %arg9[%swap3A_695, %swap3A_696] {strides = array<i32>} : memref<8x128xi32, #tpu.memory_space<vmem>>, vector<1x16xi32>,
      %swap3A_698 = vector.shape_cast %swap3A_697 : vector<1x16xi32> to vector<16xi32>
      %swap3A_699 = vector.shape_cast %add3A_693 : vector<16xi32> to vector<1x16xi32>
      tpu.vector_store %arg9[%swap3A_695, %swap3A_696], %swap3A_699 {strides = array<i32>} : memref<8x128xi32, #tpu.memory_space<vmem>>, vector<1x16xi32>,
      %mul3A_700 = arith.constant 1024 : i32
      %mul3A_701 = arith.muli %arg1, %mul3A_700 : i32
      %add3A_702 = arith.constant 384 : i32
      %add3A_703 = arith.addi %mul3A_701, %add3A_702 : i32
      %add3A_704 = arith.constant 0 : i32
      %add3A_705 = arith.addi %add3A_703, %add3A_704 : i32
      %iota3A_706 = tpu.iota {dimensions = array<i32: 0>} : vector<16xi32>
      %add3A_707 = vector.broadcast %add3A_705 : i32 to vector<16xi32>
      %add3A_708 = arith.addi %iota3A_706, %add3A_707 : vector<16xi32>
      %mul3A_709 = arith.constant 16 : i32
      %mul3A_710 = vector.broadcast %mul3A_709 : i32 to vector<16xi32>
      %mul3A_711 = arith.muli %add3A_708, %mul3A_710 : vector<16xi32>
      %get3A_712 = arith.constant 3 : i32
      %get3A_713 = arith.index_cast %get3A_712 : i32 to index
      %get3A_714 = arith.constant 0 : index
      %get3A_715 = tpu.vector_load %arg7[%get3A_713, %get3A_714] {strides = array<i32>} : memref<8x128xi32, #tpu.memory_space<vmem>>, vector<1x16xi32>,
      %get3A_716 = vector.shape_cast %get3A_715 : vector<1x16xi32> to vector<16xi32>
      %add3A_717 = arith.addi %mul3A_711, %get3A_716 : vector<16xi32>
      %swap3A_718 = arith.constant 3 : i32
      %swap3A_719 = arith.index_cast %swap3A_718 : i32 to index
      %swap3A_720 = arith.constant 0 : index
      %swap3A_721 = tpu.vector_load %arg9[%swap3A_719, %swap3A_720] {strides = array<i32>} : memref<8x128xi32, #tpu.memory_space<vmem>>, vector<1x16xi32>,
      %swap3A_722 = vector.shape_cast %swap3A_721 : vector<1x16xi32> to vector<16xi32>
      %swap3A_723 = vector.shape_cast %add3A_717 : vector<16xi32> to vector<1x16xi32>
      tpu.vector_store %arg9[%swap3A_719, %swap3A_720], %swap3A_723 {strides = array<i32>} : memref<8x128xi32, #tpu.memory_space<vmem>>, vector<1x16xi32>,
      %mul3A_724 = arith.constant 1024 : i32
      %mul3A_725 = arith.muli %arg1, %mul3A_724 : i32
      %add3A_726 = arith.constant 384 : i32
      %add3A_727 = arith.addi %mul3A_725, %add3A_726 : i32
      %add3A_728 = arith.constant 16 : i32
      %add3A_729 = arith.addi %add3A_727, %add3A_728 : i32
      %iota3A_730 = tpu.iota {dimensions = array<i32: 0>} : vector<16xi32>
      %add3A_731 = vector.broadcast %add3A_729 : i32 to vector<16xi32>
      %add3A_732 = arith.addi %iota3A_730, %add3A_731 : vector<16xi32>
      %mul3A_733 = arith.constant 16 : i32
      %mul3A_734 = vector.broadcast %mul3A_733 : i32 to vector<16xi32>
      %mul3A_735 = arith.muli %add3A_732, %mul3A_734 : vector<16xi32>
      %get3A_736 = arith.constant 3 : i32
      %get3A_737 = arith.index_cast %get3A_736 : i32 to index
      %get3A_738 = arith.constant 16 : index
      %get3A_739 = tpu.vector_load %arg7[%get3A_737, %get3A_738] {strides = array<i32>} : memref<8x128xi32, #tpu.memory_space<vmem>>, vector<1x16xi32>,
      %get3A_740 = vector.shape_cast %get3A_739 : vector<1x16xi32> to vector<16xi32>
      %add3A_741 = arith.addi %mul3A_735, %get3A_740 : vector<16xi32>
      %swap3A_742 = arith.constant 3 : i32
      %swap3A_743 = arith.index_cast %swap3A_742 : i32 to index
      %swap3A_744 = arith.constant 16 : index
      %swap3A_745 = tpu.vector_load %arg9[%swap3A_743, %swap3A_744] {strides = array<i32>} : memref<8x128xi32, #tpu.memory_space<vmem>>, vector<1x16xi32>,
      %swap3A_746 = vector.shape_cast %swap3A_745 : vector<1x16xi32> to vector<16xi32>
      %swap3A_747 = vector.shape_cast %add3A_741 : vector<16xi32> to vector<1x16xi32>
      tpu.vector_store %arg9[%swap3A_743, %swap3A_744], %swap3A_747 {strides = array<i32>} : memref<8x128xi32, #tpu.memory_space<vmem>>, vector<1x16xi32>,
      %mul3A_748 = arith.constant 1024 : i32
      %mul3A_749 = arith.muli %arg1, %mul3A_748 : i32
      %add3A_750 = arith.constant 384 : i32
      %add3A_751 = arith.addi %mul3A_749, %add3A_750 : i32
      %add3A_752 = arith.constant 32 : i32
      %add3A_753 = arith.addi %add3A_751, %add3A_752 : i32
      %iota3A_754 = tpu.iota {dimensions = array<i32: 0>} : vector<16xi32>
      %add3A_755 = vector.broadcast %add3A_753 : i32 to vector<16xi32>
      %add3A_756 = arith.addi %iota3A_754, %add3A_755 : vector<16xi32>
      %mul3A_757 = arith.constant 16 : i32
      %mul3A_758 = vector.broadcast %mul3A_757 : i32 to vector<16xi32>
      %mul3A_759 = arith.muli %add3A_756, %mul3A_758 : vector<16xi32>
      %get3A_760 = arith.constant 3 : i32
      %get3A_761 = arith.index_cast %get3A_760 : i32 to index
      %get3A_762 = arith.constant 32 : index
      %get3A_763 = tpu.vector_load %arg7[%get3A_761, %get3A_762] {strides = array<i32>} : memref<8x128xi32, #tpu.memory_space<vmem>>, vector<1x16xi32>,
      %get3A_764 = vector.shape_cast %get3A_763 : vector<1x16xi32> to vector<16xi32>
      %add3A_765 = arith.addi %mul3A_759, %get3A_764 : vector<16xi32>
      %swap3A_766 = arith.constant 3 : i32
      %swap3A_767 = arith.index_cast %swap3A_766 : i32 to index
      %swap3A_768 = arith.constant 32 : index
      %swap3A_769 = tpu.vector_load %arg9[%swap3A_767, %swap3A_768] {strides = array<i32>} : memref<8x128xi32, #tpu.memory_space<vmem>>, vector<1x16xi32>,
      %swap3A_770 = vector.shape_cast %swap3A_769 : vector<1x16xi32> to vector<16xi32>
      %swap3A_771 = vector.shape_cast %add3A_765 : vector<16xi32> to vector<1x16xi32>
      tpu.vector_store %arg9[%swap3A_767, %swap3A_768], %swap3A_771 {strides = array<i32>} : memref<8x128xi32, #tpu.memory_space<vmem>>, vector<1x16xi32>,
      %mul3A_772 = arith.constant 1024 : i32
      %mul3A_773 = arith.muli %arg1, %mul3A_772 : i32
      %add3A_774 = arith.constant 384 : i32
      %add3A_775 = arith.addi %mul3A_773, %add3A_774 : i32
      %add3A_776 = arith.constant 48 : i32
      %add3A_777 = arith.addi %add3A_775, %add3A_776 : i32
      %iota3A_778 = tpu.iota {dimensions = array<i32: 0>} : vector<16xi32>
      %add3A_779 = vector.broadcast %add3A_777 : i32 to vector<16xi32>
      %add3A_780 = arith.addi %iota3A_778, %add3A_779 : vector<16xi32>
      %mul3A_781 = arith.constant 16 : i32
      %mul3A_782 = vector.broadcast %mul3A_781 : i32 to vector<16xi32>
      %mul3A_783 = arith.muli %add3A_780, %mul3A_782 : vector<16xi32>
      %get3A_784 = arith.constant 3 : i32
      %get3A_785 = arith.index_cast %get3A_784 : i32 to index
      %get3A_786 = arith.constant 48 : index
      %get3A_787 = tpu.vector_load %arg7[%get3A_785, %get3A_786] {strides = array<i32>} : memref<8x128xi32, #tpu.memory_space<vmem>>, vector<1x16xi32>,
      %get3A_788 = vector.shape_cast %get3A_787 : vector<1x16xi32> to vector<16xi32>
      %add3A_789 = arith.addi %mul3A_783, %get3A_788 : vector<16xi32>
      %swap3A_790 = arith.constant 3 : i32
      %swap3A_791 = arith.index_cast %swap3A_790 : i32 to index
      %swap3A_792 = arith.constant 48 : index
      %swap3A_793 = tpu.vector_load %arg9[%swap3A_791, %swap3A_792] {strides = array<i32>} : memref<8x128xi32, #tpu.memory_space<vmem>>, vector<1x16xi32>,
      %swap3A_794 = vector.shape_cast %swap3A_793 : vector<1x16xi32> to vector<16xi32>
      %swap3A_795 = vector.shape_cast %add3A_789 : vector<16xi32> to vector<1x16xi32>
      tpu.vector_store %arg9[%swap3A_791, %swap3A_792], %swap3A_795 {strides = array<i32>} : memref<8x128xi32, #tpu.memory_space<vmem>>, vector<1x16xi32>,
      %mul3A_796 = arith.constant 1024 : i32
      %mul3A_797 = arith.muli %arg1, %mul3A_796 : i32
      %add3A_798 = arith.constant 384 : i32
      %add3A_799 = arith.addi %mul3A_797, %add3A_798 : i32
      %add3A_800 = arith.constant 64 : i32
      %add3A_801 = arith.addi %add3A_799, %add3A_800 : i32
      %iota3A_802 = tpu.iota {dimensions = array<i32: 0>} : vector<16xi32>
      %add3A_803 = vector.broadcast %add3A_801 : i32 to vector<16xi32>
      %add3A_804 = arith.addi %iota3A_802, %add3A_803 : vector<16xi32>
      %mul3A_805 = arith.constant 16 : i32
      %mul3A_806 = vector.broadcast %mul3A_805 : i32 to vector<16xi32>
      %mul3A_807 = arith.muli %add3A_804, %mul3A_806 : vector<16xi32>
      %get3A_808 = arith.constant 3 : i32
      %get3A_809 = arith.index_cast %get3A_808 : i32 to index
      %get3A_810 = arith.constant 64 : index
      %get3A_811 = tpu.vector_load %arg7[%get3A_809, %get3A_810] {strides = array<i32>} : memref<8x128xi32, #tpu.memory_space<vmem>>, vector<1x16xi32>,
      %get3A_812 = vector.shape_cast %get3A_811 : vector<1x16xi32> to vector<16xi32>
      %add3A_813 = arith.addi %mul3A_807, %get3A_812 : vector<16xi32>
      %swap3A_814 = arith.constant 3 : i32
      %swap3A_815 = arith.index_cast %swap3A_814 : i32 to index
      %swap3A_816 = arith.constant 64 : index
      %swap3A_817 = tpu.vector_load %arg9[%swap3A_815, %swap3A_816] {strides = array<i32>} : memref<8x128xi32, #tpu.memory_space<vmem>>, vector<1x16xi32>,
      %swap3A_818 = vector.shape_cast %swap3A_817 : vector<1x16xi32> to vector<16xi32>
      %swap3A_819 = vector.shape_cast %add3A_813 : vector<16xi32> to vector<1x16xi32>
      tpu.vector_store %arg9[%swap3A_815, %swap3A_816], %swap3A_819 {strides = array<i32>} : memref<8x128xi32, #tpu.memory_space<vmem>>, vector<1x16xi32>,
      %mul3A_820 = arith.constant 1024 : i32
      %mul3A_821 = arith.muli %arg1, %mul3A_820 : i32
      %add3A_822 = arith.constant 384 : i32
      %add3A_823 = arith.addi %mul3A_821, %add3A_822 : i32
      %add3A_824 = arith.constant 80 : i32
      %add3A_825 = arith.addi %add3A_823, %add3A_824 : i32
      %iota3A_826 = tpu.iota {dimensions = array<i32: 0>} : vector<16xi32>
      %add3A_827 = vector.broadcast %add3A_825 : i32 to vector<16xi32>
      %add3A_828 = arith.addi %iota3A_826, %add3A_827 : vector<16xi32>
      %mul3A_829 = arith.constant 16 : i32
      %mul3A_830 = vector.broadcast %mul3A_829 : i32 to vector<16xi32>
      %mul3A_831 = arith.muli %add3A_828, %mul3A_830 : vector<16xi32>
      %get3A_832 = arith.constant 3 : i32
      %get3A_833 = arith.index_cast %get3A_832 : i32 to index
      %get3A_834 = arith.constant 80 : index
      %get3A_835 = tpu.vector_load %arg7[%get3A_833, %get3A_834] {strides = array<i32>} : memref<8x128xi32, #tpu.memory_space<vmem>>, vector<1x16xi32>,
      %get3A_836 = vector.shape_cast %get3A_835 : vector<1x16xi32> to vector<16xi32>
      %add3A_837 = arith.addi %mul3A_831, %get3A_836 : vector<16xi32>
      %swap3A_838 = arith.constant 3 : i32
      %swap3A_839 = arith.index_cast %swap3A_838 : i32 to index
      %swap3A_840 = arith.constant 80 : index
      %swap3A_841 = tpu.vector_load %arg9[%swap3A_839, %swap3A_840] {strides = array<i32>} : memref<8x128xi32, #tpu.memory_space<vmem>>, vector<1x16xi32>,
      %swap3A_842 = vector.shape_cast %swap3A_841 : vector<1x16xi32> to vector<16xi32>
      %swap3A_843 = vector.shape_cast %add3A_837 : vector<16xi32> to vector<1x16xi32>
      tpu.vector_store %arg9[%swap3A_839, %swap3A_840], %swap3A_843 {strides = array<i32>} : memref<8x128xi32, #tpu.memory_space<vmem>>, vector<1x16xi32>,
      %mul3A_844 = arith.constant 1024 : i32
      %mul3A_845 = arith.muli %arg1, %mul3A_844 : i32
      %add3A_846 = arith.constant 384 : i32
      %add3A_847 = arith.addi %mul3A_845, %add3A_846 : i32
      %add3A_848 = arith.constant 96 : i32
      %add3A_849 = arith.addi %add3A_847, %add3A_848 : i32
      %iota3A_850 = tpu.iota {dimensions = array<i32: 0>} : vector<16xi32>
      %add3A_851 = vector.broadcast %add3A_849 : i32 to vector<16xi32>
      %add3A_852 = arith.addi %iota3A_850, %add3A_851 : vector<16xi32>
      %mul3A_853 = arith.constant 16 : i32
      %mul3A_854 = vector.broadcast %mul3A_853 : i32 to vector<16xi32>
      %mul3A_855 = arith.muli %add3A_852, %mul3A_854 : vector<16xi32>
      %get3A_856 = arith.constant 3 : i32
      %get3A_857 = arith.index_cast %get3A_856 : i32 to index
      %get3A_858 = arith.constant 96 : index
      %get3A_859 = tpu.vector_load %arg7[%get3A_857, %get3A_858] {strides = array<i32>} : memref<8x128xi32, #tpu.memory_space<vmem>>, vector<1x16xi32>,
      %get3A_860 = vector.shape_cast %get3A_859 : vector<1x16xi32> to vector<16xi32>
      %add3A_861 = arith.addi %mul3A_855, %get3A_860 : vector<16xi32>
      %swap3A_862 = arith.constant 3 : i32
      %swap3A_863 = arith.index_cast %swap3A_862 : i32 to index
      %swap3A_864 = arith.constant 96 : index
      %swap3A_865 = tpu.vector_load %arg9[%swap3A_863, %swap3A_864] {strides = array<i32>} : memref<8x128xi32, #tpu.memory_space<vmem>>, vector<1x16xi32>,
      %swap3A_866 = vector.shape_cast %swap3A_865 : vector<1x16xi32> to vector<16xi32>
      %swap3A_867 = vector.shape_cast %add3A_861 : vector<16xi32> to vector<1x16xi32>
      tpu.vector_store %arg9[%swap3A_863, %swap3A_864], %swap3A_867 {strides = array<i32>} : memref<8x128xi32, #tpu.memory_space<vmem>>, vector<1x16xi32>,
      %mul3A_868 = arith.constant 1024 : i32
      %mul3A_869 = arith.muli %arg1, %mul3A_868 : i32
      %add3A_870 = arith.constant 384 : i32
      %add3A_871 = arith.addi %mul3A_869, %add3A_870 : i32
      %add3A_872 = arith.constant 112 : i32
      %add3A_873 = arith.addi %add3A_871, %add3A_872 : i32
      %iota3A_874 = tpu.iota {dimensions = array<i32: 0>} : vector<16xi32>
      %add3A_875 = vector.broadcast %add3A_873 : i32 to vector<16xi32>
      %add3A_876 = arith.addi %iota3A_874, %add3A_875 : vector<16xi32>
      %mul3A_877 = arith.constant 16 : i32
      %mul3A_878 = vector.broadcast %mul3A_877 : i32 to vector<16xi32>
      %mul3A_879 = arith.muli %add3A_876, %mul3A_878 : vector<16xi32>
      %get3A_880 = arith.constant 3 : i32
      %get3A_881 = arith.index_cast %get3A_880 : i32 to index
      %get3A_882 = arith.constant 112 : index
      %get3A_883 = tpu.vector_load %arg7[%get3A_881, %get3A_882] {strides = array<i32>} : memref<8x128xi32, #tpu.memory_space<vmem>>, vector<1x16xi32>,
      %get3A_884 = vector.shape_cast %get3A_883 : vector<1x16xi32> to vector<16xi32>
      %add3A_885 = arith.addi %mul3A_879, %get3A_884 : vector<16xi32>
      %swap3A_886 = arith.constant 3 : i32
      %swap3A_887 = arith.index_cast %swap3A_886 : i32 to index
      %swap3A_888 = arith.constant 112 : index
      %swap3A_889 = tpu.vector_load %arg9[%swap3A_887, %swap3A_888] {strides = array<i32>} : memref<8x128xi32, #tpu.memory_space<vmem>>, vector<1x16xi32>,
      %swap3A_890 = vector.shape_cast %swap3A_889 : vector<1x16xi32> to vector<16xi32>
      %swap3A_891 = vector.shape_cast %add3A_885 : vector<16xi32> to vector<1x16xi32>
      tpu.vector_store %arg9[%swap3A_887, %swap3A_888], %swap3A_891 {strides = array<i32>} : memref<8x128xi32, #tpu.memory_space<vmem>>, vector<1x16xi32>,
      %mul3A_892 = arith.constant 1024 : i32
      %mul3A_893 = arith.muli %arg1, %mul3A_892 : i32
      %add3A_894 = arith.constant 512 : i32
      %add3A_895 = arith.addi %mul3A_893, %add3A_894 : i32
      %add3A_896 = arith.constant 0 : i32
      %add3A_897 = arith.addi %add3A_895, %add3A_896 : i32
      %iota3A_898 = tpu.iota {dimensions = array<i32: 0>} : vector<16xi32>
      %add3A_899 = vector.broadcast %add3A_897 : i32 to vector<16xi32>
      %add3A_900 = arith.addi %iota3A_898, %add3A_899 : vector<16xi32>
      %mul3A_901 = arith.constant 16 : i32
      %mul3A_902 = vector.broadcast %mul3A_901 : i32 to vector<16xi32>
      %mul3A_903 = arith.muli %add3A_900, %mul3A_902 : vector<16xi32>
      %get3A_904 = arith.constant 4 : i32
      %get3A_905 = arith.index_cast %get3A_904 : i32 to index
      %get3A_906 = arith.constant 0 : index
      %get3A_907 = tpu.vector_load %arg7[%get3A_905, %get3A_906] {strides = array<i32>} : memref<8x128xi32, #tpu.memory_space<vmem>>, vector<1x16xi32>,
      %get3A_908 = vector.shape_cast %get3A_907 : vector<1x16xi32> to vector<16xi32>
      %add3A_909 = arith.addi %mul3A_903, %get3A_908 : vector<16xi32>
      %swap3A_910 = arith.constant 4 : i32
      %swap3A_911 = arith.index_cast %swap3A_910 : i32 to index
      %swap3A_912 = arith.constant 0 : index
      %swap3A_913 = tpu.vector_load %arg9[%swap3A_911, %swap3A_912] {strides = array<i32>} : memref<8x128xi32, #tpu.memory_space<vmem>>, vector<1x16xi32>,
      %swap3A_914 = vector.shape_cast %swap3A_913 : vector<1x16xi32> to vector<16xi32>
      %swap3A_915 = vector.shape_cast %add3A_909 : vector<16xi32> to vector<1x16xi32>
      tpu.vector_store %arg9[%swap3A_911, %swap3A_912], %swap3A_915 {strides = array<i32>} : memref<8x128xi32, #tpu.memory_space<vmem>>, vector<1x16xi32>,
      %mul3A_916 = arith.constant 1024 : i32
      %mul3A_917 = arith.muli %arg1, %mul3A_916 : i32
      %add3A_918 = arith.constant 512 : i32
      %add3A_919 = arith.addi %mul3A_917, %add3A_918 : i32
      %add3A_920 = arith.constant 16 : i32
      %add3A_921 = arith.addi %add3A_919, %add3A_920 : i32
      %iota3A_922 = tpu.iota {dimensions = array<i32: 0>} : vector<16xi32>
      %add3A_923 = vector.broadcast %add3A_921 : i32 to vector<16xi32>
      %add3A_924 = arith.addi %iota3A_922, %add3A_923 : vector<16xi32>
      %mul3A_925 = arith.constant 16 : i32
      %mul3A_926 = vector.broadcast %mul3A_925 : i32 to vector<16xi32>
      %mul3A_927 = arith.muli %add3A_924, %mul3A_926 : vector<16xi32>
      %get3A_928 = arith.constant 4 : i32
      %get3A_929 = arith.index_cast %get3A_928 : i32 to index
      %get3A_930 = arith.constant 16 : index
      %get3A_931 = tpu.vector_load %arg7[%get3A_929, %get3A_930] {strides = array<i32>} : memref<8x128xi32, #tpu.memory_space<vmem>>, vector<1x16xi32>,
      %get3A_932 = vector.shape_cast %get3A_931 : vector<1x16xi32> to vector<16xi32>
      %add3A_933 = arith.addi %mul3A_927, %get3A_932 : vector<16xi32>
      %swap3A_934 = arith.constant 4 : i32
      %swap3A_935 = arith.index_cast %swap3A_934 : i32 to index
      %swap3A_936 = arith.constant 16 : index
      %swap3A_937 = tpu.vector_load %arg9[%swap3A_935, %swap3A_936] {strides = array<i32>} : memref<8x128xi32, #tpu.memory_space<vmem>>, vector<1x16xi32>,
      %swap3A_938 = vector.shape_cast %swap3A_937 : vector<1x16xi32> to vector<16xi32>
      %swap3A_939 = vector.shape_cast %add3A_933 : vector<16xi32> to vector<1x16xi32>
      tpu.vector_store %arg9[%swap3A_935, %swap3A_936], %swap3A_939 {strides = array<i32>} : memref<8x128xi32, #tpu.memory_space<vmem>>, vector<1x16xi32>,
      %mul3A_940 = arith.constant 1024 : i32
      %mul3A_941 = arith.muli %arg1, %mul3A_940 : i32
      %add3A_942 = arith.constant 512 : i32
      %add3A_943 = arith.addi %mul3A_941, %add3A_942 : i32
      %add3A_944 = arith.constant 32 : i32
      %add3A_945 = arith.addi %add3A_943, %add3A_944 : i32
      %iota3A_946 = tpu.iota {dimensions = array<i32: 0>} : vector<16xi32>
      %add3A_947 = vector.broadcast %add3A_945 : i32 to vector<16xi32>
      %add3A_948 = arith.addi %iota3A_946, %add3A_947 : vector<16xi32>
      %mul3A_949 = arith.constant 16 : i32
      %mul3A_950 = vector.broadcast %mul3A_949 : i32 to vector<16xi32>
      %mul3A_951 = arith.muli %add3A_948, %mul3A_950 : vector<16xi32>
      %get3A_952 = arith.constant 4 : i32
      %get3A_953 = arith.index_cast %get3A_952 : i32 to index
      %get3A_954 = arith.constant 32 : index
      %get3A_955 = tpu.vector_load %arg7[%get3A_953, %get3A_954] {strides = array<i32>} : memref<8x128xi32, #tpu.memory_space<vmem>>, vector<1x16xi32>,
      %get3A_956 = vector.shape_cast %get3A_955 : vector<1x16xi32> to vector<16xi32>
      %add3A_957 = arith.addi %mul3A_951, %get3A_956 : vector<16xi32>
      %swap3A_958 = arith.constant 4 : i32
      %swap3A_959 = arith.index_cast %swap3A_958 : i32 to index
      %swap3A_960 = arith.constant 32 : index
      %swap3A_961 = tpu.vector_load %arg9[%swap3A_959, %swap3A_960] {strides = array<i32>} : memref<8x128xi32, #tpu.memory_space<vmem>>, vector<1x16xi32>,
      %swap3A_962 = vector.shape_cast %swap3A_961 : vector<1x16xi32> to vector<16xi32>
      %swap3A_963 = vector.shape_cast %add3A_957 : vector<16xi32> to vector<1x16xi32>
      tpu.vector_store %arg9[%swap3A_959, %swap3A_960], %swap3A_963 {strides = array<i32>} : memref<8x128xi32, #tpu.memory_space<vmem>>, vector<1x16xi32>,
      %mul3A_964 = arith.constant 1024 : i32
      %mul3A_965 = arith.muli %arg1, %mul3A_964 : i32
      %add3A_966 = arith.constant 512 : i32
      %add3A_967 = arith.addi %mul3A_965, %add3A_966 : i32
      %add3A_968 = arith.constant 48 : i32
      %add3A_969 = arith.addi %add3A_967, %add3A_968 : i32
      %iota3A_970 = tpu.iota {dimensions = array<i32: 0>} : vector<16xi32>
      %add3A_971 = vector.broadcast %add3A_969 : i32 to vector<16xi32>
      %add3A_972 = arith.addi %iota3A_970, %add3A_971 : vector<16xi32>
      %mul3A_973 = arith.constant 16 : i32
      %mul3A_974 = vector.broadcast %mul3A_973 : i32 to vector<16xi32>
      %mul3A_975 = arith.muli %add3A_972, %mul3A_974 : vector<16xi32>
      %get3A_976 = arith.constant 4 : i32
      %get3A_977 = arith.index_cast %get3A_976 : i32 to index
      %get3A_978 = arith.constant 48 : index
      %get3A_979 = tpu.vector_load %arg7[%get3A_977, %get3A_978] {strides = array<i32>} : memref<8x128xi32, #tpu.memory_space<vmem>>, vector<1x16xi32>,
      %get3A_980 = vector.shape_cast %get3A_979 : vector<1x16xi32> to vector<16xi32>
      %add3A_981 = arith.addi %mul3A_975, %get3A_980 : vector<16xi32>
      %swap3A_982 = arith.constant 4 : i32
      %swap3A_983 = arith.index_cast %swap3A_982 : i32 to index
      %swap3A_984 = arith.constant 48 : index
      %swap3A_985 = tpu.vector_load %arg9[%swap3A_983, %swap3A_984] {strides = array<i32>} : memref<8x128xi32, #tpu.memory_space<vmem>>, vector<1x16xi32>,
      %swap3A_986 = vector.shape_cast %swap3A_985 : vector<1x16xi32> to vector<16xi32>
      %swap3A_987 = vector.shape_cast %add3A_981 : vector<16xi32> to vector<1x16xi32>
      tpu.vector_store %arg9[%swap3A_983, %swap3A_984], %swap3A_987 {strides = array<i32>} : memref<8x128xi32, #tpu.memory_space<vmem>>, vector<1x16xi32>,
      %mul3A_988 = arith.constant 1024 : i32
      %mul3A_989 = arith.muli %arg1, %mul3A_988 : i32
      %add3A_990 = arith.constant 512 : i32
      %add3A_991 = arith.addi %mul3A_989, %add3A_990 : i32
      %add3A_992 = arith.constant 64 : i32
      %add3A_993 = arith.addi %add3A_991, %add3A_992 : i32
      %iota3A_994 = tpu.iota {dimensions = array<i32: 0>} : vector<16xi32>
      %add3A_995 = vector.broadcast %add3A_993 : i32 to vector<16xi32>
      %add3A_996 = arith.addi %iota3A_994, %add3A_995 : vector<16xi32>
      %mul3A_997 = arith.constant 16 : i32
      %mul3A_998 = vector.broadcast %mul3A_997 : i32 to vector<16xi32>
      %mul3A_999 = arith.muli %add3A_996, %mul3A_998 : vector<16xi32>
      %get3A_1000 = arith.constant 4 : i32
      %get3A_1001 = arith.index_cast %get3A_1000 : i32 to index
      %get3A_1002 = arith.constant 64 : index
      %get3A_1003 = tpu.vector_load %arg7[%get3A_1001, %get3A_1002] {strides = array<i32>} : memref<8x128xi32, #tpu.memory_space<vmem>>, vector<1x16xi32>,
      %get3A_1004 = vector.shape_cast %get3A_1003 : vector<1x16xi32> to vector<16xi32>
      %add3A_1005 = arith.addi %mul3A_999, %get3A_1004 : vector<16xi32>
      %swap3A_1006 = arith.constant 4 : i32
      %swap3A_1007 = arith.index_cast %swap3A_1006 : i32 to index
      %swap3A_1008 = arith.constant 64 : index
      %swap3A_1009 = tpu.vector_load %arg9[%swap3A_1007, %swap3A_1008] {strides = array<i32>} : memref<8x128xi32, #tpu.memory_space<vmem>>, vector<1x16xi32>,
      %swap3A_1010 = vector.shape_cast %swap3A_1009 : vector<1x16xi32> to vector<16xi32>
      %swap3A_1011 = vector.shape_cast %add3A_1005 : vector<16xi32> to vector<1x16xi32>
      tpu.vector_store %arg9[%swap3A_1007, %swap3A_1008], %swap3A_1011 {strides = array<i32>} : memref<8x128xi32, #tpu.memory_space<vmem>>, vector<1x16xi32>,
      %mul3A_1012 = arith.constant 1024 : i32
      %mul3A_1013 = arith.muli %arg1, %mul3A_1012 : i32
      %add3A_1014 = arith.constant 512 : i32
      %add3A_1015 = arith.addi %mul3A_1013, %add3A_1014 : i32
      %add3A_1016 = arith.constant 80 : i32
      %add3A_1017 = arith.addi %add3A_1015, %add3A_1016 : i32
      %iota3A_1018 = tpu.iota {dimensions = array<i32: 0>} : vector<16xi32>
      %add3A_1019 = vector.broadcast %add3A_1017 : i32 to vector<16xi32>
      %add3A_1020 = arith.addi %iota3A_1018, %add3A_1019 : vector<16xi32>
      %mul3A_1021 = arith.constant 16 : i32
      %mul3A_1022 = vector.broadcast %mul3A_1021 : i32 to vector<16xi32>
      %mul3A_1023 = arith.muli %add3A_1020, %mul3A_1022 : vector<16xi32>
      %get3A_1024 = arith.constant 4 : i32
      %get3A_1025 = arith.index_cast %get3A_1024 : i32 to index
      %get3A_1026 = arith.constant 80 : index
      %get3A_1027 = tpu.vector_load %arg7[%get3A_1025, %get3A_1026] {strides = array<i32>} : memref<8x128xi32, #tpu.memory_space<vmem>>, vector<1x16xi32>,
      %get3A_1028 = vector.shape_cast %get3A_1027 : vector<1x16xi32> to vector<16xi32>
      %add3A_1029 = arith.addi %mul3A_1023, %get3A_1028 : vector<16xi32>
      %swap3A_1030 = arith.constant 4 : i32
      %swap3A_1031 = arith.index_cast %swap3A_1030 : i32 to index
      %swap3A_1032 = arith.constant 80 : index
      %swap3A_1033 = tpu.vector_load %arg9[%swap3A_1031, %swap3A_1032] {strides = array<i32>} : memref<8x128xi32, #tpu.memory_space<vmem>>, vector<1x16xi32>,
      %swap3A_1034 = vector.shape_cast %swap3A_1033 : vector<1x16xi32> to vector<16xi32>
      %swap3A_1035 = vector.shape_cast %add3A_1029 : vector<16xi32> to vector<1x16xi32>
      tpu.vector_store %arg9[%swap3A_1031, %swap3A_1032], %swap3A_1035 {strides = array<i32>} : memref<8x128xi32, #tpu.memory_space<vmem>>, vector<1x16xi32>,
      %mul3A_1036 = arith.constant 1024 : i32
      %mul3A_1037 = arith.muli %arg1, %mul3A_1036 : i32
      %add3A_1038 = arith.constant 512 : i32
      %add3A_1039 = arith.addi %mul3A_1037, %add3A_1038 : i32
      %add3A_1040 = arith.constant 96 : i32
      %add3A_1041 = arith.addi %add3A_1039, %add3A_1040 : i32
      %iota3A_1042 = tpu.iota {dimensions = array<i32: 0>} : vector<16xi32>
      %add3A_1043 = vector.broadcast %add3A_1041 : i32 to vector<16xi32>
      %add3A_1044 = arith.addi %iota3A_1042, %add3A_1043 : vector<16xi32>
      %mul3A_1045 = arith.constant 16 : i32
      %mul3A_1046 = vector.broadcast %mul3A_1045 : i32 to vector<16xi32>
      %mul3A_1047 = arith.muli %add3A_1044, %mul3A_1046 : vector<16xi32>
      %get3A_1048 = arith.constant 4 : i32
      %get3A_1049 = arith.index_cast %get3A_1048 : i32 to index
      %get3A_1050 = arith.constant 96 : index
      %get3A_1051 = tpu.vector_load %arg7[%get3A_1049, %get3A_1050] {strides = array<i32>} : memref<8x128xi32, #tpu.memory_space<vmem>>, vector<1x16xi32>,
      %get3A_1052 = vector.shape_cast %get3A_1051 : vector<1x16xi32> to vector<16xi32>
      %add3A_1053 = arith.addi %mul3A_1047, %get3A_1052 : vector<16xi32>
      %swap3A_1054 = arith.constant 4 : i32
      %swap3A_1055 = arith.index_cast %swap3A_1054 : i32 to index
      %swap3A_1056 = arith.constant 96 : index
      %swap3A_1057 = tpu.vector_load %arg9[%swap3A_1055, %swap3A_1056] {strides = array<i32>} : memref<8x128xi32, #tpu.memory_space<vmem>>, vector<1x16xi32>,
      %swap3A_1058 = vector.shape_cast %swap3A_1057 : vector<1x16xi32> to vector<16xi32>
      %swap3A_1059 = vector.shape_cast %add3A_1053 : vector<16xi32> to vector<1x16xi32>
      tpu.vector_store %arg9[%swap3A_1055, %swap3A_1056], %swap3A_1059 {strides = array<i32>} : memref<8x128xi32, #tpu.memory_space<vmem>>, vector<1x16xi32>,
      %mul3A_1060 = arith.constant 1024 : i32
      %mul3A_1061 = arith.muli %arg1, %mul3A_1060 : i32
      %add3A_1062 = arith.constant 512 : i32
      %add3A_1063 = arith.addi %mul3A_1061, %add3A_1062 : i32
      %add3A_1064 = arith.constant 112 : i32
      %add3A_1065 = arith.addi %add3A_1063, %add3A_1064 : i32
      %iota3A_1066 = tpu.iota {dimensions = array<i32: 0>} : vector<16xi32>
      %add3A_1067 = vector.broadcast %add3A_1065 : i32 to vector<16xi32>
      %add3A_1068 = arith.addi %iota3A_1066, %add3A_1067 : vector<16xi32>
      %mul3A_1069 = arith.constant 16 : i32
      %mul3A_1070 = vector.broadcast %mul3A_1069 : i32 to vector<16xi32>
      %mul3A_1071 = arith.muli %add3A_1068, %mul3A_1070 : vector<16xi32>
      %get3A_1072 = arith.constant 4 : i32
      %get3A_1073 = arith.index_cast %get3A_1072 : i32 to index
      %get3A_1074 = arith.constant 112 : index
      %get3A_1075 = tpu.vector_load %arg7[%get3A_1073, %get3A_1074] {strides = array<i32>} : memref<8x128xi32, #tpu.memory_space<vmem>>, vector<1x16xi32>,
      %get3A_1076 = vector.shape_cast %get3A_1075 : vector<1x16xi32> to vector<16xi32>
      %add3A_1077 = arith.addi %mul3A_1071, %get3A_1076 : vector<16xi32>
      %swap3A_1078 = arith.constant 4 : i32
      %swap3A_1079 = arith.index_cast %swap3A_1078 : i32 to index
      %swap3A_1080 = arith.constant 112 : index
      %swap3A_1081 = tpu.vector_load %arg9[%swap3A_1079, %swap3A_1080] {strides = array<i32>} : memref<8x128xi32, #tpu.memory_space<vmem>>, vector<1x16xi32>,
      %swap3A_1082 = vector.shape_cast %swap3A_1081 : vector<1x16xi32> to vector<16xi32>
      %swap3A_1083 = vector.shape_cast %add3A_1077 : vector<16xi32> to vector<1x16xi32>
      tpu.vector_store %arg9[%swap3A_1079, %swap3A_1080], %swap3A_1083 {strides = array<i32>} : memref<8x128xi32, #tpu.memory_space<vmem>>, vector<1x16xi32>,
      %mul3A_1084 = arith.constant 1024 : i32
      %mul3A_1085 = arith.muli %arg1, %mul3A_1084 : i32
      %add3A_1086 = arith.constant 640 : i32
      %add3A_1087 = arith.addi %mul3A_1085, %add3A_1086 : i32
      %add3A_1088 = arith.constant 0 : i32
      %add3A_1089 = arith.addi %add3A_1087, %add3A_1088 : i32
      %iota3A_1090 = tpu.iota {dimensions = array<i32: 0>} : vector<16xi32>
      %add3A_1091 = vector.broadcast %add3A_1089 : i32 to vector<16xi32>
      %add3A_1092 = arith.addi %iota3A_1090, %add3A_1091 : vector<16xi32>
      %mul3A_1093 = arith.constant 16 : i32
      %mul3A_1094 = vector.broadcast %mul3A_1093 : i32 to vector<16xi32>
      %mul3A_1095 = arith.muli %add3A_1092, %mul3A_1094 : vector<16xi32>
      %get3A_1096 = arith.constant 5 : i32
      %get3A_1097 = arith.index_cast %get3A_1096 : i32 to index
      %get3A_1098 = arith.constant 0 : index
      %get3A_1099 = tpu.vector_load %arg7[%get3A_1097, %get3A_1098] {strides = array<i32>} : memref<8x128xi32, #tpu.memory_space<vmem>>, vector<1x16xi32>,
      %get3A_1100 = vector.shape_cast %get3A_1099 : vector<1x16xi32> to vector<16xi32>
      %add3A_1101 = arith.addi %mul3A_1095, %get3A_1100 : vector<16xi32>
      %swap3A_1102 = arith.constant 5 : i32
      %swap3A_1103 = arith.index_cast %swap3A_1102 : i32 to index
      %swap3A_1104 = arith.constant 0 : index
      %swap3A_1105 = tpu.vector_load %arg9[%swap3A_1103, %swap3A_1104] {strides = array<i32>} : memref<8x128xi32, #tpu.memory_space<vmem>>, vector<1x16xi32>,
      %swap3A_1106 = vector.shape_cast %swap3A_1105 : vector<1x16xi32> to vector<16xi32>
      %swap3A_1107 = vector.shape_cast %add3A_1101 : vector<16xi32> to vector<1x16xi32>
      tpu.vector_store %arg9[%swap3A_1103, %swap3A_1104], %swap3A_1107 {strides = array<i32>} : memref<8x128xi32, #tpu.memory_space<vmem>>, vector<1x16xi32>,
      %mul3A_1108 = arith.constant 1024 : i32
      %mul3A_1109 = arith.muli %arg1, %mul3A_1108 : i32
      %add3A_1110 = arith.constant 640 : i32
      %add3A_1111 = arith.addi %mul3A_1109, %add3A_1110 : i32
      %add3A_1112 = arith.constant 16 : i32
      %add3A_1113 = arith.addi %add3A_1111, %add3A_1112 : i32
      %iota3A_1114 = tpu.iota {dimensions = array<i32: 0>} : vector<16xi32>
      %add3A_1115 = vector.broadcast %add3A_1113 : i32 to vector<16xi32>
      %add3A_1116 = arith.addi %iota3A_1114, %add3A_1115 : vector<16xi32>
      %mul3A_1117 = arith.constant 16 : i32
      %mul3A_1118 = vector.broadcast %mul3A_1117 : i32 to vector<16xi32>
      %mul3A_1119 = arith.muli %add3A_1116, %mul3A_1118 : vector<16xi32>
      %get3A_1120 = arith.constant 5 : i32
      %get3A_1121 = arith.index_cast %get3A_1120 : i32 to index
      %get3A_1122 = arith.constant 16 : index
      %get3A_1123 = tpu.vector_load %arg7[%get3A_1121, %get3A_1122] {strides = array<i32>} : memref<8x128xi32, #tpu.memory_space<vmem>>, vector<1x16xi32>,
      %get3A_1124 = vector.shape_cast %get3A_1123 : vector<1x16xi32> to vector<16xi32>
      %add3A_1125 = arith.addi %mul3A_1119, %get3A_1124 : vector<16xi32>
      %swap3A_1126 = arith.constant 5 : i32
      %swap3A_1127 = arith.index_cast %swap3A_1126 : i32 to index
      %swap3A_1128 = arith.constant 16 : index
      %swap3A_1129 = tpu.vector_load %arg9[%swap3A_1127, %swap3A_1128] {strides = array<i32>} : memref<8x128xi32, #tpu.memory_space<vmem>>, vector<1x16xi32>,
      %swap3A_1130 = vector.shape_cast %swap3A_1129 : vector<1x16xi32> to vector<16xi32>
      %swap3A_1131 = vector.shape_cast %add3A_1125 : vector<16xi32> to vector<1x16xi32>
      tpu.vector_store %arg9[%swap3A_1127, %swap3A_1128], %swap3A_1131 {strides = array<i32>} : memref<8x128xi32, #tpu.memory_space<vmem>>, vector<1x16xi32>,
      %mul3A_1132 = arith.constant 1024 : i32
      %mul3A_1133 = arith.muli %arg1, %mul3A_1132 : i32
      %add3A_1134 = arith.constant 640 : i32
      %add3A_1135 = arith.addi %mul3A_1133, %add3A_1134 : i32
      %add3A_1136 = arith.constant 32 : i32
      %add3A_1137 = arith.addi %add3A_1135, %add3A_1136 : i32
      %iota3A_1138 = tpu.iota {dimensions = array<i32: 0>} : vector<16xi32>
      %add3A_1139 = vector.broadcast %add3A_1137 : i32 to vector<16xi32>
      %add3A_1140 = arith.addi %iota3A_1138, %add3A_1139 : vector<16xi32>
      %mul3A_1141 = arith.constant 16 : i32
      %mul3A_1142 = vector.broadcast %mul3A_1141 : i32 to vector<16xi32>
      %mul3A_1143 = arith.muli %add3A_1140, %mul3A_1142 : vector<16xi32>
      %get3A_1144 = arith.constant 5 : i32
      %get3A_1145 = arith.index_cast %get3A_1144 : i32 to index
      %get3A_1146 = arith.constant 32 : index
      %get3A_1147 = tpu.vector_load %arg7[%get3A_1145, %get3A_1146] {strides = array<i32>} : memref<8x128xi32, #tpu.memory_space<vmem>>, vector<1x16xi32>,
      %get3A_1148 = vector.shape_cast %get3A_1147 : vector<1x16xi32> to vector<16xi32>
      %add3A_1149 = arith.addi %mul3A_1143, %get3A_1148 : vector<16xi32>
      %swap3A_1150 = arith.constant 5 : i32
      %swap3A_1151 = arith.index_cast %swap3A_1150 : i32 to index
      %swap3A_1152 = arith.constant 32 : index
      %swap3A_1153 = tpu.vector_load %arg9[%swap3A_1151, %swap3A_1152] {strides = array<i32>} : memref<8x128xi32, #tpu.memory_space<vmem>>, vector<1x16xi32>,
      %swap3A_1154 = vector.shape_cast %swap3A_1153 : vector<1x16xi32> to vector<16xi32>
      %swap3A_1155 = vector.shape_cast %add3A_1149 : vector<16xi32> to vector<1x16xi32>
      tpu.vector_store %arg9[%swap3A_1151, %swap3A_1152], %swap3A_1155 {strides = array<i32>} : memref<8x128xi32, #tpu.memory_space<vmem>>, vector<1x16xi32>,
      %mul3A_1156 = arith.constant 1024 : i32
      %mul3A_1157 = arith.muli %arg1, %mul3A_1156 : i32
      %add3A_1158 = arith.constant 640 : i32
      %add3A_1159 = arith.addi %mul3A_1157, %add3A_1158 : i32
      %add3A_1160 = arith.constant 48 : i32
      %add3A_1161 = arith.addi %add3A_1159, %add3A_1160 : i32
      %iota3A_1162 = tpu.iota {dimensions = array<i32: 0>} : vector<16xi32>
      %add3A_1163 = vector.broadcast %add3A_1161 : i32 to vector<16xi32>
      %add3A_1164 = arith.addi %iota3A_1162, %add3A_1163 : vector<16xi32>
      %mul3A_1165 = arith.constant 16 : i32
      %mul3A_1166 = vector.broadcast %mul3A_1165 : i32 to vector<16xi32>
      %mul3A_1167 = arith.muli %add3A_1164, %mul3A_1166 : vector<16xi32>
      %get3A_1168 = arith.constant 5 : i32
      %get3A_1169 = arith.index_cast %get3A_1168 : i32 to index
      %get3A_1170 = arith.constant 48 : index
      %get3A_1171 = tpu.vector_load %arg7[%get3A_1169, %get3A_1170] {strides = array<i32>} : memref<8x128xi32, #tpu.memory_space<vmem>>, vector<1x16xi32>,
      %get3A_1172 = vector.shape_cast %get3A_1171 : vector<1x16xi32> to vector<16xi32>
      %add3A_1173 = arith.addi %mul3A_1167, %get3A_1172 : vector<16xi32>
      %swap3A_1174 = arith.constant 5 : i32
      %swap3A_1175 = arith.index_cast %swap3A_1174 : i32 to index
      %swap3A_1176 = arith.constant 48 : index
      %swap3A_1177 = tpu.vector_load %arg9[%swap3A_1175, %swap3A_1176] {strides = array<i32>} : memref<8x128xi32, #tpu.memory_space<vmem>>, vector<1x16xi32>,
      %swap3A_1178 = vector.shape_cast %swap3A_1177 : vector<1x16xi32> to vector<16xi32>
      %swap3A_1179 = vector.shape_cast %add3A_1173 : vector<16xi32> to vector<1x16xi32>
      tpu.vector_store %arg9[%swap3A_1175, %swap3A_1176], %swap3A_1179 {strides = array<i32>} : memref<8x128xi32, #tpu.memory_space<vmem>>, vector<1x16xi32>,
      %mul3A_1180 = arith.constant 1024 : i32
      %mul3A_1181 = arith.muli %arg1, %mul3A_1180 : i32
      %add3A_1182 = arith.constant 640 : i32
      %add3A_1183 = arith.addi %mul3A_1181, %add3A_1182 : i32
      %add3A_1184 = arith.constant 64 : i32
      %add3A_1185 = arith.addi %add3A_1183, %add3A_1184 : i32
      %iota3A_1186 = tpu.iota {dimensions = array<i32: 0>} : vector<16xi32>
      %add3A_1187 = vector.broadcast %add3A_1185 : i32 to vector<16xi32>
      %add3A_1188 = arith.addi %iota3A_1186, %add3A_1187 : vector<16xi32>
      %mul3A_1189 = arith.constant 16 : i32
      %mul3A_1190 = vector.broadcast %mul3A_1189 : i32 to vector<16xi32>
      %mul3A_1191 = arith.muli %add3A_1188, %mul3A_1190 : vector<16xi32>
      %get3A_1192 = arith.constant 5 : i32
      %get3A_1193 = arith.index_cast %get3A_1192 : i32 to index
      %get3A_1194 = arith.constant 64 : index
      %get3A_1195 = tpu.vector_load %arg7[%get3A_1193, %get3A_1194] {strides = array<i32>} : memref<8x128xi32, #tpu.memory_space<vmem>>, vector<1x16xi32>,
      %get3A_1196 = vector.shape_cast %get3A_1195 : vector<1x16xi32> to vector<16xi32>
      %add3A_1197 = arith.addi %mul3A_1191, %get3A_1196 : vector<16xi32>
      %swap3A_1198 = arith.constant 5 : i32
      %swap3A_1199 = arith.index_cast %swap3A_1198 : i32 to index
      %swap3A_1200 = arith.constant 64 : index
      %swap3A_1201 = tpu.vector_load %arg9[%swap3A_1199, %swap3A_1200] {strides = array<i32>} : memref<8x128xi32, #tpu.memory_space<vmem>>, vector<1x16xi32>,
      %swap3A_1202 = vector.shape_cast %swap3A_1201 : vector<1x16xi32> to vector<16xi32>
      %swap3A_1203 = vector.shape_cast %add3A_1197 : vector<16xi32> to vector<1x16xi32>
      tpu.vector_store %arg9[%swap3A_1199, %swap3A_1200], %swap3A_1203 {strides = array<i32>} : memref<8x128xi32, #tpu.memory_space<vmem>>, vector<1x16xi32>,
      %mul3A_1204 = arith.constant 1024 : i32
      %mul3A_1205 = arith.muli %arg1, %mul3A_1204 : i32
      %add3A_1206 = arith.constant 640 : i32
      %add3A_1207 = arith.addi %mul3A_1205, %add3A_1206 : i32
      %add3A_1208 = arith.constant 80 : i32
      %add3A_1209 = arith.addi %add3A_1207, %add3A_1208 : i32
      %iota3A_1210 = tpu.iota {dimensions = array<i32: 0>} : vector<16xi32>
      %add3A_1211 = vector.broadcast %add3A_1209 : i32 to vector<16xi32>
      %add3A_1212 = arith.addi %iota3A_1210, %add3A_1211 : vector<16xi32>
      %mul3A_1213 = arith.constant 16 : i32
      %mul3A_1214 = vector.broadcast %mul3A_1213 : i32 to vector<16xi32>
      %mul3A_1215 = arith.muli %add3A_1212, %mul3A_1214 : vector<16xi32>
      %get3A_1216 = arith.constant 5 : i32
      %get3A_1217 = arith.index_cast %get3A_1216 : i32 to index
      %get3A_1218 = arith.constant 80 : index
      %get3A_1219 = tpu.vector_load %arg7[%get3A_1217, %get3A_1218] {strides = array<i32>} : memref<8x128xi32, #tpu.memory_space<vmem>>, vector<1x16xi32>,
      %get3A_1220 = vector.shape_cast %get3A_1219 : vector<1x16xi32> to vector<16xi32>
      %add3A_1221 = arith.addi %mul3A_1215, %get3A_1220 : vector<16xi32>
      %swap3A_1222 = arith.constant 5 : i32
      %swap3A_1223 = arith.index_cast %swap3A_1222 : i32 to index
      %swap3A_1224 = arith.constant 80 : index
      %swap3A_1225 = tpu.vector_load %arg9[%swap3A_1223, %swap3A_1224] {strides = array<i32>} : memref<8x128xi32, #tpu.memory_space<vmem>>, vector<1x16xi32>,
      %swap3A_1226 = vector.shape_cast %swap3A_1225 : vector<1x16xi32> to vector<16xi32>
      %swap3A_1227 = vector.shape_cast %add3A_1221 : vector<16xi32> to vector<1x16xi32>
      tpu.vector_store %arg9[%swap3A_1223, %swap3A_1224], %swap3A_1227 {strides = array<i32>} : memref<8x128xi32, #tpu.memory_space<vmem>>, vector<1x16xi32>,
      %mul3A_1228 = arith.constant 1024 : i32
      %mul3A_1229 = arith.muli %arg1, %mul3A_1228 : i32
      %add3A_1230 = arith.constant 640 : i32
      %add3A_1231 = arith.addi %mul3A_1229, %add3A_1230 : i32
      %add3A_1232 = arith.constant 96 : i32
      %add3A_1233 = arith.addi %add3A_1231, %add3A_1232 : i32
      %iota3A_1234 = tpu.iota {dimensions = array<i32: 0>} : vector<16xi32>
      %add3A_1235 = vector.broadcast %add3A_1233 : i32 to vector<16xi32>
      %add3A_1236 = arith.addi %iota3A_1234, %add3A_1235 : vector<16xi32>
      %mul3A_1237 = arith.constant 16 : i32
      %mul3A_1238 = vector.broadcast %mul3A_1237 : i32 to vector<16xi32>
      %mul3A_1239 = arith.muli %add3A_1236, %mul3A_1238 : vector<16xi32>
      %get3A_1240 = arith.constant 5 : i32
      %get3A_1241 = arith.index_cast %get3A_1240 : i32 to index
      %get3A_1242 = arith.constant 96 : index
      %get3A_1243 = tpu.vector_load %arg7[%get3A_1241, %get3A_1242] {strides = array<i32>} : memref<8x128xi32, #tpu.memory_space<vmem>>, vector<1x16xi32>,
      %get3A_1244 = vector.shape_cast %get3A_1243 : vector<1x16xi32> to vector<16xi32>
      %add3A_1245 = arith.addi %mul3A_1239, %get3A_1244 : vector<16xi32>
      %swap3A_1246 = arith.constant 5 : i32
      %swap3A_1247 = arith.index_cast %swap3A_1246 : i32 to index
      %swap3A_1248 = arith.constant 96 : index
      %swap3A_1249 = tpu.vector_load %arg9[%swap3A_1247, %swap3A_1248] {strides = array<i32>} : memref<8x128xi32, #tpu.memory_space<vmem>>, vector<1x16xi32>,
      %swap3A_1250 = vector.shape_cast %swap3A_1249 : vector<1x16xi32> to vector<16xi32>
      %swap3A_1251 = vector.shape_cast %add3A_1245 : vector<16xi32> to vector<1x16xi32>
      tpu.vector_store %arg9[%swap3A_1247, %swap3A_1248], %swap3A_1251 {strides = array<i32>} : memref<8x128xi32, #tpu.memory_space<vmem>>, vector<1x16xi32>,
      %mul3A_1252 = arith.constant 1024 : i32
      %mul3A_1253 = arith.muli %arg1, %mul3A_1252 : i32
      %add3A_1254 = arith.constant 640 : i32
      %add3A_1255 = arith.addi %mul3A_1253, %add3A_1254 : i32
      %add3A_1256 = arith.constant 112 : i32
      %add3A_1257 = arith.addi %add3A_1255, %add3A_1256 : i32
      %iota3A_1258 = tpu.iota {dimensions = array<i32: 0>} : vector<16xi32>
      %add3A_1259 = vector.broadcast %add3A_1257 : i32 to vector<16xi32>
      %add3A_1260 = arith.addi %iota3A_1258, %add3A_1259 : vector<16xi32>
      %mul3A_1261 = arith.constant 16 : i32
      %mul3A_1262 = vector.broadcast %mul3A_1261 : i32 to vector<16xi32>
      %mul3A_1263 = arith.muli %add3A_1260, %mul3A_1262 : vector<16xi32>
      %get3A_1264 = arith.constant 5 : i32
      %get3A_1265 = arith.index_cast %get3A_1264 : i32 to index
      %get3A_1266 = arith.constant 112 : index
      %get3A_1267 = tpu.vector_load %arg7[%get3A_1265, %get3A_1266] {strides = array<i32>} : memref<8x128xi32, #tpu.memory_space<vmem>>, vector<1x16xi32>,
      %get3A_1268 = vector.shape_cast %get3A_1267 : vector<1x16xi32> to vector<16xi32>
      %add3A_1269 = arith.addi %mul3A_1263, %get3A_1268 : vector<16xi32>
      %swap3A_1270 = arith.constant 5 : i32
      %swap3A_1271 = arith.index_cast %swap3A_1270 : i32 to index
      %swap3A_1272 = arith.constant 112 : index
      %swap3A_1273 = tpu.vector_load %arg9[%swap3A_1271, %swap3A_1272] {strides = array<i32>} : memref<8x128xi32, #tpu.memory_space<vmem>>, vector<1x16xi32>,
      %swap3A_1274 = vector.shape_cast %swap3A_1273 : vector<1x16xi32> to vector<16xi32>
      %swap3A_1275 = vector.shape_cast %add3A_1269 : vector<16xi32> to vector<1x16xi32>
      tpu.vector_store %arg9[%swap3A_1271, %swap3A_1272], %swap3A_1275 {strides = array<i32>} : memref<8x128xi32, #tpu.memory_space<vmem>>, vector<1x16xi32>,
      %mul3A_1276 = arith.constant 1024 : i32
      %mul3A_1277 = arith.muli %arg1, %mul3A_1276 : i32
      %add3A_1278 = arith.constant 768 : i32
      %add3A_1279 = arith.addi %mul3A_1277, %add3A_1278 : i32
      %add3A_1280 = arith.constant 0 : i32
      %add3A_1281 = arith.addi %add3A_1279, %add3A_1280 : i32
      %iota3A_1282 = tpu.iota {dimensions = array<i32: 0>} : vector<16xi32>
      %add3A_1283 = vector.broadcast %add3A_1281 : i32 to vector<16xi32>
      %add3A_1284 = arith.addi %iota3A_1282, %add3A_1283 : vector<16xi32>
      %mul3A_1285 = arith.constant 16 : i32
      %mul3A_1286 = vector.broadcast %mul3A_1285 : i32 to vector<16xi32>
      %mul3A_1287 = arith.muli %add3A_1284, %mul3A_1286 : vector<16xi32>
      %get3A_1288 = arith.constant 6 : i32
      %get3A_1289 = arith.index_cast %get3A_1288 : i32 to index
      %get3A_1290 = arith.constant 0 : index
      %get3A_1291 = tpu.vector_load %arg7[%get3A_1289, %get3A_1290] {strides = array<i32>} : memref<8x128xi32, #tpu.memory_space<vmem>>, vector<1x16xi32>,
      %get3A_1292 = vector.shape_cast %get3A_1291 : vector<1x16xi32> to vector<16xi32>
      %add3A_1293 = arith.addi %mul3A_1287, %get3A_1292 : vector<16xi32>
      %swap3A_1294 = arith.constant 6 : i32
      %swap3A_1295 = arith.index_cast %swap3A_1294 : i32 to index
      %swap3A_1296 = arith.constant 0 : index
      %swap3A_1297 = tpu.vector_load %arg9[%swap3A_1295, %swap3A_1296] {strides = array<i32>} : memref<8x128xi32, #tpu.memory_space<vmem>>, vector<1x16xi32>,
      %swap3A_1298 = vector.shape_cast %swap3A_1297 : vector<1x16xi32> to vector<16xi32>
      %swap3A_1299 = vector.shape_cast %add3A_1293 : vector<16xi32> to vector<1x16xi32>
      tpu.vector_store %arg9[%swap3A_1295, %swap3A_1296], %swap3A_1299 {strides = array<i32>} : memref<8x128xi32, #tpu.memory_space<vmem>>, vector<1x16xi32>,
      %mul3A_1300 = arith.constant 1024 : i32
      %mul3A_1301 = arith.muli %arg1, %mul3A_1300 : i32
      %add3A_1302 = arith.constant 768 : i32
      %add3A_1303 = arith.addi %mul3A_1301, %add3A_1302 : i32
      %add3A_1304 = arith.constant 16 : i32
      %add3A_1305 = arith.addi %add3A_1303, %add3A_1304 : i32
      %iota3A_1306 = tpu.iota {dimensions = array<i32: 0>} : vector<16xi32>
      %add3A_1307 = vector.broadcast %add3A_1305 : i32 to vector<16xi32>
      %add3A_1308 = arith.addi %iota3A_1306, %add3A_1307 : vector<16xi32>
      %mul3A_1309 = arith.constant 16 : i32
      %mul3A_1310 = vector.broadcast %mul3A_1309 : i32 to vector<16xi32>
      %mul3A_1311 = arith.muli %add3A_1308, %mul3A_1310 : vector<16xi32>
      %get3A_1312 = arith.constant 6 : i32
      %get3A_1313 = arith.index_cast %get3A_1312 : i32 to index
      %get3A_1314 = arith.constant 16 : index
      %get3A_1315 = tpu.vector_load %arg7[%get3A_1313, %get3A_1314] {strides = array<i32>} : memref<8x128xi32, #tpu.memory_space<vmem>>, vector<1x16xi32>,
      %get3A_1316 = vector.shape_cast %get3A_1315 : vector<1x16xi32> to vector<16xi32>
      %add3A_1317 = arith.addi %mul3A_1311, %get3A_1316 : vector<16xi32>
      %swap3A_1318 = arith.constant 6 : i32
      %swap3A_1319 = arith.index_cast %swap3A_1318 : i32 to index
      %swap3A_1320 = arith.constant 16 : index
      %swap3A_1321 = tpu.vector_load %arg9[%swap3A_1319, %swap3A_1320] {strides = array<i32>} : memref<8x128xi32, #tpu.memory_space<vmem>>, vector<1x16xi32>,
      %swap3A_1322 = vector.shape_cast %swap3A_1321 : vector<1x16xi32> to vector<16xi32>
      %swap3A_1323 = vector.shape_cast %add3A_1317 : vector<16xi32> to vector<1x16xi32>
      tpu.vector_store %arg9[%swap3A_1319, %swap3A_1320], %swap3A_1323 {strides = array<i32>} : memref<8x128xi32, #tpu.memory_space<vmem>>, vector<1x16xi32>,
      %mul3A_1324 = arith.constant 1024 : i32
      %mul3A_1325 = arith.muli %arg1, %mul3A_1324 : i32
      %add3A_1326 = arith.constant 768 : i32
      %add3A_1327 = arith.addi %mul3A_1325, %add3A_1326 : i32
      %add3A_1328 = arith.constant 32 : i32
      %add3A_1329 = arith.addi %add3A_1327, %add3A_1328 : i32
      %iota3A_1330 = tpu.iota {dimensions = array<i32: 0>} : vector<16xi32>
      %add3A_1331 = vector.broadcast %add3A_1329 : i32 to vector<16xi32>
      %add3A_1332 = arith.addi %iota3A_1330, %add3A_1331 : vector<16xi32>
      %mul3A_1333 = arith.constant 16 : i32
      %mul3A_1334 = vector.broadcast %mul3A_1333 : i32 to vector<16xi32>
      %mul3A_1335 = arith.muli %add3A_1332, %mul3A_1334 : vector<16xi32>
      %get3A_1336 = arith.constant 6 : i32
      %get3A_1337 = arith.index_cast %get3A_1336 : i32 to index
      %get3A_1338 = arith.constant 32 : index
      %get3A_1339 = tpu.vector_load %arg7[%get3A_1337, %get3A_1338] {strides = array<i32>} : memref<8x128xi32, #tpu.memory_space<vmem>>, vector<1x16xi32>,
      %get3A_1340 = vector.shape_cast %get3A_1339 : vector<1x16xi32> to vector<16xi32>
      %add3A_1341 = arith.addi %mul3A_1335, %get3A_1340 : vector<16xi32>
      %swap3A_1342 = arith.constant 6 : i32
      %swap3A_1343 = arith.index_cast %swap3A_1342 : i32 to index
      %swap3A_1344 = arith.constant 32 : index
      %swap3A_1345 = tpu.vector_load %arg9[%swap3A_1343, %swap3A_1344] {strides = array<i32>} : memref<8x128xi32, #tpu.memory_space<vmem>>, vector<1x16xi32>,
      %swap3A_1346 = vector.shape_cast %swap3A_1345 : vector<1x16xi32> to vector<16xi32>
      %swap3A_1347 = vector.shape_cast %add3A_1341 : vector<16xi32> to vector<1x16xi32>
      tpu.vector_store %arg9[%swap3A_1343, %swap3A_1344], %swap3A_1347 {strides = array<i32>} : memref<8x128xi32, #tpu.memory_space<vmem>>, vector<1x16xi32>,
      %mul3A_1348 = arith.constant 1024 : i32
      %mul3A_1349 = arith.muli %arg1, %mul3A_1348 : i32
      %add3A_1350 = arith.constant 768 : i32
      %add3A_1351 = arith.addi %mul3A_1349, %add3A_1350 : i32
      %add3A_1352 = arith.constant 48 : i32
      %add3A_1353 = arith.addi %add3A_1351, %add3A_1352 : i32
      %iota3A_1354 = tpu.iota {dimensions = array<i32: 0>} : vector<16xi32>
      %add3A_1355 = vector.broadcast %add3A_1353 : i32 to vector<16xi32>
      %add3A_1356 = arith.addi %iota3A_1354, %add3A_1355 : vector<16xi32>
      %mul3A_1357 = arith.constant 16 : i32
      %mul3A_1358 = vector.broadcast %mul3A_1357 : i32 to vector<16xi32>
      %mul3A_1359 = arith.muli %add3A_1356, %mul3A_1358 : vector<16xi32>
      %get3A_1360 = arith.constant 6 : i32
      %get3A_1361 = arith.index_cast %get3A_1360 : i32 to index
      %get3A_1362 = arith.constant 48 : index
      %get3A_1363 = tpu.vector_load %arg7[%get3A_1361, %get3A_1362] {strides = array<i32>} : memref<8x128xi32, #tpu.memory_space<vmem>>, vector<1x16xi32>,
      %get3A_1364 = vector.shape_cast %get3A_1363 : vector<1x16xi32> to vector<16xi32>
      %add3A_1365 = arith.addi %mul3A_1359, %get3A_1364 : vector<16xi32>
      %swap3A_1366 = arith.constant 6 : i32
      %swap3A_1367 = arith.index_cast %swap3A_1366 : i32 to index
      %swap3A_1368 = arith.constant 48 : index
      %swap3A_1369 = tpu.vector_load %arg9[%swap3A_1367, %swap3A_1368] {strides = array<i32>} : memref<8x128xi32, #tpu.memory_space<vmem>>, vector<1x16xi32>,
      %swap3A_1370 = vector.shape_cast %swap3A_1369 : vector<1x16xi32> to vector<16xi32>
      %swap3A_1371 = vector.shape_cast %add3A_1365 : vector<16xi32> to vector<1x16xi32>
      tpu.vector_store %arg9[%swap3A_1367, %swap3A_1368], %swap3A_1371 {strides = array<i32>} : memref<8x128xi32, #tpu.memory_space<vmem>>, vector<1x16xi32>,
      %mul3A_1372 = arith.constant 1024 : i32
      %mul3A_1373 = arith.muli %arg1, %mul3A_1372 : i32
      %add3A_1374 = arith.constant 768 : i32
      %add3A_1375 = arith.addi %mul3A_1373, %add3A_1374 : i32
      %add3A_1376 = arith.constant 64 : i32
      %add3A_1377 = arith.addi %add3A_1375, %add3A_1376 : i32
      %iota3A_1378 = tpu.iota {dimensions = array<i32: 0>} : vector<16xi32>
      %add3A_1379 = vector.broadcast %add3A_1377 : i32 to vector<16xi32>
      %add3A_1380 = arith.addi %iota3A_1378, %add3A_1379 : vector<16xi32>
      %mul3A_1381 = arith.constant 16 : i32
      %mul3A_1382 = vector.broadcast %mul3A_1381 : i32 to vector<16xi32>
      %mul3A_1383 = arith.muli %add3A_1380, %mul3A_1382 : vector<16xi32>
      %get3A_1384 = arith.constant 6 : i32
      %get3A_1385 = arith.index_cast %get3A_1384 : i32 to index
      %get3A_1386 = arith.constant 64 : index
      %get3A_1387 = tpu.vector_load %arg7[%get3A_1385, %get3A_1386] {strides = array<i32>} : memref<8x128xi32, #tpu.memory_space<vmem>>, vector<1x16xi32>,
      %get3A_1388 = vector.shape_cast %get3A_1387 : vector<1x16xi32> to vector<16xi32>
      %add3A_1389 = arith.addi %mul3A_1383, %get3A_1388 : vector<16xi32>
      %swap3A_1390 = arith.constant 6 : i32
      %swap3A_1391 = arith.index_cast %swap3A_1390 : i32 to index
      %swap3A_1392 = arith.constant 64 : index
      %swap3A_1393 = tpu.vector_load %arg9[%swap3A_1391, %swap3A_1392] {strides = array<i32>} : memref<8x128xi32, #tpu.memory_space<vmem>>, vector<1x16xi32>,
      %swap3A_1394 = vector.shape_cast %swap3A_1393 : vector<1x16xi32> to vector<16xi32>
      %swap3A_1395 = vector.shape_cast %add3A_1389 : vector<16xi32> to vector<1x16xi32>
      tpu.vector_store %arg9[%swap3A_1391, %swap3A_1392], %swap3A_1395 {strides = array<i32>} : memref<8x128xi32, #tpu.memory_space<vmem>>, vector<1x16xi32>,
      %mul3A_1396 = arith.constant 1024 : i32
      %mul3A_1397 = arith.muli %arg1, %mul3A_1396 : i32
      %add3A_1398 = arith.constant 768 : i32
      %add3A_1399 = arith.addi %mul3A_1397, %add3A_1398 : i32
      %add3A_1400 = arith.constant 80 : i32
      %add3A_1401 = arith.addi %add3A_1399, %add3A_1400 : i32
      %iota3A_1402 = tpu.iota {dimensions = array<i32: 0>} : vector<16xi32>
      %add3A_1403 = vector.broadcast %add3A_1401 : i32 to vector<16xi32>
      %add3A_1404 = arith.addi %iota3A_1402, %add3A_1403 : vector<16xi32>
      %mul3A_1405 = arith.constant 16 : i32
      %mul3A_1406 = vector.broadcast %mul3A_1405 : i32 to vector<16xi32>
      %mul3A_1407 = arith.muli %add3A_1404, %mul3A_1406 : vector<16xi32>
      %get3A_1408 = arith.constant 6 : i32
      %get3A_1409 = arith.index_cast %get3A_1408 : i32 to index
      %get3A_1410 = arith.constant 80 : index
      %get3A_1411 = tpu.vector_load %arg7[%get3A_1409, %get3A_1410] {strides = array<i32>} : memref<8x128xi32, #tpu.memory_space<vmem>>, vector<1x16xi32>,
      %get3A_1412 = vector.shape_cast %get3A_1411 : vector<1x16xi32> to vector<16xi32>
      %add3A_1413 = arith.addi %mul3A_1407, %get3A_1412 : vector<16xi32>
      %swap3A_1414 = arith.constant 6 : i32
      %swap3A_1415 = arith.index_cast %swap3A_1414 : i32 to index
      %swap3A_1416 = arith.constant 80 : index
      %swap3A_1417 = tpu.vector_load %arg9[%swap3A_1415, %swap3A_1416] {strides = array<i32>} : memref<8x128xi32, #tpu.memory_space<vmem>>, vector<1x16xi32>,
      %swap3A_1418 = vector.shape_cast %swap3A_1417 : vector<1x16xi32> to vector<16xi32>
      %swap3A_1419 = vector.shape_cast %add3A_1413 : vector<16xi32> to vector<1x16xi32>
      tpu.vector_store %arg9[%swap3A_1415, %swap3A_1416], %swap3A_1419 {strides = array<i32>} : memref<8x128xi32, #tpu.memory_space<vmem>>, vector<1x16xi32>,
      %mul3A_1420 = arith.constant 1024 : i32
      %mul3A_1421 = arith.muli %arg1, %mul3A_1420 : i32
      %add3A_1422 = arith.constant 768 : i32
      %add3A_1423 = arith.addi %mul3A_1421, %add3A_1422 : i32
      %add3A_1424 = arith.constant 96 : i32
      %add3A_1425 = arith.addi %add3A_1423, %add3A_1424 : i32
      %iota3A_1426 = tpu.iota {dimensions = array<i32: 0>} : vector<16xi32>
      %add3A_1427 = vector.broadcast %add3A_1425 : i32 to vector<16xi32>
      %add3A_1428 = arith.addi %iota3A_1426, %add3A_1427 : vector<16xi32>
      %mul3A_1429 = arith.constant 16 : i32
      %mul3A_1430 = vector.broadcast %mul3A_1429 : i32 to vector<16xi32>
      %mul3A_1431 = arith.muli %add3A_1428, %mul3A_1430 : vector<16xi32>
      %get3A_1432 = arith.constant 6 : i32
      %get3A_1433 = arith.index_cast %get3A_1432 : i32 to index
      %get3A_1434 = arith.constant 96 : index
      %get3A_1435 = tpu.vector_load %arg7[%get3A_1433, %get3A_1434] {strides = array<i32>} : memref<8x128xi32, #tpu.memory_space<vmem>>, vector<1x16xi32>,
      %get3A_1436 = vector.shape_cast %get3A_1435 : vector<1x16xi32> to vector<16xi32>
      %add3A_1437 = arith.addi %mul3A_1431, %get3A_1436 : vector<16xi32>
      %swap3A_1438 = arith.constant 6 : i32
      %swap3A_1439 = arith.index_cast %swap3A_1438 : i32 to index
      %swap3A_1440 = arith.constant 96 : index
      %swap3A_1441 = tpu.vector_load %arg9[%swap3A_1439, %swap3A_1440] {strides = array<i32>} : memref<8x128xi32, #tpu.memory_space<vmem>>, vector<1x16xi32>,
      %swap3A_1442 = vector.shape_cast %swap3A_1441 : vector<1x16xi32> to vector<16xi32>
      %swap3A_1443 = vector.shape_cast %add3A_1437 : vector<16xi32> to vector<1x16xi32>
      tpu.vector_store %arg9[%swap3A_1439, %swap3A_1440], %swap3A_1443 {strides = array<i32>} : memref<8x128xi32, #tpu.memory_space<vmem>>, vector<1x16xi32>,
      %mul3A_1444 = arith.constant 1024 : i32
      %mul3A_1445 = arith.muli %arg1, %mul3A_1444 : i32
      %add3A_1446 = arith.constant 768 : i32
      %add3A_1447 = arith.addi %mul3A_1445, %add3A_1446 : i32
      %add3A_1448 = arith.constant 112 : i32
      %add3A_1449 = arith.addi %add3A_1447, %add3A_1448 : i32
      %iota3A_1450 = tpu.iota {dimensions = array<i32: 0>} : vector<16xi32>
      %add3A_1451 = vector.broadcast %add3A_1449 : i32 to vector<16xi32>
      %add3A_1452 = arith.addi %iota3A_1450, %add3A_1451 : vector<16xi32>
      %mul3A_1453 = arith.constant 16 : i32
      %mul3A_1454 = vector.broadcast %mul3A_1453 : i32 to vector<16xi32>
      %mul3A_1455 = arith.muli %add3A_1452, %mul3A_1454 : vector<16xi32>
      %get3A_1456 = arith.constant 6 : i32
      %get3A_1457 = arith.index_cast %get3A_1456 : i32 to index
      %get3A_1458 = arith.constant 112 : index
      %get3A_1459 = tpu.vector_load %arg7[%get3A_1457, %get3A_1458] {strides = array<i32>} : memref<8x128xi32, #tpu.memory_space<vmem>>, vector<1x16xi32>,
      %get3A_1460 = vector.shape_cast %get3A_1459 : vector<1x16xi32> to vector<16xi32>
      %add3A_1461 = arith.addi %mul3A_1455, %get3A_1460 : vector<16xi32>
      %swap3A_1462 = arith.constant 6 : i32
      %swap3A_1463 = arith.index_cast %swap3A_1462 : i32 to index
      %swap3A_1464 = arith.constant 112 : index
      %swap3A_1465 = tpu.vector_load %arg9[%swap3A_1463, %swap3A_1464] {strides = array<i32>} : memref<8x128xi32, #tpu.memory_space<vmem>>, vector<1x16xi32>,
      %swap3A_1466 = vector.shape_cast %swap3A_1465 : vector<1x16xi32> to vector<16xi32>
      %swap3A_1467 = vector.shape_cast %add3A_1461 : vector<16xi32> to vector<1x16xi32>
      tpu.vector_store %arg9[%swap3A_1463, %swap3A_1464], %swap3A_1467 {strides = array<i32>} : memref<8x128xi32, #tpu.memory_space<vmem>>, vector<1x16xi32>,
      %mul3A_1468 = arith.constant 1024 : i32
      %mul3A_1469 = arith.muli %arg1, %mul3A_1468 : i32
      %add3A_1470 = arith.constant 896 : i32
      %add3A_1471 = arith.addi %mul3A_1469, %add3A_1470 : i32
      %add3A_1472 = arith.constant 0 : i32
      %add3A_1473 = arith.addi %add3A_1471, %add3A_1472 : i32
      %iota3A_1474 = tpu.iota {dimensions = array<i32: 0>} : vector<16xi32>
      %add3A_1475 = vector.broadcast %add3A_1473 : i32 to vector<16xi32>
      %add3A_1476 = arith.addi %iota3A_1474, %add3A_1475 : vector<16xi32>
      %mul3A_1477 = arith.constant 16 : i32
      %mul3A_1478 = vector.broadcast %mul3A_1477 : i32 to vector<16xi32>
      %mul3A_1479 = arith.muli %add3A_1476, %mul3A_1478 : vector<16xi32>
      %get3A_1480 = arith.constant 7 : i32
      %get3A_1481 = arith.index_cast %get3A_1480 : i32 to index
      %get3A_1482 = arith.constant 0 : index
      %get3A_1483 = tpu.vector_load %arg7[%get3A_1481, %get3A_1482] {strides = array<i32>} : memref<8x128xi32, #tpu.memory_space<vmem>>, vector<1x16xi32>,
      %get3A_1484 = vector.shape_cast %get3A_1483 : vector<1x16xi32> to vector<16xi32>
      %add3A_1485 = arith.addi %mul3A_1479, %get3A_1484 : vector<16xi32>
      %swap3A_1486 = arith.constant 7 : i32
      %swap3A_1487 = arith.index_cast %swap3A_1486 : i32 to index
      %swap3A_1488 = arith.constant 0 : index
      %swap3A_1489 = tpu.vector_load %arg9[%swap3A_1487, %swap3A_1488] {strides = array<i32>} : memref<8x128xi32, #tpu.memory_space<vmem>>, vector<1x16xi32>,
      %swap3A_1490 = vector.shape_cast %swap3A_1489 : vector<1x16xi32> to vector<16xi32>
      %swap3A_1491 = vector.shape_cast %add3A_1485 : vector<16xi32> to vector<1x16xi32>
      tpu.vector_store %arg9[%swap3A_1487, %swap3A_1488], %swap3A_1491 {strides = array<i32>} : memref<8x128xi32, #tpu.memory_space<vmem>>, vector<1x16xi32>,
      %mul3A_1492 = arith.constant 1024 : i32
      %mul3A_1493 = arith.muli %arg1, %mul3A_1492 : i32
      %add3A_1494 = arith.constant 896 : i32
      %add3A_1495 = arith.addi %mul3A_1493, %add3A_1494 : i32
      %add3A_1496 = arith.constant 16 : i32
      %add3A_1497 = arith.addi %add3A_1495, %add3A_1496 : i32
      %iota3A_1498 = tpu.iota {dimensions = array<i32: 0>} : vector<16xi32>
      %add3A_1499 = vector.broadcast %add3A_1497 : i32 to vector<16xi32>
      %add3A_1500 = arith.addi %iota3A_1498, %add3A_1499 : vector<16xi32>
      %mul3A_1501 = arith.constant 16 : i32
      %mul3A_1502 = vector.broadcast %mul3A_1501 : i32 to vector<16xi32>
      %mul3A_1503 = arith.muli %add3A_1500, %mul3A_1502 : vector<16xi32>
      %get3A_1504 = arith.constant 7 : i32
      %get3A_1505 = arith.index_cast %get3A_1504 : i32 to index
      %get3A_1506 = arith.constant 16 : index
      %get3A_1507 = tpu.vector_load %arg7[%get3A_1505, %get3A_1506] {strides = array<i32>} : memref<8x128xi32, #tpu.memory_space<vmem>>, vector<1x16xi32>,
      %get3A_1508 = vector.shape_cast %get3A_1507 : vector<1x16xi32> to vector<16xi32>
      %add3A_1509 = arith.addi %mul3A_1503, %get3A_1508 : vector<16xi32>
      %swap3A_1510 = arith.constant 7 : i32
      %swap3A_1511 = arith.index_cast %swap3A_1510 : i32 to index
      %swap3A_1512 = arith.constant 16 : index
      %swap3A_1513 = tpu.vector_load %arg9[%swap3A_1511, %swap3A_1512] {strides = array<i32>} : memref<8x128xi32, #tpu.memory_space<vmem>>, vector<1x16xi32>,
      %swap3A_1514 = vector.shape_cast %swap3A_1513 : vector<1x16xi32> to vector<16xi32>
      %swap3A_1515 = vector.shape_cast %add3A_1509 : vector<16xi32> to vector<1x16xi32>
      tpu.vector_store %arg9[%swap3A_1511, %swap3A_1512], %swap3A_1515 {strides = array<i32>} : memref<8x128xi32, #tpu.memory_space<vmem>>, vector<1x16xi32>,
      %mul3A_1516 = arith.constant 1024 : i32
      %mul3A_1517 = arith.muli %arg1, %mul3A_1516 : i32
      %add3A_1518 = arith.constant 896 : i32
      %add3A_1519 = arith.addi %mul3A_1517, %add3A_1518 : i32
      %add3A_1520 = arith.constant 32 : i32
      %add3A_1521 = arith.addi %add3A_1519, %add3A_1520 : i32
      %iota3A_1522 = tpu.iota {dimensions = array<i32: 0>} : vector<16xi32>
      %add3A_1523 = vector.broadcast %add3A_1521 : i32 to vector<16xi32>
      %add3A_1524 = arith.addi %iota3A_1522, %add3A_1523 : vector<16xi32>
      %mul3A_1525 = arith.constant 16 : i32
      %mul3A_1526 = vector.broadcast %mul3A_1525 : i32 to vector<16xi32>
      %mul3A_1527 = arith.muli %add3A_1524, %mul3A_1526 : vector<16xi32>
      %get3A_1528 = arith.constant 7 : i32
      %get3A_1529 = arith.index_cast %get3A_1528 : i32 to index
      %get3A_1530 = arith.constant 32 : index
      %get3A_1531 = tpu.vector_load %arg7[%get3A_1529, %get3A_1530] {strides = array<i32>} : memref<8x128xi32, #tpu.memory_space<vmem>>, vector<1x16xi32>,
      %get3A_1532 = vector.shape_cast %get3A_1531 : vector<1x16xi32> to vector<16xi32>
      %add3A_1533 = arith.addi %mul3A_1527, %get3A_1532 : vector<16xi32>
      %swap3A_1534 = arith.constant 7 : i32
      %swap3A_1535 = arith.index_cast %swap3A_1534 : i32 to index
      %swap3A_1536 = arith.constant 32 : index
      %swap3A_1537 = tpu.vector_load %arg9[%swap3A_1535, %swap3A_1536] {strides = array<i32>} : memref<8x128xi32, #tpu.memory_space<vmem>>, vector<1x16xi32>,
      %swap3A_1538 = vector.shape_cast %swap3A_1537 : vector<1x16xi32> to vector<16xi32>
      %swap3A_1539 = vector.shape_cast %add3A_1533 : vector<16xi32> to vector<1x16xi32>
      tpu.vector_store %arg9[%swap3A_1535, %swap3A_1536], %swap3A_1539 {strides = array<i32>} : memref<8x128xi32, #tpu.memory_space<vmem>>, vector<1x16xi32>,
      %mul3A_1540 = arith.constant 1024 : i32
      %mul3A_1541 = arith.muli %arg1, %mul3A_1540 : i32
      %add3A_1542 = arith.constant 896 : i32
      %add3A_1543 = arith.addi %mul3A_1541, %add3A_1542 : i32
      %add3A_1544 = arith.constant 48 : i32
      %add3A_1545 = arith.addi %add3A_1543, %add3A_1544 : i32
      %iota3A_1546 = tpu.iota {dimensions = array<i32: 0>} : vector<16xi32>
      %add3A_1547 = vector.broadcast %add3A_1545 : i32 to vector<16xi32>
      %add3A_1548 = arith.addi %iota3A_1546, %add3A_1547 : vector<16xi32>
      %mul3A_1549 = arith.constant 16 : i32
      %mul3A_1550 = vector.broadcast %mul3A_1549 : i32 to vector<16xi32>
      %mul3A_1551 = arith.muli %add3A_1548, %mul3A_1550 : vector<16xi32>
      %get3A_1552 = arith.constant 7 : i32
      %get3A_1553 = arith.index_cast %get3A_1552 : i32 to index
      %get3A_1554 = arith.constant 48 : index
      %get3A_1555 = tpu.vector_load %arg7[%get3A_1553, %get3A_1554] {strides = array<i32>} : memref<8x128xi32, #tpu.memory_space<vmem>>, vector<1x16xi32>,
      %get3A_1556 = vector.shape_cast %get3A_1555 : vector<1x16xi32> to vector<16xi32>
      %add3A_1557 = arith.addi %mul3A_1551, %get3A_1556 : vector<16xi32>
      %swap3A_1558 = arith.constant 7 : i32
      %swap3A_1559 = arith.index_cast %swap3A_1558 : i32 to index
      %swap3A_1560 = arith.constant 48 : index
      %swap3A_1561 = tpu.vector_load %arg9[%swap3A_1559, %swap3A_1560] {strides = array<i32>} : memref<8x128xi32, #tpu.memory_space<vmem>>, vector<1x16xi32>,
      %swap3A_1562 = vector.shape_cast %swap3A_1561 : vector<1x16xi32> to vector<16xi32>
      %swap3A_1563 = vector.shape_cast %add3A_1557 : vector<16xi32> to vector<1x16xi32>
      tpu.vector_store %arg9[%swap3A_1559, %swap3A_1560], %swap3A_1563 {strides = array<i32>} : memref<8x128xi32, #tpu.memory_space<vmem>>, vector<1x16xi32>,
      %mul3A_1564 = arith.constant 1024 : i32
      %mul3A_1565 = arith.muli %arg1, %mul3A_1564 : i32
      %add3A_1566 = arith.constant 896 : i32
      %add3A_1567 = arith.addi %mul3A_1565, %add3A_1566 : i32
      %add3A_1568 = arith.constant 64 : i32
      %add3A_1569 = arith.addi %add3A_1567, %add3A_1568 : i32
      %iota3A_1570 = tpu.iota {dimensions = array<i32: 0>} : vector<16xi32>
      %add3A_1571 = vector.broadcast %add3A_1569 : i32 to vector<16xi32>
      %add3A_1572 = arith.addi %iota3A_1570, %add3A_1571 : vector<16xi32>
      %mul3A_1573 = arith.constant 16 : i32
      %mul3A_1574 = vector.broadcast %mul3A_1573 : i32 to vector<16xi32>
      %mul3A_1575 = arith.muli %add3A_1572, %mul3A_1574 : vector<16xi32>
      %get3A_1576 = arith.constant 7 : i32
      %get3A_1577 = arith.index_cast %get3A_1576 : i32 to index
      %get3A_1578 = arith.constant 64 : index
      %get3A_1579 = tpu.vector_load %arg7[%get3A_1577, %get3A_1578] {strides = array<i32>} : memref<8x128xi32, #tpu.memory_space<vmem>>, vector<1x16xi32>,
      %get3A_1580 = vector.shape_cast %get3A_1579 : vector<1x16xi32> to vector<16xi32>
      %add3A_1581 = arith.addi %mul3A_1575, %get3A_1580 : vector<16xi32>
      %swap3A_1582 = arith.constant 7 : i32
      %swap3A_1583 = arith.index_cast %swap3A_1582 : i32 to index
      %swap3A_1584 = arith.constant 64 : index
      %swap3A_1585 = tpu.vector_load %arg9[%swap3A_1583, %swap3A_1584] {strides = array<i32>} : memref<8x128xi32, #tpu.memory_space<vmem>>, vector<1x16xi32>,
      %swap3A_1586 = vector.shape_cast %swap3A_1585 : vector<1x16xi32> to vector<16xi32>
      %swap3A_1587 = vector.shape_cast %add3A_1581 : vector<16xi32> to vector<1x16xi32>
      tpu.vector_store %arg9[%swap3A_1583, %swap3A_1584], %swap3A_1587 {strides = array<i32>} : memref<8x128xi32, #tpu.memory_space<vmem>>, vector<1x16xi32>,
      %mul3A_1588 = arith.constant 1024 : i32
      %mul3A_1589 = arith.muli %arg1, %mul3A_1588 : i32
      %add3A_1590 = arith.constant 896 : i32
      %add3A_1591 = arith.addi %mul3A_1589, %add3A_1590 : i32
      %add3A_1592 = arith.constant 80 : i32
      %add3A_1593 = arith.addi %add3A_1591, %add3A_1592 : i32
      %iota3A_1594 = tpu.iota {dimensions = array<i32: 0>} : vector<16xi32>
      %add3A_1595 = vector.broadcast %add3A_1593 : i32 to vector<16xi32>
      %add3A_1596 = arith.addi %iota3A_1594, %add3A_1595 : vector<16xi32>
      %mul3A_1597 = arith.constant 16 : i32
      %mul3A_1598 = vector.broadcast %mul3A_1597 : i32 to vector<16xi32>
      %mul3A_1599 = arith.muli %add3A_1596, %mul3A_1598 : vector<16xi32>
      %get3A_1600 = arith.constant 7 : i32
      %get3A_1601 = arith.index_cast %get3A_1600 : i32 to index
      %get3A_1602 = arith.constant 80 : index
      %get3A_1603 = tpu.vector_load %arg7[%get3A_1601, %get3A_1602] {strides = array<i32>} : memref<8x128xi32, #tpu.memory_space<vmem>>, vector<1x16xi32>,
      %get3A_1604 = vector.shape_cast %get3A_1603 : vector<1x16xi32> to vector<16xi32>
      %add3A_1605 = arith.addi %mul3A_1599, %get3A_1604 : vector<16xi32>
      %swap3A_1606 = arith.constant 7 : i32
      %swap3A_1607 = arith.index_cast %swap3A_1606 : i32 to index
      %swap3A_1608 = arith.constant 80 : index
      %swap3A_1609 = tpu.vector_load %arg9[%swap3A_1607, %swap3A_1608] {strides = array<i32>} : memref<8x128xi32, #tpu.memory_space<vmem>>, vector<1x16xi32>,
      %swap3A_1610 = vector.shape_cast %swap3A_1609 : vector<1x16xi32> to vector<16xi32>
      %swap3A_1611 = vector.shape_cast %add3A_1605 : vector<16xi32> to vector<1x16xi32>
      tpu.vector_store %arg9[%swap3A_1607, %swap3A_1608], %swap3A_1611 {strides = array<i32>} : memref<8x128xi32, #tpu.memory_space<vmem>>, vector<1x16xi32>,
      %mul3A_1612 = arith.constant 1024 : i32
      %mul3A_1613 = arith.muli %arg1, %mul3A_1612 : i32
      %add3A_1614 = arith.constant 896 : i32
      %add3A_1615 = arith.addi %mul3A_1613, %add3A_1614 : i32
      %add3A_1616 = arith.constant 96 : i32
      %add3A_1617 = arith.addi %add3A_1615, %add3A_1616 : i32
      %iota3A_1618 = tpu.iota {dimensions = array<i32: 0>} : vector<16xi32>
      %add3A_1619 = vector.broadcast %add3A_1617 : i32 to vector<16xi32>
      %add3A_1620 = arith.addi %iota3A_1618, %add3A_1619 : vector<16xi32>
      %mul3A_1621 = arith.constant 16 : i32
      %mul3A_1622 = vector.broadcast %mul3A_1621 : i32 to vector<16xi32>
      %mul3A_1623 = arith.muli %add3A_1620, %mul3A_1622 : vector<16xi32>
      %get3A_1624 = arith.constant 7 : i32
      %get3A_1625 = arith.index_cast %get3A_1624 : i32 to index
      %get3A_1626 = arith.constant 96 : index
      %get3A_1627 = tpu.vector_load %arg7[%get3A_1625, %get3A_1626] {strides = array<i32>} : memref<8x128xi32, #tpu.memory_space<vmem>>, vector<1x16xi32>,
      %get3A_1628 = vector.shape_cast %get3A_1627 : vector<1x16xi32> to vector<16xi32>
      %add3A_1629 = arith.addi %mul3A_1623, %get3A_1628 : vector<16xi32>
      %swap3A_1630 = arith.constant 7 : i32
      %swap3A_1631 = arith.index_cast %swap3A_1630 : i32 to index
      %swap3A_1632 = arith.constant 96 : index
      %swap3A_1633 = tpu.vector_load %arg9[%swap3A_1631, %swap3A_1632] {strides = array<i32>} : memref<8x128xi32, #tpu.memory_space<vmem>>, vector<1x16xi32>,
      %swap3A_1634 = vector.shape_cast %swap3A_1633 : vector<1x16xi32> to vector<16xi32>
      %swap3A_1635 = vector.shape_cast %add3A_1629 : vector<16xi32> to vector<1x16xi32>
      tpu.vector_store %arg9[%swap3A_1631, %swap3A_1632], %swap3A_1635 {strides = array<i32>} : memref<8x128xi32, #tpu.memory_space<vmem>>, vector<1x16xi32>,
      %mul3A_1636 = arith.constant 1024 : i32
      %mul3A_1637 = arith.muli %arg1, %mul3A_1636 : i32
      %add3A_1638 = arith.constant 896 : i32
      %add3A_1639 = arith.addi %mul3A_1637, %add3A_1638 : i32
      %add3A_1640 = arith.constant 112 : i32
      %add3A_1641 = arith.addi %add3A_1639, %add3A_1640 : i32
      %iota3A_1642 = tpu.iota {dimensions = array<i32: 0>} : vector<16xi32>
      %add3A_1643 = vector.broadcast %add3A_1641 : i32 to vector<16xi32>
      %add3A_1644 = arith.addi %iota3A_1642, %add3A_1643 : vector<16xi32>
      %mul3A_1645 = arith.constant 16 : i32
      %mul3A_1646 = vector.broadcast %mul3A_1645 : i32 to vector<16xi32>
      %mul3A_1647 = arith.muli %add3A_1644, %mul3A_1646 : vector<16xi32>
      %get3A_1648 = arith.constant 7 : i32
      %get3A_1649 = arith.index_cast %get3A_1648 : i32 to index
      %get3A_1650 = arith.constant 112 : index
      %get3A_1651 = tpu.vector_load %arg7[%get3A_1649, %get3A_1650] {strides = array<i32>} : memref<8x128xi32, #tpu.memory_space<vmem>>, vector<1x16xi32>,
      %get3A_1652 = vector.shape_cast %get3A_1651 : vector<1x16xi32> to vector<16xi32>
      %add3A_1653 = arith.addi %mul3A_1647, %get3A_1652 : vector<16xi32>
      %swap3A_1654 = arith.constant 7 : i32
      %swap3A_1655 = arith.index_cast %swap3A_1654 : i32 to index
      %swap3A_1656 = arith.constant 112 : index
      %swap3A_1657 = tpu.vector_load %arg9[%swap3A_1655, %swap3A_1656] {strides = array<i32>} : memref<8x128xi32, #tpu.memory_space<vmem>>, vector<1x16xi32>,
      %swap3A_1658 = vector.shape_cast %swap3A_1657 : vector<1x16xi32> to vector<16xi32>
      %swap3A_1659 = vector.shape_cast %add3A_1653 : vector<16xi32> to vector<1x16xi32>
      tpu.vector_store %arg9[%swap3A_1655, %swap3A_1656], %swap3A_1659 {strides = array<i32>} : memref<8x128xi32, #tpu.memory_space<vmem>>, vector<1x16xi32>,
      %barrier3A = arith.constant 0 : index
      tpu.barrier barrier_id(%barrier3A)
      %run_scoped3A_1660 = arith.constant 0 : i32
      "tpu.region"() ({
        %run_scoped3A_1673 = tpu.sem_alloc : memref<!tpu.dma_semaphore, #tpu.memory_space<semaphore_mem>>
        %dma_start3A = arith.constant 0 : i32
        %dma_start3A_1674 = tpu.memref_slice %arg9[%run_scoped3A_1660, %dma_start3A] : memref<8x128xi32, #tpu.memory_space<vmem>> -> memref<1x128xi32, #tpu.memory_space<vmem>>
        %dma_start3A_1675 = tpu.memref_squeeze %dma_start3A_1674 : memref<1x128xi32, #tpu.memory_space<vmem>> -> memref<128xi32, #tpu.memory_space<vmem>>
        %dma_start3A_1676 = arith.constant 0 : i32
        %dma_start3A_1677 = tpu.memref_slice %arg6[%dma_start3A_1676] : memref<262144xf32, #tpu.memory_space<vmem_shared>> -> memref<262144xf32, #tpu.memory_space<vmem_shared>>
        tpu.enqueue_indirect_dma source(%arg10 : memref<128xf32, #tpu.memory_space<vmem>>) target(%dma_start3A_1677 : memref<262144xf32, #tpu.memory_space<vmem_shared>>) offsets(%dma_start3A_1675 : memref<128xi32, #tpu.memory_space<vmem>>) semaphore(%run_scoped3A_1673 : memref<!tpu.dma_semaphore, #tpu.memory_space<semaphore_mem>>)
        %dma_wait3A = arith.constant 0 : i32
        %dma_wait3A_1678 = tpu.memref_slice %arg9[%run_scoped3A_1660, %dma_wait3A] : memref<8x128xi32, #tpu.memory_space<vmem>> -> memref<1x128xi32, #tpu.memory_space<vmem>>
        %dma_wait3A_1679 = tpu.memref_squeeze %dma_wait3A_1678 : memref<1x128xi32, #tpu.memory_space<vmem>> -> memref<128xi32, #tpu.memory_space<vmem>>
        %dma_wait3A_1680 = arith.constant 0 : i32
        %dma_wait3A_1681 = tpu.memref_slice %arg6[%dma_wait3A_1680] : memref<262144xf32, #tpu.memory_space<vmem_shared>> -> memref<262144xf32, #tpu.memory_space<vmem_shared>>
        tpu.wait_indirect_dma semaphore(%run_scoped3A_1673 : memref<!tpu.dma_semaphore, #tpu.memory_space<semaphore_mem>>) src(%arg10 : memref<128xf32, #tpu.memory_space<vmem>>) dst(%dma_wait3A_1681 : memref<262144xf32, #tpu.memory_space<vmem_shared>>)
        tpu.yield
      }) : () -> ()
      %run_scoped3A_1661 = arith.constant 1 : i32
      "tpu.region"() ({
        %run_scoped3A_1673 = tpu.sem_alloc : memref<!tpu.dma_semaphore, #tpu.memory_space<semaphore_mem>>
        %dma_start3A = arith.constant 0 : i32
        %dma_start3A_1674 = tpu.memref_slice %arg9[%run_scoped3A_1661, %dma_start3A] : memref<8x128xi32, #tpu.memory_space<vmem>> -> memref<1x128xi32, #tpu.memory_space<vmem>>
        %dma_start3A_1675 = tpu.memref_squeeze %dma_start3A_1674 : memref<1x128xi32, #tpu.memory_space<vmem>> -> memref<128xi32, #tpu.memory_space<vmem>>
        %dma_start3A_1676 = arith.constant 0 : i32
        %dma_start3A_1677 = tpu.memref_slice %arg6[%dma_start3A_1676] : memref<262144xf32, #tpu.memory_space<vmem_shared>> -> memref<262144xf32, #tpu.memory_space<vmem_shared>>
        tpu.enqueue_indirect_dma source(%arg10 : memref<128xf32, #tpu.memory_space<vmem>>) target(%dma_start3A_1677 : memref<262144xf32, #tpu.memory_space<vmem_shared>>) offsets(%dma_start3A_1675 : memref<128xi32, #tpu.memory_space<vmem>>) semaphore(%run_scoped3A_1673 : memref<!tpu.dma_semaphore, #tpu.memory_space<semaphore_mem>>)
        %dma_wait3A = arith.constant 0 : i32
        %dma_wait3A_1678 = tpu.memref_slice %arg9[%run_scoped3A_1661, %dma_wait3A] : memref<8x128xi32, #tpu.memory_space<vmem>> -> memref<1x128xi32, #tpu.memory_space<vmem>>
        %dma_wait3A_1679 = tpu.memref_squeeze %dma_wait3A_1678 : memref<1x128xi32, #tpu.memory_space<vmem>> -> memref<128xi32, #tpu.memory_space<vmem>>
        %dma_wait3A_1680 = arith.constant 0 : i32
        %dma_wait3A_1681 = tpu.memref_slice %arg6[%dma_wait3A_1680] : memref<262144xf32, #tpu.memory_space<vmem_shared>> -> memref<262144xf32, #tpu.memory_space<vmem_shared>>
        tpu.wait_indirect_dma semaphore(%run_scoped3A_1673 : memref<!tpu.dma_semaphore, #tpu.memory_space<semaphore_mem>>) src(%arg10 : memref<128xf32, #tpu.memory_space<vmem>>) dst(%dma_wait3A_1681 : memref<262144xf32, #tpu.memory_space<vmem_shared>>)
        tpu.yield
      }) : () -> ()
      %run_scoped3A_1662 = arith.constant 2 : i32
      "tpu.region"() ({
        %run_scoped3A_1673 = tpu.sem_alloc : memref<!tpu.dma_semaphore, #tpu.memory_space<semaphore_mem>>
        %dma_start3A = arith.constant 0 : i32
        %dma_start3A_1674 = tpu.memref_slice %arg9[%run_scoped3A_1662, %dma_start3A] : memref<8x128xi32, #tpu.memory_space<vmem>> -> memref<1x128xi32, #tpu.memory_space<vmem>>
        %dma_start3A_1675 = tpu.memref_squeeze %dma_start3A_1674 : memref<1x128xi32, #tpu.memory_space<vmem>> -> memref<128xi32, #tpu.memory_space<vmem>>
        %dma_start3A_1676 = arith.constant 0 : i32
        %dma_start3A_1677 = tpu.memref_slice %arg6[%dma_start3A_1676] : memref<262144xf32, #tpu.memory_space<vmem_shared>> -> memref<262144xf32, #tpu.memory_space<vmem_shared>>
        tpu.enqueue_indirect_dma source(%arg10 : memref<128xf32, #tpu.memory_space<vmem>>) target(%dma_start3A_1677 : memref<262144xf32, #tpu.memory_space<vmem_shared>>) offsets(%dma_start3A_1675 : memref<128xi32, #tpu.memory_space<vmem>>) semaphore(%run_scoped3A_1673 : memref<!tpu.dma_semaphore, #tpu.memory_space<semaphore_mem>>)
        %dma_wait3A = arith.constant 0 : i32
        %dma_wait3A_1678 = tpu.memref_slice %arg9[%run_scoped3A_1662, %dma_wait3A] : memref<8x128xi32, #tpu.memory_space<vmem>> -> memref<1x128xi32, #tpu.memory_space<vmem>>
        %dma_wait3A_1679 = tpu.memref_squeeze %dma_wait3A_1678 : memref<1x128xi32, #tpu.memory_space<vmem>> -> memref<128xi32, #tpu.memory_space<vmem>>
        %dma_wait3A_1680 = arith.constant 0 : i32
        %dma_wait3A_1681 = tpu.memref_slice %arg6[%dma_wait3A_1680] : memref<262144xf32, #tpu.memory_space<vmem_shared>> -> memref<262144xf32, #tpu.memory_space<vmem_shared>>
        tpu.wait_indirect_dma semaphore(%run_scoped3A_1673 : memref<!tpu.dma_semaphore, #tpu.memory_space<semaphore_mem>>) src(%arg10 : memref<128xf32, #tpu.memory_space<vmem>>) dst(%dma_wait3A_1681 : memref<262144xf32, #tpu.memory_space<vmem_shared>>)
        tpu.yield
      }) : () -> ()
      %run_scoped3A_1663 = arith.constant 3 : i32
      "tpu.region"() ({
        %run_scoped3A_1673 = tpu.sem_alloc : memref<!tpu.dma_semaphore, #tpu.memory_space<semaphore_mem>>
        %dma_start3A = arith.constant 0 : i32
        %dma_start3A_1674 = tpu.memref_slice %arg9[%run_scoped3A_1663, %dma_start3A] : memref<8x128xi32, #tpu.memory_space<vmem>> -> memref<1x128xi32, #tpu.memory_space<vmem>>
        %dma_start3A_1675 = tpu.memref_squeeze %dma_start3A_1674 : memref<1x128xi32, #tpu.memory_space<vmem>> -> memref<128xi32, #tpu.memory_space<vmem>>
        %dma_start3A_1676 = arith.constant 0 : i32
        %dma_start3A_1677 = tpu.memref_slice %arg6[%dma_start3A_1676] : memref<262144xf32, #tpu.memory_space<vmem_shared>> -> memref<262144xf32, #tpu.memory_space<vmem_shared>>
        tpu.enqueue_indirect_dma source(%arg10 : memref<128xf32, #tpu.memory_space<vmem>>) target(%dma_start3A_1677 : memref<262144xf32, #tpu.memory_space<vmem_shared>>) offsets(%dma_start3A_1675 : memref<128xi32, #tpu.memory_space<vmem>>) semaphore(%run_scoped3A_1673 : memref<!tpu.dma_semaphore, #tpu.memory_space<semaphore_mem>>)
        %dma_wait3A = arith.constant 0 : i32
        %dma_wait3A_1678 = tpu.memref_slice %arg9[%run_scoped3A_1663, %dma_wait3A] : memref<8x128xi32, #tpu.memory_space<vmem>> -> memref<1x128xi32, #tpu.memory_space<vmem>>
        %dma_wait3A_1679 = tpu.memref_squeeze %dma_wait3A_1678 : memref<1x128xi32, #tpu.memory_space<vmem>> -> memref<128xi32, #tpu.memory_space<vmem>>
        %dma_wait3A_1680 = arith.constant 0 : i32
        %dma_wait3A_1681 = tpu.memref_slice %arg6[%dma_wait3A_1680] : memref<262144xf32, #tpu.memory_space<vmem_shared>> -> memref<262144xf32, #tpu.memory_space<vmem_shared>>
        tpu.wait_indirect_dma semaphore(%run_scoped3A_1673 : memref<!tpu.dma_semaphore, #tpu.memory_space<semaphore_mem>>) src(%arg10 : memref<128xf32, #tpu.memory_space<vmem>>) dst(%dma_wait3A_1681 : memref<262144xf32, #tpu.memory_space<vmem_shared>>)
        tpu.yield
      }) : () -> ()
      %run_scoped3A_1664 = arith.constant 4 : i32
      "tpu.region"() ({
        %run_scoped3A_1673 = tpu.sem_alloc : memref<!tpu.dma_semaphore, #tpu.memory_space<semaphore_mem>>
        %dma_start3A = arith.constant 0 : i32
        %dma_start3A_1674 = tpu.memref_slice %arg9[%run_scoped3A_1664, %dma_start3A] : memref<8x128xi32, #tpu.memory_space<vmem>> -> memref<1x128xi32, #tpu.memory_space<vmem>>
        %dma_start3A_1675 = tpu.memref_squeeze %dma_start3A_1674 : memref<1x128xi32, #tpu.memory_space<vmem>> -> memref<128xi32, #tpu.memory_space<vmem>>
        %dma_start3A_1676 = arith.constant 0 : i32
        %dma_start3A_1677 = tpu.memref_slice %arg6[%dma_start3A_1676] : memref<262144xf32, #tpu.memory_space<vmem_shared>> -> memref<262144xf32, #tpu.memory_space<vmem_shared>>
        tpu.enqueue_indirect_dma source(%arg10 : memref<128xf32, #tpu.memory_space<vmem>>) target(%dma_start3A_1677 : memref<262144xf32, #tpu.memory_space<vmem_shared>>) offsets(%dma_start3A_1675 : memref<128xi32, #tpu.memory_space<vmem>>) semaphore(%run_scoped3A_1673 : memref<!tpu.dma_semaphore, #tpu.memory_space<semaphore_mem>>)
        %dma_wait3A = arith.constant 0 : i32
        %dma_wait3A_1678 = tpu.memref_slice %arg9[%run_scoped3A_1664, %dma_wait3A] : memref<8x128xi32, #tpu.memory_space<vmem>> -> memref<1x128xi32, #tpu.memory_space<vmem>>
        %dma_wait3A_1679 = tpu.memref_squeeze %dma_wait3A_1678 : memref<1x128xi32, #tpu.memory_space<vmem>> -> memref<128xi32, #tpu.memory_space<vmem>>
        %dma_wait3A_1680 = arith.constant 0 : i32
        %dma_wait3A_1681 = tpu.memref_slice %arg6[%dma_wait3A_1680] : memref<262144xf32, #tpu.memory_space<vmem_shared>> -> memref<262144xf32, #tpu.memory_space<vmem_shared>>
        tpu.wait_indirect_dma semaphore(%run_scoped3A_1673 : memref<!tpu.dma_semaphore, #tpu.memory_space<semaphore_mem>>) src(%arg10 : memref<128xf32, #tpu.memory_space<vmem>>) dst(%dma_wait3A_1681 : memref<262144xf32, #tpu.memory_space<vmem_shared>>)
        tpu.yield
      }) : () -> ()
      %run_scoped3A_1665 = arith.constant 5 : i32
      "tpu.region"() ({
        %run_scoped3A_1673 = tpu.sem_alloc : memref<!tpu.dma_semaphore, #tpu.memory_space<semaphore_mem>>
        %dma_start3A = arith.constant 0 : i32
        %dma_start3A_1674 = tpu.memref_slice %arg9[%run_scoped3A_1665, %dma_start3A] : memref<8x128xi32, #tpu.memory_space<vmem>> -> memref<1x128xi32, #tpu.memory_space<vmem>>
        %dma_start3A_1675 = tpu.memref_squeeze %dma_start3A_1674 : memref<1x128xi32, #tpu.memory_space<vmem>> -> memref<128xi32, #tpu.memory_space<vmem>>
        %dma_start3A_1676 = arith.constant 0 : i32
        %dma_start3A_1677 = tpu.memref_slice %arg6[%dma_start3A_1676] : memref<262144xf32, #tpu.memory_space<vmem_shared>> -> memref<262144xf32, #tpu.memory_space<vmem_shared>>
        tpu.enqueue_indirect_dma source(%arg10 : memref<128xf32, #tpu.memory_space<vmem>>) target(%dma_start3A_1677 : memref<262144xf32, #tpu.memory_space<vmem_shared>>) offsets(%dma_start3A_1675 : memref<128xi32, #tpu.memory_space<vmem>>) semaphore(%run_scoped3A_1673 : memref<!tpu.dma_semaphore, #tpu.memory_space<semaphore_mem>>)
        %dma_wait3A = arith.constant 0 : i32
        %dma_wait3A_1678 = tpu.memref_slice %arg9[%run_scoped3A_1665, %dma_wait3A] : memref<8x128xi32, #tpu.memory_space<vmem>> -> memref<1x128xi32, #tpu.memory_space<vmem>>
        %dma_wait3A_1679 = tpu.memref_squeeze %dma_wait3A_1678 : memref<1x128xi32, #tpu.memory_space<vmem>> -> memref<128xi32, #tpu.memory_space<vmem>>
        %dma_wait3A_1680 = arith.constant 0 : i32
        %dma_wait3A_1681 = tpu.memref_slice %arg6[%dma_wait3A_1680] : memref<262144xf32, #tpu.memory_space<vmem_shared>> -> memref<262144xf32, #tpu.memory_space<vmem_shared>>
        tpu.wait_indirect_dma semaphore(%run_scoped3A_1673 : memref<!tpu.dma_semaphore, #tpu.memory_space<semaphore_mem>>) src(%arg10 : memref<128xf32, #tpu.memory_space<vmem>>) dst(%dma_wait3A_1681 : memref<262144xf32, #tpu.memory_space<vmem_shared>>)
        tpu.yield
      }) : () -> ()
      %run_scoped3A_1666 = arith.constant 6 : i32
      "tpu.region"() ({
        %run_scoped3A_1673 = tpu.sem_alloc : memref<!tpu.dma_semaphore, #tpu.memory_space<semaphore_mem>>
        %dma_start3A = arith.constant 0 : i32
        %dma_start3A_1674 = tpu.memref_slice %arg9[%run_scoped3A_1666, %dma_start3A] : memref<8x128xi32, #tpu.memory_space<vmem>> -> memref<1x128xi32, #tpu.memory_space<vmem>>
        %dma_start3A_1675 = tpu.memref_squeeze %dma_start3A_1674 : memref<1x128xi32, #tpu.memory_space<vmem>> -> memref<128xi32, #tpu.memory_space<vmem>>
        %dma_start3A_1676 = arith.constant 0 : i32
        %dma_start3A_1677 = tpu.memref_slice %arg6[%dma_start3A_1676] : memref<262144xf32, #tpu.memory_space<vmem_shared>> -> memref<262144xf32, #tpu.memory_space<vmem_shared>>
        tpu.enqueue_indirect_dma source(%arg10 : memref<128xf32, #tpu.memory_space<vmem>>) target(%dma_start3A_1677 : memref<262144xf32, #tpu.memory_space<vmem_shared>>) offsets(%dma_start3A_1675 : memref<128xi32, #tpu.memory_space<vmem>>) semaphore(%run_scoped3A_1673 : memref<!tpu.dma_semaphore, #tpu.memory_space<semaphore_mem>>)
        %dma_wait3A = arith.constant 0 : i32
        %dma_wait3A_1678 = tpu.memref_slice %arg9[%run_scoped3A_1666, %dma_wait3A] : memref<8x128xi32, #tpu.memory_space<vmem>> -> memref<1x128xi32, #tpu.memory_space<vmem>>
        %dma_wait3A_1679 = tpu.memref_squeeze %dma_wait3A_1678 : memref<1x128xi32, #tpu.memory_space<vmem>> -> memref<128xi32, #tpu.memory_space<vmem>>
        %dma_wait3A_1680 = arith.constant 0 : i32
        %dma_wait3A_1681 = tpu.memref_slice %arg6[%dma_wait3A_1680] : memref<262144xf32, #tpu.memory_space<vmem_shared>> -> memref<262144xf32, #tpu.memory_space<vmem_shared>>
        tpu.wait_indirect_dma semaphore(%run_scoped3A_1673 : memref<!tpu.dma_semaphore, #tpu.memory_space<semaphore_mem>>) src(%arg10 : memref<128xf32, #tpu.memory_space<vmem>>) dst(%dma_wait3A_1681 : memref<262144xf32, #tpu.memory_space<vmem_shared>>)
        tpu.yield
      }) : () -> ()
      %run_scoped3A_1667 = arith.constant 7 : i32
      "tpu.region"() ({
        %run_scoped3A_1673 = tpu.sem_alloc : memref<!tpu.dma_semaphore, #tpu.memory_space<semaphore_mem>>
        %dma_start3A = arith.constant 0 : i32
        %dma_start3A_1674 = tpu.memref_slice %arg9[%run_scoped3A_1667, %dma_start3A] : memref<8x128xi32, #tpu.memory_space<vmem>> -> memref<1x128xi32, #tpu.memory_space<vmem>>
        %dma_start3A_1675 = tpu.memref_squeeze %dma_start3A_1674 : memref<1x128xi32, #tpu.memory_space<vmem>> -> memref<128xi32, #tpu.memory_space<vmem>>
        %dma_start3A_1676 = arith.constant 0 : i32
        %dma_start3A_1677 = tpu.memref_slice %arg6[%dma_start3A_1676] : memref<262144xf32, #tpu.memory_space<vmem_shared>> -> memref<262144xf32, #tpu.memory_space<vmem_shared>>
        tpu.enqueue_indirect_dma source(%arg10 : memref<128xf32, #tpu.memory_space<vmem>>) target(%dma_start3A_1677 : memref<262144xf32, #tpu.memory_space<vmem_shared>>) offsets(%dma_start3A_1675 : memref<128xi32, #tpu.memory_space<vmem>>) semaphore(%run_scoped3A_1673 : memref<!tpu.dma_semaphore, #tpu.memory_space<semaphore_mem>>)
        %dma_wait3A = arith.constant 0 : i32
        %dma_wait3A_1678 = tpu.memref_slice %arg9[%run_scoped3A_1667, %dma_wait3A] : memref<8x128xi32, #tpu.memory_space<vmem>> -> memref<1x128xi32, #tpu.memory_space<vmem>>
        %dma_wait3A_1679 = tpu.memref_squeeze %dma_wait3A_1678 : memref<1x128xi32, #tpu.memory_space<vmem>> -> memref<128xi32, #tpu.memory_space<vmem>>
        %dma_wait3A_1680 = arith.constant 0 : i32
        %dma_wait3A_1681 = tpu.memref_slice %arg6[%dma_wait3A_1680] : memref<262144xf32, #tpu.memory_space<vmem_shared>> -> memref<262144xf32, #tpu.memory_space<vmem_shared>>
        tpu.wait_indirect_dma semaphore(%run_scoped3A_1673 : memref<!tpu.dma_semaphore, #tpu.memory_space<semaphore_mem>>) src(%arg10 : memref<128xf32, #tpu.memory_space<vmem>>) dst(%dma_wait3A_1681 : memref<262144xf32, #tpu.memory_space<vmem_shared>>)
        tpu.yield
      }) : () -> ()
      %barrier3A_1668 = arith.constant 0 : index
      tpu.barrier barrier_id(%barrier3A_1668)
      %mul3A_1669 = arith.constant 16384 : i32
      %mul3A_1670 = arith.muli %arg1, %mul3A_1669 : i32
      %mul3A_1671 = arith.constant 16384 : i32
      %mul3A_1672 = arith.muli %arg1, %mul3A_1671 : i32
      "tpu.region"() ({
        %run_scoped3A_1673 = tpu.sem_alloc : memref<!tpu.dma_semaphore, #tpu.memory_space<semaphore_mem>>
        %dma_start3A = tpu.memref_slice %arg5[%mul3A_1672] : memref<262144xf32, #tpu.memory_space<hbm>> -> memref<16384xf32, #tpu.memory_space<hbm>>
        %dma_start3A_1674 = tpu.memref_slice %arg6[%mul3A_1670] : memref<262144xf32, #tpu.memory_space<vmem_shared>> -> memref<16384xf32, #tpu.memory_space<vmem_shared>>
        tpu.enqueue_dma source(%dma_start3A_1674 : memref<16384xf32, #tpu.memory_space<vmem_shared>>) target(%dma_start3A : memref<16384xf32, #tpu.memory_space<hbm>>) target_semaphore(%run_scoped3A_1673 : memref<!tpu.dma_semaphore, #tpu.memory_space<semaphore_mem>>)
        %dma_wait3A = tpu.memref_slice %arg5[%mul3A_1672] : memref<262144xf32, #tpu.memory_space<hbm>> -> memref<16384xf32, #tpu.memory_space<hbm>>
        %dma_wait3A_1675 = tpu.memref_slice %arg6[%mul3A_1670] : memref<262144xf32, #tpu.memory_space<vmem_shared>> -> memref<16384xf32, #tpu.memory_space<vmem_shared>>
        tpu.wait_dma2 semaphore(%run_scoped3A_1673 : memref<!tpu.dma_semaphore, #tpu.memory_space<semaphore_mem>>) src(%dma_wait3A_1675 : memref<16384xf32, #tpu.memory_space<vmem_shared>>) dst(%dma_wait3A : memref<16384xf32, #tpu.memory_space<hbm>>)
        tpu.yield
      }) : () -> ()
    } else {
    }
    return
  }
}

module attributes {stable_mosaic.version = 14 : i64} {
  func.func @_tc_body(%arg0: i32, %arg1: memref<4096x64xf32, #tpu.memory_space<vmem>>, %arg2: memref<4096x32xf32, #tpu.memory_space<vmem>>, %arg3: memref<64x512xbf16, #tpu.memory_space<vmem>>, %arg4: memref<32x512xbf16, #tpu.memory_space<vmem>>, %arg5: memref<1x512xf32, #tpu.memory_space<vmem>>, %arg6: memref<1x512xf32, #tpu.memory_space<vmem>>, %arg7: memref<512x1024xbf16, #tpu.memory_space<vmem>>, %arg8: memref<1x1024xf32, #tpu.memory_space<vmem>>, %arg9: memref<1x1024xf32, #tpu.memory_space<vmem>>, %arg10: memref<1024x512xbf16, #tpu.memory_space<vmem>>, %arg11: memref<1x512xf32, #tpu.memory_space<vmem>>, %arg12: memref<512x32xbf16, #tpu.memory_space<vmem>>, %arg13: memref<1x32xf32, #tpu.memory_space<vmem>>, %arg14: memref<512x1xbf16, #tpu.memory_space<vmem>>, %arg15: memref<16x4096xf32, #tpu.memory_space<vmem>>, %arg16: memref<1024x16xf32, #tpu.memory_space<vmem>>, %arg17: memref<1x1xf32, #tpu.memory_space<vmem>>, %arg18: memref<1024x32xf32, #tpu.memory_space<vmem>>, %arg19: memref<16384x32xf32, #tpu.memory_space<vmem>>, %arg20: memref<16x1xf32, #tpu.memory_space<vmem>>, %arg21: memref<16x1xf32, #tpu.memory_space<vmem>>, %arg22: memref<16x1xf32, #tpu.memory_space<vmem>>) attributes {dimension_semantics = [#tpu.dimension_semantics<arbitrary>], iteration_bounds = array<i64: 20>, scalar_prefetch = 0 : i64, scratch_operands = 4 : i64, tpu.core_type = #tpu.core_type<tc>, window_params = [{transform_indices = @transform_0, window_bounds = array<i64: 4096, 64>}, {transform_indices = @transform_1, window_bounds = array<i64: 4096, 32>}, {pipeline_mode = #tpu.pipeline_mode<synchronous>, transform_indices = @transform_2, window_bounds = array<i64: 64, 512>}, {pipeline_mode = #tpu.pipeline_mode<synchronous>, transform_indices = @transform_3, window_bounds = array<i64: 32, 512>}, {pipeline_mode = #tpu.pipeline_mode<synchronous>, transform_indices = @transform_4, window_bounds = array<i64: 1, 512>}, {pipeline_mode = #tpu.pipeline_mode<synchronous>, transform_indices = @transform_5, window_bounds = array<i64: 1, 512>}, {pipeline_mode = #tpu.pipeline_mode<synchronous>, transform_indices = @transform_6, window_bounds = array<i64: 512, 1024>}, {pipeline_mode = #tpu.pipeline_mode<synchronous>, transform_indices = @transform_7, window_bounds = array<i64: 1, 1024>}, {pipeline_mode = #tpu.pipeline_mode<synchronous>, transform_indices = @transform_8, window_bounds = array<i64: 1, 1024>}, {pipeline_mode = #tpu.pipeline_mode<synchronous>, transform_indices = @transform_9, window_bounds = array<i64: 1024, 512>}, {pipeline_mode = #tpu.pipeline_mode<synchronous>, transform_indices = @transform_10, window_bounds = array<i64: 1, 512>}, {pipeline_mode = #tpu.pipeline_mode<synchronous>, transform_indices = @transform_11, window_bounds = array<i64: 512, 32>}, {pipeline_mode = #tpu.pipeline_mode<synchronous>, transform_indices = @transform_12, window_bounds = array<i64: 1, 32>}, {pipeline_mode = #tpu.pipeline_mode<synchronous>, transform_indices = @transform_13, window_bounds = array<i64: 512, 1>}, {transform_indices = @transform_14, window_bounds = array<i64: 16, 4096>}, {transform_indices = @transform_15, window_bounds = array<i64: 1024, 16>}, {pipeline_mode = #tpu.pipeline_mode<synchronous>, transform_indices = @transform_16, window_bounds = array<i64: 1, 1>}, {transform_indices = @transform_17, window_bounds = array<i64: 1024, 32>}]} {
    %lt3A = arith.constant 4 : i32
    %lt3A_0 = arith.cmpi slt, %arg0, %lt3A : i32
    %convert_element_type3A = arith.extui %lt3A_0 : i1 to i32
    %cond3A = arith.constant 0 : i32
    %cond3A_1 = arith.cmpi ne, %convert_element_type3A, %cond3A : i32
    scf.if %cond3A_1 {
      %lt3A_6 = arith.constant 2 : i32
      %lt3A_7 = arith.cmpi slt, %arg0, %lt3A_6 : i32
      %convert_element_type3A_8 = arith.extui %lt3A_7 : i1 to i32
      %cond3A_9 = arith.constant 0 : i32
      %cond3A_10 = arith.cmpi ne, %convert_element_type3A_8, %cond3A_9 : i32
      %cond3A_11 = scf.if %cond3A_10 -> (vector<4096x512xf32>) {
        %get3A_93 = arith.constant 0 : index
        %get3A_94 = arith.constant 0 : index
        %get3A_95 = vector.load %arg1[%get3A_93, %get3A_94] : memref<4096x64xf32, #tpu.memory_space<vmem>>, vector<4096x64xf32>
        %convert_element_type3A_96 = arith.truncf %get3A_95 : vector<4096x64xf32> to vector<4096x64xbf16>
        %get3A_97 = arith.constant 0 : index
        %get3A_98 = arith.constant 0 : index
        %get3A_99 = vector.load %arg3[%get3A_97, %get3A_98] : memref<64x512xbf16, #tpu.memory_space<vmem>>, vector<64x512xbf16>
        %dot_general3A_100 = arith.constant dense<0.000000e+00> : vector<4096x512xf32>
        %dot_general3A_101 = tpu.matmul %convert_element_type3A_96, %get3A_99, %dot_general3A_100 {dimension_numbers = #tpu.dot_dimension_numbers<[1], [0], [0], [1], [0, 0, 1, 1], [], []>, transpose_lhs_hint = false} : vector<4096x64xbf16>, vector<64x512xbf16>, vector<4096x512xf32> -> vector<4096x512xf32>
        %get3A_102 = arith.constant 0 : index
        %get3A_103 = arith.constant 0 : index
        %get3A_104 = vector.load %arg5[%get3A_102, %get3A_103] : memref<1x512xf32, #tpu.memory_space<vmem>>, vector<1x512xf32>
        %add3A_105 = vector.broadcast %get3A_104 : vector<1x512xf32> to vector<4096x512xf32>
        %add3A_106 = arith.addf %dot_general3A_101, %add3A_105 : vector<4096x512xf32>
        scf.yield %add3A_106 : vector<4096x512xf32>
      } else {
        %get3A_93 = arith.constant 0 : index
        %get3A_94 = arith.constant 0 : index
        %get3A_95 = vector.load %arg2[%get3A_93, %get3A_94] : memref<4096x32xf32, #tpu.memory_space<vmem>>, vector<4096x32xf32>
        %convert_element_type3A_96 = arith.truncf %get3A_95 : vector<4096x32xf32> to vector<4096x32xbf16>
        %get3A_97 = arith.constant 0 : index
        %get3A_98 = arith.constant 0 : index
        %get3A_99 = vector.load %arg4[%get3A_97, %get3A_98] : memref<32x512xbf16, #tpu.memory_space<vmem>>, vector<32x512xbf16>
        %dot_general3A_100 = arith.constant dense<0.000000e+00> : vector<4096x512xf32>
        %dot_general3A_101 = tpu.matmul %convert_element_type3A_96, %get3A_99, %dot_general3A_100 {dimension_numbers = #tpu.dot_dimension_numbers<[1], [0], [0], [1], [0, 0, 1, 1], [], []>, transpose_lhs_hint = false} : vector<4096x32xbf16>, vector<32x512xbf16>, vector<4096x512xf32> -> vector<4096x512xf32>
        %get3A_102 = arith.constant 0 : index
        %get3A_103 = arith.constant 0 : index
        %get3A_104 = vector.load %arg6[%get3A_102, %get3A_103] : memref<1x512xf32, #tpu.memory_space<vmem>>, vector<1x512xf32>
        %add3A_105 = vector.broadcast %get3A_104 : vector<1x512xf32> to vector<4096x512xf32>
        %add3A_106 = arith.addf %dot_general3A_101, %add3A_105 : vector<4096x512xf32>
        scf.yield %add3A_106 : vector<4096x512xf32>
      }
      %convert_element_type3A_12 = arith.truncf %cond3A_11 : vector<4096x512xf32> to vector<4096x512xbf16>
      %get3A = arith.constant 0 : index
      %get3A_13 = arith.constant 0 : index
      %get3A_14 = vector.load %arg8[%get3A, %get3A_13] : memref<1x1024xf32, #tpu.memory_space<vmem>>, vector<1x1024xf32>
      %get3A_15 = arith.constant 0 : index
      %get3A_16 = arith.constant 0 : index
      %get3A_17 = vector.load %arg8[%get3A_15, %get3A_16] : memref<1x1024xf32, #tpu.memory_space<vmem>>, vector<1x1024xf32>
      %get3A_18 = arith.constant 0 : index
      %get3A_19 = arith.constant 0 : index
      %get3A_20 = vector.load %arg9[%get3A_18, %get3A_19] : memref<1x1024xf32, #tpu.memory_space<vmem>>, vector<1x1024xf32>
      %add3A = arith.addf %get3A_17, %get3A_20 : vector<1x1024xf32>
      %select_n3A = arith.select %lt3A_7, %get3A_14, %add3A : vector<1x1024xf32>
      %get3A_21 = arith.constant 0 : index
      %get3A_22 = arith.constant 0 : index
      %get3A_23 = vector.load %arg7[%get3A_21, %get3A_22] : memref<512x1024xbf16, #tpu.memory_space<vmem>>, vector<512x1024xbf16>
      %dot_general3A = arith.constant dense<0.000000e+00> : vector<4096x1024xf32>
      %dot_general3A_24 = tpu.matmul %convert_element_type3A_12, %get3A_23, %dot_general3A {dimension_numbers = #tpu.dot_dimension_numbers<[1], [0], [0], [1], [0, 0, 1, 1], [], []>, transpose_lhs_hint = false} : vector<4096x512xbf16>, vector<512x1024xbf16>, vector<4096x1024xf32> -> vector<4096x1024xf32>
      %add3A_25 = vector.broadcast %select_n3A : vector<1x1024xf32> to vector<4096x1024xf32>
      %add3A_26 = arith.addf %dot_general3A_24, %add3A_25 : vector<4096x1024xf32>
      %max3A = arith.constant 0.000000e+00 : f32
      %max3A_27 = vector.broadcast %max3A : f32 to vector<4096x1024xf32>
      %max3A_28 = arith.maximumf %add3A_26, %max3A_27 : vector<4096x1024xf32>
      %convert_element_type3A_29 = arith.truncf %max3A_28 : vector<4096x1024xf32> to vector<4096x1024xbf16>
      %convert_element_type3A_30 = arith.extf %convert_element_type3A_12 : vector<4096x512xbf16> to vector<4096x512xf32>
      %get3A_31 = arith.constant 0 : index
      %get3A_32 = arith.constant 0 : index
      %get3A_33 = vector.load %arg10[%get3A_31, %get3A_32] : memref<1024x512xbf16, #tpu.memory_space<vmem>>, vector<1024x512xbf16>
      %dot_general3A_34 = arith.constant dense<0.000000e+00> : vector<4096x512xf32>
      %dot_general3A_35 = tpu.matmul %convert_element_type3A_29, %get3A_33, %dot_general3A_34 {dimension_numbers = #tpu.dot_dimension_numbers<[1], [0], [0], [1], [0, 0, 1, 1], [], []>, transpose_lhs_hint = false} : vector<4096x1024xbf16>, vector<1024x512xbf16>, vector<4096x512xf32> -> vector<4096x512xf32>
      %add3A_36 = arith.addf %convert_element_type3A_30, %dot_general3A_35 : vector<4096x512xf32>
      %get3A_37 = arith.constant 0 : index
      %get3A_38 = arith.constant 0 : index
      %get3A_39 = vector.load %arg11[%get3A_37, %get3A_38] : memref<1x512xf32, #tpu.memory_space<vmem>>, vector<1x512xf32>
      %add3A_40 = vector.broadcast %get3A_39 : vector<1x512xf32> to vector<4096x512xf32>
      %add3A_41 = arith.addf %add3A_36, %add3A_40 : vector<4096x512xf32>
      %convert_element_type3A_42 = arith.truncf %add3A_41 : vector<4096x512xf32> to vector<4096x512xbf16>
      %get3A_43 = arith.constant 0 : index
      %get3A_44 = arith.constant 0 : index
      %get3A_45 = vector.load %arg12[%get3A_43, %get3A_44] : memref<512x32xbf16, #tpu.memory_space<vmem>>, vector<512x32xbf16>
      %dot_general3A_46 = arith.constant dense<0.000000e+00> : vector<4096x32xf32>
      %dot_general3A_47 = tpu.matmul %convert_element_type3A_42, %get3A_45, %dot_general3A_46 {dimension_numbers = #tpu.dot_dimension_numbers<[1], [0], [0], [1], [0, 0, 1, 1], [], []>, transpose_lhs_hint = false} : vector<4096x512xbf16>, vector<512x32xbf16>, vector<4096x32xf32> -> vector<4096x32xf32>
      %get3A_48 = arith.constant 0 : index
      %get3A_49 = arith.constant 0 : index
      %get3A_50 = vector.load %arg13[%get3A_48, %get3A_49] : memref<1x32xf32, #tpu.memory_space<vmem>>, vector<1x32xf32>
      %add3A_51 = vector.broadcast %get3A_50 : vector<1x32xf32> to vector<4096x32xf32>
      %add3A_52 = arith.addf %dot_general3A_47, %add3A_51 : vector<4096x32xf32>
      %mul3A = arith.constant 4096 : i32
      %mul3A_53 = arith.muli %arg0, %mul3A : i32
      %swap3A = arith.index_cast %mul3A_53 : i32 to index
      %swap3A_54 = arith.constant 0 : index
      %swap3A_55 = vector.load %arg19[%swap3A, %swap3A_54] : memref<16384x32xf32, #tpu.memory_space<vmem>>, vector<4096x32xf32>
      tpu.vector_store %arg19[%swap3A, %swap3A_54], %add3A_52 {strides = array<i32>} : memref<16384x32xf32, #tpu.memory_space<vmem>>, vector<4096x32xf32>,
      %get3A_56 = arith.constant 0 : index
      %get3A_57 = arith.constant 0 : index
      %get3A_58 = vector.load %arg14[%get3A_56, %get3A_57] : memref<512x1xbf16, #tpu.memory_space<vmem>>, vector<512x1xbf16>
      %dot_general3A_59 = arith.constant dense<0.000000e+00> : vector<4096x1xf32>
      %dot_general3A_60 = tpu.matmul %convert_element_type3A_42, %get3A_58, %dot_general3A_59 {dimension_numbers = #tpu.dot_dimension_numbers<[1], [0], [0], [1], [0, 0, 1, 1], [], []>, transpose_lhs_hint = false} : vector<4096x512xbf16>, vector<512x1xbf16>, vector<4096x1xf32> -> vector<4096x1xf32>
      %get3A_61 = arith.constant 0 : index
      %get3A_62 = arith.constant 0 : index
      %get3A_63 = vector.load %arg15[%get3A_61, %get3A_62] : memref<16x4096xf32, #tpu.memory_space<vmem>>, vector<16x4096xf32>
      %dot_general3A_64 = arith.constant dense<0.000000e+00> : vector<16x1xf32>
      %dot_general3A_65 = tpu.matmul %get3A_63, %dot_general3A_60, %dot_general3A_64 {dimension_numbers = #tpu.dot_dimension_numbers<[1], [0], [0], [1], [0, 0, 1, 1], [], []>, transpose_lhs_hint = false} : vector<16x4096xf32>, vector<4096x1xf32>, vector<16x1xf32> -> vector<16x1xf32>
      %get3A_66 = arith.constant 0 : index
      %get3A_67 = arith.constant 0 : index
      %get3A_68 = vector.load %arg15[%get3A_66, %get3A_67] : memref<16x4096xf32, #tpu.memory_space<vmem>>, vector<16x4096xf32>
      %reduce_sum3A = arith.constant dense<0.000000e+00> : vector<16xf32>
      %reduce_sum3A_69 = vector.multi_reduction <add>, %get3A_68, %reduce_sum3A [1] : vector<16x4096xf32> to vector<16xf32>
      %broadcast_in_dim3A = vector.shape_cast %reduce_sum3A_69 : vector<16xf32> to vector<16x1xf32>
      %eq3A = arith.constant 0 : i32
      %eq3A_70 = arith.cmpi eq, %arg0, %eq3A : i32
      %convert_element_type3A_71 = arith.extui %eq3A_70 : i1 to i32
      %cond3A_72 = arith.constant 0 : i32
      %cond3A_73 = arith.cmpi ne, %convert_element_type3A_71, %cond3A_72 : i32
      scf.if %cond3A_73 {
        %broadcast_in_dim3A_93 = arith.constant 0.000000e+00 : f32
        %broadcast_in_dim3A_94 = vector.broadcast %broadcast_in_dim3A_93 : f32 to vector<16x1xf32>
        %swap3A_95 = arith.constant 0 : index
        %swap3A_96 = arith.constant 0 : index
        %swap3A_97 = vector.load %arg20[%swap3A_95, %swap3A_96] : memref<16x1xf32, #tpu.memory_space<vmem>>, vector<16x1xf32>
        tpu.vector_store %arg20[%swap3A_95, %swap3A_96], %broadcast_in_dim3A_94 {strides = array<i32>} : memref<16x1xf32, #tpu.memory_space<vmem>>, vector<16x1xf32>,
        %broadcast_in_dim3A_98 = arith.constant 0.000000e+00 : f32
        %broadcast_in_dim3A_99 = vector.broadcast %broadcast_in_dim3A_98 : f32 to vector<16x1xf32>
        %swap3A_100 = arith.constant 0 : index
        %swap3A_101 = arith.constant 0 : index
        %swap3A_102 = vector.load %arg21[%swap3A_100, %swap3A_101] : memref<16x1xf32, #tpu.memory_space<vmem>>, vector<16x1xf32>
        tpu.vector_store %arg21[%swap3A_100, %swap3A_101], %broadcast_in_dim3A_99 {strides = array<i32>} : memref<16x1xf32, #tpu.memory_space<vmem>>, vector<16x1xf32>,
      } else {
      }
      %get3A_74 = arith.constant 0 : index
      %get3A_75 = arith.constant 0 : index
      %get3A_76 = vector.load %arg20[%get3A_74, %get3A_75] : memref<16x1xf32, #tpu.memory_space<vmem>>, vector<16x1xf32>
      %add3A_77 = arith.addf %get3A_76, %dot_general3A_65 : vector<16x1xf32>
      %swap3A_78 = arith.constant 0 : index
      %swap3A_79 = arith.constant 0 : index
      %swap3A_80 = vector.load %arg20[%swap3A_78, %swap3A_79] : memref<16x1xf32, #tpu.memory_space<vmem>>, vector<16x1xf32>
      tpu.vector_store %arg20[%swap3A_78, %swap3A_79], %add3A_77 {strides = array<i32>} : memref<16x1xf32, #tpu.memory_space<vmem>>, vector<16x1xf32>,
      %get3A_81 = arith.constant 0 : index
      %get3A_82 = arith.constant 0 : index
      %get3A_83 = vector.load %arg21[%get3A_81, %get3A_82] : memref<16x1xf32, #tpu.memory_space<vmem>>, vector<16x1xf32>
      %add3A_84 = arith.addf %get3A_83, %broadcast_in_dim3A : vector<16x1xf32>
      %swap3A_85 = arith.constant 0 : index
      %swap3A_86 = arith.constant 0 : index
      %swap3A_87 = vector.load %arg21[%swap3A_85, %swap3A_86] : memref<16x1xf32, #tpu.memory_space<vmem>>, vector<16x1xf32>
      tpu.vector_store %arg21[%swap3A_85, %swap3A_86], %add3A_84 {strides = array<i32>} : memref<16x1xf32, #tpu.memory_space<vmem>>, vector<16x1xf32>,
      %eq3A_88 = arith.constant 3 : i32
      %eq3A_89 = arith.cmpi eq, %arg0, %eq3A_88 : i32
      %convert_element_type3A_90 = arith.extui %eq3A_89 : i1 to i32
      %cond3A_91 = arith.constant 0 : i32
      %cond3A_92 = arith.cmpi ne, %convert_element_type3A_90, %cond3A_91 : i32
      scf.if %cond3A_92 {
        %get3A_93 = arith.constant 0 : index
        %get3A_94 = arith.constant 0 : index
        %get3A_95 = vector.load %arg20[%get3A_93, %get3A_94] : memref<16x1xf32, #tpu.memory_space<vmem>>, vector<16x1xf32>
        %get3A_96 = arith.constant 0 : index
        %get3A_97 = arith.constant 0 : index
        %get3A_98 = vector.load %arg21[%get3A_96, %get3A_97] : memref<16x1xf32, #tpu.memory_space<vmem>>, vector<16x1xf32>
        %max3A_99 = arith.constant 1.000000e+00 : f32
        %max3A_100 = vector.broadcast %max3A_99 : f32 to vector<16x1xf32>
        %max3A_101 = arith.maximumf %get3A_98, %max3A_100 : vector<16x1xf32>
        %div3A = arith.divf %get3A_95, %max3A_101 : vector<16x1xf32>
        %get3A_102 = arith.constant 0 : index
        %get3A_103 = arith.constant 0 : index
        %get3A_104 = vector.load %arg17[%get3A_102, %get3A_103] : memref<1x1xf32, #tpu.memory_space<vmem>>, vector<1x1xf32>
        %add3A_105 = vector.broadcast %get3A_104 : vector<1x1xf32> to vector<16x1xf32>
        %add3A_106 = arith.addf %div3A, %add3A_105 : vector<16x1xf32>
        %swap3A_107 = arith.constant 0 : index
        %swap3A_108 = arith.constant 0 : index
        %swap3A_109 = vector.load %arg22[%swap3A_107, %swap3A_108] : memref<16x1xf32, #tpu.memory_space<vmem>>, vector<16x1xf32>
        tpu.vector_store %arg22[%swap3A_107, %swap3A_108], %add3A_106 {strides = array<i32>} : memref<16x1xf32, #tpu.memory_space<vmem>>, vector<16x1xf32>,
      } else {
      }
    } else {
    }
    %ge3A = arith.constant 4 : i32
    %ge3A_2 = arith.cmpi sge, %arg0, %ge3A : i32
    %convert_element_type3A_3 = arith.extui %ge3A_2 : i1 to i32
    %cond3A_4 = arith.constant 0 : i32
    %cond3A_5 = arith.cmpi ne, %convert_element_type3A_3, %cond3A_4 : i32
    scf.if %cond3A_5 {
      %sub3A = arith.constant 4 : i32
      %sub3A_6 = arith.subi %arg0, %sub3A : i32
      %get3A = arith.constant 0 : index
      %get3A_7 = arith.constant 0 : index
      %get3A_8 = vector.load %arg16[%get3A, %get3A_7] : memref<1024x16xf32, #tpu.memory_space<vmem>>, vector<1024x16xf32>
      %get3A_9 = arith.constant 0 : index
      %get3A_10 = arith.constant 0 : index
      %get3A_11 = vector.load %arg22[%get3A_9, %get3A_10] : memref<16x1xf32, #tpu.memory_space<vmem>>, vector<16x1xf32>
      %dot_general3A = arith.constant dense<0.000000e+00> : vector<1024x1xf32>
      %dot_general3A_12 = tpu.matmul %get3A_8, %get3A_11, %dot_general3A {dimension_numbers = #tpu.dot_dimension_numbers<[1], [0], [0], [1], [0, 0, 1, 1], [], []>, transpose_lhs_hint = false} : vector<1024x16xf32>, vector<16x1xf32>, vector<1024x1xf32> -> vector<1024x1xf32>
      %mul3A = arith.constant 1024 : i32
      %mul3A_13 = arith.muli %sub3A_6, %mul3A : i32
      %get3A_14 = arith.index_cast %mul3A_13 : i32 to index
      %get3A_15 = arith.constant 0 : index
      %get3A_16 = vector.load %arg19[%get3A_14, %get3A_15] : memref<16384x32xf32, #tpu.memory_space<vmem>>, vector<1024x32xf32>
      %add3A = vector.broadcast %dot_general3A_12 : vector<1024x1xf32> to vector<1024x32xf32>
      %add3A_17 = arith.addf %get3A_16, %add3A : vector<1024x32xf32>
      %swap3A = arith.constant 0 : index
      %swap3A_18 = arith.constant 0 : index
      %swap3A_19 = vector.load %arg18[%swap3A, %swap3A_18] : memref<1024x32xf32, #tpu.memory_space<vmem>>, vector<1024x32xf32>
      tpu.vector_store %arg18[%swap3A, %swap3A_18], %add3A_17 {strides = array<i32>} : memref<1024x32xf32, #tpu.memory_space<vmem>>, vector<1024x32xf32>,
    } else {
    }
    return
  }
  func.func @transform_0(%arg0: i32) -> (i32, i32) {
    %min3A = arith.constant 1 : i32
    %min3A_0 = arith.minsi %arg0, %min3A : i32
    %c0_i32 = arith.constant 0 : i32
    %c0_i32_1 = arith.constant 0 : i32
    return %min3A_0, %c0_i32 : i32, i32
  }
  func.func @transform_1(%arg0: i32) -> (i32, i32) {
    %sub3A = arith.constant 2 : i32
    %sub3A_0 = arith.subi %arg0, %sub3A : i32
    %clamp3A = arith.constant 0 : i32
    %clamp3A_1 = arith.constant 1 : i32
    %clamp3A_2 = arith.maxsi %sub3A_0, %clamp3A : i32
    %clamp3A_3 = arith.minsi %clamp3A_2, %clamp3A_1 : i32
    %c0_i32 = arith.constant 0 : i32
    %c0_i32_4 = arith.constant 0 : i32
    return %clamp3A_3, %c0_i32 : i32, i32
  }
  func.func @transform_2(%arg0: i32) -> (i32, i32) {
    %c0_i32 = arith.constant 0 : i32
    %c0_i32_0 = arith.constant 0 : i32
    %c0_i32_1 = arith.constant 0 : i32
    return %c0_i32, %c0_i32_0 : i32, i32
  }
  func.func @transform_3(%arg0: i32) -> (i32, i32) {
    %c0_i32 = arith.constant 0 : i32
    %c0_i32_0 = arith.constant 0 : i32
    %c0_i32_1 = arith.constant 0 : i32
    return %c0_i32, %c0_i32_0 : i32, i32
  }
  func.func @transform_4(%arg0: i32) -> (i32, i32) {
    %c0_i32 = arith.constant 0 : i32
    %c0_i32_0 = arith.constant 0 : i32
    %c0_i32_1 = arith.constant 0 : i32
    return %c0_i32, %c0_i32_0 : i32, i32
  }
  func.func @transform_5(%arg0: i32) -> (i32, i32) {
    %c0_i32 = arith.constant 0 : i32
    %c0_i32_0 = arith.constant 0 : i32
    %c0_i32_1 = arith.constant 0 : i32
    return %c0_i32, %c0_i32_0 : i32, i32
  }
  func.func @transform_6(%arg0: i32) -> (i32, i32) {
    %c0_i32 = arith.constant 0 : i32
    %c0_i32_0 = arith.constant 0 : i32
    %c0_i32_1 = arith.constant 0 : i32
    return %c0_i32, %c0_i32_0 : i32, i32
  }
  func.func @transform_7(%arg0: i32) -> (i32, i32) {
    %c0_i32 = arith.constant 0 : i32
    %c0_i32_0 = arith.constant 0 : i32
    %c0_i32_1 = arith.constant 0 : i32
    return %c0_i32, %c0_i32_0 : i32, i32
  }
  func.func @transform_8(%arg0: i32) -> (i32, i32) {
    %c0_i32 = arith.constant 0 : i32
    %c0_i32_0 = arith.constant 0 : i32
    %c0_i32_1 = arith.constant 0 : i32
    return %c0_i32, %c0_i32_0 : i32, i32
  }
  func.func @transform_9(%arg0: i32) -> (i32, i32) {
    %c0_i32 = arith.constant 0 : i32
    %c0_i32_0 = arith.constant 0 : i32
    %c0_i32_1 = arith.constant 0 : i32
    return %c0_i32, %c0_i32_0 : i32, i32
  }
  func.func @transform_10(%arg0: i32) -> (i32, i32) {
    %c0_i32 = arith.constant 0 : i32
    %c0_i32_0 = arith.constant 0 : i32
    %c0_i32_1 = arith.constant 0 : i32
    return %c0_i32, %c0_i32_0 : i32, i32
  }
  func.func @transform_11(%arg0: i32) -> (i32, i32) {
    %c0_i32 = arith.constant 0 : i32
    %c0_i32_0 = arith.constant 0 : i32
    %c0_i32_1 = arith.constant 0 : i32
    return %c0_i32, %c0_i32_0 : i32, i32
  }
  func.func @transform_12(%arg0: i32) -> (i32, i32) {
    %c0_i32 = arith.constant 0 : i32
    %c0_i32_0 = arith.constant 0 : i32
    %c0_i32_1 = arith.constant 0 : i32
    return %c0_i32, %c0_i32_0 : i32, i32
  }
  func.func @transform_13(%arg0: i32) -> (i32, i32) {
    %c0_i32 = arith.constant 0 : i32
    %c0_i32_0 = arith.constant 0 : i32
    %c0_i32_1 = arith.constant 0 : i32
    return %c0_i32, %c0_i32_0 : i32, i32
  }
  func.func @transform_14(%arg0: i32) -> (i32, i32) {
    %min3A = arith.constant 3 : i32
    %min3A_0 = arith.minsi %arg0, %min3A : i32
    %c0_i32 = arith.constant 0 : i32
    %c0_i32_1 = arith.constant 0 : i32
    return %c0_i32, %min3A_0 : i32, i32
  }
  func.func @transform_15(%arg0: i32) -> (i32, i32) {
    %sub3A = arith.constant 4 : i32
    %sub3A_0 = arith.subi %arg0, %sub3A : i32
    %clamp3A = arith.constant 0 : i32
    %clamp3A_1 = arith.constant 15 : i32
    %clamp3A_2 = arith.maxsi %sub3A_0, %clamp3A : i32
    %clamp3A_3 = arith.minsi %clamp3A_2, %clamp3A_1 : i32
    %c0_i32 = arith.constant 0 : i32
    %c0_i32_4 = arith.constant 0 : i32
    return %clamp3A_3, %c0_i32 : i32, i32
  }
  func.func @transform_16(%arg0: i32) -> (i32, i32) {
    %c0_i32 = arith.constant 0 : i32
    %c0_i32_0 = arith.constant 0 : i32
    %c0_i32_1 = arith.constant 0 : i32
    return %c0_i32, %c0_i32_0 : i32, i32
  }
  func.func @transform_17(%arg0: i32) -> (i32, i32) {
    %sub3A = arith.constant 4 : i32
    %sub3A_0 = arith.subi %arg0, %sub3A : i32
    %clamp3A = arith.constant 0 : i32
    %clamp3A_1 = arith.constant 15 : i32
    %clamp3A_2 = arith.maxsi %sub3A_0, %clamp3A : i32
    %clamp3A_3 = arith.minsi %clamp3A_2, %clamp3A_1 : i32
    %c0_i32 = arith.constant 0 : i32
    %c0_i32_4 = arith.constant 0 : i32
    return %clamp3A_3, %c0_i32 : i32, i32
  }
}

</mosaic_0001>

<sc_bundles>
// kernel: kernel.5.cloned.1.call-start
scs
__scs_entry_jumppad:
0x0: {  	(pc) =	sbr.rel $0x88, $3  }
0x1: {  	(tag) =	ssettag $0x0;
	lr =	simm.s32 $0x1  }
0x2: {  	[smem:$0x3F91] =	sst lr;
	_ =	strace $0xD0000000  }
0x3: {  	_ = 	snop  }
0x4: {  	_ = 	snop  }
0x5: {  	_ = 	snop  }
0x6: {  	_ = 	snop  }
0x7: {  	_ = 	snop  }
__scs_overlays_trampoline_lowered:
0x8: {  	[smem:$0x3FA0] =	sst s0  }
0x9: {  	[smem:$0x3FA1] =	sst s1  }
0xa: {  	[smem:$0x3FA2] =	sst s2  }
0xb: {  	[smem:$0x3FA3] =	sst s3  }
0xc: {  	[smem:$0x3FA4] =	sst s4  }
0xd: {  	[smem:$0x3FA5] =	sst s5  }
0xe: {  	[smem:$0x3FA6] =	sst s6  }
0xf: {  	[smem:$0x3FA7] =	sst s7  }
0x10: {  	[smem:$0x3FA8] =	sst s8  }
0x11: {  	[smem:$0x3FA9] =	sst s9;
	s0 =	simm.s32 @!p0 $0x0  }
0x12: {  	s1 =	sld [smem:$0x3F8F];
	s0 =	simm.s32 @p0 $0x1  }
0x13: {  	[smem:$0x3FAA] =	sst s0;
	s0 =	simm.s32 @!p1 $0x0  }
0x14: {  	s2 =	sld [smem:$0x3F8E];
	s0 =	simm.s32 @p1 $0x1  }
0x15: {  	[smem:$0x3FAB] =	sst s0;
	s0 =	simm.s32 @!p2 $0x0  }
0x16: {  	s3 =	sld [smem:$0x3FDB];
	s0 =	simm.s32 @p2 $0x1  }
0x17: {  	s4 =	simm.s32 $0x1BF5;
	[smem:$0x3FAD] =	sst s0  }
0x18: {  	s0 =	sld [smem:$0x3F90];
	_ =	swait.ge [sflag:s4], $0x0  }
0x19: {  	s7 =	sld [smem:$0x3F91]  }
0x1a: {  	s8 =	sadd.s32 $0xFFFFE003, lr  }
0x1b: {  	s9 =	sadd.s32 $0xFFFFFEF7, lr;
	s5 =	simm.s32 $0xFFFFFFFF;
	p2 =	slt.u32 s8, $0xFFFFF086  }
0x1c: {  	p1 =	slt.u32 s9, $0xF7A;
	s5 =	simm.s32 @!p2 $0x0  }
0x1d: {  	s5 =	simm.s32 @p1 $0x1;
	p0 =	seq.s32 s7, s2  }
0x1e: {  	s7 =	smul.u32 @!p0 $0xF7A, s2;
	p2 =	seq.s32 @!p0 s5, $0x0  }
0x1f: {  	s9 =	smul.u32 $0xF7A, s1;
	s8 =	simm.s32 @!p0 $0x1BF5;
	p2 =	por !p2, p0  }
0x20: {  	[sflag:s8] =	ssyncset.s32 @!p0 $0xFFFFF086;
	s6 =	sadd.s32 @!p0 s3, s7;
	s7 =	simm.s32 @!p0 $0x108  }
0x21: {  	s3 =	sadd.s32 s3, s9;
	s6 =	sadd.s32 @!p0 $0x88, s6;
	s7 =	simm.s32 @p2 $0x1082  }
0x22: {  	[simem:s7], [sflag:s8] =	dma.local @!p0 [hbm:s6], $0xF7A  }
0x23: {  	s9 =	sor.u32 $0xD0000000, s2;
	s6 =	simm.s32 $0x108;
	_ =	swait.ge @!p0 [sflag:s8], $0x0  }
0x24: {  	s3 =	sadd.s32 $0x88, s3;
	s6 =	simm.s32 @!p1 $0x1082;
	[sflag:s4] =	ssyncset.s32 $0xFFFFF086  }
0x25: {  	[simem:s6], [sflag:s4] =	dma.local [hbm:s3], $0xF7A  }
0x26: {  	[smem:$0x3F91] =	sst s1;
	(tag) =	ssettag s2;
	_ =	strace s9  }
0x27: {  	s1 =	sld [smem:$0x3FA1]  }
0x28: {  	s2 =	sld [smem:$0x3FA2]  }
0x29: {  	s4 =	sld [smem:$0x3FA4]  }
0x2a: {  	p0 =	seq.s32 s5, $0x0;
	s5 =	sld [smem:$0x3FA5]  }
0x2b: {  	s6 =	sld [smem:$0x3FA6]  }
0x2c: {  	s7 =	sld [smem:$0x3FA7]  }
0x2d: {  	s3 =	simm.s32 $0x108;
	s8 =	sld [smem:$0x3FA8]  }
0x2e: {  	s3 =	simm.s32 @!p0 $0x1082;
	s9 =	sld [smem:$0x3FA9]  }
0x2f: {  	lr =	sadd.s32 s0, s3;
	s0 =	sld [smem:$0x3FA0]  }
0x30: {  	s3 =	sld [smem:$0x3FA3]  }
0x31: {  	[smem:$0x3FAC] =	sst s10  }
0x32: {  	s10 =	sld [smem:$0x3FAA];
	_ =	sdelay $0x3  }
0x33: {  	p0 =	seq.s32 s10, $0x1;
	s10 =	sld [smem:$0x3FAC];
	_ =	sdelay $0x3  }
0x34: {  	[smem:$0x3FAC] =	sst s10  }
0x35: {  	s10 =	sld [smem:$0x3FAB];
	_ =	sdelay $0x3  }
0x36: {  	p1 =	seq.s32 s10, $0x1;
	s10 =	sld [smem:$0x3FAC];
	_ =	sdelay $0x3  }
0x37: {  	[smem:$0x3FAC] =	sst s10  }
0x38: {  	s10 =	sld [smem:$0x3FAD]  }
0x39: {  	_ = 	snop;
	(pc) =	sbr.ind lr, $3  }
0x3a: {  	_ = 	snop  }
0x3b: {  	_ = 	snop  }
0x3c: {  	p2 =	seq.s32 s10, $0x1;
	s10 =	sld [smem:$0x3FAC]  }
0x3d: {  	_ =	shalt  }
0x3e: {  	_ =	shalt  }
0x3f: {  	_ =	shalt  }
0x40: {  	_ =	shalt  }
0x41: {  	_ =	shalt  }
0x42: {  	_ =	shalt  }
0x43: {  	_ =	shalt  }
0x44: {  	_ =	shalt  }
0x45: {  	_ =	shalt  }
0x46: {  	_ =	shalt  }
0x47: {  	_ =	shalt  }
0x48: {  	_ =	shalt  }
0x49: {  	_ =	shalt  }
0x4a: {  	_ =	shalt  }
0x4b: {  	_ =	shalt  }
0x4c: {  	_ =	shalt  }
0x4d: {  	_ =	shalt  }
0x4e: {  	_ =	shalt  }
0x4f: {  	_ =	shalt  }
0x50: {  	_ =	shalt  }
0x51: {  	_ =	shalt  }
0x52: {  	_ =	shalt  }
0x53: {  	_ =	shalt  }
0x54: {  	_ =	shalt  }
0x55: {  	_ =	shalt  }
0x56: {  	_ =	shalt  }
0x57: {  	_ =	shalt  }
0x58: {  	_ =	shalt  }
0x59: {  	_ =	shalt  }
0x5a: {  	_ =	shalt  }
0x5b: {  	_ =	shalt  }
0x5c: {  	_ =	shalt  }
0x5d: {  	_ =	shalt  }
0x5e: {  	_ =	shalt  }
0x5f: {  	_ =	shalt  }
0x60: {  	_ =	shalt  }
0x61: {  	_ =	shalt  }
0x62: {  	_ =	shalt  }
0x63: {  	_ =	shalt  }
0x64: {  	_ =	shalt  }
0x65: {  	_ =	shalt  }
0x66: {  	_ =	shalt  }
0x67: {  	_ =	shalt  }
0x68: {  	_ =	shalt  }
0x69: {  	_ =	shalt  }
0x6a: {  	_ =	shalt  }
0x6b: {  	_ =	shalt  }
0x6c: {  	_ =	shalt  }
0x6d: {  	_ =	shalt  }
0x6e: {  	_ =	shalt  }
0x6f: {  	_ =	shalt  }
0x70: {  	_ =	shalt  }
0x71: {  	_ =	shalt  }
0x72: {  	_ =	shalt  }
0x73: {  	_ =	shalt  }
0x74: {  	_ =	shalt  }
0x75: {  	_ =	shalt  }
0x76: {  	_ =	shalt  }
0x77: {  	_ =	shalt  }
0x78: {  	_ =	shalt  }
0x79: {  	_ =	shalt  }
0x7a: {  	_ =	shalt  }
0x7b: {  	_ =	shalt  }
0x7c: {  	_ =	shalt  }
0x7d: {  	_ =	shalt  }
0x7e: {  	_ =	shalt  }
0x7f: {  	_ =	shalt  }
0x80: {  	_ =	shalt  }
0x81: {  	_ =	shalt  }
0x82: {  	_ =	shalt  }
0x83: {  	_ =	shalt  }
0x84: {  	_ =	shalt  }
0x85: {  	_ =	shalt  }
0x86: {  	_ =	shalt  }
0x87: {  	_ =	shalt  }
.Lfunc_end0:
.L_simem_size_0:
called_computation_lowered:
.L_overlay_start_0:
0x88: {  	s2 =	sld [smem:$0x3FD9]  }
0x89: {  	s3 =	sld [smem:$0x3FFE];
	_ =	sdelay $0x1  }
0x8a: {  	s1 =	srdreg.scid  }
0x8b: {  	s0 =	sand.u32 $0x1, s1  }
0x8c: {  	s17 =	sshll.u32 s0, $0xA;
	s2 =	sadd.s32 s3, s2  }
0x8d: {  	s2 =	sadd.s32 s2, s17  }
0x8e: {  	[smem:$0x3FB8] =	sst s2  }
0x8f: {  	_ = 	snop  }
0x90: {  	s2 =	sld [smem:$0x3FC7]  }
0x91: {  	s18 =	sld [smem:$0x3FC6]  }
0x92: {  	s4 =	sld [smem:$0x3FD0];
	(tm) =	ssettm $0x1  }
0x93: {  	s5 =	sld [smem:$0x3FFB];
	_ =	sdelay $0x3  }
0x94: {  	_ =	strace s5  }
0x95: {  	s5 =	sld [smem:$0x3FFC];
	_ =	sdelay $0x3  }
0x96: {  	_ =	strace s5  }
0x97: {  	s5 =	sld [smem:$0x3FFD];
	_ =	sdelay $0x3  }
0x98: {  	_ =	strace s5  }
0x99: {  	_ =	strace $0x8FFFFFFF  }
0x9a: {  	s19 =	sld [smem:$0x3FDB];
	_ =	sdelay $0x1  }
0x9b: {  	s6 =	simm.s32 $_scs_section_size  }
0x9c: {  	s7 =	simm.s32 $_size__tile_overlayer_lowered;
	s8 =	simm.s32 $_tile_overlayer_lowered  }
0x9d: {  	s22 =	simm.s32 $0x1BFF;
	s21 =	sshll.u32 s8, $0x1;
	s5 =	sadd.s32 s6, s19  }
0x9e: {  	s9 =	simm.s32 $0x0;
	s20 =	sshll.u32 s7, $0x1;
	s7 =	sadd.s32 s21, s5  }
0x9f: {  	[timem:s9], [sflag:s22] =	dma.local [hbm:s7], s20  }
0xa0: {  	_ =	swait.ge [sflag:s22], s20  }
0xa1: {  	s6 =	ssub.s32 $0x0, s20;
	[sflag:s22] =	ssyncset.done $0x0  }
0xa2: {  	[sflag:s22] =	ssyncadd.s32 s6;
	_ =	sdelay $0x1  }
0xa3: {  	s23 =	simm.s32 $0x1B8B  }
0xa4: {  	_ =	swait.ge [sflag:s23], $0x1  }
0xa5: {  	[sflag:s23] =	ssyncset.done $0x0  }
0xa6: {  	s25 =	simm.s32 $0x1B8E;
	s24 =	sld [smem:$0x3FFE];
	[sflag:s23] =	ssyncadd.s32 $0xFFFFFFFF  }
0xa7: {  	s26 =	simm.s32 $execute0_lowered;
	[smem:$0x3FD2] =	sst s25  }
0xa8: {  	s7 =	sshll.u32 s26, $0x1;
	_ =	strace $0x80000046;
	[dreg:$0x1] =	wrdreg $0xFFFFFFFF  }
0xa9: {  	s28 =	simm.s32 $_size_execute0_lowered;
	s5 =	sadd.s32 s5, s7;
	[dreg:$0x0] =	wrdreg $0x0  }
0xaa: {  	s7 =	sshll.u32 s28, $0x1;
	[dreg:$0x2] =	wrdreg s5  }
0xab: {  	[dreg:$0x3] =	wrdreg s7  }
0xac: {  	[dreg:$0x4] =	wrdreg $0xC0  }
0xad: {  	_ =	task [dreg:s9], $0x5FFFF  }
0xae: {  	[dreg:$0x1] =	wrdreg $0xFFFFFFFF  }
0xaf: {  	[dreg:$0x0] =	wrdreg $0x60  }
0xb0: {  	[dreg:$0x2] =	wrdreg s18  }
0xb1: {  	[dreg:$0x3] =	wrdreg s2  }
0xb2: {  	[dreg:$0x4] =	wrdreg s4  }
0xb3: {  	[dreg:$0x5] =	wrdreg s24  }
0xb4: {  	[dreg:$0x6] =	wrdreg $0x0  }
0xb5: {  	[dreg:$0x7] =	wrdreg $0x9  }
0xb6: {  	_ =	task.clear_ibuf [dreg:s9], $0x8FFFF;
	_ =	strace $0x90000046  }
0xb7: {  	s29 =	simm.s32 $0x9;
	_ =	strace $0x80000048  }
0xb8: {  	_ =	swait.ge [sflag:s29], $0x1  }
0xb9: {  	[sflag:s29] =	ssyncadd.s32 $0xFFFFFFFF  }
0xba: {  	_ =	strace $0x90000048  }
0xbb: {  	_ =	sfence  }
0xbc: {  	s30 =	sld [smem:$0x0];
	_ =	sdelay $0x2  }
0xbd: {  	s31 =	sshll.u32 s1, $0xD;
	s1 =	sshrl.u32 s1, $0x2  }
0xbe: {  	s3 =	sand.u32 $0x4000, s31;
	s1 =	sadd.s32 s1, s30  }
0xbf: {  	s0 =	sor.u32 s3, s0;
	s1 =	sshll.u32 s1, $0x11  }
0xc0: {  	s0 =	sor.u32 s1, s0  }
0xc1: {  	s0 =	sadd.s32 $0x8F2B, s0  }
0xc2: {  	[sflag:s0] =	ssyncadd.remote.s32 $0x1  }
0xc3: {  	_ =	sfence.sel $0xFFFF  }
0xc4: {  	[dreg:$0x0] =	wrdreg $0xFFFFFFFF;
	(pc) =	sbr.abs _section_cstart, $3  }
0xc5: {  	[dreg:$0x1] =	wrdreg $0xFFFFFFFF  }
0xc6: {  	_ =	task.clear_ibuf [dreg:s9], $0x2FFFF;
	_ =	strace $0x9FFFFFFF  }
0xc7: {  	(tm) =	ssettm $0x7FFFFFFF  }
tec
execute0_lowered:
.L_overlay_start_1:
0x0: {  	(tag) =	ssettag $0x1  }
0x1: {  	s22 =	stileid.u32  }
0x2: {  	v0 =	vlaneseq.u32;
	s0 =	sshll.u32 s22, $0xA  }
0x3: {  	v0 =	vmul.u32 $0x10, v0;
	s1 =	sor.u32 $0x10, s0;
	v1 =	vmov s0  }
0x4: {  	v2 =	vmov s1;
	v1 =	vshll.u32 v1, $0x4  }
0x5: {  	s10 =	sor.u32 $0x20, s0;
	v2 =	vshll.u32 v2, $0x4;
	v1 =	vor.u32 v0, v1  }
0x6: {  	v3 =	vmov s10;
	[tilespmem:$0x1FC00] =	vst v1;
	v1 =	vor.u32 v0, v2  }
0x7: {  	[tilespmem:$0x1FC10] =	vst v1;
	v1 =	vshll.u32 v3, $0x4  }
0x8: {  	s11 =	sor.u32 $0x30, s0;
	v1 =	vor.u32 v0, v1  }
0x9: {  	s2 =	sor.u32 $0x40, s0;
	[tilespmem:$0x1FC20] =	vst v1;
	v1 =	vmov s11  }
0xa: {  	v2 =	vmov s2;
	v1 =	vshll.u32 v1, $0x4  }
0xb: {  	s12 =	sor.u32 $0x50, s0;
	v2 =	vshll.u32 v2, $0x4;
	v1 =	vor.u32 v0, v1  }
0xc: {  	v3 =	vmov s12;
	[tilespmem:$0x1FC30] =	vst v1;
	v1 =	vor.u32 v0, v2  }
0xd: {  	[tilespmem:$0x1FC40] =	vst v1;
	v1 =	vshll.u32 v3, $0x4  }
0xe: {  	s13 =	sor.u32 $0x60, s0;
	v1 =	vor.u32 v0, v1  }
0xf: {  	s3 =	sor.u32 $0x70, s0;
	[tilespmem:$0x1FC50] =	vst v1;
	v1 =	vmov s13  }
0x10: {  	v2 =	vmov s3;
	v1 =	vshll.u32 v1, $0x4  }
0x11: {  	s2 =	sor.u32 $0x80, s0;
	v2 =	vshll.u32 v2, $0x4;
	v1 =	vor.u32 v0, v1  }
0x12: {  	v3 =	vmov s2;
	[tilespmem:$0x1FC60] =	vst v1;
	v1 =	vor.u32 v0, v2  }
0x13: {  	[tilespmem:$0x1FC70] =	vst v1;
	v1 =	vshll.u32 v3, $0x4  }
0x14: {  	s14 =	sor.u32 $0x90, s0;
	v1 =	vor.u32 v0, v1  }
0x15: {  	s15 =	sor.u32 $0xA0, s0;
	[tilespmem:$0x1FC80] =	vst v1;
	v1 =	vmov s14  }
0x16: {  	v2 =	vmov s15;
	v1 =	vshll.u32 v1, $0x4  }
0x17: {  	s16 =	sor.u32 $0xB0, s0;
	v2 =	vshll.u32 v2, $0x4;
	v1 =	vor.u32 v0, v1  }
0x18: {  	v3 =	vmov s16;
	[tilespmem:$0x1FC90] =	vst v1;
	v1 =	vor.u32 v0, v2  }
0x19: {  	[tilespmem:$0x1FCA0] =	vst v1;
	v1 =	vshll.u32 v3, $0x4  }
0x1a: {  	s17 =	sor.u32 $0xC0, s0;
	v1 =	vor.u32 v0, v1  }
0x1b: {  	s18 =	sor.u32 $0xD0, s0;
	[tilespmem:$0x1FCB0] =	vst v1;
	v1 =	vmov s17  }
0x1c: {  	v2 =	vmov s18;
	v1 =	vshll.u32 v1, $0x4  }
0x1d: {  	s19 =	sor.u32 $0xE0, s0;
	v2 =	vshll.u32 v2, $0x4;
	v1 =	vor.u32 v0, v1  }
0x1e: {  	v3 =	vmov s19;
	[tilespmem:$0x1FCC0] =	vst v1;
	v1 =	vor.u32 v0, v2  }
0x1f: {  	[tilespmem:$0x1FCD0] =	vst v1;
	v1 =	vshll.u32 v3, $0x4  }
0x20: {  	s20 =	sor.u32 $0xF0, s0;
	v1 =	vor.u32 v0, v1  }
0x21: {  	s3 =	sor.u32 $0x100, s0;
	[tilespmem:$0x1FCE0] =	vst v1;
	v1 =	vmov s20  }
0x22: {  	v2 =	vmov s3;
	v1 =	vshll.u32 v1, $0x4  }
0x23: {  	s21 =	sor.u32 $0x110, s0;
	v2 =	vshll.u32 v2, $0x4;
	v1 =	vor.u32 v0, v1  }
0x24: {  	v3 =	vmov s21;
	[tilespmem:$0x1FCF0] =	vst v1;
	v1 =	vor.u32 v0, v2  }
0x25: {  	[tilespmem:$0x1FD00] =	vst v1;
	v1 =	vshll.u32 v3, $0x4  }
0x26: {  	s23 =	sor.u32 $0x120, s0;
	v1 =	vor.u32 v0, v1  }
0x27: {  	s4 =	sor.u32 $0x130, s0;
	[tilespmem:$0x1FD10] =	vst v1;
	v1 =	vmov s23  }
0x28: {  	v2 =	vmov s4;
	v1 =	vshll.u32 v1, $0x4  }
0x29: {  	s24 =	sor.u32 $0x140, s0;
	v2 =	vshll.u32 v2, $0x4;
	v1 =	vor.u32 v0, v1  }
0x2a: {  	v3 =	vmov s24;
	[tilespmem:$0x1FD20] =	vst v1;
	v1 =	vor.u32 v0, v2  }
0x2b: {  	[tilespmem:$0x1FD30] =	vst v1;
	v1 =	vshll.u32 v3, $0x4  }
0x2c: {  	s25 =	sor.u32 $0x150, s0;
	v1 =	vor.u32 v0, v1  }
0x2d: {  	s26 =	sor.u32 $0x160, s0;
	[tilespmem:$0x1FD40] =	vst v1;
	v1 =	vmov s25  }
0x2e: {  	v2 =	vmov s26;
	v1 =	vshll.u32 v1, $0x4  }
0x2f: {  	s4 =	sor.u32 $0x170, s0;
	v2 =	vshll.u32 v2, $0x4;
	v1 =	vor.u32 v0, v1  }
0x30: {  	v3 =	vmov s4;
	[tilespmem:$0x1FD50] =	vst v1;
	v1 =	vor.u32 v0, v2  }
0x31: {  	[tilespmem:$0x1FD60] =	vst v1;
	v1 =	vshll.u32 v3, $0x4  }
0x32: {  	s7 =	sor.u32 $0x180, s0;
	v1 =	vor.u32 v0, v1  }
0x33: {  	s5 =	sor.u32 $0x190, s0;
	[tilespmem:$0x1FD70] =	vst v1;
	v1 =	vmov s7  }
0x34: {  	v2 =	vmov s5;
	v1 =	vshll.u32 v1, $0x4  }
0x35: {  	s6 =	sor.u32 $0x1A0, s0;
	v2 =	vshll.u32 v2, $0x4;
	v1 =	vor.u32 v0, v1  }
0x36: {  	v3 =	vmov s6;
	[tilespmem:$0x1FD80] =	vst v1;
	v1 =	vor.u32 v0, v2  }
0x37: {  	[tilespmem:$0x1FD90] =	vst v1;
	v1 =	vshll.u32 v3, $0x4  }
0x38: {  	s8 =	sor.u32 $0x1B0, s0;
	v1 =	vor.u32 v0, v1  }
0x39: {  	s5 =	sor.u32 $0x1C0, s0;
	[tilespmem:$0x1FDA0] =	vst v1;
	v1 =	vmov s8  }
0x3a: {  	v2 =	vmov s5;
	v1 =	vshll.u32 v1, $0x4  }
0x3b: {  	s9 =	sor.u32 $0x1D0, s0;
	v2 =	vshll.u32 v2, $0x4;
	v1 =	vor.u32 v0, v1  }
0x3c: {  	v3 =	vmov s9;
	[tilespmem:$0x1FDB0] =	vst v1;
	v1 =	vor.u32 v0, v2  }
0x3d: {  	[tilespmem:$0x1FDC0] =	vst v1;
	v1 =	vshll.u32 v3, $0x4  }
0x3e: {  	s10 =	sor.u32 $0x1E0, s0;
	v1 =	vor.u32 v0, v1  }
0x3f: {  	s6 =	sor.u32 $0x1F0, s0;
	[tilespmem:$0x1FDD0] =	vst v1;
	v1 =	vmov s10  }
0x40: {  	v2 =	vmov s6;
	v1 =	vshll.u32 v1, $0x4  }
0x41: {  	s15 =	sor.u32 $0x200, s0;
	v2 =	vshll.u32 v2, $0x4;
	v1 =	vor.u32 v0, v1  }
0x42: {  	v3 =	vmov s15;
	[tilespmem:$0x1FDE0] =	vst v1;
	v1 =	vor.u32 v0, v2  }
0x43: {  	[tilespmem:$0x1FDF0] =	vst v1;
	v1 =	vshll.u32 v3, $0x4  }
0x44: {  	s1 =	rddreg [dreg:$0x1];
	s9 =	sor.u32 $0x210, s0;
	v1 =	vor.u32 v0, v1  }
0x45: {  	s16 =	rddreg [dreg:$0x0];
	s10 =	sor.u32 $0x220, s0;
	[tilespmem:$0x1FE00] =	vst v1;
	v1 =	vmov s9  }
0x46: {  	s4 =	rddreg [dreg:$0x4];
	s5 =	simm.s32 $0x0;
	v2 =	vmov s10;
	v1 =	vshll.u32 v1, $0x4  }
0x47: {  	s12 =	sor.u32 $0x230, s0;
	[smem:$0x7FF] =	sst s5;
	v2 =	vshll.u32 v2, $0x4;
	v1 =	vor.u32 v0, v1  }
0x48: {  	s8 =	rddreg [dreg:$0x3];
	v3 =	vmov s12;
	_ =	strace $0x80000047;
	[tilespmem:$0x1FE10] =	vst v1;
	v1 =	vor.u32 v0, v2  }
0x49: {  	[tilespmem:$0x1FE20] =	vst v1;
	v1 =	vshll.u32 v3, $0x4  }
0x4a: {  	s11 =	srdreg.scid;
	s18 =	sor.u32 $0x240, s0;
	v1 =	vor.u32 v0, v1  }
0x4b: {  	s14 =	sand.u32 $0x1, s11;
	s11 =	sor.u32 $0x250, s0;
	[tilespmem:$0x1FE30] =	vst v1;
	v1 =	vmov s18  }
0x4c: {  	v2 =	vmov s11;
	v1 =	vshll.u32 v1, $0x4  }
0x4d: {  	s19 =	sor.u32 $0x260, s0;
	v2 =	vshll.u32 v2, $0x4;
	v1 =	vor.u32 v0, v1  }
0x4e: {  	v3 =	vmov s19;
	[tilespmem:$0x1FE40] =	vst v1;
	v1 =	vor.u32 v0, v2  }
0x4f: {  	[tilespmem:$0x1FE50] =	vst v1;
	v1 =	vshll.u32 v3, $0x4  }
0x50: {  	s20 =	sor.u32 $0x270, s0;
	v1 =	vor.u32 v0, v1  }
0x51: {  	s18 =	sor.u32 $0x280, s0;
	[tilespmem:$0x1FE60] =	vst v1;
	v1 =	vmov s20  }
0x52: {  	v2 =	vmov s18;
	v1 =	vshll.u32 v1, $0x4  }
0x53: {  	s21 =	sor.u32 $0x2A0, s0;
	s19 =	sor.u32 $0x290, s0;
	v2 =	vshll.u32 v2, $0x4;
	v1 =	vor.u32 v0, v1  }
0x54: {  	s23 =	sor.u32 $0x2B0, s0;
	v3 =	vmov s19;
	[tilespmem:$0x1FE70] =	vst v1;
	v1 =	vor.u32 v0, v2;
	v2 =	vmov s21  }
0x55: {  	s20 =	sor.u32 $0x2C0, s0;
	[tilespmem:$0x1FE80] =	vst v1;
	v1 =	vshll.u32 v3, $0x4;
	v3 =	vmov s23;
	v2 =	vshll.u32 v2, $0x4  }
0x56: {  	s24 =	sor.u32 $0x2D0, s0;
	v4 =	vmov s20;
	v3 =	vshll.u32 v3, $0x4;
	v2 =	vor.u32 v0, v2  }
0x57: {  	v5 =	vmov s24;
	[tilespmem:$0x1FEA0] =	vst v2;
	v2 =	vor.u32 v0, v3;
	v3 =	vshll.u32 v4, $0x4  }
0x58: {  	s25 =	sor.u32 $0x2E0, s0;
	s23 =	sor.u32 $0x330, s0;
	v4 =	vshll.u32 v5, $0x4;
	v3 =	vor.u32 v0, v3  }
0x59: {  	s28 =	simm.s32 $0x2;
	s26 =	sor.u32 $0x2F0, s0;
	v6 =	vmov s25;
	v10 =	vmov s23;
	s23 =	sor.u32 $0x390, s0;
	[tilespmem:$0x1FEC0] =	vst v3;
	v3 =	vor.u32 v0, v4  }
0x5a: {  	s29 =	simm.s32 $0x4000;
	s30 =	simm.s32 $0x4980;
	v7 =	vmov s26;
	v57 =	vmov s23;
	s23 =	sor.u32 $0x3D0, s0;
	[tilespmem:$0x1FED0] =	vst v3;
	v3 =	vshll.u32 v6, $0x4  }
0x5b: {  	s31 =	simm.s32 $0x4A00;
	s2 =	sshrl.u32 s2, $0x3;
	v61 =	vmov s23;
	s23 =	sor.u32 $0x300, s0;
	v4 =	vshll.u32 v7, $0x4;
	v3 =	vor.u32 v0, v3  }
0x5c: {  	s2 =	sadd.s32 s1, s2;
	s13 =	ssub.s32 $0x2, s14;
	s24 =	sor.u32 $0x340, s0;
	v6 =	vmov s23;
	[tilespmem:$0x1FEE0] =	vst v3;
	v3 =	vor.u32 v0, v4  }
0x5d: {  	p0 =	seq.s32 s14, $0x1;
	v11 =	vmov s24;
	s26 =	sor.u32 $0x360, s0;
	s20 =	sor.u32 $0x310, s0;
	[tilespmem:$0x1FEF0] =	vst v3;
	v3 =	vshll.u32 v6, $0x4  }
0x5e: {  	s17 =	sshll.u32 s22, $0xE;
	v54 =	vmov s26;
	s26 =	sor.u32 $0x3C0, s0;
	v8 =	vmov s20;
	s21 =	sor.u32 $0x320, s0;
	v3 =	vor.u32 v0, v3  }
0x5f: {  	s3 =	sshrl.u32 s3, $0x3;
	s24 =	sor.u32 $0x3A0, s0;
	v60 =	vmov s26;
	s25 =	sor.u32 $0x350, s0;
	v9 =	vmov s21;
	[tilespmem:$0x1FF00] =	vst v3;
	v3 =	vshll.u32 v8, $0x4  }
0x60: {  	s26 =	sor.u32 $0x3F0, s0;
	v12 =	vmov s25;
	s25 =	sor.u32 $0x3B0, s0;
	s6 =	sadd.s32 s17, s4;
	v4 =	vshll.u32 v9, $0x4;
	v3 =	vor.u32 v0, v3  }
0x61: {  	s8 =	sadd.s32 $0x2600, s8;
	s14 =	sadd.s32 $0x3800, s6;
	s12 =	sshrl.u32 s13, $0x1;
	[tilespmem:$0x1FF10] =	vst v3;
	v3 =	vor.u32 v0, v4  }
0x62: {  	s10 =	sadd.s32 $0x1800, s6;
	s17 =	ssub.s32 s13, s12;
	s12 =	sadd.s32 $0x2800, s6;
	v1 =	vor.u32 v0, v1;
	[tilespmem:$0x1FF20] =	vst v3;
	v3 =	vshll.u32 v10, $0x4  }
0x63: {  	s13 =	sadd.s32 $0x3000, s6;
	[dreg:$0x6] =	wrdreg s8;
	s20 =	sor.u32 $0x370, s0;
	[tilespmem:$0x1FE90] =	vst v1;
	v3 =	vor.u32 v0, v3  }
0x64: {  	s9 =	sadd.s32 $0x1000, s6;
	s8 =	sadd.s32 $0x800, s6;
	[dreg:$0x9] =	wrdreg s2;
	v55 =	vmov s20;
	[tilespmem:$0x1FF30] =	vst v3;
	v3 =	vshll.u32 v11, $0x4  }
0x65: {  	s11 =	sadd.s32 $0x2000, s6;
	s19 =	simm.s32 $0x4C00;
	s20 =	sadd.s32 s1, s3;
	v1 =	vmov s25;
	[tilespmem:$0x1FEB0] =	vst v2;
	v4 =	vshll.u32 v12, $0x4;
	v3 =	vor.u32 v0, v3  }
0x66: {  	s3 =	simm.s32 $0x4A80;
	s21 =	sshll.u32 s22, $0x7;
	[dreg:$0xa] =	wrdreg s20;
	v1 =	vshll.u32 v1, $0x4;
	[tilespmem:$0x1FF40] =	vst v3;
	v3 =	vor.u32 v0, v4  }
0x67: {  	v58 =	vmov s24;
	s20 =	simm.s32 $0x4880;
	s16 =	sadd.s32 s16, s21;
	s24 =	sadd.s32 s1, s21;
	v1 =	vor.u32 v0, v1;
	[tilespmem:$0x1FF50] =	vst v3;
	v3 =	vshll.u32 v54, $0x4  }
0x68: {  	s21 =	sshrl.u32 s7, $0x3;
	s25 =	sor.u32 $0x3E0, s0;
	s0 =	sor.u32 $0x380, s0;
	[tilespmem:$0x1FFB0] =	vst v1;
	v1 =	vshll.u32 v60, $0x4;
	v3 =	vor.u32 v0, v3  }
0x69: {  	s7 =	simm.s32 $0x0;
	[dreg:$0x7] =	wrdreg s16;
	s16 =	sshll.u32 s22, $0xB;
	v7 =	vmov s0;
	v1 =	vor.u32 v0, v1;
	[tilespmem:$0x1FF60] =	vst v3;
	v3 =	vshll.u32 v55, $0x4  }
0x6a: {  	[dreg:$0x8] =	wrdreg s24;
	s22 =	sshrl.u32 s15, $0x3;
	s2 =	sadd.s32 s1, s21;
	[tilespmem:$0x1FFC0] =	vst v1;
	v4 =	vshll.u32 v7, $0x4;
	v3 =	vor.u32 v0, v3  }
0x6b: {  	s21 =	simm.s32 $0x4900;
	[dreg:$0xb] =	wrdreg s2;
	s24 =	sadd.s32 s1, s22;
	v1 =	vshll.u32 v61, $0x4;
	[tilespmem:$0x1FF70] =	vst v3;
	v3 =	vor.u32 v0, v4  }
0x6c: {  	v2 =	vmov s25;
	s25 =	sshrl.u32 s18, $0x3;
	s18 =	simm.s32 $0x4800;
	s22 =	simm.s32 $0x4B00;
	v1 =	vor.u32 v0, v1;
	[tilespmem:$0x1FF80] =	vst v3;
	v3 =	vshll.u32 v57, $0x4  }
.Ltmp0:
0x6d: {  	[dreg:$0xc] =	wrdreg s24;
	s2 =	sadd.s32 s1, s25;
	v2 =	vshll.u32 v2, $0x4;
	[tilespmem:$0x1FFD0] =	vst v1;
	v3 =	vor.u32 v0, v3;
	(pc) =	sbr.rel .LBB2_1-.Ltmp0, $4  }
0x6e: {  	v5 =	vmov s26;
	s26 =	sshrl.u32 s23, $0x3;
	s0 =	sshrl.u32 s0, $0x3;
	s25 =	smax.u32 s17, $0x1;
	v1 =	vor.u32 v0, v2;
	[tilespmem:$0x1FF90] =	vst v3;
	v3 =	vshll.u32 v58, $0x4  }
0x6f: {  	s17 =	simm.s32 $0x80;
	[dreg:$0xd] =	wrdreg s2;
	s2 =	sadd.s32 s1, s26;
	[tilespmem:$0x1FFE0] =	vst v1;
	v1 =	vshll.u32 v5, $0x4;
	v3 =	vor.u32 v0, v3  }
0x70: {  	s0 =	sadd.s32 s1, s0;
	s26 =	simm.s32 $0x4C80;
	[dreg:$0xe] =	wrdreg s2;
	v0 =	vor.u32 v0, v1;
	[tilespmem:$0x1FFA0] =	vst v3  }
0x71: {  	[dreg:$0xf] =	wrdreg s0;
	s2 =	simm.s32 $0x4B80;
	s0 =	simm.s32 $0x1;
	v7 =	vimm.f32 $1.000000000e+00;
	v1 =	vimm.f32 $0.0e+00;
	[tilespmem:$0x1FFF0] =	vst v0  }
.LBB2_5:
0x72: {  	s15 =	rddreg [dreg:$0x8]  }
0x73: {  	[tilespmem:s29], [sflag:$0x2] =	stream.linear.gather [hbm4b:s15+s5], $0x80, $0x38;
	[tilespmem:$0x5480] =	vst v63  }
0x74: {  	_ =	swait.ge [sflag:s28], $0x80  }
0x75: {  	[sflag:s28] =	ssyncset.done $0x0  }
0x76: {  	s23 =	simm.s32 $0x4080;
	s24 =	rddreg [dreg:$0x9];
	[sflag:s28] =	ssyncadd.s32 $0xFFFFFF80  }
0x77: {  	[tilespmem:s23], [sflag:$0x2] =	stream.linear.gather [hbm4b:s24+s5], $0x80, $0x38;
	[tilespmem:$0x5480] =	vst v63  }
0x78: {  	_ =	swait.ge [sflag:s28], $0x80  }
0x79: {  	[sflag:s28] =	ssyncset.done $0x0  }
0x7a: {  	s24 =	simm.s32 $0x4100;
	s23 =	rddreg [dreg:$0xa];
	[sflag:s28] =	ssyncadd.s32 $0xFFFFFF80  }
0x7b: {  	[tilespmem:s24], [sflag:$0x2] =	stream.linear.gather [hbm4b:s23+s5], $0x80, $0x38;
	[tilespmem:$0x5480] =	vst v63  }
0x7c: {  	_ =	swait.ge [sflag:s28], $0x80  }
0x7d: {  	[sflag:s28] =	ssyncset.done $0x0  }
0x7e: {  	s24 =	simm.s32 $0x4180;
	s23 =	rddreg [dreg:$0xb];
	[sflag:s28] =	ssyncadd.s32 $0xFFFFFF80  }
0x7f: {  	[tilespmem:s24], [sflag:$0x2] =	stream.linear.gather [hbm4b:s23+s5], $0x80, $0x38;
	[tilespmem:$0x5480] =	vst v63  }
0x80: {  	_ =	swait.ge [sflag:s28], $0x80  }
0x81: {  	[sflag:s28] =	ssyncset.done $0x0  }
0x82: {  	s24 =	simm.s32 $0x4200;
	s23 =	rddreg [dreg:$0xc];
	[sflag:s28] =	ssyncadd.s32 $0xFFFFFF80  }
0x83: {  	[tilespmem:s24], [sflag:$0x2] =	stream.linear.gather [hbm4b:s23+s5], $0x80, $0x38;
	[tilespmem:$0x5480] =	vst v63  }
0x84: {  	_ =	swait.ge [sflag:s28], $0x80  }
0x85: {  	[sflag:s28] =	ssyncset.done $0x0  }
0x86: {  	s24 =	simm.s32 $0x4280;
	s23 =	rddreg [dreg:$0xd];
	[sflag:s28] =	ssyncadd.s32 $0xFFFFFF80  }
0x87: {  	[tilespmem:s24], [sflag:$0x2] =	stream.linear.gather [hbm4b:s23+s5], $0x80, $0x38;
	[tilespmem:$0x5480] =	vst v63  }
0x88: {  	_ =	swait.ge [sflag:s28], $0x80  }
0x89: {  	[sflag:s28] =	ssyncset.done $0x0  }
0x8a: {  	s24 =	simm.s32 $0x4300;
	s23 =	rddreg [dreg:$0xe];
	[sflag:s28] =	ssyncadd.s32 $0xFFFFFF80  }
0x8b: {  	[tilespmem:s24], [sflag:$0x2] =	stream.linear.gather [hbm4b:s23+s5], $0x80, $0x38;
	[tilespmem:$0x5480] =	vst v63  }
0x8c: {  	_ =	swait.ge [sflag:s28], $0x80  }
0x8d: {  	[sflag:s28] =	ssyncset.done $0x0  }
0x8e: {  	s24 =	simm.s32 $0x4380;
	s23 =	rddreg [dreg:$0xf];
	[sflag:s28] =	ssyncadd.s32 $0xFFFFFF80  }
0x8f: {  	[tilespmem:s24], [sflag:$0x2] =	stream.linear.gather [hbm4b:s23+s5], $0x80, $0x38;
	[tilespmem:$0x5480] =	vst v63  }
0x90: {  	_ =	swait.ge [sflag:s28], $0x80  }
0x91: {  	[sflag:s28] =	ssyncset.done $0x0  }
0x92: {  	v6 =	vld [tilespmem:$0x1FC00];
	[sflag:s28] =	ssyncadd.s32 $0xFFFFFF80  }
0x93: {  	v0 =	vld [tilespmem:$0x4000];
	_ =	sdelay $0x4  }
0x94: {  	v2 =	vld [tilespmem:$0x4010];
	v0 =	vadd.s32 v6, v0  }
0x95: {  	[tilespmem:$0x4800] =	vst v0;
	v0 =	vld [tilespmem:$0x1FC10];
	_ =	sdelay $0x4  }
0x96: {  	v3 =	vld [tilespmem:$0x4020];
	v0 =	vadd.s32 v0, v2  }
0x97: {  	[tilespmem:$0x4810] =	vst v0;
	v0 =	vld [tilespmem:$0x1FC20];
	_ =	sdelay $0x4  }
0x98: {  	v4 =	vld [tilespmem:$0x4030];
	v0 =	vadd.s32 v0, v3  }
0x99: {  	[tilespmem:$0x4820] =	vst v0;
	v0 =	vld [tilespmem:$0x1FC30];
	_ =	sdelay $0x4  }
0x9a: {  	v5 =	vld [tilespmem:$0x4040];
	v0 =	vadd.s32 v0, v4  }
0x9b: {  	[tilespmem:$0x4830] =	vst v0;
	v0 =	vld [tilespmem:$0x1FC40];
	_ =	sdelay $0x4  }
0x9c: {  	v6 =	vld [tilespmem:$0x4050];
	v0 =	vadd.s32 v0, v5  }
0x9d: {  	[tilespmem:$0x4840] =	vst v0;
	v0 =	vld [tilespmem:$0x1FC50];
	_ =	sdelay $0x4  }
0x9e: {  	v2 =	vld [tilespmem:$0x4060];
	v0 =	vadd.s32 v0, v6  }
0x9f: {  	[tilespmem:$0x4850] =	vst v0;
	v0 =	vld [tilespmem:$0x1FC60];
	_ =	sdelay $0x4  }
0xa0: {  	v3 =	vld [tilespmem:$0x4070];
	v0 =	vadd.s32 v0, v2  }
0xa1: {  	[tilespmem:$0x4860] =	vst v0;
	v0 =	vld [tilespmem:$0x1FC70];
	_ =	sdelay $0x4  }
0xa2: {  	v4 =	vld [tilespmem:$0x4080];
	v0 =	vadd.s32 v0, v3  }
0xa3: {  	[tilespmem:$0x4870] =	vst v0;
	v0 =	vld [tilespmem:$0x1FC80];
	_ =	sdelay $0x4  }
0xa4: {  	v5 =	vld [tilespmem:$0x4090];
	v0 =	vadd.s32 v0, v4  }
0xa5: {  	[tilespmem:$0x4880] =	vst v0;
	v0 =	vld [tilespmem:$0x1FC90];
	_ =	sdelay $0x4  }
0xa6: {  	v6 =	vld [tilespmem:$0x40A0];
	v0 =	vadd.s32 v0, v5  }
0xa7: {  	[tilespmem:$0x4890] =	vst v0;
	v0 =	vld [tilespmem:$0x1FCA0];
	_ =	sdelay $0x4  }
0xa8: {  	v2 =	vld [tilespmem:$0x40B0];
	v0 =	vadd.s32 v0, v6  }
0xa9: {  	[tilespmem:$0x48A0] =	vst v0;
	v0 =	vld [tilespmem:$0x1FCB0];
	_ =	sdelay $0x4  }
0xaa: {  	v3 =	vld [tilespmem:$0x40C0];
	v0 =	vadd.s32 v0, v2  }
0xab: {  	[tilespmem:$0x48B0] =	vst v0;
	v0 =	vld [tilespmem:$0x1FCC0];
	_ =	sdelay $0x4  }
0xac: {  	v4 =	vld [tilespmem:$0x40D0];
	v0 =	vadd.s32 v0, v3  }
0xad: {  	[tilespmem:$0x48C0] =	vst v0;
	v0 =	vld [tilespmem:$0x1FCD0];
	_ =	sdelay $0x4  }
0xae: {  	v5 =	vld [tilespmem:$0x40E0];
	v0 =	vadd.s32 v0, v4  }
0xaf: {  	[tilespmem:$0x48D0] =	vst v0;
	v0 =	vld [tilespmem:$0x1FCE0];
	_ =	sdelay $0x4  }
0xb0: {  	v6 =	vld [tilespmem:$0x40F0];
	v0 =	vadd.s32 v0, v5  }
0xb1: {  	[tilespmem:$0x48E0] =	vst v0;
	v0 =	vld [tilespmem:$0x1FCF0];
	_ =	sdelay $0x4  }
0xb2: {  	v2 =	vld [tilespmem:$0x4100];
	v0 =	vadd.s32 v0, v6  }
0xb3: {  	[tilespmem:$0x48F0] =	vst v0;
	v0 =	vld [tilespmem:$0x1FD00];
	_ =	sdelay $0x4  }
0xb4: {  	v3 =	vld [tilespmem:$0x4110];
	v0 =	vadd.s32 v0, v2  }
0xb5: {  	[tilespmem:$0x4900] =	vst v0;
	v0 =	vld [tilespmem:$0x1FD10];
	_ =	sdelay $0x4  }
0xb6: {  	v4 =	vld [tilespmem:$0x4120];
	v0 =	vadd.s32 v0, v3  }
0xb7: {  	[tilespmem:$0x4910] =	vst v0;
	v0 =	vld [tilespmem:$0x1FD20];
	_ =	sdelay $0x4  }
0xb8: {  	v5 =	vld [tilespmem:$0x4130];
	v0 =	vadd.s32 v0, v4  }
0xb9: {  	[tilespmem:$0x4920] =	vst v0;
	v0 =	vld [tilespmem:$0x1FD30];
	_ =	sdelay $0x4  }
0xba: {  	v6 =	vld [tilespmem:$0x4140];
	v0 =	vadd.s32 v0, v5  }
0xbb: {  	[tilespmem:$0x4930] =	vst v0;
	v0 =	vld [tilespmem:$0x1FD40];
	_ =	sdelay $0x4  }
0xbc: {  	v2 =	vld [tilespmem:$0x4150];
	v0 =	vadd.s32 v0, v6  }
0xbd: {  	[tilespmem:$0x4940] =	vst v0;
	v0 =	vld [tilespmem:$0x1FD50];
	_ =	sdelay $0x4  }
0xbe: {  	v3 =	vld [tilespmem:$0x4160];
	v0 =	vadd.s32 v0, v2  }
0xbf: {  	[tilespmem:$0x4950] =	vst v0;
	v0 =	vld [tilespmem:$0x1FD60];
	_ =	sdelay $0x4  }
0xc0: {  	v4 =	vld [tilespmem:$0x4170];
	v0 =	vadd.s32 v0, v3  }
0xc1: {  	[tilespmem:$0x4960] =	vst v0;
	v0 =	vld [tilespmem:$0x1FD70];
	_ =	sdelay $0x4  }
0xc2: {  	v5 =	vld [tilespmem:$0x4180];
	v0 =	vadd.s32 v0, v4  }
0xc3: {  	[tilespmem:$0x4970] =	vst v0;
	v0 =	vld [tilespmem:$0x1FD80];
	_ =	sdelay $0x4  }
0xc4: {  	v6 =	vld [tilespmem:$0x4190];
	v0 =	vadd.s32 v0, v5  }
0xc5: {  	[tilespmem:$0x4980] =	vst v0;
	v0 =	vld [tilespmem:$0x1FD90];
	_ =	sdelay $0x4  }
0xc6: {  	v2 =	vld [tilespmem:$0x41A0];
	v0 =	vadd.s32 v0, v6  }
0xc7: {  	[tilespmem:$0x4990] =	vst v0;
	v0 =	vld [tilespmem:$0x1FDA0];
	_ =	sdelay $0x4  }
0xc8: {  	v3 =	vld [tilespmem:$0x41B0];
	v0 =	vadd.s32 v0, v2  }
0xc9: {  	[tilespmem:$0x49A0] =	vst v0;
	v0 =	vld [tilespmem:$0x1FDB0];
	_ =	sdelay $0x4  }
0xca: {  	v4 =	vld [tilespmem:$0x41C0];
	v0 =	vadd.s32 v0, v3  }
0xcb: {  	[tilespmem:$0x49B0] =	vst v0;
	v0 =	vld [tilespmem:$0x1FDC0];
	_ =	sdelay $0x4  }
0xcc: {  	v5 =	vld [tilespmem:$0x41D0];
	v0 =	vadd.s32 v0, v4  }
0xcd: {  	[tilespmem:$0x49C0] =	vst v0;
	v0 =	vld [tilespmem:$0x1FDD0];
	_ =	sdelay $0x4  }
0xce: {  	v6 =	vld [tilespmem:$0x41E0];
	v0 =	vadd.s32 v0, v5  }
0xcf: {  	[tilespmem:$0x49D0] =	vst v0;
	v0 =	vld [tilespmem:$0x1FDE0];
	_ =	sdelay $0x4  }
0xd0: {  	v2 =	vld [tilespmem:$0x41F0];
	v0 =	vadd.s32 v0, v6  }
0xd1: {  	[tilespmem:$0x49E0] =	vst v0;
	v0 =	vld [tilespmem:$0x1FDF0];
	_ =	sdelay $0x4  }
0xd2: {  	v3 =	vld [tilespmem:$0x4200];
	v0 =	vadd.s32 v0, v2  }
0xd3: {  	[tilespmem:$0x49F0] =	vst v0;
	v0 =	vld [tilespmem:$0x1FE00];
	_ =	sdelay $0x4  }
0xd4: {  	v4 =	vld [tilespmem:$0x4210];
	v0 =	vadd.s32 v0, v3  }
0xd5: {  	[tilespmem:$0x4A00] =	vst v0;
	v0 =	vld [tilespmem:$0x1FE10];
	_ =	sdelay $0x4  }
0xd6: {  	v5 =	vld [tilespmem:$0x4220];
	v0 =	vadd.s32 v0, v4  }
0xd7: {  	[tilespmem:$0x4A10] =	vst v0;
	v0 =	vld [tilespmem:$0x1FE20];
	_ =	sdelay $0x4  }
0xd8: {  	v6 =	vld [tilespmem:$0x4230];
	v0 =	vadd.s32 v0, v5  }
0xd9: {  	[tilespmem:$0x4A20] =	vst v0;
	v0 =	vld [tilespmem:$0x1FE30];
	_ =	sdelay $0x4  }
0xda: {  	v2 =	vld [tilespmem:$0x4240];
	v0 =	vadd.s32 v0, v6  }
0xdb: {  	[tilespmem:$0x4A30] =	vst v0;
	v0 =	vld [tilespmem:$0x1FE40];
	_ =	sdelay $0x4  }
0xdc: {  	v3 =	vld [tilespmem:$0x4250];
	v0 =	vadd.s32 v0, v2  }
0xdd: {  	[tilespmem:$0x4A40] =	vst v0;
	v0 =	vld [tilespmem:$0x1FE50];
	_ =	sdelay $0x4  }
0xde: {  	v4 =	vld [tilespmem:$0x4260];
	v0 =	vadd.s32 v0, v3  }
0xdf: {  	[tilespmem:$0x4A50] =	vst v0;
	v0 =	vld [tilespmem:$0x1FE60];
	_ =	sdelay $0x4  }
0xe0: {  	v5 =	vld [tilespmem:$0x4270];
	v0 =	vadd.s32 v0, v4  }
0xe1: {  	[tilespmem:$0x4A60] =	vst v0;
	v0 =	vld [tilespmem:$0x1FE70];
	_ =	sdelay $0x4  }
0xe2: {  	v6 =	vld [tilespmem:$0x4280];
	v0 =	vadd.s32 v0, v5  }
0xe3: {  	[tilespmem:$0x4A70] =	vst v0;
	v0 =	vld [tilespmem:$0x1FE80];
	_ =	sdelay $0x4  }
0xe4: {  	v2 =	vld [tilespmem:$0x4290];
	v0 =	vadd.s32 v0, v6  }
0xe5: {  	[tilespmem:$0x4A80] =	vst v0;
	v0 =	vld [tilespmem:$0x1FE90];
	_ =	sdelay $0x4  }
0xe6: {  	v3 =	vld [tilespmem:$0x42A0];
	v0 =	vadd.s32 v0, v2  }
0xe7: {  	[tilespmem:$0x4A90] =	vst v0;
	v0 =	vld [tilespmem:$0x1FEA0];
	_ =	sdelay $0x4  }
0xe8: {  	v4 =	vld [tilespmem:$0x42B0];
	v0 =	vadd.s32 v0, v3  }
0xe9: {  	[tilespmem:$0x4AA0] =	vst v0;
	v0 =	vld [tilespmem:$0x1FEB0];
	_ =	sdelay $0x4  }
0xea: {  	v5 =	vld [tilespmem:$0x42C0];
	v0 =	vadd.s32 v0, v4  }
0xeb: {  	[tilespmem:$0x4AB0] =	vst v0;
	v0 =	vld [tilespmem:$0x1FEC0];
	_ =	sdelay $0x4  }
0xec: {  	v6 =	vld [tilespmem:$0x42D0];
	v0 =	vadd.s32 v0, v5  }
0xed: {  	[tilespmem:$0x4AC0] =	vst v0;
	v0 =	vld [tilespmem:$0x1FED0];
	_ =	sdelay $0x4  }
0xee: {  	v2 =	vld [tilespmem:$0x42E0];
	v0 =	vadd.s32 v0, v6  }
0xef: {  	[tilespmem:$0x4AD0] =	vst v0;
	v0 =	vld [tilespmem:$0x1FEE0];
	_ =	sdelay $0x4  }
0xf0: {  	v3 =	vld [tilespmem:$0x42F0];
	v0 =	vadd.s32 v0, v2  }
0xf1: {  	[tilespmem:$0x4AE0] =	vst v0;
	v0 =	vld [tilespmem:$0x1FEF0];
	_ =	sdelay $0x4  }
0xf2: {  	v4 =	vld [tilespmem:$0x4300];
	v0 =	vadd.s32 v0, v3  }
0xf3: {  	[tilespmem:$0x4AF0] =	vst v0;
	v0 =	vld [tilespmem:$0x1FF00];
	_ =	sdelay $0x4  }
0xf4: {  	v5 =	vld [tilespmem:$0x4310];
	v0 =	vadd.s32 v0, v4  }
0xf5: {  	[tilespmem:$0x4B00] =	vst v0;
	v0 =	vld [tilespmem:$0x1FF10];
	_ =	sdelay $0x4  }
0xf6: {  	v6 =	vld [tilespmem:$0x4320];
	v0 =	vadd.s32 v0, v5  }
0xf7: {  	[tilespmem:$0x4B10] =	vst v0;
	v0 =	vld [tilespmem:$0x1FF20];
	_ =	sdelay $0x4  }
0xf8: {  	v2 =	vld [tilespmem:$0x4330];
	v0 =	vadd.s32 v0, v6  }
0xf9: {  	[tilespmem:$0x4B20] =	vst v0;
	v0 =	vld [tilespmem:$0x1FF30];
	_ =	sdelay $0x4  }
0xfa: {  	v3 =	vld [tilespmem:$0x4340];
	v0 =	vadd.s32 v0, v2  }
0xfb: {  	[tilespmem:$0x4B30] =	vst v0;
	v0 =	vld [tilespmem:$0x1FF40];
	_ =	sdelay $0x4  }
0xfc: {  	v4 =	vld [tilespmem:$0x4350];
	v0 =	vadd.s32 v0, v3  }
0xfd: {  	[tilespmem:$0x4B40] =	vst v0;
	v0 =	vld [tilespmem:$0x1FF50];
	_ =	sdelay $0x4  }
0xfe: {  	v5 =	vld [tilespmem:$0x4360];
	v0 =	vadd.s32 v0, v4  }
0xff: {  	[tilespmem:$0x4B50] =	vst v0;
	v0 =	vld [tilespmem:$0x1FF60];
	_ =	sdelay $0x4  }
0x100: {  	v6 =	vld [tilespmem:$0x4370];
	v0 =	vadd.s32 v0, v5  }
0x101: {  	[tilespmem:$0x4B60] =	vst v0;
	v0 =	vld [tilespmem:$0x1FF70];
	_ =	sdelay $0x4  }
0x102: {  	v2 =	vld [tilespmem:$0x4380];
	v0 =	vadd.s32 v0, v6  }
0x103: {  	[tilespmem:$0x4B70] =	vst v0;
	v0 =	vld [tilespmem:$0x1FF80];
	_ =	sdelay $0x4  }
0x104: {  	v3 =	vld [tilespmem:$0x4390];
	v0 =	vadd.s32 v0, v2  }
0x105: {  	[tilespmem:$0x4B80] =	vst v0;
	v0 =	vld [tilespmem:$0x1FF90];
	_ =	sdelay $0x4  }
0x106: {  	v4 =	vld [tilespmem:$0x43A0];
	v0 =	vadd.s32 v0, v3  }
0x107: {  	[tilespmem:$0x4B90] =	vst v0;
	v0 =	vld [tilespmem:$0x1FFA0];
	_ =	sdelay $0x4  }
0x108: {  	v5 =	vld [tilespmem:$0x43B0];
	v0 =	vadd.s32 v0, v4  }
0x109: {  	[tilespmem:$0x4BA0] =	vst v0;
	v0 =	vld [tilespmem:$0x1FFB0];
	_ =	sdelay $0x4  }
0x10a: {  	v6 =	vld [tilespmem:$0x43C0];
	v0 =	vadd.s32 v0, v5  }
0x10b: {  	[tilespmem:$0x4BB0] =	vst v0;
	v0 =	vld [tilespmem:$0x1FFC0];
	_ =	sdelay $0x4  }
0x10c: {  	v2 =	vld [tilespmem:$0x43D0];
	v0 =	vadd.s32 v0, v6  }
0x10d: {  	[tilespmem:$0x4BC0] =	vst v0;
	v0 =	vld [tilespmem:$0x1FFD0];
	_ =	sdelay $0x4  }
0x10e: {  	v3 =	vld [tilespmem:$0x43E0];
	v0 =	vadd.s32 v0, v2  }
0x10f: {  	[tilespmem:$0x4BD0] =	vst v0;
	v0 =	vld [tilespmem:$0x1FFE0];
	_ =	sdelay $0x4  }
0x110: {  	v4 =	vld [tilespmem:$0x43F0];
	v0 =	vadd.s32 v0, v3  }
0x111: {  	[tilespmem:$0x4BE0] =	vst v0;
	v0 =	vld [tilespmem:$0x1FFF0];
	_ =	sdelay $0x4  }
0x112: {  	v0 =	vadd.s32 v0, v4  }
0x113: {  	[tilespmem:$0x4BF0] =	vst v0  }
0x114: {  	[bflag:$0x0] =	sbarrier.arrive $0xFFFF  }
0x115: {  	[spmem:s4] =	stream.indirect.scatter [tilespmem:s19], [sflag:$0x2], $0x1, s18, s17, $0xb8;
	[tilespmem:$0x5480] =	vst v63  }
0x116: {  	_ =	swait.ge [sflag:s28], $0x80  }
0x117: {  	[sflag:s28] =	ssyncset.done $0x0  }
0x118: {  	[sflag:s28] =	ssyncadd.s32 $0xFFFFFF80  }
0x119: {  	[spmem:s4] =	stream.indirect.scatter [tilespmem:s19], [sflag:$0x2], $0x1, s20, s17, $0xb8;
	[tilespmem:$0x5480] =	vst v63  }
0x11a: {  	_ =	swait.ge [sflag:s28], $0x80  }
0x11b: {  	[sflag:s28] =	ssyncset.done $0x0  }
0x11c: {  	[sflag:s28] =	ssyncadd.s32 $0xFFFFFF80  }
0x11d: {  	[spmem:s4] =	stream.indirect.scatter [tilespmem:s19], [sflag:$0x2], $0x1, s21, s17, $0xb8;
	[tilespmem:$0x5480] =	vst v63  }
0x11e: {  	_ =	swait.ge [sflag:s28], $0x80  }
0x11f: {  	[sflag:s28] =	ssyncset.done $0x0  }
0x120: {  	[sflag:s28] =	ssyncadd.s32 $0xFFFFFF80  }
0x121: {  	[spmem:s4] =	stream.indirect.scatter [tilespmem:s19], [sflag:$0x2], $0x1, s30, s17, $0xb8;
	[tilespmem:$0x5480] =	vst v63  }
0x122: {  	_ =	swait.ge [sflag:s28], $0x80  }
0x123: {  	[sflag:s28] =	ssyncset.done $0x0  }
0x124: {  	[sflag:s28] =	ssyncadd.s32 $0xFFFFFF80  }
0x125: {  	[spmem:s4] =	stream.indirect.scatter [tilespmem:s19], [sflag:$0x2], $0x1, s31, s17, $0xb8;
	[tilespmem:$0x5480] =	vst v63  }
0x126: {  	_ =	swait.ge [sflag:s28], $0x80  }
0x127: {  	[sflag:s28] =	ssyncset.done $0x0  }
0x128: {  	[sflag:s28] =	ssyncadd.s32 $0xFFFFFF80  }
0x129: {  	[spmem:s4] =	stream.indirect.scatter [tilespmem:s19], [sflag:$0x2], $0x1, s3, s17, $0xb8;
	[tilespmem:$0x5480] =	vst v63  }
0x12a: {  	_ =	swait.ge [sflag:s28], $0x80  }
0x12b: {  	[sflag:s28] =	ssyncset.done $0x0  }
0x12c: {  	[sflag:s28] =	ssyncadd.s32 $0xFFFFFF80  }
0x12d: {  	[spmem:s4] =	stream.indirect.scatter [tilespmem:s19], [sflag:$0x2], $0x1, s22, s17, $0xb8;
	[tilespmem:$0x5480] =	vst v63  }
0x12e: {  	_ =	swait.ge [sflag:s28], $0x80  }
0x12f: {  	[sflag:s28] =	ssyncset.done $0x0  }
0x130: {  	s23 =	rddreg [dreg:$0x6];
	[sflag:s28] =	ssyncadd.s32 $0xFFFFFF80  }
0x131: {  	[spmem:s4] =	stream.indirect.scatter [tilespmem:s19], [sflag:$0x2], $0x1, s2, s17, $0xb8;
	[tilespmem:$0x5480] =	vst v63  }
.LBB2_6:
0x132: {  	_ =	swait.ge [sflag:s28], $0x80;
	s23 =	sadd.s32 s23, s16;
	s15 =	stileid.u32  }
0x133: {  	s7 =	sadd.s32 $0x1, s7;
	[sflag:s28] =	ssyncset.done $0x0;
	s24 =	sshll.u32 s15, $0x6  }
0x134: {  	s15 =	sshrl.u32 s6, $0x3;
	p1 =	sne.s32 s7, s25;
	[sflag:s28] =	ssyncadd.s32 $0xFFFFFF80  }
.Ltmp1:
0x135: {  	s24 =	sor.u32 $0x1C02, s24;
	[bflag:$0x0] =	sbarrier.arrive $0xFFFF;
	(pc) =	sbr.rel @!p1 .LBB2_7-.Ltmp1, $4  }
0x136: {  	[hbm:s23], [sflag:s24] =	dma.local [spmem:s15], $0x800  }
0x137: {  	_ =	swait.ge [sflag:s28], $0x800  }
0x138: {  	[sflag:s28] =	ssyncset.done $0x0  }
0x139: {  	[sflag:s28] =	ssyncadd.s32 $0xFFFFF800  }
.LBB2_1:
0x13a: {  	[tilespmem:$0x4C00] =	vst v7  }
0x13b: {  	[tilespmem:$0x4C10] =	vst v7  }
0x13c: {  	[tilespmem:$0x4C20] =	vst v7  }
0x13d: {  	[tilespmem:$0x4C30] =	vst v7  }
0x13e: {  	[tilespmem:$0x4C40] =	vst v7  }
0x13f: {  	[tilespmem:$0x4C50] =	vst v7  }
0x140: {  	[tilespmem:$0x4C60] =	vst v7  }
0x141: {  	[tilespmem:$0x4C70] =	vst v7;
	s23 =	simm.s32 $0x40;
	s24 =	simm.s32 $0x0  }
.LBB2_2:
0x142: {  	p1 =	sne.s32 s23, $0x1FC0;
	[tilespmem:s24+$0x4C80] =	vst v1;
	s24 =	smov.u32 s23;
	s23 =	sadd.s32 $0x40, s23  }
.Ltmp2:
0x143: {  	(pc) =	sbr.rel @p1 .LBB2_2-.Ltmp2, $2  }
0x144: {  	_ =	sdelay $0x2  }
0x145: {  	s24 =	sshra.s32 s24, $0x2  }
0x146: {  	[tilespmem:s24+$0x4C80] =	vst v1  }
0x147: {  	[spmem:s6] =	stream.linear.scatter [tilespmem:s26], [sflag:$0x2], $0x800, $0x38;
	[tilespmem:$0x5480] =	vst v63  }
0x148: {  	_ =	swait.ge [sflag:s28], $0x800  }
0x149: {  	[sflag:s28] =	ssyncset.done $0x0  }
0x14a: {  	[sflag:s28] =	ssyncadd.s32 $0xFFFFF800  }
0x14b: {  	[spmem:s8] =	stream.linear.scatter [tilespmem:s26], [sflag:$0x2], $0x800, $0x38;
	[tilespmem:$0x5480] =	vst v63  }
0x14c: {  	_ =	swait.ge [sflag:s28], $0x800  }
0x14d: {  	[sflag:s28] =	ssyncset.done $0x0  }
0x14e: {  	[sflag:s28] =	ssyncadd.s32 $0xFFFFF800  }
0x14f: {  	[spmem:s9] =	stream.linear.scatter [tilespmem:s26], [sflag:$0x2], $0x800, $0x38;
	[tilespmem:$0x5480] =	vst v63  }
0x150: {  	_ =	swait.ge [sflag:s28], $0x800  }
0x151: {  	[sflag:s28] =	ssyncset.done $0x0  }
0x152: {  	[sflag:s28] =	ssyncadd.s32 $0xFFFFF800  }
0x153: {  	[spmem:s10] =	stream.linear.scatter [tilespmem:s26], [sflag:$0x2], $0x800, $0x38;
	[tilespmem:$0x5480] =	vst v63  }
0x154: {  	_ =	swait.ge [sflag:s28], $0x800  }
0x155: {  	[sflag:s28] =	ssyncset.done $0x0  }
0x156: {  	[sflag:s28] =	ssyncadd.s32 $0xFFFFF800  }
0x157: {  	[spmem:s11] =	stream.linear.scatter [tilespmem:s26], [sflag:$0x2], $0x800, $0x38;
	[tilespmem:$0x5480] =	vst v63  }
0x158: {  	_ =	swait.ge [sflag:s28], $0x800  }
0x159: {  	[sflag:s28] =	ssyncset.done $0x0  }
0x15a: {  	[sflag:s28] =	ssyncadd.s32 $0xFFFFF800  }
0x15b: {  	[spmem:s12] =	stream.linear.scatter [tilespmem:s26], [sflag:$0x2], $0x800, $0x38;
	[tilespmem:$0x5480] =	vst v63  }
0x15c: {  	_ =	swait.ge [sflag:s28], $0x800  }
0x15d: {  	[sflag:s28] =	ssyncset.done $0x0  }
0x15e: {  	[sflag:s28] =	ssyncadd.s32 $0xFFFFF800  }
0x15f: {  	[spmem:s13] =	stream.linear.scatter [tilespmem:s26], [sflag:$0x2], $0x800, $0x38;
	[tilespmem:$0x5480] =	vst v63  }
0x160: {  	_ =	swait.ge [sflag:s28], $0x800  }
0x161: {  	[sflag:s28] =	ssyncset.done $0x0  }
.Ltmp3:
0x162: {  	[sflag:s28] =	ssyncadd.s32 $0xFFFFF800;
	(pc) =	sbr.rel @p0 .LBB2_5-.Ltmp3, $4  }
0x163: {  	[spmem:s14] =	stream.linear.scatter [tilespmem:s26], [sflag:$0x2], $0x800, $0x38;
	[tilespmem:$0x5480] =	vst v63  }
0x164: {  	_ =	swait.ge [sflag:s28], $0x800  }
0x165: {  	[sflag:s28] =	ssyncset.done $0x0  }
0x166: {  	[sflag:s28] =	ssyncadd.s32 $0xFFFFF800  }
0x167: {  	s15 =	rddreg [dreg:$0x7]  }
0x168: {  	[tilespmem:s29], [sflag:$0x2] =	stream.linear.gather [hbm4b:s15+s5], $0x400, $0x38;
	[tilespmem:$0x5480] =	vst v63  }
0x169: {  	_ =	swait.ge [sflag:s28], $0x400  }
0x16a: {  	[sflag:s28] =	ssyncset.done $0x0  }
0x16b: {  	s23 =	simm.s32 $0x4400;
	[sflag:s28] =	ssyncadd.s32 $0xFFFFFC00  }
0x16c: {  	[tilespmem:s23], [sflag:$0x1] =	stream.indirect.gather [hbm4b:s1+s17], $0x1, s29, s17, $0xb8;
	[tilespmem:$0x5480] =	vst v63  }
0x16d: {  	s24 =	simm.s32 $0x4080;
	s23 =	simm.s32 $0x4480  }
0x16e: {  	[tilespmem:s23], [sflag:$0x1] =	stream.indirect.gather [hbm4b:s1+s17], $0x1, s24, s17, $0xb8;
	[tilespmem:$0x5480] =	vst v63  }
0x16f: {  	s23 =	simm.s32 $0x4100;
	s24 =	simm.s32 $0x4500  }
0x170: {  	[tilespmem:s24], [sflag:$0x1] =	stream.indirect.gather [hbm4b:s1+s17], $0x1, s23, s17, $0xb8;
	[tilespmem:$0x5480] =	vst v63  }
0x171: {  	s23 =	simm.s32 $0x4180;
	s24 =	simm.s32 $0x4580  }
0x172: {  	[tilespmem:s24], [sflag:$0x1] =	stream.indirect.gather [hbm4b:s1+s17], $0x1, s23, s17, $0xb8;
	[tilespmem:$0x5480] =	vst v63  }
0x173: {  	s23 =	simm.s32 $0x4200;
	s24 =	simm.s32 $0x4600  }
0x174: {  	[tilespmem:s24], [sflag:$0x1] =	stream.indirect.gather [hbm4b:s1+s17], $0x1, s23, s17, $0xb8;
	[tilespmem:$0x5480] =	vst v63  }
0x175: {  	s23 =	simm.s32 $0x4280;
	s24 =	simm.s32 $0x4680  }
0x176: {  	[tilespmem:s24], [sflag:$0x1] =	stream.indirect.gather [hbm4b:s1+s17], $0x1, s23, s17, $0xb8;
	[tilespmem:$0x5480] =	vst v63  }
0x177: {  	s23 =	simm.s32 $0x4300;
	s24 =	simm.s32 $0x4700  }
0x178: {  	[tilespmem:s24], [sflag:$0x1] =	stream.indirect.gather [hbm4b:s1+s17], $0x1, s23, s17, $0xb8;
	[tilespmem:$0x5480] =	vst v63  }
0x179: {  	s23 =	simm.s32 $0x4380;
	s24 =	simm.s32 $0x4780  }
0x17a: {  	[tilespmem:s24], [sflag:$0x1] =	stream.indirect.gather [hbm4b:s1+s17], $0x1, s23, s17, $0xb8;
	[tilespmem:$0x5480] =	vst v63  }
0x17b: {  	_ =	swait.ge [sflag:s0], $0x80  }
0x17c: {  	[sflag:s0] =	ssyncset.done $0x0  }
0x17d: {  	[sflag:s0] =	ssyncadd.s32 $0xFFFFFF80  }
0x17e: {  	_ =	swait.ge [sflag:s0], $0x80  }
0x17f: {  	[sflag:s0] =	ssyncset.done $0x0  }
0x180: {  	[sflag:s0] =	ssyncadd.s32 $0xFFFFFF80  }
0x181: {  	_ =	swait.ge [sflag:s0], $0x80  }
0x182: {  	[sflag:s0] =	ssyncset.done $0x0  }
0x183: {  	[sflag:s0] =	ssyncadd.s32 $0xFFFFFF80  }
0x184: {  	_ =	swait.ge [sflag:s0], $0x80  }
0x185: {  	[sflag:s0] =	ssyncset.done $0x0  }
0x186: {  	[sflag:s0] =	ssyncadd.s32 $0xFFFFFF80  }
0x187: {  	_ =	swait.ge [sflag:s0], $0x80  }
0x188: {  	[sflag:s0] =	ssyncset.done $0x0  }
0x189: {  	[sflag:s0] =	ssyncadd.s32 $0xFFFFFF80  }
0x18a: {  	_ =	swait.ge [sflag:s0], $0x80  }
0x18b: {  	[sflag:s0] =	ssyncset.done $0x0  }
0x18c: {  	[sflag:s0] =	ssyncadd.s32 $0xFFFFFF80  }
0x18d: {  	_ =	swait.ge [sflag:s0], $0x80  }
0x18e: {  	[sflag:s0] =	ssyncset.done $0x0  }
0x18f: {  	[sflag:s0] =	ssyncadd.s32 $0xFFFFFF80  }
0x190: {  	_ =	swait.ge [sflag:s0], $0x80  }
0x191: {  	[sflag:s0] =	ssyncset.done $0x0  }
0x192: {  	[sflag:s0] =	ssyncadd.s32 $0xFFFFFF80  }
0x193: {  	v3 =	vld [tilespmem:$0x4400]  }
0x194: {  	v4 =	vld [tilespmem:$0x4000]  }
0x195: {  	v9 =	vld [tilespmem:$0x4410]  }
0x196: {  	v10 =	vld [tilespmem:$0x4010]  }
0x197: {  	v13 =	vld [tilespmem:$0x4420]  }
0x198: {  	v14 =	vld [tilespmem:$0x4020]  }
0x199: {  	v15 =	vld [tilespmem:$0x4430]  }
0x19a: {  	v16 =	vld [tilespmem:$0x4030]  }
0x19b: {  	v17 =	vld [tilespmem:$0x4440]  }
0x19c: {  	v18 =	vld [tilespmem:$0x4040]  }
0x19d: {  	v19 =	vld [tilespmem:$0x4450]  }
0x19e: {  	v20 =	vld [tilespmem:$0x4050]  }
0x19f: {  	v21 =	vld [tilespmem:$0x4460]  }
0x1a0: {  	v22 =	vld [tilespmem:$0x4060]  }
0x1a1: {  	v23 =	vld [tilespmem:$0x4470]  }
0x1a2: {  	v24 =	vld [tilespmem:$0x4070]  }
0x1a3: {  	v25 =	vld [tilespmem:$0x4480]  }
0x1a4: {  	v26 =	vld [tilespmem:$0x4080]  }
0x1a5: {  	v27 =	vld [tilespmem:$0x4490]  }
0x1a6: {  	v28 =	vld [tilespmem:$0x4090]  }
0x1a7: {  	v29 =	vld [tilespmem:$0x44A0]  }
0x1a8: {  	v30 =	vld [tilespmem:$0x40A0]  }
0x1a9: {  	v31 =	vld [tilespmem:$0x44B0]  }
0x1aa: {  	v32 =	vld [tilespmem:$0x40B0]  }
0x1ab: {  	v0 =	vld [tilespmem:$0x41E0]  }
0x1ac: {  	v33 =	vld [tilespmem:$0x44C0]  }
0x1ad: {  	v34 =	vld [tilespmem:$0x40C0]  }
0x1ae: {  	v35 =	vld [tilespmem:$0x44D0]  }
0x1af: {  	v36 =	vld [tilespmem:$0x40D0]  }
0x1b0: {  	[tilespmem:$0x1FBA0] =	vst v0;
	v0 =	vld [tilespmem:$0x41F0]  }
0x1b1: {  	v37 =	vld [tilespmem:$0x44E0]  }
0x1b2: {  	v38 =	vld [tilespmem:$0x40E0]  }
0x1b3: {  	v39 =	vld [tilespmem:$0x44F0]  }
0x1b4: {  	v40 =	vld [tilespmem:$0x40F0]  }
0x1b5: {  	[tilespmem:$0x1FBB0] =	vst v0;
	v0 =	vld [tilespmem:$0x4600]  }
0x1b6: {  	v41 =	vld [tilespmem:$0x4500]  }
0x1b7: {  	v42 =	vld [tilespmem:$0x4100]  }
0x1b8: {  	v43 =	vld [tilespmem:$0x4510]  }
0x1b9: {  	v44 =	vld [tilespmem:$0x4110]  }
0x1ba: {  	[tilespmem:$0x1FBC0] =	vst v0;
	v0 =	vld [tilespmem:$0x4200]  }
0x1bb: {  	v45 =	vld [tilespmem:$0x4520]  }
0x1bc: {  	v46 =	vld [tilespmem:$0x4120]  }
0x1bd: {  	v47 =	vld [tilespmem:$0x4530]  }
0x1be: {  	v48 =	vld [tilespmem:$0x4130]  }
0x1bf: {  	[tilespmem:$0x1FBD0] =	vst v0;
	v0 =	vld [tilespmem:$0x4610]  }
0x1c0: {  	v49 =	vld [tilespmem:$0x4540]  }
0x1c1: {  	v50 =	vld [tilespmem:$0x4140]  }
0x1c2: {  	v51 =	vld [tilespmem:$0x4550]  }
0x1c3: {  	v52 =	vld [tilespmem:$0x4150]  }
0x1c4: {  	[tilespmem:$0x1FBE0] =	vst v0;
	v0 =	vld [tilespmem:$0x4210]  }
0x1c5: {  	v53 =	vld [tilespmem:$0x4560]  }
0x1c6: {  	v54 =	vld [tilespmem:$0x4160]  }
0x1c7: {  	v55 =	vld [tilespmem:$0x4570]  }
0x1c8: {  	v56 =	vld [tilespmem:$0x4170]  }
0x1c9: {  	v57 =	vld [tilespmem:$0x4580];
	[tilespmem:$0x1FBF0] =	vst v0;
	v0 =	vshll.u32 v3, $0xE  }
0x1ca: {  	v58 =	vld [tilespmem:$0x4180];
	v9 =	vshll.u32 v9, $0xE;
	v0 =	vadd.s32 v4, v0  }
0x1cb: {  	v59 =	vld [tilespmem:$0x4590];
	v13 =	vshll.u32 v13, $0xE;
	[tilespmem:$0x4800] =	vst v0;
	v0 =	vadd.s32 v10, v9  }
0x1cc: {  	v60 =	vld [tilespmem:$0x4190];
	[tilespmem:$0x4810] =	vst v0;
	v0 =	vadd.s32 v14, v13;
	v13 =	vshll.u32 v15, $0xE  }
0x1cd: {  	v61 =	vld [tilespmem:$0x45A0];
	v17 =	vshll.u32 v17, $0xE;
	[tilespmem:$0x4820] =	vst v0;
	v0 =	vadd.s32 v16, v13  }
0x1ce: {  	v62 =	vld [tilespmem:$0x41A0];
	v19 =	vshll.u32 v19, $0xE;
	[tilespmem:$0x4830] =	vst v0;
	v0 =	vadd.s32 v18, v17  }
0x1cf: {  	v63 =	vld [tilespmem:$0x45B0];
	v21 =	vshll.u32 v21, $0xE;
	[tilespmem:$0x4840] =	vst v0;
	v0 =	vadd.s32 v20, v19  }
0x1d0: {  	v5 =	vld [tilespmem:$0x41B0];
	[tilespmem:$0x4850] =	vst v0;
	v0 =	vadd.s32 v22, v21;
	v22 =	vshll.u32 v23, $0xE  }
0x1d1: {  	v2 =	vld [tilespmem:$0x45C0];
	v23 =	vshll.u32 v25, $0xE;
	[tilespmem:$0x4860] =	vst v0;
	v0 =	vadd.s32 v24, v22  }
0x1d2: {  	v7 =	vld [tilespmem:$0x41C0];
	v24 =	vshll.u32 v27, $0xE;
	[tilespmem:$0x4870] =	vst v0;
	v0 =	vadd.s32 v26, v23  }
0x1d3: {  	v6 =	vld [tilespmem:$0x45D0];
	v25 =	vshll.u32 v29, $0xE;
	[tilespmem:$0x4880] =	vst v0;
	v0 =	vadd.s32 v28, v24  }
0x1d4: {  	v11 =	vld [tilespmem:$0x41D0];
	v26 =	vshll.u32 v31, $0xE;
	[tilespmem:$0x4890] =	vst v0;
	v0 =	vadd.s32 v30, v25  }
0x1d5: {  	v8 =	vld [tilespmem:$0x45E0];
	v27 =	vshll.u32 v33, $0xE;
	[tilespmem:$0x48A0] =	vst v0;
	v0 =	vadd.s32 v32, v26  }
0x1d6: {  	v12 =	vld [tilespmem:$0x45F0];
	v28 =	vshll.u32 v35, $0xE;
	[tilespmem:$0x48B0] =	vst v0;
	v0 =	vadd.s32 v34, v27  }
0x1d7: {  	v3 =	vld [tilespmem:$0x4620];
	v29 =	vshll.u32 v37, $0xE;
	[tilespmem:$0x48C0] =	vst v0;
	v0 =	vadd.s32 v36, v28  }
0x1d8: {  	v4 =	vld [tilespmem:$0x4220];
	v30 =	vshll.u32 v39, $0xE;
	[tilespmem:$0x48D0] =	vst v0;
	v0 =	vadd.s32 v38, v29  }
0x1d9: {  	v9 =	vld [tilespmem:$0x4630];
	v31 =	vshll.u32 v41, $0xE;
	[tilespmem:$0x48E0] =	vst v0;
	v0 =	vadd.s32 v40, v30  }
0x1da: {  	v10 =	vld [tilespmem:$0x4230];
	v32 =	vshll.u32 v43, $0xE;
	[tilespmem:$0x48F0] =	vst v0;
	v0 =	vadd.s32 v42, v31  }
0x1db: {  	v14 =	vld [tilespmem:$0x4640];
	v33 =	vshll.u32 v45, $0xE;
	[tilespmem:$0x4900] =	vst v0;
	v0 =	vadd.s32 v44, v32  }
0x1dc: {  	v15 =	vld [tilespmem:$0x4240];
	v34 =	vshll.u32 v47, $0xE;
	[tilespmem:$0x4910] =	vst v0;
	v0 =	vadd.s32 v46, v33  }
0x1dd: {  	v16 =	vld [tilespmem:$0x4650];
	v35 =	vshll.u32 v49, $0xE;
	[tilespmem:$0x4920] =	vst v0;
	v0 =	vadd.s32 v48, v34  }
0x1de: {  	v17 =	vld [tilespmem:$0x4250];
	v36 =	vshll.u32 v51, $0xE;
	[tilespmem:$0x4930] =	vst v0;
	v0 =	vadd.s32 v50, v35  }
0x1df: {  	v18 =	vld [tilespmem:$0x4660];
	v37 =	vshll.u32 v53, $0xE;
	[tilespmem:$0x4940] =	vst v0;
	v0 =	vadd.s32 v52, v36  }
0x1e0: {  	v19 =	vld [tilespmem:$0x4260];
	v38 =	vshll.u32 v55, $0xE;
	[tilespmem:$0x4950] =	vst v0;
	v0 =	vadd.s32 v54, v37  }
0x1e1: {  	v20 =	vld [tilespmem:$0x4670];
	v39 =	vshll.u32 v57, $0xE;
	[tilespmem:$0x4960] =	vst v0;
	v0 =	vadd.s32 v56, v38  }
0x1e2: {  	v21 =	vld [tilespmem:$0x4270];
	v40 =	vshll.u32 v59, $0xE;
	[tilespmem:$0x4970] =	vst v0;
	v0 =	vadd.s32 v58, v39  }
0x1e3: {  	v53 =	vld [tilespmem:$0x4360];
	v42 =	vshll.u32 v61, $0xE;
	[tilespmem:$0x4980] =	vst v0;
	v0 =	vadd.s32 v60, v40  }
0x1e4: {  	v22 =	vld [tilespmem:$0x4680];
	v44 =	vshll.u32 v63, $0xE;
	[tilespmem:$0x4990] =	vst v0;
	v0 =	vadd.s32 v62, v42  }
0x1e5: {  	v2 =	vshll.u32 v2, $0xE;
	v45 =	vld [tilespmem:$0x42F0];
	[tilespmem:$0x49A0] =	vst v0;
	v0 =	vadd.s32 v5, v44  }
0x1e6: {  	v23 =	vld [tilespmem:$0x4280];
	[tilespmem:$0x49B0] =	vst v0;
	v0 =	vadd.s32 v7, v2;
	v2 =	vshll.u32 v6, $0xE  }
0x1e7: {  	v41 =	vld [tilespmem:$0x42E0];
	[tilespmem:$0x49C0] =	vst v0;
	v0 =	vadd.s32 v11, v2  }
0x1e8: {  	[tilespmem:$0x49D0] =	vst v0;
	v0 =	vld [tilespmem:$0x1FBA0]  }
0x1e9: {  	v24 =	vld [tilespmem:$0x4690]  }
0x1ea: {  	v49 =	vld [tilespmem:$0x4340]  }
0x1eb: {  	v25 =	vld [tilespmem:$0x4290]  }
0x1ec: {  	v57 =	vld [tilespmem:$0x4380];
	v2 =	vshll.u32 v8, $0xE  }
0x1ed: {  	v26 =	vld [tilespmem:$0x46A0];
	v0 =	vadd.s32 v0, v2  }
0x1ee: {  	[tilespmem:$0x49E0] =	vst v0;
	v0 =	vld [tilespmem:$0x1FBB0]  }
0x1ef: {  	v43 =	vld [tilespmem:$0x46F0]  }
0x1f0: {  	v27 =	vld [tilespmem:$0x42A0]  }
0x1f1: {  	v47 =	vld [tilespmem:$0x4320]  }
0x1f2: {  	v28 =	vld [tilespmem:$0x46B0];
	v2 =	vshll.u32 v12, $0xE  }
0x1f3: {  	v0 =	vadd.s32 v0, v2;
	v2 =	vld [tilespmem:$0x1FBC0]  }
0x1f4: {  	[tilespmem:$0x49F0] =	vst v0;
	v0 =	vld [tilespmem:$0x1FBD0]  }
0x1f5: {  	v51 =	vld [tilespmem:$0x4350]  }
0x1f6: {  	v29 =	vld [tilespmem:$0x42B0]  }
0x1f7: {  	v55 =	vld [tilespmem:$0x4370]  }
0x1f8: {  	v30 =	vld [tilespmem:$0x46C0];
	v2 =	vshll.u32 v2, $0xE  }
0x1f9: {  	v0 =	vadd.s32 v0, v2;
	v2 =	vld [tilespmem:$0x1FBE0]  }
0x1fa: {  	[tilespmem:$0x4A00] =	vst v0;
	v0 =	vld [tilespmem:$0x1FBF0]  }
0x1fb: {  	v59 =	vld [tilespmem:$0x4390]  }
0x1fc: {  	v31 =	vld [tilespmem:$0x42C0]  }
0x1fd: {  	v61 =	vld [tilespmem:$0x43D0]  }
0x1fe: {  	v32 =	vld [tilespmem:$0x46D0];
	v2 =	vshll.u32 v2, $0xE  }
0x1ff: {  	v63 =	vld [tilespmem:$0x43E0];
	v0 =	vadd.s32 v0, v2;
	v2 =	vshll.u32 v3, $0xE  }
0x200: {  	v33 =	vld [tilespmem:$0x42D0];
	[tilespmem:$0x4A10] =	vst v0;
	v0 =	vadd.s32 v4, v2;
	v2 =	vshll.u32 v9, $0xE  }
0x201: {  	v46 =	vld [tilespmem:$0x4720];
	[tilespmem:$0x4A20] =	vst v0;
	v0 =	vadd.s32 v10, v2;
	v2 =	vshll.u32 v14, $0xE  }
0x202: {  	v34 =	vld [tilespmem:$0x46E0];
	[tilespmem:$0x4A30] =	vst v0;
	v0 =	vadd.s32 v15, v2;
	v2 =	vshll.u32 v16, $0xE  }
0x203: {  	v48 =	vld [tilespmem:$0x4740];
	[tilespmem:$0x4A40] =	vst v0;
	v0 =	vadd.s32 v17, v2;
	v2 =	vshll.u32 v18, $0xE  }
0x204: {  	v50 =	vld [tilespmem:$0x4750];
	[tilespmem:$0x4A50] =	vst v0;
	v0 =	vadd.s32 v19, v2;
	v2 =	vshll.u32 v20, $0xE  }
0x205: {  	v52 =	vld [tilespmem:$0x4760];
	[tilespmem:$0x4A60] =	vst v0;
	v0 =	vadd.s32 v21, v2;
	v2 =	vshll.u32 v22, $0xE  }
0x206: {  	v54 =	vld [tilespmem:$0x4770];
	[tilespmem:$0x4A70] =	vst v0;
	v0 =	vadd.s32 v23, v2;
	v2 =	vshll.u32 v24, $0xE  }
0x207: {  	v5 =	vld [tilespmem:$0x4700];
	[tilespmem:$0x4A80] =	vst v0;
	v0 =	vadd.s32 v25, v2;
	v2 =	vshll.u32 v26, $0xE  }
0x208: {  	v6 =	vld [tilespmem:$0x4300];
	[tilespmem:$0x4A90] =	vst v0;
	v0 =	vadd.s32 v27, v2;
	v2 =	vshll.u32 v28, $0xE  }
0x209: {  	v7 =	vld [tilespmem:$0x4710];
	[tilespmem:$0x4AA0] =	vst v0;
	v0 =	vadd.s32 v29, v2;
	v2 =	vshll.u32 v30, $0xE  }
0x20a: {  	v8 =	vld [tilespmem:$0x4310];
	[tilespmem:$0x4AB0] =	vst v0;
	v0 =	vadd.s32 v31, v2;
	v2 =	vshll.u32 v32, $0xE  }
0x20b: {  	v3 =	vld [tilespmem:$0x4730];
	[tilespmem:$0x4AC0] =	vst v0;
	v0 =	vadd.s32 v33, v2;
	v2 =	vshll.u32 v34, $0xE  }
0x20c: {  	v4 =	vld [tilespmem:$0x4330];
	[tilespmem:$0x4AD0] =	vst v0;
	v0 =	vadd.s32 v41, v2;
	v2 =	vshll.u32 v43, $0xE  }
0x20d: {  	v56 =	vld [tilespmem:$0x4780];
	[tilespmem:$0x4AE0] =	vst v0;
	v0 =	vadd.s32 v45, v2;
	v2 =	vshll.u32 v5, $0xE  }
0x20e: {  	v58 =	vld [tilespmem:$0x4790];
	[tilespmem:$0x4AF0] =	vst v0;
	v0 =	vadd.s32 v6, v2;
	v2 =	vshll.u32 v7, $0xE  }
0x20f: {  	v60 =	vld [tilespmem:$0x47D0];
	[tilespmem:$0x4B00] =	vst v0;
	v0 =	vadd.s32 v8, v2;
	v2 =	vshll.u32 v46, $0xE  }
0x210: {  	v5 =	vld [tilespmem:$0x47A0];
	[tilespmem:$0x4B10] =	vst v0;
	v0 =	vadd.s32 v47, v2;
	v2 =	vshll.u32 v3, $0xE  }
0x211: {  	v6 =	vld [tilespmem:$0x43A0];
	[tilespmem:$0x4B20] =	vst v0;
	v0 =	vadd.s32 v4, v2;
	v2 =	vshll.u32 v48, $0xE  }
0x212: {  	v7 =	vld [tilespmem:$0x47B0];
	[tilespmem:$0x4B30] =	vst v0;
	v0 =	vadd.s32 v49, v2;
	v2 =	vshll.u32 v50, $0xE  }
0x213: {  	v3 =	vld [tilespmem:$0x43B0];
	[tilespmem:$0x4B40] =	vst v0;
	v0 =	vadd.s32 v51, v2;
	v2 =	vshll.u32 v52, $0xE  }
0x214: {  	v4 =	vld [tilespmem:$0x47C0];
	[tilespmem:$0x4B50] =	vst v0;
	v0 =	vadd.s32 v53, v2;
	v2 =	vshll.u32 v54, $0xE  }
0x215: {  	v8 =	vld [tilespmem:$0x43C0];
	[tilespmem:$0x4B60] =	vst v0;
	v0 =	vadd.s32 v55, v2;
	v2 =	vshll.u32 v56, $0xE  }
0x216: {  	v62 =	vld [tilespmem:$0x47E0];
	[tilespmem:$0x4B70] =	vst v0;
	v0 =	vadd.s32 v57, v2;
	v2 =	vshll.u32 v58, $0xE  }
0x217: {  	[tilespmem:$0x4B80] =	vst v0;
	v0 =	vadd.s32 v59, v2;
	v2 =	vshll.u32 v5, $0xE;
	v5 =	vld [tilespmem:$0x47F0]  }
0x218: {  	[tilespmem:$0x4B90] =	vst v0;
	v0 =	vadd.s32 v6, v2;
	v2 =	vshll.u32 v7, $0xE;
	v6 =	vld [tilespmem:$0x43F0]  }
0x219: {  	[tilespmem:$0x4BA0] =	vst v0;
	v0 =	vadd.s32 v3, v2;
	v2 =	vshll.u32 v4, $0xE  }
0x21a: {  	[tilespmem:$0x4BB0] =	vst v0;
	v0 =	vadd.s32 v8, v2;
	v2 =	vshll.u32 v60, $0xE  }
0x21b: {  	[tilespmem:$0x4BC0] =	vst v0;
	v0 =	vadd.s32 v61, v2;
	v2 =	vshll.u32 v62, $0xE  }
0x21c: {  	[tilespmem:$0x4BD0] =	vst v0;
	v0 =	vadd.s32 v63, v2;
	v2 =	vshll.u32 v5, $0xE  }
0x21d: {  	[tilespmem:$0x4BE0] =	vst v0;
	v0 =	vadd.s32 v6, v2  }
0x21e: {  	[tilespmem:$0x4BF0] =	vst v0  }
0x21f: {  	[bflag:$0x0] =	sbarrier.arrive $0xFFFF  }
0x220: {  	[spmem:s4] =	stream.indirect.scatter.add.f32 [tilespmem:s19], [sflag:$0x2], $0x1, s18, s17, $0xb8;
	[tilespmem:$0x5480] =	vst v63  }
0x221: {  	_ =	swait.ge [sflag:s28], $0x80  }
0x222: {  	[sflag:s28] =	ssyncset.done $0x0  }
0x223: {  	[sflag:s28] =	ssyncadd.s32 $0xFFFFFF80  }
0x224: {  	[spmem:s4] =	stream.indirect.scatter.add.f32 [tilespmem:s19], [sflag:$0x2], $0x1, s20, s17, $0xb8;
	[tilespmem:$0x5480] =	vst v63  }
0x225: {  	_ =	swait.ge [sflag:s28], $0x80  }
0x226: {  	[sflag:s28] =	ssyncset.done $0x0  }
0x227: {  	[sflag:s28] =	ssyncadd.s32 $0xFFFFFF80  }
0x228: {  	[spmem:s4] =	stream.indirect.scatter.add.f32 [tilespmem:s19], [sflag:$0x2], $0x1, s21, s17, $0xb8;
	[tilespmem:$0x5480] =	vst v63  }
0x229: {  	_ =	swait.ge [sflag:s28], $0x80  }
0x22a: {  	[sflag:s28] =	ssyncset.done $0x0  }
0x22b: {  	[sflag:s28] =	ssyncadd.s32 $0xFFFFFF80  }
0x22c: {  	[spmem:s4] =	stream.indirect.scatter.add.f32 [tilespmem:s19], [sflag:$0x2], $0x1, s30, s17, $0xb8;
	[tilespmem:$0x5480] =	vst v63  }
0x22d: {  	_ =	swait.ge [sflag:s28], $0x80  }
0x22e: {  	[sflag:s28] =	ssyncset.done $0x0  }
0x22f: {  	[sflag:s28] =	ssyncadd.s32 $0xFFFFFF80  }
0x230: {  	[spmem:s4] =	stream.indirect.scatter.add.f32 [tilespmem:s19], [sflag:$0x2], $0x1, s31, s17, $0xb8;
	[tilespmem:$0x5480] =	vst v63  }
0x231: {  	_ =	swait.ge [sflag:s28], $0x80  }
0x232: {  	[sflag:s28] =	ssyncset.done $0x0  }
0x233: {  	[sflag:s28] =	ssyncadd.s32 $0xFFFFFF80  }
0x234: {  	[spmem:s4] =	stream.indirect.scatter.add.f32 [tilespmem:s19], [sflag:$0x2], $0x1, s3, s17, $0xb8;
	[tilespmem:$0x5480] =	vst v63  }
0x235: {  	_ =	swait.ge [sflag:s28], $0x80  }
0x236: {  	[sflag:s28] =	ssyncset.done $0x0  }
0x237: {  	[sflag:s28] =	ssyncadd.s32 $0xFFFFFF80  }
0x238: {  	[spmem:s4] =	stream.indirect.scatter.add.f32 [tilespmem:s19], [sflag:$0x2], $0x1, s22, s17, $0xb8;
	[tilespmem:$0x5480] =	vst v63  }
.Ltmp4:
0x239: {  	_ =	swait.ge [sflag:s28], $0x80;
	(pc) =	sbr.rel .LBB2_6-.Ltmp4, $4  }
0x23a: {  	[sflag:s28] =	ssyncset.done $0x0  }
0x23b: {  	[sflag:s28] =	ssyncadd.s32 $0xFFFFFF80  }
0x23c: {  	[spmem:s4] =	stream.indirect.scatter.add.f32 [tilespmem:s19], [sflag:$0x2], $0x1, s2, s17, $0xb8;
	[tilespmem:$0x5480] =	vst v63  }
0x23d: {  	v7 =	vimm.f32 $1.000000000e+00;
	s23 =	rddreg [dreg:$0x2]  }
.LBB2_7:
0x23e: {  	_ =	sfence.sel $0x180000  }
0x23f: {  	[bflag:$0x0] =	sbarrier.arrive $0xFFFF  }
0x240: {  	_ =	strace $0x90000047  }
0x241: {  	s0 =	stileid.u32;
	[bflag:$0x2] =	sbarrier.arrive $0xFFFF  }
0x242: {  	p0 =	sne.s32 s0, $0x0;
	s0 =	rddreg [dreg:$0x5]  }
0x243: {  	s0 =	sadd.s32 @!p0 $0x100000, s0  }
0x244: {  	[sflag:s0] =	ssyncadd.tile.s32 @!p0 $0x1;
	_ =	shalt  }
.Lfunc_end2:
_tile_overlayer_lowered:
.L_overlay_start_2:
0x245: {  	(tag) =	ssettag $0x2  }
0x246: {  	s0 =	rddreg [dreg:$0x0];
	s2 =	stileid.u32  }
0x247: {  	s1 =	rddreg [dreg:$0x1];
	p0 =	sne.s32 s2, $0x0  }
0x248: {  	s3 =	rddreg [dreg:$0x2];
	[bflag:$0x3] =	sbarrier.arrive $0xFFFF;
	s2 =	simm.s32 @!p0 $0x1C02  }
0x249: {  	[timem:s3], [sflag:s2] =	dma.local @!p0 [hbm:s0], s1  }
0x24a: {  	s0 =	simm.s32 @!p0 $0x2  }
0x24b: {  	_ =	swait.ge @!p0 [sflag:s0], s1  }
0x24c: {  	s1 =	ssub.s32 @!p0 $0x0, s1;
	[sflag:s0] =	ssyncset.done @!p0 $0x0  }
0x24d: {  	[sflag:s0] =	ssyncadd.s32 @!p0 s1  }
0x24e: {  	[bflag:$0x3] =	sbarrier.arrive $0xFFFF  }
0x24f: {  	_ =	shalt  }

// kernel: kernel.8.cloned.1.call-start
scs
__scs_entry_jumppad:
0x0: {  	(pc) =	sbr.rel $0x88, $3  }
0x1: {  	(tag) =	ssettag $0x0;
	lr =	simm.s32 $0x1  }
0x2: {  	[smem:$0x3F91] =	sst lr;
	_ =	strace $0xD0000000  }
0x3: {  	_ = 	snop  }
0x4: {  	_ = 	snop  }
0x5: {  	_ = 	snop  }
0x6: {  	_ = 	snop  }
0x7: {  	_ = 	snop  }
__scs_overlays_trampoline_lowered:
0x8: {  	[smem:$0x3FA0] =	sst s0  }
0x9: {  	[smem:$0x3FA1] =	sst s1  }
0xa: {  	[smem:$0x3FA2] =	sst s2  }
0xb: {  	[smem:$0x3FA3] =	sst s3  }
0xc: {  	[smem:$0x3FA4] =	sst s4  }
0xd: {  	[smem:$0x3FA5] =	sst s5  }
0xe: {  	[smem:$0x3FA6] =	sst s6  }
0xf: {  	[smem:$0x3FA7] =	sst s7  }
0x10: {  	[smem:$0x3FA8] =	sst s8  }
0x11: {  	[smem:$0x3FA9] =	sst s9;
	s0 =	simm.s32 @!p0 $0x0  }
0x12: {  	s1 =	sld [smem:$0x3F8F];
	s0 =	simm.s32 @p0 $0x1  }
0x13: {  	[smem:$0x3FAA] =	sst s0;
	s0 =	simm.s32 @!p1 $0x0  }
0x14: {  	s2 =	sld [smem:$0x3F8E];
	s0 =	simm.s32 @p1 $0x1  }
0x15: {  	[smem:$0x3FAB] =	sst s0;
	s0 =	simm.s32 @!p2 $0x0  }
0x16: {  	s3 =	sld [smem:$0x3FDB];
	s0 =	simm.s32 @p2 $0x1  }
0x17: {  	s4 =	simm.s32 $0x1BF5;
	[smem:$0x3FAD] =	sst s0  }
0x18: {  	s0 =	sld [smem:$0x3F90];
	_ =	swait.ge [sflag:s4], $0x0  }
0x19: {  	s7 =	sld [smem:$0x3F91]  }
0x1a: {  	s8 =	sadd.s32 $0xFFFFE003, lr  }
0x1b: {  	s9 =	sadd.s32 $0xFFFFFEF7, lr;
	s5 =	simm.s32 $0xFFFFFFFF;
	p2 =	slt.u32 s8, $0xFFFFF086  }
0x1c: {  	p1 =	slt.u32 s9, $0xF7A;
	s5 =	simm.s32 @!p2 $0x0  }
0x1d: {  	s5 =	simm.s32 @p1 $0x1;
	p0 =	seq.s32 s7, s2  }
0x1e: {  	s7 =	smul.u32 @!p0 $0xF7A, s2;
	p2 =	seq.s32 @!p0 s5, $0x0  }
0x1f: {  	s9 =	smul.u32 $0xF7A, s1;
	s8 =	simm.s32 @!p0 $0x1BF5;
	p2 =	por !p2, p0  }
0x20: {  	[sflag:s8] =	ssyncset.s32 @!p0 $0xFFFFF086;
	s6 =	sadd.s32 @!p0 s3, s7;
	s7 =	simm.s32 @!p0 $0x108  }
0x21: {  	s3 =	sadd.s32 s3, s9;
	s6 =	sadd.s32 @!p0 $0x88, s6;
	s7 =	simm.s32 @p2 $0x1082  }
0x22: {  	[simem:s7], [sflag:s8] =	dma.local @!p0 [hbm:s6], $0xF7A  }
0x23: {  	s9 =	sor.u32 $0xD0000000, s2;
	s6 =	simm.s32 $0x108;
	_ =	swait.ge @!p0 [sflag:s8], $0x0  }
0x24: {  	s3 =	sadd.s32 $0x88, s3;
	s6 =	simm.s32 @!p1 $0x1082;
	[sflag:s4] =	ssyncset.s32 $0xFFFFF086  }
0x25: {  	[simem:s6], [sflag:s4] =	dma.local [hbm:s3], $0xF7A  }
0x26: {  	[smem:$0x3F91] =	sst s1;
	(tag) =	ssettag s2;
	_ =	strace s9  }
0x27: {  	s1 =	sld [smem:$0x3FA1]  }
0x28: {  	s2 =	sld [smem:$0x3FA2]  }
0x29: {  	s4 =	sld [smem:$0x3FA4]  }
0x2a: {  	p0 =	seq.s32 s5, $0x0;
	s5 =	sld [smem:$0x3FA5]  }
0x2b: {  	s6 =	sld [smem:$0x3FA6]  }
0x2c: {  	s7 =	sld [smem:$0x3FA7]  }
0x2d: {  	s3 =	simm.s32 $0x108;
	s8 =	sld [smem:$0x3FA8]  }
0x2e: {  	s3 =	simm.s32 @!p0 $0x1082;
	s9 =	sld [smem:$0x3FA9]  }
0x2f: {  	lr =	sadd.s32 s0, s3;
	s0 =	sld [smem:$0x3FA0]  }
0x30: {  	s3 =	sld [smem:$0x3FA3]  }
0x31: {  	[smem:$0x3FAC] =	sst s10  }
0x32: {  	s10 =	sld [smem:$0x3FAA];
	_ =	sdelay $0x3  }
0x33: {  	p0 =	seq.s32 s10, $0x1;
	s10 =	sld [smem:$0x3FAC];
	_ =	sdelay $0x3  }
0x34: {  	[smem:$0x3FAC] =	sst s10  }
0x35: {  	s10 =	sld [smem:$0x3FAB];
	_ =	sdelay $0x3  }
0x36: {  	p1 =	seq.s32 s10, $0x1;
	s10 =	sld [smem:$0x3FAC];
	_ =	sdelay $0x3  }
0x37: {  	[smem:$0x3FAC] =	sst s10  }
0x38: {  	s10 =	sld [smem:$0x3FAD]  }
0x39: {  	_ = 	snop;
	(pc) =	sbr.ind lr, $3  }
0x3a: {  	_ = 	snop  }
0x3b: {  	_ = 	snop  }
0x3c: {  	p2 =	seq.s32 s10, $0x1;
	s10 =	sld [smem:$0x3FAC]  }
0x3d: {  	_ =	shalt  }
0x3e: {  	_ =	shalt  }
0x3f: {  	_ =	shalt  }
0x40: {  	_ =	shalt  }
0x41: {  	_ =	shalt  }
0x42: {  	_ =	shalt  }
0x43: {  	_ =	shalt  }
0x44: {  	_ =	shalt  }
0x45: {  	_ =	shalt  }
0x46: {  	_ =	shalt  }
0x47: {  	_ =	shalt  }
0x48: {  	_ =	shalt  }
0x49: {  	_ =	shalt  }
0x4a: {  	_ =	shalt  }
0x4b: {  	_ =	shalt  }
0x4c: {  	_ =	shalt  }
0x4d: {  	_ =	shalt  }
0x4e: {  	_ =	shalt  }
0x4f: {  	_ =	shalt  }
0x50: {  	_ =	shalt  }
0x51: {  	_ =	shalt  }
0x52: {  	_ =	shalt  }
0x53: {  	_ =	shalt  }
0x54: {  	_ =	shalt  }
0x55: {  	_ =	shalt  }
0x56: {  	_ =	shalt  }
0x57: {  	_ =	shalt  }
0x58: {  	_ =	shalt  }
0x59: {  	_ =	shalt  }
0x5a: {  	_ =	shalt  }
0x5b: {  	_ =	shalt  }
0x5c: {  	_ =	shalt  }
0x5d: {  	_ =	shalt  }
0x5e: {  	_ =	shalt  }
0x5f: {  	_ =	shalt  }
0x60: {  	_ =	shalt  }
0x61: {  	_ =	shalt  }
0x62: {  	_ =	shalt  }
0x63: {  	_ =	shalt  }
0x64: {  	_ =	shalt  }
0x65: {  	_ =	shalt  }
0x66: {  	_ =	shalt  }
0x67: {  	_ =	shalt  }
0x68: {  	_ =	shalt  }
0x69: {  	_ =	shalt  }
0x6a: {  	_ =	shalt  }
0x6b: {  	_ =	shalt  }
0x6c: {  	_ =	shalt  }
0x6d: {  	_ =	shalt  }
0x6e: {  	_ =	shalt  }
0x6f: {  	_ =	shalt  }
0x70: {  	_ =	shalt  }
0x71: {  	_ =	shalt  }
0x72: {  	_ =	shalt  }
0x73: {  	_ =	shalt  }
0x74: {  	_ =	shalt  }
0x75: {  	_ =	shalt  }
0x76: {  	_ =	shalt  }
0x77: {  	_ =	shalt  }
0x78: {  	_ =	shalt  }
0x79: {  	_ =	shalt  }
0x7a: {  	_ =	shalt  }
0x7b: {  	_ =	shalt  }
0x7c: {  	_ =	shalt  }
0x7d: {  	_ =	shalt  }
0x7e: {  	_ =	shalt  }
0x7f: {  	_ =	shalt  }
0x80: {  	_ =	shalt  }
0x81: {  	_ =	shalt  }
0x82: {  	_ =	shalt  }
0x83: {  	_ =	shalt  }
0x84: {  	_ =	shalt  }
0x85: {  	_ =	shalt  }
0x86: {  	_ =	shalt  }
0x87: {  	_ =	shalt  }
.Lfunc_end0:
.L_simem_size_0:
called_computation.1_lowered:
.L_overlay_start_0:
0x88: {  	s2 =	sld [smem:$0x3FD9]  }
0x89: {  	s3 =	sld [smem:$0x3FFE];
	_ =	sdelay $0x1  }
0x8a: {  	s1 =	srdreg.scid  }
0x8b: {  	s0 =	sand.u32 $0x1, s1  }
0x8c: {  	s17 =	sshll.u32 s0, $0xA;
	s2 =	sadd.s32 s3, s2  }
0x8d: {  	s2 =	sadd.s32 s2, s17  }
0x8e: {  	[smem:$0x3FB8] =	sst s2  }
0x8f: {  	_ = 	snop  }
0x90: {  	s2 =	sld [smem:$0x3FC6]  }
0x91: {  	s18 =	sld [smem:$0x3FD0];
	(tm) =	ssettm $0x1  }
0x92: {  	s4 =	sld [smem:$0x3FFB];
	_ =	sdelay $0x3  }
0x93: {  	_ =	strace s4  }
0x94: {  	s4 =	sld [smem:$0x3FFC];
	_ =	sdelay $0x3  }
0x95: {  	_ =	strace s4  }
0x96: {  	s4 =	sld [smem:$0x3FFD];
	_ =	sdelay $0x3  }
0x97: {  	_ =	strace s4  }
0x98: {  	_ =	strace $0x8FFFFFFF  }
0x99: {  	s19 =	sld [smem:$0x3FDB];
	_ =	sdelay $0x1  }
0x9a: {  	s5 =	simm.s32 $_scs_section_size  }
0x9b: {  	s6 =	simm.s32 $_size__tile_overlayer_lowered;
	s7 =	simm.s32 $_tile_overlayer_lowered  }
0x9c: {  	s22 =	simm.s32 $0x1BFF;
	s21 =	sshll.u32 s7, $0x1;
	s4 =	sadd.s32 s5, s19  }
0x9d: {  	s8 =	simm.s32 $0x0;
	s20 =	sshll.u32 s6, $0x1;
	s6 =	sadd.s32 s21, s4  }
0x9e: {  	[timem:s8], [sflag:s22] =	dma.local [hbm:s6], s20  }
0x9f: {  	_ =	swait.ge [sflag:s22], s20  }
0xa0: {  	s5 =	ssub.s32 $0x0, s20;
	[sflag:s22] =	ssyncset.done $0x0  }
0xa1: {  	[sflag:s22] =	ssyncadd.s32 s5;
	_ =	sdelay $0x1  }
0xa2: {  	s23 =	simm.s32 $0x1B8B  }
0xa3: {  	_ =	swait.ge [sflag:s23], $0x1  }
0xa4: {  	[sflag:s23] =	ssyncset.done $0x0  }
0xa5: {  	s25 =	simm.s32 $0x1B8E;
	s24 =	sld [smem:$0x3FFE];
	[sflag:s23] =	ssyncadd.s32 $0xFFFFFFFF  }
0xa6: {  	s26 =	simm.s32 $execute0_lowered;
	[smem:$0x3FD2] =	sst s25  }
0xa7: {  	s6 =	sshll.u32 s26, $0x1;
	_ =	strace $0x80000049;
	[dreg:$0x1] =	wrdreg $0xFFFFFFFF  }
0xa8: {  	s28 =	simm.s32 $_size_execute0_lowered;
	s4 =	sadd.s32 s4, s6;
	[dreg:$0x0] =	wrdreg $0x0  }
0xa9: {  	s6 =	sshll.u32 s28, $0x1;
	[dreg:$0x2] =	wrdreg s4  }
0xaa: {  	[dreg:$0x3] =	wrdreg s6  }
0xab: {  	[dreg:$0x4] =	wrdreg $0xC0  }
0xac: {  	_ =	task [dreg:s8], $0x5FFFF  }
0xad: {  	[dreg:$0x1] =	wrdreg $0xFFFFFFFF  }
0xae: {  	[dreg:$0x0] =	wrdreg $0x60  }
0xaf: {  	[dreg:$0x2] =	wrdreg s18  }
0xb0: {  	[dreg:$0x3] =	wrdreg s2  }
0xb1: {  	[dreg:$0x4] =	wrdreg s24  }
0xb2: {  	[dreg:$0x5] =	wrdreg $0x9  }
0xb3: {  	_ =	task.clear_ibuf [dreg:s8], $0x6FFFF;
	_ =	strace $0x90000049  }
0xb4: {  	s29 =	simm.s32 $0x9;
	_ =	strace $0x8000004B  }
0xb5: {  	_ =	swait.ge [sflag:s29], $0x1  }
0xb6: {  	[sflag:s29] =	ssyncadd.s32 $0xFFFFFFFF  }
0xb7: {  	_ =	strace $0x9000004B  }
0xb8: {  	_ =	sfence  }
0xb9: {  	s30 =	sld [smem:$0x0];
	_ =	sdelay $0x2  }
0xba: {  	s31 =	sshll.u32 s1, $0xD;
	s1 =	sshrl.u32 s1, $0x2  }
0xbb: {  	s3 =	sand.u32 $0x4000, s31;
	s1 =	sadd.s32 s1, s30  }
0xbc: {  	s0 =	sor.u32 s3, s0;
	s1 =	sshll.u32 s1, $0x11  }
0xbd: {  	s0 =	sor.u32 s1, s0  }
0xbe: {  	s0 =	sadd.s32 $0x8F2B, s0  }
0xbf: {  	[sflag:s0] =	ssyncadd.remote.s32 $0x1  }
0xc0: {  	_ =	sfence.sel $0xFFFF  }
0xc1: {  	[dreg:$0x0] =	wrdreg $0xFFFFFFFF;
	(pc) =	sbr.abs _section_cstart, $3  }
0xc2: {  	[dreg:$0x1] =	wrdreg $0xFFFFFFFF  }
0xc3: {  	_ =	task.clear_ibuf [dreg:s8], $0x2FFFF;
	_ =	strace $0x9FFFFFFF  }
0xc4: {  	(tm) =	ssettm $0x7FFFFFFF  }
0xc5: {  	_ =	shalt  }
tec
execute0_lowered:
.L_overlay_start_1:
0x0: {  	(tag) =	ssettag $0x1  }
0x1: {  	s2 =	rddreg [dreg:$0x0];
	s0 =	srdreg.scid  }
0x2: {  	s4 =	rddreg [dreg:$0x1];
	s14 =	sand.u32 $0x1, s0  }
0x3: {  	s15 =	rddreg [dreg:$0x2];
	s1 =	stileid.u32;
	s5 =	sshll.u32 s14, $0x4  }
0x4: {  	s3 =	simm.s32 $0x0;
	s0 =	rddreg [dreg:$0x3];
	s16 =	sor.u32 s1, s5  }
0x5: {  	[smem:$0x7FF] =	sst s3;
	s5 =	sshll.u32 s16, $0x6  }
0x6: {  	_ =	strace $0x8000004A;
	s5 =	sadd.s32 s4, s5;
	s4 =	simm.s32 $0x2  }
0x7: {  	[tilespmem:s3], [sflag:$0x2] =	stream.linear.gather [hbm4b:s5+s3], $0x200, $0x38;
	[tilespmem:$0x4200] =	vst v63  }
0x8: {  	_ =	swait.ge [sflag:s4], $0x200  }
0x9: {  	[sflag:s4] =	ssyncset.done $0x0  }
0xa: {  	s6 =	simm.s32 $0x80;
	s7 =	simm.s32 $0x200;
	[sflag:s4] =	ssyncadd.s32 $0xFFFFFE00  }
0xb: {  	[tilespmem:s7], [sflag:$0x1] =	stream.indirect.gather [hbm4b:s2+s6], $0x20, s3, s6, $0xb8;
	[tilespmem:$0x4200] =	vst v63  }
0xc: {  	s8 =	simm.s32 $0x1200  }
0xd: {  	[tilespmem:s8], [sflag:$0x1] =	stream.indirect.gather [hbm4b:s2+s6], $0x20, s6, s6, $0xb8;
	[tilespmem:$0x4200] =	vst v63  }
0xe: {  	s9 =	simm.s32 $0x100;
	s10 =	simm.s32 $0x2200  }
0xf: {  	[tilespmem:s10], [sflag:$0x1] =	stream.indirect.gather [hbm4b:s2+s6], $0x20, s9, s6, $0xb8;
	[tilespmem:$0x4200] =	vst v63  }
0x10: {  	s11 =	simm.s32 $0x180;
	s12 =	simm.s32 $0x3200;
	s13 =	simm.s32 $0x1  }
0x11: {  	[tilespmem:s12], [sflag:$0x1] =	stream.indirect.gather [hbm4b:s2+s6], $0x20, s11, s6, $0xb8;
	[tilespmem:$0x4200] =	vst v63  }
0x12: {  	_ =	swait.ge [sflag:s13], $0x1000  }
0x13: {  	[sflag:s13] =	ssyncset.done $0x0  }
0x14: {  	[sflag:s13] =	ssyncadd.s32 $0xFFFFF000  }
0x15: {  	_ =	swait.ge [sflag:s13], $0x1000  }
0x16: {  	[sflag:s13] =	ssyncset.done $0x0  }
0x17: {  	s14 =	ssub.s32 $0x2, s14;
	[sflag:s13] =	ssyncadd.s32 $0xFFFFF000  }
0x18: {  	s17 =	sshrl.u32 s14, $0x1;
	_ =	swait.ge [sflag:s13], $0x1000  }
0x19: {  	s30 =	ssub.s32 s14, s17;
	[sflag:s13] =	ssyncset.done $0x0  }
0x1a: {  	s31 =	smax.u32 s30, $0x1;
	[sflag:s13] =	ssyncadd.s32 $0xFFFFF000  }
0x1b: {  	s16 =	sshll.u32 s16, $0xB;
	p0 =	sne.s32 s31, $0x1;
	_ =	swait.ge [sflag:s13], $0x1000  }
.Ltmp0:
0x1c: {  	s15 =	sadd.s32 s16, s15;
	[sflag:s13] =	ssyncset.done $0x0;
	(pc) =	sbr.rel @!p0 .LBB2_2-.Ltmp0, $4  }
0x1d: {  	s14 =	sadd.s32 $0x2600, s15;
	[sflag:s13] =	ssyncadd.s32 $0xFFFFF000  }
0x1e: {  	[hbm4b:s14+s3] =	stream.linear.scatter [tilespmem:s7], [sflag:$0x2], $0x4000, $0x38;
	[tilespmem:$0x4200] =	vst v63  }
0x1f: {  	_ =	swait.ge [sflag:s4], $0x4000  }
0x20: {  	s15 =	sadd.s32 $0xFFFFFFFF, s31;
	[sflag:s4] =	ssyncset.done $0x0  }
.LBB2_1:
0x21: {  	p0 =	sne.s32 s15, $0x1;
	s15 =	sadd.s32 $0xFFFFFFFF, s15;
	[sflag:s4] =	ssyncadd.s32 $0xFFFFC000  }
0x22: {  	[tilespmem:s3], [sflag:$0x2] =	stream.linear.gather [hbm4b:s5+s3], $0x200, $0x38;
	[tilespmem:$0x4200] =	vst v63  }
0x23: {  	_ =	swait.ge [sflag:s4], $0x200  }
0x24: {  	[sflag:s4] =	ssyncset.done $0x0  }
0x25: {  	[sflag:s4] =	ssyncadd.s32 $0xFFFFFE00  }
0x26: {  	[tilespmem:s7], [sflag:$0x1] =	stream.indirect.gather [hbm4b:s2+s6], $0x20, s3, s6, $0xb8;
	[tilespmem:$0x4200] =	vst v63  }
0x27: {  	_ = 	snop  }
0x28: {  	[tilespmem:s8], [sflag:$0x1] =	stream.indirect.gather [hbm4b:s2+s6], $0x20, s6, s6, $0xb8;
	[tilespmem:$0x4200] =	vst v63  }
0x29: {  	_ = 	snop  }
0x2a: {  	[tilespmem:s10], [sflag:$0x1] =	stream.indirect.gather [hbm4b:s2+s6], $0x20, s9, s6, $0xb8;
	[tilespmem:$0x4200] =	vst v63  }
0x2b: {  	_ = 	snop  }
0x2c: {  	[tilespmem:s12], [sflag:$0x1] =	stream.indirect.gather [hbm4b:s2+s6], $0x20, s11, s6, $0xb8;
	[tilespmem:$0x4200] =	vst v63  }
0x2d: {  	_ =	swait.ge [sflag:s13], $0x1000  }
0x2e: {  	[sflag:s13] =	ssyncset.done $0x0  }
0x2f: {  	[sflag:s13] =	ssyncadd.s32 $0xFFFFF000  }
0x30: {  	_ =	swait.ge [sflag:s13], $0x1000  }
0x31: {  	[sflag:s13] =	ssyncset.done $0x0  }
0x32: {  	[sflag:s13] =	ssyncadd.s32 $0xFFFFF000  }
0x33: {  	_ =	swait.ge [sflag:s13], $0x1000  }
0x34: {  	[sflag:s13] =	ssyncset.done $0x0  }
0x35: {  	[sflag:s13] =	ssyncadd.s32 $0xFFFFF000  }
0x36: {  	_ =	swait.ge [sflag:s13], $0x1000  }
.Ltmp1:
0x37: {  	[sflag:s13] =	ssyncset.done $0x0;
	(pc) =	sbr.rel @p0 .LBB2_1-.Ltmp1, $4  }
0x38: {  	[sflag:s13] =	ssyncadd.s32 $0xFFFFF000  }
0x39: {  	[hbm4b:s14+s3] =	stream.linear.scatter [tilespmem:s7], [sflag:$0x2], $0x4000, $0x38;
	[tilespmem:$0x4200] =	vst v63  }
0x3a: {  	_ =	swait.ge [sflag:s4], $0x4000  }
0x3b: {  	[sflag:s4] =	ssyncset.done $0x0  }
.LBB2_2:
0x3c: {  	[sflag:s4] =	ssyncadd.s32 $0xFFFFC000  }
0x3d: {  	_ =	sfence.sel $0x180000  }
0x3e: {  	[bflag:$0x0] =	sbarrier.arrive $0xFFFF  }
0x3f: {  	p0 =	sne.s32 s1, $0x0;
	_ =	strace $0x9000004A  }
0x40: {  	s0 =	sadd.s32 @!p0 $0x100000, s0;
	[bflag:$0x2] =	sbarrier.arrive $0xFFFF  }
0x41: {  	[sflag:s0] =	ssyncadd.tile.s32 @!p0 $0x1;
	_ =	shalt  }
.Lfunc_end2:
_tile_overlayer_lowered:
.L_overlay_start_2:
0x42: {  	(tag) =	ssettag $0x2  }
0x43: {  	s0 =	rddreg [dreg:$0x0];
	s2 =	stileid.u32  }
0x44: {  	s1 =	rddreg [dreg:$0x1];
	p0 =	sne.s32 s2, $0x0  }
0x45: {  	s3 =	rddreg [dreg:$0x2];
	[bflag:$0x3] =	sbarrier.arrive $0xFFFF;
	s2 =	simm.s32 @!p0 $0x1C02  }
0x46: {  	[timem:s3], [sflag:s2] =	dma.local @!p0 [hbm:s0], s1  }
0x47: {  	s0 =	simm.s32 @!p0 $0x2  }
0x48: {  	_ =	swait.ge @!p0 [sflag:s0], s1  }
0x49: {  	s1 =	ssub.s32 @!p0 $0x0, s1;
	[sflag:s0] =	ssyncset.done @!p0 $0x0  }
0x4a: {  	[sflag:s0] =	ssyncadd.s32 @!p0 s1  }
0x4b: {  	[bflag:$0x3] =	sbarrier.arrive $0xFFFF  }
0x4c: {  	_ =	shalt  }

</sc_bundles>
